<compile_context>
chip_gen: v7x
topology: tpu7x:2x2x1
jax: 0.10.2.dev20260603
libtpu: 0.0.44.dev20260713+nightly
codegen_flags: <defaults>
</compile_context>

<pallas_src>
import functools

import jax
import jax.numpy as jnp
from jax import lax
from jax.experimental import pallas as pl
from jax.experimental.pallas import tpu as pltpu
from jax.experimental.pallas import tpu_sc as plsc

NC = 2
NS = 16
NW = NC * NS
LANES = 16
BLK = 128

_GATHER_DNUMS = lax.GatherDimensionNumbers(
    offset_dims=(), collapsed_slice_dims=(0,), start_index_map=(0,))


def _lane_bcast(v16, e):
    idx = jnp.full((LANES, 1), e, dtype=jnp.int32)
    return lax.gather(v16, idx, _GATHER_DNUMS, (1,),
                      mode=lax.GatherScatterMode.PROMISE_IN_BOUNDS)


def _make_sc_propagate(n, d, e):
    nblk_total = e // BLK
    assert nblk_total * BLK == e
    mblk = nblk_total // NW
    nxtra = nblk_total - mblk * NW
    epw = mblk * BLK
    xb = NW * epw
    nblk = mblk + (1 if nxtra else 0)
    npair = (nblk + 2) // 2

    rows_per_tile = (n // NS) // 8 * 8
    extra_rows = n - NS * rows_per_tile
    z_chunks = [(k * BLK, BLK) for k in range(rows_per_tile // BLK)]
    if rows_per_tile % BLK:
        z_chunks.append((rows_per_tile // BLK * BLK, rows_per_tile % BLK))

    mesh = plsc.VectorSubcoreMesh(
        core_axis_name="c", subcore_axis_name="s",
        num_cores=NC, num_subcores=NS)

    @functools.partial(
        pl.kernel,
        out_type=jax.ShapeDtypeStruct((NC, n, d), jnp.float32),
        mesh=mesh,
        scratch_types=[
            pltpu.VMEM_SHARED((n, d), jnp.float32),
            pltpu.VMEM((epw + BLK,), jnp.int32),
            pltpu.VMEM((BLK,), jnp.float32),
            pltpu.VMEM((BLK,), jnp.float32),
            pltpu.VMEM((BLK,), jnp.int32),
            pltpu.VMEM((BLK,), jnp.int32),
            pltpu.VMEM((BLK, d), jnp.float32),
            pltpu.VMEM((BLK, d), jnp.float32),
            pltpu.SemaphoreType.DMA,
            pltpu.SemaphoreType.DMA,
            pltpu.SemaphoreType.DMA,
            pltpu.SemaphoreType.DMA,
            pltpu.SemaphoreType.DMA,
        ],
    )
    def sc_propagate(x_hbm, ei_hbm, ew_hbm, parts_hbm, acc, src_all, w0, w1,
                     dst0, dst1, rows0, rows1, lsem, dsem0, dsem1,
                     gsem0, gsem1):
        cid = lax.axis_index("c")
        sid = lax.axis_index("s")
        wid = cid * NS + sid
        eb0 = wid * epw
        has_extra = wid < nxtra
        dst_v = (dst0, dst1)
        w_v = (w0, w1)
        rows_v = (rows0, rows1)
        dsem = (dsem0, dsem1)
        gsem = (gsem0, gsem1)

        def block_valid(k):
            if isinstance(k, int) and k < mblk:
                return None
            return (k < mblk) | ((k < nblk) & has_extra)

        def block_base(k):
            return jnp.where(k < mblk, eb0 + k * BLK, xb + wid * BLK)

        def when_valid(k, fn):
            v = block_valid(k)
            if v is None:
                fn()
            else:
                pl.when(v)(fn)

        def load_desc():
            yield (ei_hbm.at[pl.ds(eb0, epw)], src_all.at[pl.ds(0, epw)])

        def load_desc_extra():
            xoff = xb + wid * BLK
            yield (ei_hbm.at[pl.ds(xoff, BLK)], src_all.at[pl.ds(epw, BLK)])

        for s_ref, d_ref in load_desc():
            pltpu.async_copy(s_ref, d_ref, lsem)

        @pl.when(has_extra)
        def _():
            for s_ref, d_ref in load_desc_extra():
                pltpu.async_copy(s_ref, d_ref, lsem)

        zero = jnp.zeros((LANES,), jnp.float32)

        @pl.loop(0, BLK)
        def _(r):
            for c in range(8):
                rows0[r, pl.ds(c * LANES, LANES)] = zero

        rbase = sid * rows_per_tile
        for r0, sz in z_chunks:
            pltpu.sync_copy(rows0.at[pl.ds(0, sz), :],
                            acc.at[pl.ds(rbase + r0, sz), :])
        if extra_rows:
            @pl.when(sid == NS - 1)
            def _():
                pltpu.sync_copy(
                    rows0.at[pl.ds(0, extra_rows), :],
                    acc.at[pl.ds(NS * rows_per_tile, extra_rows), :])
        plsc.subcore_barrier()

        for s_ref, d_ref in load_desc():
            pltpu.make_async_copy(s_ref, d_ref, lsem).wait()

        @pl.when(has_extra)
        def _():
            for s_ref, d_ref in load_desc_extra():
                pltpu.make_async_copy(s_ref, d_ref, lsem).wait()

        def dst_copy(k, buf):
            return pltpu.make_async_copy(
                ei_hbm.at[pl.ds(e + block_base(k), BLK)], dst_v[buf],
                dsem[buf])

        def w_copy(k, buf):
            return pltpu.make_async_copy(
                ew_hbm.at[pl.ds(block_base(k), BLK)], w_v[buf], dsem[buf])

        def gather_copy(k, buf):
            return pltpu.make_async_copy(
                x_hbm.at[src_all.at[pl.ds(k * BLK, BLK)]], rows_v[buf],
                gsem[buf])

        def prefetch(k, buf):
            dst_copy(k, buf).start()
            w_copy(k, buf).start()
            gather_copy(k, buf).start()

        prefetch(0, 0)
        prefetch(1, 1)

        def scale_rows(w_r, rows_r):
            @pl.loop(0, BLK // LANES)
            def _(g):
                w16 = w_r[pl.ds(g * LANES, LANES)]
                for e16 in range(LANES):
                    wb = _lane_bcast(w16, e16)
                    row = g * LANES + e16
                    for c in range(8):
                        sl = pl.ds(c * LANES, LANES)
                        rows_r[row, sl] = rows_r[row, sl] * wb

        def half(k, buf):
            def body():
                gather_copy(k, buf).wait()
                w_copy(k, buf).wait()
                scale_rows(w_v[buf], rows_v[buf])
                dst_copy(k, buf).wait()
                pltpu.sync_copy(rows_v[buf], acc.at[dst_v[buf]], add=True)
                when_valid(k + 2, lambda: prefetch(k + 2, buf))
            when_valid(k, body)

        @pl.loop(0, npair)
        def _(i):
            half(2 * i, 0)
            half(2 * i + 1, 1)

        plsc.subcore_barrier()

        for r0, sz in z_chunks:
            pltpu.sync_copy(acc.at[pl.ds(rbase + r0, sz), :],
                            parts_hbm.at[cid, pl.ds(rbase + r0, sz), :])
        if extra_rows:
            @pl.when(sid == NS - 1)
            def _():
                r0 = NS * rows_per_tile
                pltpu.sync_copy(acc.at[pl.ds(r0, extra_rows), :],
                                parts_hbm.at[cid, pl.ds(r0, extra_rows), :])

    return sc_propagate


def _combine_body(w_ref, x_ref, p_ref, o_ref):
    w = w_ref[0]
    o_ref[...] = jnp.maximum(x_ref[...] + w * (p_ref[0] + p_ref[1]), 0.0)


def _combine(x, parts, weight):
    n, d = x.shape
    r = 1000
    return pl.pallas_call(
        _combine_body,
        grid=(n // r,),
        in_specs=[
            pl.BlockSpec(memory_space=pltpu.SMEM),
            pl.BlockSpec((r, d), lambda i: (i, 0)),
            pl.BlockSpec((NC, r, d), lambda i: (0, i, 0)),
        ],
        out_specs=pl.BlockSpec((r, d), lambda i: (i, 0)),
        out_shape=jax.ShapeDtypeStruct((n, d), jnp.float32),
    )(weight, x, parts)


def kernel(x, edge_index, edge_weights, weight):
    n, d = x.shape
    e = edge_weights.shape[0]
    parts = _make_sc_propagate(n, d, e)(
        x, edge_index.reshape(-1), edge_weights)
    return _combine(x, parts, weight)

# --- scband reference (transcript-rebuilt; emitter-appended) ---
"""Pipeline reference for scband-encoder-1451698946100 (READ-ONLY COPY).

The authoritative reference and input builder live on the scoring server;
editing this copy changes nothing except your own understanding.
"""

import jax, jax.numpy as jnp
import numpy as np

N = 10000
E = 320000
D = 128

def setup_inputs(seed: int = 0) -> dict:
    key = jax.random.key(seed)
    k1, k2, k3 = jax.random.split(key, 3)
    x = jax.random.normal(k1, (N, D), dtype=jnp.float32)
    edge_index = jax.random.randint(k2, (2, E), 0, N, dtype=jnp.int32)
    edge_weights = jax.random.uniform(k3, (E,), dtype=jnp.float32)
    # learned scalar weight of conv1 (initialized to 1.0 as in reset_parameters)
    weight = jnp.ones((1,), dtype=jnp.float32)
    return {"x": x, "edge_index": edge_index, "edge_weights": edge_weights, "weight": weight}

def reference(x, edge_index, edge_weights, weight):
    # MyConv with aggr='add', flow source_to_target:
    #   x_j = x[edge_index[0]] (source nodes), aggregate at edge_index[1] (target nodes)
    src = edge_index[0]
    dst = edge_index[1]
    msgs = edge_weights[:, None] * jnp.take(x, src, axis=0)
    agg = jax.ops.segment_sum(msgs, dst, num_segments=x.shape[0])
    out = x + weight * agg
    # Encoder.forward applies conv1 then relu and returns
    return jax.nn.relu(out)

if __name__ == "__main__":
    import jax
    _d = setup_inputs()
    print(jax.jit(kernel)(*tuple(_d.values())))

</pallas_src>

<mosaic_0001>
#map = affine_map<(d0, d1) -> (0, 0)>
#map1 = affine_map<(d0, d1) -> (0)>
#map2 = affine_map<(d0, d1) -> (0, 0, 0)>
module attributes {stable_mosaic.version = 14 : i64} {
  func.func @sc_propagate(%arg0: i32, %arg1: i32, %arg2: memref<10000x128xf32, #tpu.memory_space<hbm>>, %arg3: memref<640000xi32, #tpu.memory_space<hbm>>, %arg4: memref<320000xf32, #tpu.memory_space<hbm>>, %arg5: memref<2x10000x128xf32, #tpu.memory_space<hbm>>, %arg6: memref<10000x128xf32, #tpu.memory_space<vmem_shared>>, %arg7: memref<10112xi32, #tpu.memory_space<vmem>>, %arg8: memref<128xf32, #tpu.memory_space<vmem>>, %arg9: memref<128xf32, #tpu.memory_space<vmem>>, %arg10: memref<128xi32, #tpu.memory_space<vmem>>, %arg11: memref<128xi32, #tpu.memory_space<vmem>>, %arg12: memref<128x128xf32, #tpu.memory_space<vmem>>, %arg13: memref<128x128xf32, #tpu.memory_space<vmem>>, %arg14: memref<!tpu.dma_semaphore, #tpu.memory_space<semaphore_mem>>, %arg15: memref<!tpu.dma_semaphore, #tpu.memory_space<semaphore_mem>>, %arg16: memref<!tpu.dma_semaphore, #tpu.memory_space<semaphore_mem>>, %arg17: memref<!tpu.dma_semaphore, #tpu.memory_space<semaphore_mem>>, %arg18: memref<!tpu.dma_semaphore, #tpu.memory_space<semaphore_mem>>) attributes {dimension_semantics = [#tpu.dimension_semantics<core_parallel>, #tpu.dimension_semantics<subcore_parallel>], iteration_bounds = array<i64: 2, 16>, scalar_prefetch = 0 : i64, scratch_operands = 13 : i64, tpu.core_type = #tpu.core_type<sc_vector_subcore>, window_params = [{transform_indices = #map}, {transform_indices = #map1}, {transform_indices = #map1}, {transform_indices = #map2}]} {
    %mul3A = arith.constant 16 : i32
    %mul3A_0 = arith.muli %arg0, %mul3A : i32
    %add3A = arith.addi %mul3A_0, %arg1 : i32
    %mul3A_1 = arith.constant 9984 : i32
    %mul3A_2 = arith.muli %add3A, %mul3A_1 : i32
    %lt3A = arith.constant 4 : i32
    %lt3A_3 = arith.cmpi slt, %add3A, %lt3A : i32
    %dma_start3A = arith.constant 0 : i32
    %dma_start3A_4 = tpu.memref_slice %arg7[%dma_start3A] : memref<10112xi32, #tpu.memory_space<vmem>> -> memref<9984xi32, #tpu.memory_space<vmem>>
    %dma_start3A_5 = tpu.memref_slice %arg3[%mul3A_2] : memref<640000xi32, #tpu.memory_space<hbm>> -> memref<9984xi32, #tpu.memory_space<hbm>>
    %dma_start3A_6 = arith.constant 0 : i32
    %dma_start3A_7 = tpu.memref_slice %arg7[%dma_start3A_6] : memref<10112xi32, #tpu.memory_space<vmem>> -> memref<9984xi32, #tpu.memory_space<vmem>>
    %dma_start3A_8 = tpu.memref_slice %arg3[%mul3A_2] : memref<640000xi32, #tpu.memory_space<hbm>> -> memref<9984xi32, #tpu.memory_space<hbm>>
    tpu.enqueue_dma source(%dma_start3A_8 : memref<9984xi32, #tpu.memory_space<hbm>>) target(%dma_start3A_7 : memref<9984xi32, #tpu.memory_space<vmem>>) target_semaphore(%arg14 : memref<!tpu.dma_semaphore, #tpu.memory_space<semaphore_mem>>)
    %convert_element_type3A = arith.extui %lt3A_3 : i1 to i32
    %cond3A = arith.constant 0 : i32
    %cond3A_9 = arith.cmpi ne, %convert_element_type3A, %cond3A : i32
    scf.if %cond3A_9 {
      %mul3A_122 = arith.constant 128 : i32
      %mul3A_123 = arith.muli %add3A, %mul3A_122 : i32
      %add3A_124 = arith.constant 319488 : i32
      %add3A_125 = arith.addi %add3A_124, %mul3A_123 : i32
      %dma_start3A_126 = arith.constant 9984 : i32
      %dma_start3A_127 = tpu.memref_slice %arg7[%dma_start3A_126] : memref<10112xi32, #tpu.memory_space<vmem>> -> memref<128xi32, #tpu.memory_space<vmem>>
      %dma_start3A_128 = tpu.memref_slice %arg3[%add3A_125] : memref<640000xi32, #tpu.memory_space<hbm>> -> memref<128xi32, #tpu.memory_space<hbm>>
      %dma_start3A_129 = arith.constant 9984 : i32
      %dma_start3A_130 = tpu.memref_slice %arg7[%dma_start3A_129] : memref<10112xi32, #tpu.memory_space<vmem>> -> memref<128xi32, #tpu.memory_space<vmem>>
      %dma_start3A_131 = tpu.memref_slice %arg3[%add3A_125] : memref<640000xi32, #tpu.memory_space<hbm>> -> memref<128xi32, #tpu.memory_space<hbm>>
      tpu.enqueue_dma source(%dma_start3A_131 : memref<128xi32, #tpu.memory_space<hbm>>) target(%dma_start3A_130 : memref<128xi32, #tpu.memory_space<vmem>>) target_semaphore(%arg14 : memref<!tpu.dma_semaphore, #tpu.memory_space<semaphore_mem>>)
    } else {
    }
    %broadcast_in_dim3A = arith.constant 0.000000e+00 : f32
    %broadcast_in_dim3A_10 = vector.broadcast %broadcast_in_dim3A : f32 to vector<16xf32>
    %scan3A = arith.constant 0 : i32
    %scan3A_11 = arith.constant 128 : i32
    %scan3A_12 = arith.addi %scan3A, %scan3A_11 : i32
    %scan3A_13 = arith.constant 1 : i32
    scf.for %scan3A_122 = %scan3A to %scan3A_12 step %scan3A_13  : i32 {
      %mul3A_123 = arith.constant 1 : i32
      %mul3A_124 = arith.muli %scan3A_122, %mul3A_123 : i32
      %add3A_125 = arith.constant 0 : i32
      %add3A_126 = arith.addi %add3A_125, %mul3A_124 : i32
      %swap3A = arith.index_cast %add3A_126 : i32 to index
      %swap3A_127 = arith.constant 0 : index
      %swap3A_128 = tpu.vector_load %arg12[%swap3A, %swap3A_127] {strides = array<i32>} : memref<128x128xf32, #tpu.memory_space<vmem>>, vector<1x16xf32>,
      %swap3A_129 = vector.shape_cast %swap3A_128 : vector<1x16xf32> to vector<16xf32>
      %swap3A_130 = vector.shape_cast %broadcast_in_dim3A_10 : vector<16xf32> to vector<1x16xf32>
      tpu.vector_store %arg12[%swap3A, %swap3A_127], %swap3A_130 {strides = array<i32>} : memref<128x128xf32, #tpu.memory_space<vmem>>, vector<1x16xf32>,
      %swap3A_131 = arith.index_cast %add3A_126 : i32 to index
      %swap3A_132 = arith.constant 16 : index
      %swap3A_133 = tpu.vector_load %arg12[%swap3A_131, %swap3A_132] {strides = array<i32>} : memref<128x128xf32, #tpu.memory_space<vmem>>, vector<1x16xf32>,
      %swap3A_134 = vector.shape_cast %swap3A_133 : vector<1x16xf32> to vector<16xf32>
      %swap3A_135 = vector.shape_cast %broadcast_in_dim3A_10 : vector<16xf32> to vector<1x16xf32>
      tpu.vector_store %arg12[%swap3A_131, %swap3A_132], %swap3A_135 {strides = array<i32>} : memref<128x128xf32, #tpu.memory_space<vmem>>, vector<1x16xf32>,
      %swap3A_136 = arith.index_cast %add3A_126 : i32 to index
      %swap3A_137 = arith.constant 32 : index
      %swap3A_138 = tpu.vector_load %arg12[%swap3A_136, %swap3A_137] {strides = array<i32>} : memref<128x128xf32, #tpu.memory_space<vmem>>, vector<1x16xf32>,
      %swap3A_139 = vector.shape_cast %swap3A_138 : vector<1x16xf32> to vector<16xf32>
      %swap3A_140 = vector.shape_cast %broadcast_in_dim3A_10 : vector<16xf32> to vector<1x16xf32>
      tpu.vector_store %arg12[%swap3A_136, %swap3A_137], %swap3A_140 {strides = array<i32>} : memref<128x128xf32, #tpu.memory_space<vmem>>, vector<1x16xf32>,
      %swap3A_141 = arith.index_cast %add3A_126 : i32 to index
      %swap3A_142 = arith.constant 48 : index
      %swap3A_143 = tpu.vector_load %arg12[%swap3A_141, %swap3A_142] {strides = array<i32>} : memref<128x128xf32, #tpu.memory_space<vmem>>, vector<1x16xf32>,
      %swap3A_144 = vector.shape_cast %swap3A_143 : vector<1x16xf32> to vector<16xf32>
      %swap3A_145 = vector.shape_cast %broadcast_in_dim3A_10 : vector<16xf32> to vector<1x16xf32>
      tpu.vector_store %arg12[%swap3A_141, %swap3A_142], %swap3A_145 {strides = array<i32>} : memref<128x128xf32, #tpu.memory_space<vmem>>, vector<1x16xf32>,
      %swap3A_146 = arith.index_cast %add3A_126 : i32 to index
      %swap3A_147 = arith.constant 64 : index
      %swap3A_148 = tpu.vector_load %arg12[%swap3A_146, %swap3A_147] {strides = array<i32>} : memref<128x128xf32, #tpu.memory_space<vmem>>, vector<1x16xf32>,
      %swap3A_149 = vector.shape_cast %swap3A_148 : vector<1x16xf32> to vector<16xf32>
      %swap3A_150 = vector.shape_cast %broadcast_in_dim3A_10 : vector<16xf32> to vector<1x16xf32>
      tpu.vector_store %arg12[%swap3A_146, %swap3A_147], %swap3A_150 {strides = array<i32>} : memref<128x128xf32, #tpu.memory_space<vmem>>, vector<1x16xf32>,
      %swap3A_151 = arith.index_cast %add3A_126 : i32 to index
      %swap3A_152 = arith.constant 80 : index
      %swap3A_153 = tpu.vector_load %arg12[%swap3A_151, %swap3A_152] {strides = array<i32>} : memref<128x128xf32, #tpu.memory_space<vmem>>, vector<1x16xf32>,
      %swap3A_154 = vector.shape_cast %swap3A_153 : vector<1x16xf32> to vector<16xf32>
      %swap3A_155 = vector.shape_cast %broadcast_in_dim3A_10 : vector<16xf32> to vector<1x16xf32>
      tpu.vector_store %arg12[%swap3A_151, %swap3A_152], %swap3A_155 {strides = array<i32>} : memref<128x128xf32, #tpu.memory_space<vmem>>, vector<1x16xf32>,
      %swap3A_156 = arith.index_cast %add3A_126 : i32 to index
      %swap3A_157 = arith.constant 96 : index
      %swap3A_158 = tpu.vector_load %arg12[%swap3A_156, %swap3A_157] {strides = array<i32>} : memref<128x128xf32, #tpu.memory_space<vmem>>, vector<1x16xf32>,
      %swap3A_159 = vector.shape_cast %swap3A_158 : vector<1x16xf32> to vector<16xf32>
      %swap3A_160 = vector.shape_cast %broadcast_in_dim3A_10 : vector<16xf32> to vector<1x16xf32>
      tpu.vector_store %arg12[%swap3A_156, %swap3A_157], %swap3A_160 {strides = array<i32>} : memref<128x128xf32, #tpu.memory_space<vmem>>, vector<1x16xf32>,
      %swap3A_161 = arith.index_cast %add3A_126 : i32 to index
      %swap3A_162 = arith.constant 112 : index
      %swap3A_163 = tpu.vector_load %arg12[%swap3A_161, %swap3A_162] {strides = array<i32>} : memref<128x128xf32, #tpu.memory_space<vmem>>, vector<1x16xf32>,
      %swap3A_164 = vector.shape_cast %swap3A_163 : vector<1x16xf32> to vector<16xf32>
      %swap3A_165 = vector.shape_cast %broadcast_in_dim3A_10 : vector<16xf32> to vector<1x16xf32>
      tpu.vector_store %arg12[%swap3A_161, %swap3A_162], %swap3A_165 {strides = array<i32>} : memref<128x128xf32, #tpu.memory_space<vmem>>, vector<1x16xf32>,
    }
    %scan3A_14 = arith.constant 128 : i32
    %mul3A_15 = arith.constant 624 : i32
    %mul3A_16 = arith.muli %arg1, %mul3A_15 : i32
    %add3A_17 = arith.constant 0 : i32
    %add3A_18 = arith.addi %mul3A_16, %add3A_17 : i32
    "tpu.region"() ({
      %run_scoped3A = tpu.sem_alloc : memref<!tpu.dma_semaphore, #tpu.memory_space<semaphore_mem>>
      %dma_start3A_122 = arith.constant 0 : i32
      %dma_start3A_123 = arith.constant 0 : i32
      %dma_start3A_124 = tpu.memref_slice %arg12[%dma_start3A_122, %dma_start3A_123] : memref<128x128xf32, #tpu.memory_space<vmem>> -> memref<128x128xf32, #tpu.memory_space<vmem>>
      %dma_start3A_125 = arith.constant 0 : i32
      %dma_start3A_126 = tpu.memref_slice %arg6[%add3A_18, %dma_start3A_125] : memref<10000x128xf32, #tpu.memory_space<vmem_shared>> -> memref<128x128xf32, #tpu.memory_space<vmem_shared>>
      %dma_start3A_127 = arith.constant 0 : i32
      %dma_start3A_128 = tpu.memref_slice %arg6[%add3A_18, %dma_start3A_127] : memref<10000x128xf32, #tpu.memory_space<vmem_shared>> -> memref<128x128xf32, #tpu.memory_space<vmem_shared>>
      %dma_start3A_129 = arith.constant 0 : i32
      %dma_start3A_130 = arith.constant 0 : i32
      %dma_start3A_131 = tpu.memref_slice %arg12[%dma_start3A_129, %dma_start3A_130] : memref<128x128xf32, #tpu.memory_space<vmem>> -> memref<128x128xf32, #tpu.memory_space<vmem>>
      tpu.enqueue_dma source(%dma_start3A_131 : memref<128x128xf32, #tpu.memory_space<vmem>>) target(%dma_start3A_128 : memref<128x128xf32, #tpu.memory_space<vmem_shared>>) target_semaphore(%run_scoped3A : memref<!tpu.dma_semaphore, #tpu.memory_space<semaphore_mem>>)
      %dma_wait3A_132 = arith.constant 0 : i32
      %dma_wait3A_133 = arith.constant 0 : i32
      %dma_wait3A_134 = tpu.memref_slice %arg12[%dma_wait3A_132, %dma_wait3A_133] : memref<128x128xf32, #tpu.memory_space<vmem>> -> memref<128x128xf32, #tpu.memory_space<vmem>>
      %dma_wait3A_135 = arith.constant 0 : i32
      %dma_wait3A_136 = tpu.memref_slice %arg6[%add3A_18, %dma_wait3A_135] : memref<10000x128xf32, #tpu.memory_space<vmem_shared>> -> memref<128x128xf32, #tpu.memory_space<vmem_shared>>
      %dma_wait3A_137 = arith.constant 0 : i32
      %dma_wait3A_138 = tpu.memref_slice %arg6[%add3A_18, %dma_wait3A_137] : memref<10000x128xf32, #tpu.memory_space<vmem_shared>> -> memref<128x128xf32, #tpu.memory_space<vmem_shared>>
      %dma_wait3A_139 = arith.constant 0 : i32
      %dma_wait3A_140 = arith.constant 0 : i32
      %dma_wait3A_141 = tpu.memref_slice %arg12[%dma_wait3A_139, %dma_wait3A_140] : memref<128x128xf32, #tpu.memory_space<vmem>> -> memref<128x128xf32, #tpu.memory_space<vmem>>
      tpu.wait_dma2 semaphore(%run_scoped3A : memref<!tpu.dma_semaphore, #tpu.memory_space<semaphore_mem>>) src(%dma_wait3A_141 : memref<128x128xf32, #tpu.memory_space<vmem>>) dst(%dma_wait3A_138 : memref<128x128xf32, #tpu.memory_space<vmem_shared>>)
      tpu.yield
    }) : () -> ()
    %add3A_19 = arith.constant 128 : i32
    %add3A_20 = arith.addi %mul3A_16, %add3A_19 : i32
    "tpu.region"() ({
      %run_scoped3A = tpu.sem_alloc : memref<!tpu.dma_semaphore, #tpu.memory_space<semaphore_mem>>
      %dma_start3A_122 = arith.constant 0 : i32
      %dma_start3A_123 = arith.constant 0 : i32
      %dma_start3A_124 = tpu.memref_slice %arg12[%dma_start3A_122, %dma_start3A_123] : memref<128x128xf32, #tpu.memory_space<vmem>> -> memref<128x128xf32, #tpu.memory_space<vmem>>
      %dma_start3A_125 = arith.constant 0 : i32
      %dma_start3A_126 = tpu.memref_slice %arg6[%add3A_20, %dma_start3A_125] : memref<10000x128xf32, #tpu.memory_space<vmem_shared>> -> memref<128x128xf32, #tpu.memory_space<vmem_shared>>
      %dma_start3A_127 = arith.constant 0 : i32
      %dma_start3A_128 = tpu.memref_slice %arg6[%add3A_20, %dma_start3A_127] : memref<10000x128xf32, #tpu.memory_space<vmem_shared>> -> memref<128x128xf32, #tpu.memory_space<vmem_shared>>
      %dma_start3A_129 = arith.constant 0 : i32
      %dma_start3A_130 = arith.constant 0 : i32
      %dma_start3A_131 = tpu.memref_slice %arg12[%dma_start3A_129, %dma_start3A_130] : memref<128x128xf32, #tpu.memory_space<vmem>> -> memref<128x128xf32, #tpu.memory_space<vmem>>
      tpu.enqueue_dma source(%dma_start3A_131 : memref<128x128xf32, #tpu.memory_space<vmem>>) target(%dma_start3A_128 : memref<128x128xf32, #tpu.memory_space<vmem_shared>>) target_semaphore(%run_scoped3A : memref<!tpu.dma_semaphore, #tpu.memory_space<semaphore_mem>>)
      %dma_wait3A_132 = arith.constant 0 : i32
      %dma_wait3A_133 = arith.constant 0 : i32
      %dma_wait3A_134 = tpu.memref_slice %arg12[%dma_wait3A_132, %dma_wait3A_133] : memref<128x128xf32, #tpu.memory_space<vmem>> -> memref<128x128xf32, #tpu.memory_space<vmem>>
      %dma_wait3A_135 = arith.constant 0 : i32
      %dma_wait3A_136 = tpu.memref_slice %arg6[%add3A_20, %dma_wait3A_135] : memref<10000x128xf32, #tpu.memory_space<vmem_shared>> -> memref<128x128xf32, #tpu.memory_space<vmem_shared>>
      %dma_wait3A_137 = arith.constant 0 : i32
      %dma_wait3A_138 = tpu.memref_slice %arg6[%add3A_20, %dma_wait3A_137] : memref<10000x128xf32, #tpu.memory_space<vmem_shared>> -> memref<128x128xf32, #tpu.memory_space<vmem_shared>>
      %dma_wait3A_139 = arith.constant 0 : i32
      %dma_wait3A_140 = arith.constant 0 : i32
      %dma_wait3A_141 = tpu.memref_slice %arg12[%dma_wait3A_139, %dma_wait3A_140] : memref<128x128xf32, #tpu.memory_space<vmem>> -> memref<128x128xf32, #tpu.memory_space<vmem>>
      tpu.wait_dma2 semaphore(%run_scoped3A : memref<!tpu.dma_semaphore, #tpu.memory_space<semaphore_mem>>) src(%dma_wait3A_141 : memref<128x128xf32, #tpu.memory_space<vmem>>) dst(%dma_wait3A_138 : memref<128x128xf32, #tpu.memory_space<vmem_shared>>)
      tpu.yield
    }) : () -> ()
    %add3A_21 = arith.constant 256 : i32
    %add3A_22 = arith.addi %mul3A_16, %add3A_21 : i32
    "tpu.region"() ({
      %run_scoped3A = tpu.sem_alloc : memref<!tpu.dma_semaphore, #tpu.memory_space<semaphore_mem>>
      %dma_start3A_122 = arith.constant 0 : i32
      %dma_start3A_123 = arith.constant 0 : i32
      %dma_start3A_124 = tpu.memref_slice %arg12[%dma_start3A_122, %dma_start3A_123] : memref<128x128xf32, #tpu.memory_space<vmem>> -> memref<128x128xf32, #tpu.memory_space<vmem>>
      %dma_start3A_125 = arith.constant 0 : i32
      %dma_start3A_126 = tpu.memref_slice %arg6[%add3A_22, %dma_start3A_125] : memref<10000x128xf32, #tpu.memory_space<vmem_shared>> -> memref<128x128xf32, #tpu.memory_space<vmem_shared>>
      %dma_start3A_127 = arith.constant 0 : i32
      %dma_start3A_128 = tpu.memref_slice %arg6[%add3A_22, %dma_start3A_127] : memref<10000x128xf32, #tpu.memory_space<vmem_shared>> -> memref<128x128xf32, #tpu.memory_space<vmem_shared>>
      %dma_start3A_129 = arith.constant 0 : i32
      %dma_start3A_130 = arith.constant 0 : i32
      %dma_start3A_131 = tpu.memref_slice %arg12[%dma_start3A_129, %dma_start3A_130] : memref<128x128xf32, #tpu.memory_space<vmem>> -> memref<128x128xf32, #tpu.memory_space<vmem>>
      tpu.enqueue_dma source(%dma_start3A_131 : memref<128x128xf32, #tpu.memory_space<vmem>>) target(%dma_start3A_128 : memref<128x128xf32, #tpu.memory_space<vmem_shared>>) target_semaphore(%run_scoped3A : memref<!tpu.dma_semaphore, #tpu.memory_space<semaphore_mem>>)
      %dma_wait3A_132 = arith.constant 0 : i32
      %dma_wait3A_133 = arith.constant 0 : i32
      %dma_wait3A_134 = tpu.memref_slice %arg12[%dma_wait3A_132, %dma_wait3A_133] : memref<128x128xf32, #tpu.memory_space<vmem>> -> memref<128x128xf32, #tpu.memory_space<vmem>>
      %dma_wait3A_135 = arith.constant 0 : i32
      %dma_wait3A_136 = tpu.memref_slice %arg6[%add3A_22, %dma_wait3A_135] : memref<10000x128xf32, #tpu.memory_space<vmem_shared>> -> memref<128x128xf32, #tpu.memory_space<vmem_shared>>
      %dma_wait3A_137 = arith.constant 0 : i32
      %dma_wait3A_138 = tpu.memref_slice %arg6[%add3A_22, %dma_wait3A_137] : memref<10000x128xf32, #tpu.memory_space<vmem_shared>> -> memref<128x128xf32, #tpu.memory_space<vmem_shared>>
      %dma_wait3A_139 = arith.constant 0 : i32
      %dma_wait3A_140 = arith.constant 0 : i32
      %dma_wait3A_141 = tpu.memref_slice %arg12[%dma_wait3A_139, %dma_wait3A_140] : memref<128x128xf32, #tpu.memory_space<vmem>> -> memref<128x128xf32, #tpu.memory_space<vmem>>
      tpu.wait_dma2 semaphore(%run_scoped3A : memref<!tpu.dma_semaphore, #tpu.memory_space<semaphore_mem>>) src(%dma_wait3A_141 : memref<128x128xf32, #tpu.memory_space<vmem>>) dst(%dma_wait3A_138 : memref<128x128xf32, #tpu.memory_space<vmem_shared>>)
      tpu.yield
    }) : () -> ()
    %add3A_23 = arith.constant 384 : i32
    %add3A_24 = arith.addi %mul3A_16, %add3A_23 : i32
    "tpu.region"() ({
      %run_scoped3A = tpu.sem_alloc : memref<!tpu.dma_semaphore, #tpu.memory_space<semaphore_mem>>
      %dma_start3A_122 = arith.constant 0 : i32
      %dma_start3A_123 = arith.constant 0 : i32
      %dma_start3A_124 = tpu.memref_slice %arg12[%dma_start3A_122, %dma_start3A_123] : memref<128x128xf32, #tpu.memory_space<vmem>> -> memref<128x128xf32, #tpu.memory_space<vmem>>
      %dma_start3A_125 = arith.constant 0 : i32
      %dma_start3A_126 = tpu.memref_slice %arg6[%add3A_24, %dma_start3A_125] : memref<10000x128xf32, #tpu.memory_space<vmem_shared>> -> memref<128x128xf32, #tpu.memory_space<vmem_shared>>
      %dma_start3A_127 = arith.constant 0 : i32
      %dma_start3A_128 = tpu.memref_slice %arg6[%add3A_24, %dma_start3A_127] : memref<10000x128xf32, #tpu.memory_space<vmem_shared>> -> memref<128x128xf32, #tpu.memory_space<vmem_shared>>
      %dma_start3A_129 = arith.constant 0 : i32
      %dma_start3A_130 = arith.constant 0 : i32
      %dma_start3A_131 = tpu.memref_slice %arg12[%dma_start3A_129, %dma_start3A_130] : memref<128x128xf32, #tpu.memory_space<vmem>> -> memref<128x128xf32, #tpu.memory_space<vmem>>
      tpu.enqueue_dma source(%dma_start3A_131 : memref<128x128xf32, #tpu.memory_space<vmem>>) target(%dma_start3A_128 : memref<128x128xf32, #tpu.memory_space<vmem_shared>>) target_semaphore(%run_scoped3A : memref<!tpu.dma_semaphore, #tpu.memory_space<semaphore_mem>>)
      %dma_wait3A_132 = arith.constant 0 : i32
      %dma_wait3A_133 = arith.constant 0 : i32
      %dma_wait3A_134 = tpu.memref_slice %arg12[%dma_wait3A_132, %dma_wait3A_133] : memref<128x128xf32, #tpu.memory_space<vmem>> -> memref<128x128xf32, #tpu.memory_space<vmem>>
      %dma_wait3A_135 = arith.constant 0 : i32
      %dma_wait3A_136 = tpu.memref_slice %arg6[%add3A_24, %dma_wait3A_135] : memref<10000x128xf32, #tpu.memory_space<vmem_shared>> -> memref<128x128xf32, #tpu.memory_space<vmem_shared>>
      %dma_wait3A_137 = arith.constant 0 : i32
      %dma_wait3A_138 = tpu.memref_slice %arg6[%add3A_24, %dma_wait3A_137] : memref<10000x128xf32, #tpu.memory_space<vmem_shared>> -> memref<128x128xf32, #tpu.memory_space<vmem_shared>>
      %dma_wait3A_139 = arith.constant 0 : i32
      %dma_wait3A_140 = arith.constant 0 : i32
      %dma_wait3A_141 = tpu.memref_slice %arg12[%dma_wait3A_139, %dma_wait3A_140] : memref<128x128xf32, #tpu.memory_space<vmem>> -> memref<128x128xf32, #tpu.memory_space<vmem>>
      tpu.wait_dma2 semaphore(%run_scoped3A : memref<!tpu.dma_semaphore, #tpu.memory_space<semaphore_mem>>) src(%dma_wait3A_141 : memref<128x128xf32, #tpu.memory_space<vmem>>) dst(%dma_wait3A_138 : memref<128x128xf32, #tpu.memory_space<vmem_shared>>)
      tpu.yield
    }) : () -> ()
    %add3A_25 = arith.constant 512 : i32
    %add3A_26 = arith.addi %mul3A_16, %add3A_25 : i32
    "tpu.region"() ({
      %run_scoped3A = tpu.sem_alloc : memref<!tpu.dma_semaphore, #tpu.memory_space<semaphore_mem>>
      %dma_start3A_122 = arith.constant 0 : i32
      %dma_start3A_123 = arith.constant 0 : i32
      %dma_start3A_124 = tpu.memref_slice %arg12[%dma_start3A_122, %dma_start3A_123] : memref<128x128xf32, #tpu.memory_space<vmem>> -> memref<112x128xf32, #tpu.memory_space<vmem>>
      %dma_start3A_125 = arith.constant 0 : i32
      %dma_start3A_126 = tpu.memref_slice %arg6[%add3A_26, %dma_start3A_125] : memref<10000x128xf32, #tpu.memory_space<vmem_shared>> -> memref<112x128xf32, #tpu.memory_space<vmem_shared>>
      %dma_start3A_127 = arith.constant 0 : i32
      %dma_start3A_128 = tpu.memref_slice %arg6[%add3A_26, %dma_start3A_127] : memref<10000x128xf32, #tpu.memory_space<vmem_shared>> -> memref<112x128xf32, #tpu.memory_space<vmem_shared>>
      %dma_start3A_129 = arith.constant 0 : i32
      %dma_start3A_130 = arith.constant 0 : i32
      %dma_start3A_131 = tpu.memref_slice %arg12[%dma_start3A_129, %dma_start3A_130] : memref<128x128xf32, #tpu.memory_space<vmem>> -> memref<112x128xf32, #tpu.memory_space<vmem>>
      tpu.enqueue_dma source(%dma_start3A_131 : memref<112x128xf32, #tpu.memory_space<vmem>>) target(%dma_start3A_128 : memref<112x128xf32, #tpu.memory_space<vmem_shared>>) target_semaphore(%run_scoped3A : memref<!tpu.dma_semaphore, #tpu.memory_space<semaphore_mem>>)
      %dma_wait3A_132 = arith.constant 0 : i32
      %dma_wait3A_133 = arith.constant 0 : i32
      %dma_wait3A_134 = tpu.memref_slice %arg12[%dma_wait3A_132, %dma_wait3A_133] : memref<128x128xf32, #tpu.memory_space<vmem>> -> memref<112x128xf32, #tpu.memory_space<vmem>>
      %dma_wait3A_135 = arith.constant 0 : i32
      %dma_wait3A_136 = tpu.memref_slice %arg6[%add3A_26, %dma_wait3A_135] : memref<10000x128xf32, #tpu.memory_space<vmem_shared>> -> memref<112x128xf32, #tpu.memory_space<vmem_shared>>
      %dma_wait3A_137 = arith.constant 0 : i32
      %dma_wait3A_138 = tpu.memref_slice %arg6[%add3A_26, %dma_wait3A_137] : memref<10000x128xf32, #tpu.memory_space<vmem_shared>> -> memref<112x128xf32, #tpu.memory_space<vmem_shared>>
      %dma_wait3A_139 = arith.constant 0 : i32
      %dma_wait3A_140 = arith.constant 0 : i32
      %dma_wait3A_141 = tpu.memref_slice %arg12[%dma_wait3A_139, %dma_wait3A_140] : memref<128x128xf32, #tpu.memory_space<vmem>> -> memref<112x128xf32, #tpu.memory_space<vmem>>
      tpu.wait_dma2 semaphore(%run_scoped3A : memref<!tpu.dma_semaphore, #tpu.memory_space<semaphore_mem>>) src(%dma_wait3A_141 : memref<112x128xf32, #tpu.memory_space<vmem>>) dst(%dma_wait3A_138 : memref<112x128xf32, #tpu.memory_space<vmem_shared>>)
      tpu.yield
    }) : () -> ()
    %eq3A = arith.constant 15 : i32
    %eq3A_27 = arith.cmpi eq, %arg1, %eq3A : i32
    %convert_element_type3A_28 = arith.extui %eq3A_27 : i1 to i32
    %cond3A_29 = arith.constant 0 : i32
    %cond3A_30 = arith.cmpi ne, %convert_element_type3A_28, %cond3A_29 : i32
    scf.if %cond3A_30 {
      "tpu.region"() ({
        %run_scoped3A = tpu.sem_alloc : memref<!tpu.dma_semaphore, #tpu.memory_space<semaphore_mem>>
        %dma_start3A_122 = arith.constant 0 : i32
        %dma_start3A_123 = arith.constant 0 : i32
        %dma_start3A_124 = tpu.memref_slice %arg12[%dma_start3A_122, %dma_start3A_123] : memref<128x128xf32, #tpu.memory_space<vmem>> -> memref<16x128xf32, #tpu.memory_space<vmem>>
        %dma_start3A_125 = arith.constant 9984 : i32
        %dma_start3A_126 = arith.constant 0 : i32
        %dma_start3A_127 = tpu.memref_slice %arg6[%dma_start3A_125, %dma_start3A_126] : memref<10000x128xf32, #tpu.memory_space<vmem_shared>> -> memref<16x128xf32, #tpu.memory_space<vmem_shared>>
        %dma_start3A_128 = arith.constant 9984 : i32
        %dma_start3A_129 = arith.constant 0 : i32
        %dma_start3A_130 = tpu.memref_slice %arg6[%dma_start3A_128, %dma_start3A_129] : memref<10000x128xf32, #tpu.memory_space<vmem_shared>> -> memref<16x128xf32, #tpu.memory_space<vmem_shared>>
        %dma_start3A_131 = arith.constant 0 : i32
        %dma_start3A_132 = arith.constant 0 : i32
        %dma_start3A_133 = tpu.memref_slice %arg12[%dma_start3A_131, %dma_start3A_132] : memref<128x128xf32, #tpu.memory_space<vmem>> -> memref<16x128xf32, #tpu.memory_space<vmem>>
        tpu.enqueue_dma source(%dma_start3A_133 : memref<16x128xf32, #tpu.memory_space<vmem>>) target(%dma_start3A_130 : memref<16x128xf32, #tpu.memory_space<vmem_shared>>) target_semaphore(%run_scoped3A : memref<!tpu.dma_semaphore, #tpu.memory_space<semaphore_mem>>)
        %dma_wait3A_134 = arith.constant 0 : i32
        %dma_wait3A_135 = arith.constant 0 : i32
        %dma_wait3A_136 = tpu.memref_slice %arg12[%dma_wait3A_134, %dma_wait3A_135] : memref<128x128xf32, #tpu.memory_space<vmem>> -> memref<16x128xf32, #tpu.memory_space<vmem>>
        %dma_wait3A_137 = arith.constant 9984 : i32
        %dma_wait3A_138 = arith.constant 0 : i32
        %dma_wait3A_139 = tpu.memref_slice %arg6[%dma_wait3A_137, %dma_wait3A_138] : memref<10000x128xf32, #tpu.memory_space<vmem_shared>> -> memref<16x128xf32, #tpu.memory_space<vmem_shared>>
        %dma_wait3A_140 = arith.constant 9984 : i32
        %dma_wait3A_141 = arith.constant 0 : i32
        %dma_wait3A_142 = tpu.memref_slice %arg6[%dma_wait3A_140, %dma_wait3A_141] : memref<10000x128xf32, #tpu.memory_space<vmem_shared>> -> memref<16x128xf32, #tpu.memory_space<vmem_shared>>
        %dma_wait3A_143 = arith.constant 0 : i32
        %dma_wait3A_144 = arith.constant 0 : i32
        %dma_wait3A_145 = tpu.memref_slice %arg12[%dma_wait3A_143, %dma_wait3A_144] : memref<128x128xf32, #tpu.memory_space<vmem>> -> memref<16x128xf32, #tpu.memory_space<vmem>>
        tpu.wait_dma2 semaphore(%run_scoped3A : memref<!tpu.dma_semaphore, #tpu.memory_space<semaphore_mem>>) src(%dma_wait3A_145 : memref<16x128xf32, #tpu.memory_space<vmem>>) dst(%dma_wait3A_142 : memref<16x128xf32, #tpu.memory_space<vmem_shared>>)
        tpu.yield
      }) : () -> ()
    } else {
    }
    %barrier3A = arith.constant 0 : index
    tpu.barrier barrier_id(%barrier3A)
    %dma_wait3A = arith.constant 0 : i32
    %dma_wait3A_31 = tpu.memref_slice %arg7[%dma_wait3A] : memref<10112xi32, #tpu.memory_space<vmem>> -> memref<9984xi32, #tpu.memory_space<vmem>>
    %dma_wait3A_32 = tpu.memref_slice %arg3[%mul3A_2] : memref<640000xi32, #tpu.memory_space<hbm>> -> memref<9984xi32, #tpu.memory_space<hbm>>
    %dma_wait3A_33 = arith.constant 0 : i32
    %dma_wait3A_34 = tpu.memref_slice %arg7[%dma_wait3A_33] : memref<10112xi32, #tpu.memory_space<vmem>> -> memref<9984xi32, #tpu.memory_space<vmem>>
    %dma_wait3A_35 = tpu.memref_slice %arg3[%mul3A_2] : memref<640000xi32, #tpu.memory_space<hbm>> -> memref<9984xi32, #tpu.memory_space<hbm>>
    tpu.wait_dma2 semaphore(%arg14 : memref<!tpu.dma_semaphore, #tpu.memory_space<semaphore_mem>>) src(%dma_wait3A_35 : memref<9984xi32, #tpu.memory_space<hbm>>) dst(%dma_wait3A_34 : memref<9984xi32, #tpu.memory_space<vmem>>)
    %convert_element_type3A_36 = arith.extui %lt3A_3 : i1 to i32
    %cond3A_37 = arith.constant 0 : i32
    %cond3A_38 = arith.cmpi ne, %convert_element_type3A_36, %cond3A_37 : i32
    scf.if %cond3A_38 {
      %mul3A_122 = arith.constant 128 : i32
      %mul3A_123 = arith.muli %add3A, %mul3A_122 : i32
      %add3A_124 = arith.constant 319488 : i32
      %add3A_125 = arith.addi %add3A_124, %mul3A_123 : i32
      %dma_wait3A_126 = arith.constant 9984 : i32
      %dma_wait3A_127 = tpu.memref_slice %arg7[%dma_wait3A_126] : memref<10112xi32, #tpu.memory_space<vmem>> -> memref<128xi32, #tpu.memory_space<vmem>>
      %dma_wait3A_128 = tpu.memref_slice %arg3[%add3A_125] : memref<640000xi32, #tpu.memory_space<hbm>> -> memref<128xi32, #tpu.memory_space<hbm>>
      %dma_wait3A_129 = arith.constant 9984 : i32
      %dma_wait3A_130 = tpu.memref_slice %arg7[%dma_wait3A_129] : memref<10112xi32, #tpu.memory_space<vmem>> -> memref<128xi32, #tpu.memory_space<vmem>>
      %dma_wait3A_131 = tpu.memref_slice %arg3[%add3A_125] : memref<640000xi32, #tpu.memory_space<hbm>> -> memref<128xi32, #tpu.memory_space<hbm>>
      tpu.wait_dma2 semaphore(%arg14 : memref<!tpu.dma_semaphore, #tpu.memory_space<semaphore_mem>>) src(%dma_wait3A_131 : memref<128xi32, #tpu.memory_space<hbm>>) dst(%dma_wait3A_130 : memref<128xi32, #tpu.memory_space<vmem>>)
    } else {
    }
    %add3A_39 = arith.constant 0 : i32
    %add3A_40 = arith.addi %mul3A_2, %add3A_39 : i32
    %mul3A_41 = arith.constant 128 : i32
    %mul3A_42 = arith.muli %add3A, %mul3A_41 : i32
    %add3A_43 = arith.constant 319488 : i32
    %add3A_44 = arith.addi %add3A_43, %mul3A_42 : i32
    %jit3A = arith.constant true
    %select_n3A = arith.select %jit3A, %add3A_40, %add3A_44 : i32
    %add3A_45 = arith.constant 320000 : i32
    %add3A_46 = arith.addi %add3A_45, %select_n3A : i32
    %dma_start3A_47 = tpu.memref_slice %arg3[%add3A_46] : memref<640000xi32, #tpu.memory_space<hbm>> -> memref<128xi32, #tpu.memory_space<hbm>>
    %dma_start3A_48 = tpu.memref_slice %arg3[%add3A_46] : memref<640000xi32, #tpu.memory_space<hbm>> -> memref<128xi32, #tpu.memory_space<hbm>>
    tpu.enqueue_dma source(%dma_start3A_48 : memref<128xi32, #tpu.memory_space<hbm>>) target(%arg10 : memref<128xi32, #tpu.memory_space<vmem>>) target_semaphore(%arg15 : memref<!tpu.dma_semaphore, #tpu.memory_space<semaphore_mem>>)
    %add3A_49 = arith.constant 0 : i32
    %add3A_50 = arith.addi %mul3A_2, %add3A_49 : i32
    %mul3A_51 = arith.constant 128 : i32
    %mul3A_52 = arith.muli %add3A, %mul3A_51 : i32
    %add3A_53 = arith.constant 319488 : i32
    %add3A_54 = arith.addi %add3A_53, %mul3A_52 : i32
    %jit3A_55 = arith.constant true
    %select_n3A_56 = arith.select %jit3A_55, %add3A_50, %add3A_54 : i32
    %dma_start3A_57 = tpu.memref_slice %arg4[%select_n3A_56] : memref<320000xf32, #tpu.memory_space<hbm>> -> memref<128xf32, #tpu.memory_space<hbm>>
    %dma_start3A_58 = tpu.memref_slice %arg4[%select_n3A_56] : memref<320000xf32, #tpu.memory_space<hbm>> -> memref<128xf32, #tpu.memory_space<hbm>>
    tpu.enqueue_dma source(%dma_start3A_58 : memref<128xf32, #tpu.memory_space<hbm>>) target(%arg8 : memref<128xf32, #tpu.memory_space<vmem>>) target_semaphore(%arg15 : memref<!tpu.dma_semaphore, #tpu.memory_space<semaphore_mem>>)
    %dma_start3A_59 = arith.constant 0 : i32
    %dma_start3A_60 = tpu.memref_slice %arg7[%dma_start3A_59] : memref<10112xi32, #tpu.memory_space<vmem>> -> memref<128xi32, #tpu.memory_space<vmem>>
    %dma_start3A_61 = arith.constant 0 : i32
    %dma_start3A_62 = arith.constant 0 : i32
    %dma_start3A_63 = tpu.memref_slice %arg2[%dma_start3A_61, %dma_start3A_62] : memref<10000x128xf32, #tpu.memory_space<hbm>> -> memref<10000x128xf32, #tpu.memory_space<hbm>>
    tpu.enqueue_indirect_dma source(%dma_start3A_63 : memref<10000x128xf32, #tpu.memory_space<hbm>>) target(%arg12 : memref<128x128xf32, #tpu.memory_space<vmem>>) offsets(%dma_start3A_60 : memref<128xi32, #tpu.memory_space<vmem>>) semaphore(%arg17 : memref<!tpu.dma_semaphore, #tpu.memory_space<semaphore_mem>>)
    %add3A_64 = arith.constant 128 : i32
    %add3A_65 = arith.addi %mul3A_2, %add3A_64 : i32
    %mul3A_66 = arith.constant 128 : i32
    %mul3A_67 = arith.muli %add3A, %mul3A_66 : i32
    %add3A_68 = arith.constant 319488 : i32
    %add3A_69 = arith.addi %add3A_68, %mul3A_67 : i32
    %jit3A_70 = arith.constant true
    %select_n3A_71 = arith.select %jit3A_70, %add3A_65, %add3A_69 : i32
    %add3A_72 = arith.constant 320000 : i32
    %add3A_73 = arith.addi %add3A_72, %select_n3A_71 : i32
    %dma_start3A_74 = tpu.memref_slice %arg3[%add3A_73] : memref<640000xi32, #tpu.memory_space<hbm>> -> memref<128xi32, #tpu.memory_space<hbm>>
    %dma_start3A_75 = tpu.memref_slice %arg3[%add3A_73] : memref<640000xi32, #tpu.memory_space<hbm>> -> memref<128xi32, #tpu.memory_space<hbm>>
    tpu.enqueue_dma source(%dma_start3A_75 : memref<128xi32, #tpu.memory_space<hbm>>) target(%arg11 : memref<128xi32, #tpu.memory_space<vmem>>) target_semaphore(%arg16 : memref<!tpu.dma_semaphore, #tpu.memory_space<semaphore_mem>>)
    %add3A_76 = arith.constant 128 : i32
    %add3A_77 = arith.addi %mul3A_2, %add3A_76 : i32
    %mul3A_78 = arith.constant 128 : i32
    %mul3A_79 = arith.muli %add3A, %mul3A_78 : i32
    %add3A_80 = arith.constant 319488 : i32
    %add3A_81 = arith.addi %add3A_80, %mul3A_79 : i32
    %jit3A_82 = arith.constant true
    %select_n3A_83 = arith.select %jit3A_82, %add3A_77, %add3A_81 : i32
    %dma_start3A_84 = tpu.memref_slice %arg4[%select_n3A_83] : memref<320000xf32, #tpu.memory_space<hbm>> -> memref<128xf32, #tpu.memory_space<hbm>>
    %dma_start3A_85 = tpu.memref_slice %arg4[%select_n3A_83] : memref<320000xf32, #tpu.memory_space<hbm>> -> memref<128xf32, #tpu.memory_space<hbm>>
    tpu.enqueue_dma source(%dma_start3A_85 : memref<128xf32, #tpu.memory_space<hbm>>) target(%arg9 : memref<128xf32, #tpu.memory_space<vmem>>) target_semaphore(%arg16 : memref<!tpu.dma_semaphore, #tpu.memory_space<semaphore_mem>>)
    %dma_start3A_86 = arith.constant 128 : i32
    %dma_start3A_87 = tpu.memref_slice %arg7[%dma_start3A_86] : memref<10112xi32, #tpu.memory_space<vmem>> -> memref<128xi32, #tpu.memory_space<vmem>>
    %dma_start3A_88 = arith.constant 0 : i32
    %dma_start3A_89 = arith.constant 0 : i32
    %dma_start3A_90 = tpu.memref_slice %arg2[%dma_start3A_88, %dma_start3A_89] : memref<10000x128xf32, #tpu.memory_space<hbm>> -> memref<10000x128xf32, #tpu.memory_space<hbm>>
    tpu.enqueue_indirect_dma source(%dma_start3A_90 : memref<10000x128xf32, #tpu.memory_space<hbm>>) target(%arg13 : memref<128x128xf32, #tpu.memory_space<vmem>>) offsets(%dma_start3A_87 : memref<128xi32, #tpu.memory_space<vmem>>) semaphore(%arg18 : memref<!tpu.dma_semaphore, #tpu.memory_space<semaphore_mem>>)
    %scan3A_91 = arith.constant 0 : i32
    %scan3A_92 = arith.constant 40 : i32
    %scan3A_93 = arith.addi %scan3A_91, %scan3A_92 : i32
    %scan3A_94 = arith.constant 1 : i32
    scf.for %scan3A_122 = %scan3A_91 to %scan3A_93 step %scan3A_94  : i32 {
      %mul3A_123 = arith.constant 1 : i32
      %mul3A_124 = arith.muli %scan3A_122, %mul3A_123 : i32
      %add3A_125 = arith.constant 0 : i32
      %add3A_126 = arith.addi %add3A_125, %mul3A_124 : i32
      %mul3A_127 = arith.constant 2 : i32
      %mul3A_128 = arith.muli %mul3A_127, %add3A_126 : i32
      %lt3A_129 = arith.constant 78 : i32
      %lt3A_130 = arith.cmpi slt, %mul3A_128, %lt3A_129 : i32
      %lt3A_131 = arith.constant 79 : i32
      %lt3A_132 = arith.cmpi slt, %mul3A_128, %lt3A_131 : i32
      %and3A = arith.andi %lt3A_132, %lt3A_3 : i1
      %or3A = arith.ori %lt3A_130, %and3A : i1
      %convert_element_type3A_133 = arith.extui %or3A : i1 to i32
      %cond3A_134 = arith.constant 0 : i32
      %cond3A_135 = arith.cmpi ne, %convert_element_type3A_133, %cond3A_134 : i32
      scf.if %cond3A_135 {
        %mul3A_149 = arith.constant 128 : i32
        %mul3A_150 = arith.muli %mul3A_128, %mul3A_149 : i32
        %dma_wait3A_151 = tpu.memref_slice %arg7[%mul3A_150] : memref<10112xi32, #tpu.memory_space<vmem>> -> memref<128xi32, #tpu.memory_space<vmem>>
        %dma_wait3A_152 = arith.constant 0 : i32
        %dma_wait3A_153 = arith.constant 0 : i32
        %dma_wait3A_154 = tpu.memref_slice %arg2[%dma_wait3A_152, %dma_wait3A_153] : memref<10000x128xf32, #tpu.memory_space<hbm>> -> memref<10000x128xf32, #tpu.memory_space<hbm>>
        tpu.wait_indirect_dma semaphore(%arg17 : memref<!tpu.dma_semaphore, #tpu.memory_space<semaphore_mem>>) src(%dma_wait3A_154 : memref<10000x128xf32, #tpu.memory_space<hbm>>) dst(%arg12 : memref<128x128xf32, #tpu.memory_space<vmem>>)
        %lt3A_155 = arith.constant 78 : i32
        %lt3A_156 = arith.cmpi slt, %mul3A_128, %lt3A_155 : i32
        %mul3A_157 = arith.constant 128 : i32
        %mul3A_158 = arith.muli %mul3A_128, %mul3A_157 : i32
        %add3A_159 = arith.addi %mul3A_2, %mul3A_158 : i32
        %mul3A_160 = arith.constant 128 : i32
        %mul3A_161 = arith.muli %add3A, %mul3A_160 : i32
        %add3A_162 = arith.constant 319488 : i32
        %add3A_163 = arith.addi %add3A_162, %mul3A_161 : i32
        %select_n3A_164 = arith.select %lt3A_156, %add3A_159, %add3A_163 : i32
        %dma_wait3A_165 = tpu.memref_slice %arg4[%select_n3A_164] : memref<320000xf32, #tpu.memory_space<hbm>> -> memref<128xf32, #tpu.memory_space<hbm>>
        %dma_wait3A_166 = tpu.memref_slice %arg4[%select_n3A_164] : memref<320000xf32, #tpu.memory_space<hbm>> -> memref<128xf32, #tpu.memory_space<hbm>>
        tpu.wait_dma2 semaphore(%arg15 : memref<!tpu.dma_semaphore, #tpu.memory_space<semaphore_mem>>) src(%dma_wait3A_166 : memref<128xf32, #tpu.memory_space<hbm>>) dst(%arg8 : memref<128xf32, #tpu.memory_space<vmem>>)
        %scan3A_167 = arith.constant 0 : i32
        %scan3A_168 = arith.constant 8 : i32
        %scan3A_169 = arith.addi %scan3A_167, %scan3A_168 : i32
        %scan3A_170 = arith.constant 1 : i32
        scf.for %scan3A_197 = %scan3A_167 to %scan3A_169 step %scan3A_170  : i32 {
          %mul3A_198 = arith.constant 1 : i32
          %mul3A_199 = arith.muli %scan3A_197, %mul3A_198 : i32
          %add3A_200 = arith.constant 0 : i32
          %add3A_201 = arith.addi %add3A_200, %mul3A_199 : i32
          %mul3A_202 = arith.constant 16 : i32
          %mul3A_203 = arith.muli %add3A_201, %mul3A_202 : i32
          %get3A = arith.index_cast %mul3A_203 : i32 to index
          %get3A_204 = tpu.vector_load %arg8[%get3A] {strides = array<i32>} : memref<128xf32, #tpu.memory_space<vmem>>, vector<16xf32>,
          %get3A_205 = vector.shape_cast %get3A_204 : vector<16xf32> to vector<16xf32>
          %broadcast_in_dim3A_206 = arith.constant 0 : i32
          %broadcast_in_dim3A_207 = vector.broadcast %broadcast_in_dim3A_206 : i32 to vector<16x1xi32>
          %gather3A = vector.shape_cast %broadcast_in_dim3A_207 : vector<16x1xi32> to vector<16xi32>
          %gather3A_208 = tpu.dynamic_gather %get3A_205[%gather3A] in [0] : vector<16xf32>, vector<16xi32> -> vector<16xf32>
          %mul3A_209 = arith.constant 16 : i32
          %mul3A_210 = arith.muli %add3A_201, %mul3A_209 : i32
          %add3A_211 = arith.constant 0 : i32
          %add3A_212 = arith.addi %mul3A_210, %add3A_211 : i32
          %get3A_213 = arith.index_cast %add3A_212 : i32 to index
          %get3A_214 = arith.constant 0 : index
          %get3A_215 = tpu.vector_load %arg12[%get3A_213, %get3A_214] {strides = array<i32>} : memref<128x128xf32, #tpu.memory_space<vmem>>, vector<1x16xf32>,
          %get3A_216 = vector.shape_cast %get3A_215 : vector<1x16xf32> to vector<16xf32>
          %mul3A_217 = arith.mulf %get3A_216, %gather3A_208 : vector<16xf32>
          %swap3A = arith.index_cast %add3A_212 : i32 to index
          %swap3A_218 = arith.constant 0 : index
          %swap3A_219 = tpu.vector_load %arg12[%swap3A, %swap3A_218] {strides = array<i32>} : memref<128x128xf32, #tpu.memory_space<vmem>>, vector<1x16xf32>,
          %swap3A_220 = vector.shape_cast %swap3A_219 : vector<1x16xf32> to vector<16xf32>
          %swap3A_221 = vector.shape_cast %mul3A_217 : vector<16xf32> to vector<1x16xf32>
          tpu.vector_store %arg12[%swap3A, %swap3A_218], %swap3A_221 {strides = array<i32>} : memref<128x128xf32, #tpu.memory_space<vmem>>, vector<1x16xf32>,
          %get3A_222 = arith.index_cast %add3A_212 : i32 to index
          %get3A_223 = arith.constant 16 : index
          %get3A_224 = tpu.vector_load %arg12[%get3A_222, %get3A_223] {strides = array<i32>} : memref<128x128xf32, #tpu.memory_space<vmem>>, vector<1x16xf32>,
          %get3A_225 = vector.shape_cast %get3A_224 : vector<1x16xf32> to vector<16xf32>
          %mul3A_226 = arith.mulf %get3A_225, %gather3A_208 : vector<16xf32>
          %swap3A_227 = arith.index_cast %add3A_212 : i32 to index
          %swap3A_228 = arith.constant 16 : index
          %swap3A_229 = tpu.vector_load %arg12[%swap3A_227, %swap3A_228] {strides = array<i32>} : memref<128x128xf32, #tpu.memory_space<vmem>>, vector<1x16xf32>,
          %swap3A_230 = vector.shape_cast %swap3A_229 : vector<1x16xf32> to vector<16xf32>
          %swap3A_231 = vector.shape_cast %mul3A_226 : vector<16xf32> to vector<1x16xf32>
          tpu.vector_store %arg12[%swap3A_227, %swap3A_228], %swap3A_231 {strides = array<i32>} : memref<128x128xf32, #tpu.memory_space<vmem>>, vector<1x16xf32>,
          %get3A_232 = arith.index_cast %add3A_212 : i32 to index
          %get3A_233 = arith.constant 32 : index
          %get3A_234 = tpu.vector_load %arg12[%get3A_232, %get3A_233] {strides = array<i32>} : memref<128x128xf32, #tpu.memory_space<vmem>>, vector<1x16xf32>,
          %get3A_235 = vector.shape_cast %get3A_234 : vector<1x16xf32> to vector<16xf32>
          %mul3A_236 = arith.mulf %get3A_235, %gather3A_208 : vector<16xf32>
          %swap3A_237 = arith.index_cast %add3A_212 : i32 to index
          %swap3A_238 = arith.constant 32 : index
          %swap3A_239 = tpu.vector_load %arg12[%swap3A_237, %swap3A_238] {strides = array<i32>} : memref<128x128xf32, #tpu.memory_space<vmem>>, vector<1x16xf32>,
          %swap3A_240 = vector.shape_cast %swap3A_239 : vector<1x16xf32> to vector<16xf32>
          %swap3A_241 = vector.shape_cast %mul3A_236 : vector<16xf32> to vector<1x16xf32>
          tpu.vector_store %arg12[%swap3A_237, %swap3A_238], %swap3A_241 {strides = array<i32>} : memref<128x128xf32, #tpu.memory_space<vmem>>, vector<1x16xf32>,
          %get3A_242 = arith.index_cast %add3A_212 : i32 to index
          %get3A_243 = arith.constant 48 : index
          %get3A_244 = tpu.vector_load %arg12[%get3A_242, %get3A_243] {strides = array<i32>} : memref<128x128xf32, #tpu.memory_space<vmem>>, vector<1x16xf32>,
          %get3A_245 = vector.shape_cast %get3A_244 : vector<1x16xf32> to vector<16xf32>
          %mul3A_246 = arith.mulf %get3A_245, %gather3A_208 : vector<16xf32>
          %swap3A_247 = arith.index_cast %add3A_212 : i32 to index
          %swap3A_248 = arith.constant 48 : index
          %swap3A_249 = tpu.vector_load %arg12[%swap3A_247, %swap3A_248] {strides = array<i32>} : memref<128x128xf32, #tpu.memory_space<vmem>>, vector<1x16xf32>,
          %swap3A_250 = vector.shape_cast %swap3A_249 : vector<1x16xf32> to vector<16xf32>
          %swap3A_251 = vector.shape_cast %mul3A_246 : vector<16xf32> to vector<1x16xf32>
          tpu.vector_store %arg12[%swap3A_247, %swap3A_248], %swap3A_251 {strides = array<i32>} : memref<128x128xf32, #tpu.memory_space<vmem>>, vector<1x16xf32>,
          %get3A_252 = arith.index_cast %add3A_212 : i32 to index
          %get3A_253 = arith.constant 64 : index
          %get3A_254 = tpu.vector_load %arg12[%get3A_252, %get3A_253] {strides = array<i32>} : memref<128x128xf32, #tpu.memory_space<vmem>>, vector<1x16xf32>,
          %get3A_255 = vector.shape_cast %get3A_254 : vector<1x16xf32> to vector<16xf32>
          %mul3A_256 = arith.mulf %get3A_255, %gather3A_208 : vector<16xf32>
          %swap3A_257 = arith.index_cast %add3A_212 : i32 to index
          %swap3A_258 = arith.constant 64 : index
          %swap3A_259 = tpu.vector_load %arg12[%swap3A_257, %swap3A_258] {strides = array<i32>} : memref<128x128xf32, #tpu.memory_space<vmem>>, vector<1x16xf32>,
          %swap3A_260 = vector.shape_cast %swap3A_259 : vector<1x16xf32> to vector<16xf32>
          %swap3A_261 = vector.shape_cast %mul3A_256 : vector<16xf32> to vector<1x16xf32>
          tpu.vector_store %arg12[%swap3A_257, %swap3A_258], %swap3A_261 {strides = array<i32>} : memref<128x128xf32, #tpu.memory_space<vmem>>, vector<1x16xf32>,
          %get3A_262 = arith.index_cast %add3A_212 : i32 to index
          %get3A_263 = arith.constant 80 : index
          %get3A_264 = tpu.vector_load %arg12[%get3A_262, %get3A_263] {strides = array<i32>} : memref<128x128xf32, #tpu.memory_space<vmem>>, vector<1x16xf32>,
          %get3A_265 = vector.shape_cast %get3A_264 : vector<1x16xf32> to vector<16xf32>
          %mul3A_266 = arith.mulf %get3A_265, %gather3A_208 : vector<16xf32>
          %swap3A_267 = arith.index_cast %add3A_212 : i32 to index
          %swap3A_268 = arith.constant 80 : index
          %swap3A_269 = tpu.vector_load %arg12[%swap3A_267, %swap3A_268] {strides = array<i32>} : memref<128x128xf32, #tpu.memory_space<vmem>>, vector<1x16xf32>,
          %swap3A_270 = vector.shape_cast %swap3A_269 : vector<1x16xf32> to vector<16xf32>
          %swap3A_271 = vector.shape_cast %mul3A_266 : vector<16xf32> to vector<1x16xf32>
          tpu.vector_store %arg12[%swap3A_267, %swap3A_268], %swap3A_271 {strides = array<i32>} : memref<128x128xf32, #tpu.memory_space<vmem>>, vector<1x16xf32>,
          %get3A_272 = arith.index_cast %add3A_212 : i32 to index
          %get3A_273 = arith.constant 96 : index
          %get3A_274 = tpu.vector_load %arg12[%get3A_272, %get3A_273] {strides = array<i32>} : memref<128x128xf32, #tpu.memory_space<vmem>>, vector<1x16xf32>,
          %get3A_275 = vector.shape_cast %get3A_274 : vector<1x16xf32> to vector<16xf32>
          %mul3A_276 = arith.mulf %get3A_275, %gather3A_208 : vector<16xf32>
          %swap3A_277 = arith.index_cast %add3A_212 : i32 to index
          %swap3A_278 = arith.constant 96 : index
          %swap3A_279 = tpu.vector_load %arg12[%swap3A_277, %swap3A_278] {strides = array<i32>} : memref<128x128xf32, #tpu.memory_space<vmem>>, vector<1x16xf32>,
          %swap3A_280 = vector.shape_cast %swap3A_279 : vector<1x16xf32> to vector<16xf32>
          %swap3A_281 = vector.shape_cast %mul3A_276 : vector<16xf32> to vector<1x16xf32>
          tpu.vector_store %arg12[%swap3A_277, %swap3A_278], %swap3A_281 {strides = array<i32>} : memref<128x128xf32, #tpu.memory_space<vmem>>, vector<1x16xf32>,
          %get3A_282 = arith.index_cast %add3A_212 : i32 to index
          %get3A_283 = arith.constant 112 : index
          %get3A_284 = tpu.vector_load %arg12[%get3A_282, %get3A_283] {strides = array<i32>} : memref<128x128xf32, #tpu.memory_space<vmem>>, vector<1x16xf32>,
          %get3A_285 = vector.shape_cast %get3A_284 : vector<1x16xf32> to vector<16xf32>
          %mul3A_286 = arith.mulf %get3A_285, %gather3A_208 : vector<16xf32>
          %swap3A_287 = arith.index_cast %add3A_212 : i32 to index
          %swap3A_288 = arith.constant 112 : index
          %swap3A_289 = tpu.vector_load %arg12[%swap3A_287, %swap3A_288] {strides = array<i32>} : memref<128x128xf32, #tpu.memory_space<vmem>>, vector<1x16xf32>,
          %swap3A_290 = vector.shape_cast %swap3A_289 : vector<1x16xf32> to vector<16xf32>
          %swap3A_291 = vector.shape_cast %mul3A_286 : vector<16xf32> to vector<1x16xf32>
          tpu.vector_store %arg12[%swap3A_287, %swap3A_288], %swap3A_291 {strides = array<i32>} : memref<128x128xf32, #tpu.memory_space<vmem>>, vector<1x16xf32>,
          %broadcast_in_dim3A_292 = arith.constant 1 : i32
          %broadcast_in_dim3A_293 = vector.broadcast %broadcast_in_dim3A_292 : i32 to vector<16x1xi32>
          %gather3A_294 = vector.shape_cast %broadcast_in_dim3A_293 : vector<16x1xi32> to vector<16xi32>
          %gather3A_295 = tpu.dynamic_gather %get3A_205[%gather3A_294] in [0] : vector<16xf32>, vector<16xi32> -> vector<16xf32>
          %mul3A_296 = arith.constant 16 : i32
          %mul3A_297 = arith.muli %add3A_201, %mul3A_296 : i32
          %add3A_298 = arith.constant 1 : i32
          %add3A_299 = arith.addi %mul3A_297, %add3A_298 : i32
          %get3A_300 = arith.index_cast %add3A_299 : i32 to index
          %get3A_301 = arith.constant 0 : index
          %get3A_302 = tpu.vector_load %arg12[%get3A_300, %get3A_301] {strides = array<i32>} : memref<128x128xf32, #tpu.memory_space<vmem>>, vector<1x16xf32>,
          %get3A_303 = vector.shape_cast %get3A_302 : vector<1x16xf32> to vector<16xf32>
          %mul3A_304 = arith.mulf %get3A_303, %gather3A_295 : vector<16xf32>
          %swap3A_305 = arith.index_cast %add3A_299 : i32 to index
          %swap3A_306 = arith.constant 0 : index
          %swap3A_307 = tpu.vector_load %arg12[%swap3A_305, %swap3A_306] {strides = array<i32>} : memref<128x128xf32, #tpu.memory_space<vmem>>, vector<1x16xf32>,
          %swap3A_308 = vector.shape_cast %swap3A_307 : vector<1x16xf32> to vector<16xf32>
          %swap3A_309 = vector.shape_cast %mul3A_304 : vector<16xf32> to vector<1x16xf32>
          tpu.vector_store %arg12[%swap3A_305, %swap3A_306], %swap3A_309 {strides = array<i32>} : memref<128x128xf32, #tpu.memory_space<vmem>>, vector<1x16xf32>,
          %get3A_310 = arith.index_cast %add3A_299 : i32 to index
          %get3A_311 = arith.constant 16 : index
          %get3A_312 = tpu.vector_load %arg12[%get3A_310, %get3A_311] {strides = array<i32>} : memref<128x128xf32, #tpu.memory_space<vmem>>, vector<1x16xf32>,
          %get3A_313 = vector.shape_cast %get3A_312 : vector<1x16xf32> to vector<16xf32>
          %mul3A_314 = arith.mulf %get3A_313, %gather3A_295 : vector<16xf32>
          %swap3A_315 = arith.index_cast %add3A_299 : i32 to index
          %swap3A_316 = arith.constant 16 : index
          %swap3A_317 = tpu.vector_load %arg12[%swap3A_315, %swap3A_316] {strides = array<i32>} : memref<128x128xf32, #tpu.memory_space<vmem>>, vector<1x16xf32>,
          %swap3A_318 = vector.shape_cast %swap3A_317 : vector<1x16xf32> to vector<16xf32>
          %swap3A_319 = vector.shape_cast %mul3A_314 : vector<16xf32> to vector<1x16xf32>
          tpu.vector_store %arg12[%swap3A_315, %swap3A_316], %swap3A_319 {strides = array<i32>} : memref<128x128xf32, #tpu.memory_space<vmem>>, vector<1x16xf32>,
          %get3A_320 = arith.index_cast %add3A_299 : i32 to index
          %get3A_321 = arith.constant 32 : index
          %get3A_322 = tpu.vector_load %arg12[%get3A_320, %get3A_321] {strides = array<i32>} : memref<128x128xf32, #tpu.memory_space<vmem>>, vector<1x16xf32>,
          %get3A_323 = vector.shape_cast %get3A_322 : vector<1x16xf32> to vector<16xf32>
          %mul3A_324 = arith.mulf %get3A_323, %gather3A_295 : vector<16xf32>
          %swap3A_325 = arith.index_cast %add3A_299 : i32 to index
          %swap3A_326 = arith.constant 32 : index
          %swap3A_327 = tpu.vector_load %arg12[%swap3A_325, %swap3A_326] {strides = array<i32>} : memref<128x128xf32, #tpu.memory_space<vmem>>, vector<1x16xf32>,
          %swap3A_328 = vector.shape_cast %swap3A_327 : vector<1x16xf32> to vector<16xf32>
          %swap3A_329 = vector.shape_cast %mul3A_324 : vector<16xf32> to vector<1x16xf32>
          tpu.vector_store %arg12[%swap3A_325, %swap3A_326], %swap3A_329 {strides = array<i32>} : memref<128x128xf32, #tpu.memory_space<vmem>>, vector<1x16xf32>,
          %get3A_330 = arith.index_cast %add3A_299 : i32 to index
          %get3A_331 = arith.constant 48 : index
          %get3A_332 = tpu.vector_load %arg12[%get3A_330, %get3A_331] {strides = array<i32>} : memref<128x128xf32, #tpu.memory_space<vmem>>, vector<1x16xf32>,
          %get3A_333 = vector.shape_cast %get3A_332 : vector<1x16xf32> to vector<16xf32>
          %mul3A_334 = arith.mulf %get3A_333, %gather3A_295 : vector<16xf32>
          %swap3A_335 = arith.index_cast %add3A_299 : i32 to index
          %swap3A_336 = arith.constant 48 : index
          %swap3A_337 = tpu.vector_load %arg12[%swap3A_335, %swap3A_336] {strides = array<i32>} : memref<128x128xf32, #tpu.memory_space<vmem>>, vector<1x16xf32>,
          %swap3A_338 = vector.shape_cast %swap3A_337 : vector<1x16xf32> to vector<16xf32>
          %swap3A_339 = vector.shape_cast %mul3A_334 : vector<16xf32> to vector<1x16xf32>
          tpu.vector_store %arg12[%swap3A_335, %swap3A_336], %swap3A_339 {strides = array<i32>} : memref<128x128xf32, #tpu.memory_space<vmem>>, vector<1x16xf32>,
          %get3A_340 = arith.index_cast %add3A_299 : i32 to index
          %get3A_341 = arith.constant 64 : index
          %get3A_342 = tpu.vector_load %arg12[%get3A_340, %get3A_341] {strides = array<i32>} : memref<128x128xf32, #tpu.memory_space<vmem>>, vector<1x16xf32>,
          %get3A_343 = vector.shape_cast %get3A_342 : vector<1x16xf32> to vector<16xf32>
          %mul3A_344 = arith.mulf %get3A_343, %gather3A_295 : vector<16xf32>
          %swap3A_345 = arith.index_cast %add3A_299 : i32 to index
          %swap3A_346 = arith.constant 64 : index
          %swap3A_347 = tpu.vector_load %arg12[%swap3A_345, %swap3A_346] {strides = array<i32>} : memref<128x128xf32, #tpu.memory_space<vmem>>, vector<1x16xf32>,
          %swap3A_348 = vector.shape_cast %swap3A_347 : vector<1x16xf32> to vector<16xf32>
          %swap3A_349 = vector.shape_cast %mul3A_344 : vector<16xf32> to vector<1x16xf32>
          tpu.vector_store %arg12[%swap3A_345, %swap3A_346], %swap3A_349 {strides = array<i32>} : memref<128x128xf32, #tpu.memory_space<vmem>>, vector<1x16xf32>,
          %get3A_350 = arith.index_cast %add3A_299 : i32 to index
          %get3A_351 = arith.constant 80 : index
          %get3A_352 = tpu.vector_load %arg12[%get3A_350, %get3A_351] {strides = array<i32>} : memref<128x128xf32, #tpu.memory_space<vmem>>, vector<1x16xf32>,
          %get3A_353 = vector.shape_cast %get3A_352 : vector<1x16xf32> to vector<16xf32>
          %mul3A_354 = arith.mulf %get3A_353, %gather3A_295 : vector<16xf32>
          %swap3A_355 = arith.index_cast %add3A_299 : i32 to index
          %swap3A_356 = arith.constant 80 : index
          %swap3A_357 = tpu.vector_load %arg12[%swap3A_355, %swap3A_356] {strides = array<i32>} : memref<128x128xf32, #tpu.memory_space<vmem>>, vector<1x16xf32>,
          %swap3A_358 = vector.shape_cast %swap3A_357 : vector<1x16xf32> to vector<16xf32>
          %swap3A_359 = vector.shape_cast %mul3A_354 : vector<16xf32> to vector<1x16xf32>
          tpu.vector_store %arg12[%swap3A_355, %swap3A_356], %swap3A_359 {strides = array<i32>} : memref<128x128xf32, #tpu.memory_space<vmem>>, vector<1x16xf32>,
          %get3A_360 = arith.index_cast %add3A_299 : i32 to index
          %get3A_361 = arith.constant 96 : index
          %get3A_362 = tpu.vector_load %arg12[%get3A_360, %get3A_361] {strides = array<i32>} : memref<128x128xf32, #tpu.memory_space<vmem>>, vector<1x16xf32>,
          %get3A_363 = vector.shape_cast %get3A_362 : vector<1x16xf32> to vector<16xf32>
          %mul3A_364 = arith.mulf %get3A_363, %gather3A_295 : vector<16xf32>
          %swap3A_365 = arith.index_cast %add3A_299 : i32 to index
          %swap3A_366 = arith.constant 96 : index
          %swap3A_367 = tpu.vector_load %arg12[%swap3A_365, %swap3A_366] {strides = array<i32>} : memref<128x128xf32, #tpu.memory_space<vmem>>, vector<1x16xf32>,
          %swap3A_368 = vector.shape_cast %swap3A_367 : vector<1x16xf32> to vector<16xf32>
          %swap3A_369 = vector.shape_cast %mul3A_364 : vector<16xf32> to vector<1x16xf32>
          tpu.vector_store %arg12[%swap3A_365, %swap3A_366], %swap3A_369 {strides = array<i32>} : memref<128x128xf32, #tpu.memory_space<vmem>>, vector<1x16xf32>,
          %get3A_370 = arith.index_cast %add3A_299 : i32 to index
          %get3A_371 = arith.constant 112 : index
          %get3A_372 = tpu.vector_load %arg12[%get3A_370, %get3A_371] {strides = array<i32>} : memref<128x128xf32, #tpu.memory_space<vmem>>, vector<1x16xf32>,
          %get3A_373 = vector.shape_cast %get3A_372 : vector<1x16xf32> to vector<16xf32>
          %mul3A_374 = arith.mulf %get3A_373, %gather3A_295 : vector<16xf32>
          %swap3A_375 = arith.index_cast %add3A_299 : i32 to index
          %swap3A_376 = arith.constant 112 : index
          %swap3A_377 = tpu.vector_load %arg12[%swap3A_375, %swap3A_376] {strides = array<i32>} : memref<128x128xf32, #tpu.memory_space<vmem>>, vector<1x16xf32>,
          %swap3A_378 = vector.shape_cast %swap3A_377 : vector<1x16xf32> to vector<16xf32>
          %swap3A_379 = vector.shape_cast %mul3A_374 : vector<16xf32> to vector<1x16xf32>
          tpu.vector_store %arg12[%swap3A_375, %swap3A_376], %swap3A_379 {strides = array<i32>} : memref<128x128xf32, #tpu.memory_space<vmem>>, vector<1x16xf32>,
          %broadcast_in_dim3A_380 = arith.constant 2 : i32
          %broadcast_in_dim3A_381 = vector.broadcast %broadcast_in_dim3A_380 : i32 to vector<16x1xi32>
          %gather3A_382 = vector.shape_cast %broadcast_in_dim3A_381 : vector<16x1xi32> to vector<16xi32>
          %gather3A_383 = tpu.dynamic_gather %get3A_205[%gather3A_382] in [0] : vector<16xf32>, vector<16xi32> -> vector<16xf32>
          %mul3A_384 = arith.constant 16 : i32
          %mul3A_385 = arith.muli %add3A_201, %mul3A_384 : i32
          %add3A_386 = arith.constant 2 : i32
          %add3A_387 = arith.addi %mul3A_385, %add3A_386 : i32
          %get3A_388 = arith.index_cast %add3A_387 : i32 to index
          %get3A_389 = arith.constant 0 : index
          %get3A_390 = tpu.vector_load %arg12[%get3A_388, %get3A_389] {strides = array<i32>} : memref<128x128xf32, #tpu.memory_space<vmem>>, vector<1x16xf32>,
          %get3A_391 = vector.shape_cast %get3A_390 : vector<1x16xf32> to vector<16xf32>
          %mul3A_392 = arith.mulf %get3A_391, %gather3A_383 : vector<16xf32>
          %swap3A_393 = arith.index_cast %add3A_387 : i32 to index
          %swap3A_394 = arith.constant 0 : index
          %swap3A_395 = tpu.vector_load %arg12[%swap3A_393, %swap3A_394] {strides = array<i32>} : memref<128x128xf32, #tpu.memory_space<vmem>>, vector<1x16xf32>,
          %swap3A_396 = vector.shape_cast %swap3A_395 : vector<1x16xf32> to vector<16xf32>
          %swap3A_397 = vector.shape_cast %mul3A_392 : vector<16xf32> to vector<1x16xf32>
          tpu.vector_store %arg12[%swap3A_393, %swap3A_394], %swap3A_397 {strides = array<i32>} : memref<128x128xf32, #tpu.memory_space<vmem>>, vector<1x16xf32>,
          %get3A_398 = arith.index_cast %add3A_387 : i32 to index
          %get3A_399 = arith.constant 16 : index
          %get3A_400 = tpu.vector_load %arg12[%get3A_398, %get3A_399] {strides = array<i32>} : memref<128x128xf32, #tpu.memory_space<vmem>>, vector<1x16xf32>,
          %get3A_401 = vector.shape_cast %get3A_400 : vector<1x16xf32> to vector<16xf32>
          %mul3A_402 = arith.mulf %get3A_401, %gather3A_383 : vector<16xf32>
          %swap3A_403 = arith.index_cast %add3A_387 : i32 to index
          %swap3A_404 = arith.constant 16 : index
          %swap3A_405 = tpu.vector_load %arg12[%swap3A_403, %swap3A_404] {strides = array<i32>} : memref<128x128xf32, #tpu.memory_space<vmem>>, vector<1x16xf32>,
          %swap3A_406 = vector.shape_cast %swap3A_405 : vector<1x16xf32> to vector<16xf32>
          %swap3A_407 = vector.shape_cast %mul3A_402 : vector<16xf32> to vector<1x16xf32>
          tpu.vector_store %arg12[%swap3A_403, %swap3A_404], %swap3A_407 {strides = array<i32>} : memref<128x128xf32, #tpu.memory_space<vmem>>, vector<1x16xf32>,
          %get3A_408 = arith.index_cast %add3A_387 : i32 to index
          %get3A_409 = arith.constant 32 : index
          %get3A_410 = tpu.vector_load %arg12[%get3A_408, %get3A_409] {strides = array<i32>} : memref<128x128xf32, #tpu.memory_space<vmem>>, vector<1x16xf32>,
          %get3A_411 = vector.shape_cast %get3A_410 : vector<1x16xf32> to vector<16xf32>
          %mul3A_412 = arith.mulf %get3A_411, %gather3A_383 : vector<16xf32>
          %swap3A_413 = arith.index_cast %add3A_387 : i32 to index
          %swap3A_414 = arith.constant 32 : index
          %swap3A_415 = tpu.vector_load %arg12[%swap3A_413, %swap3A_414] {strides = array<i32>} : memref<128x128xf32, #tpu.memory_space<vmem>>, vector<1x16xf32>,
          %swap3A_416 = vector.shape_cast %swap3A_415 : vector<1x16xf32> to vector<16xf32>
          %swap3A_417 = vector.shape_cast %mul3A_412 : vector<16xf32> to vector<1x16xf32>
          tpu.vector_store %arg12[%swap3A_413, %swap3A_414], %swap3A_417 {strides = array<i32>} : memref<128x128xf32, #tpu.memory_space<vmem>>, vector<1x16xf32>,
          %get3A_418 = arith.index_cast %add3A_387 : i32 to index
          %get3A_419 = arith.constant 48 : index
          %get3A_420 = tpu.vector_load %arg12[%get3A_418, %get3A_419] {strides = array<i32>} : memref<128x128xf32, #tpu.memory_space<vmem>>, vector<1x16xf32>,
          %get3A_421 = vector.shape_cast %get3A_420 : vector<1x16xf32> to vector<16xf32>
          %mul3A_422 = arith.mulf %get3A_421, %gather3A_383 : vector<16xf32>
          %swap3A_423 = arith.index_cast %add3A_387 : i32 to index
          %swap3A_424 = arith.constant 48 : index
          %swap3A_425 = tpu.vector_load %arg12[%swap3A_423, %swap3A_424] {strides = array<i32>} : memref<128x128xf32, #tpu.memory_space<vmem>>, vector<1x16xf32>,
          %swap3A_426 = vector.shape_cast %swap3A_425 : vector<1x16xf32> to vector<16xf32>
          %swap3A_427 = vector.shape_cast %mul3A_422 : vector<16xf32> to vector<1x16xf32>
          tpu.vector_store %arg12[%swap3A_423, %swap3A_424], %swap3A_427 {strides = array<i32>} : memref<128x128xf32, #tpu.memory_space<vmem>>, vector<1x16xf32>,
          %get3A_428 = arith.index_cast %add3A_387 : i32 to index
          %get3A_429 = arith.constant 64 : index
          %get3A_430 = tpu.vector_load %arg12[%get3A_428, %get3A_429] {strides = array<i32>} : memref<128x128xf32, #tpu.memory_space<vmem>>, vector<1x16xf32>,
          %get3A_431 = vector.shape_cast %get3A_430 : vector<1x16xf32> to vector<16xf32>
          %mul3A_432 = arith.mulf %get3A_431, %gather3A_383 : vector<16xf32>
          %swap3A_433 = arith.index_cast %add3A_387 : i32 to index
          %swap3A_434 = arith.constant 64 : index
          %swap3A_435 = tpu.vector_load %arg12[%swap3A_433, %swap3A_434] {strides = array<i32>} : memref<128x128xf32, #tpu.memory_space<vmem>>, vector<1x16xf32>,
          %swap3A_436 = vector.shape_cast %swap3A_435 : vector<1x16xf32> to vector<16xf32>
          %swap3A_437 = vector.shape_cast %mul3A_432 : vector<16xf32> to vector<1x16xf32>
          tpu.vector_store %arg12[%swap3A_433, %swap3A_434], %swap3A_437 {strides = array<i32>} : memref<128x128xf32, #tpu.memory_space<vmem>>, vector<1x16xf32>,
          %get3A_438 = arith.index_cast %add3A_387 : i32 to index
          %get3A_439 = arith.constant 80 : index
          %get3A_440 = tpu.vector_load %arg12[%get3A_438, %get3A_439] {strides = array<i32>} : memref<128x128xf32, #tpu.memory_space<vmem>>, vector<1x16xf32>,
          %get3A_441 = vector.shape_cast %get3A_440 : vector<1x16xf32> to vector<16xf32>
          %mul3A_442 = arith.mulf %get3A_441, %gather3A_383 : vector<16xf32>
          %swap3A_443 = arith.index_cast %add3A_387 : i32 to index
          %swap3A_444 = arith.constant 80 : index
          %swap3A_445 = tpu.vector_load %arg12[%swap3A_443, %swap3A_444] {strides = array<i32>} : memref<128x128xf32, #tpu.memory_space<vmem>>, vector<1x16xf32>,
          %swap3A_446 = vector.shape_cast %swap3A_445 : vector<1x16xf32> to vector<16xf32>
          %swap3A_447 = vector.shape_cast %mul3A_442 : vector<16xf32> to vector<1x16xf32>
          tpu.vector_store %arg12[%swap3A_443, %swap3A_444], %swap3A_447 {strides = array<i32>} : memref<128x128xf32, #tpu.memory_space<vmem>>, vector<1x16xf32>,
          %get3A_448 = arith.index_cast %add3A_387 : i32 to index
          %get3A_449 = arith.constant 96 : index
          %get3A_450 = tpu.vector_load %arg12[%get3A_448, %get3A_449] {strides = array<i32>} : memref<128x128xf32, #tpu.memory_space<vmem>>, vector<1x16xf32>,
          %get3A_451 = vector.shape_cast %get3A_450 : vector<1x16xf32> to vector<16xf32>
          %mul3A_452 = arith.mulf %get3A_451, %gather3A_383 : vector<16xf32>
          %swap3A_453 = arith.index_cast %add3A_387 : i32 to index
          %swap3A_454 = arith.constant 96 : index
          %swap3A_455 = tpu.vector_load %arg12[%swap3A_453, %swap3A_454] {strides = array<i32>} : memref<128x128xf32, #tpu.memory_space<vmem>>, vector<1x16xf32>,
          %swap3A_456 = vector.shape_cast %swap3A_455 : vector<1x16xf32> to vector<16xf32>
          %swap3A_457 = vector.shape_cast %mul3A_452 : vector<16xf32> to vector<1x16xf32>
          tpu.vector_store %arg12[%swap3A_453, %swap3A_454], %swap3A_457 {strides = array<i32>} : memref<128x128xf32, #tpu.memory_space<vmem>>, vector<1x16xf32>,
          %get3A_458 = arith.index_cast %add3A_387 : i32 to index
          %get3A_459 = arith.constant 112 : index
          %get3A_460 = tpu.vector_load %arg12[%get3A_458, %get3A_459] {strides = array<i32>} : memref<128x128xf32, #tpu.memory_space<vmem>>, vector<1x16xf32>,
          %get3A_461 = vector.shape_cast %get3A_460 : vector<1x16xf32> to vector<16xf32>
          %mul3A_462 = arith.mulf %get3A_461, %gather3A_383 : vector<16xf32>
          %swap3A_463 = arith.index_cast %add3A_387 : i32 to index
          %swap3A_464 = arith.constant 112 : index
          %swap3A_465 = tpu.vector_load %arg12[%swap3A_463, %swap3A_464] {strides = array<i32>} : memref<128x128xf32, #tpu.memory_space<vmem>>, vector<1x16xf32>,
          %swap3A_466 = vector.shape_cast %swap3A_465 : vector<1x16xf32> to vector<16xf32>
          %swap3A_467 = vector.shape_cast %mul3A_462 : vector<16xf32> to vector<1x16xf32>
          tpu.vector_store %arg12[%swap3A_463, %swap3A_464], %swap3A_467 {strides = array<i32>} : memref<128x128xf32, #tpu.memory_space<vmem>>, vector<1x16xf32>,
          %broadcast_in_dim3A_468 = arith.constant 3 : i32
          %broadcast_in_dim3A_469 = vector.broadcast %broadcast_in_dim3A_468 : i32 to vector<16x1xi32>
          %gather3A_470 = vector.shape_cast %broadcast_in_dim3A_469 : vector<16x1xi32> to vector<16xi32>
          %gather3A_471 = tpu.dynamic_gather %get3A_205[%gather3A_470] in [0] : vector<16xf32>, vector<16xi32> -> vector<16xf32>
          %mul3A_472 = arith.constant 16 : i32
          %mul3A_473 = arith.muli %add3A_201, %mul3A_472 : i32
          %add3A_474 = arith.constant 3 : i32
          %add3A_475 = arith.addi %mul3A_473, %add3A_474 : i32
          %get3A_476 = arith.index_cast %add3A_475 : i32 to index
          %get3A_477 = arith.constant 0 : index
          %get3A_478 = tpu.vector_load %arg12[%get3A_476, %get3A_477] {strides = array<i32>} : memref<128x128xf32, #tpu.memory_space<vmem>>, vector<1x16xf32>,
          %get3A_479 = vector.shape_cast %get3A_478 : vector<1x16xf32> to vector<16xf32>
          %mul3A_480 = arith.mulf %get3A_479, %gather3A_471 : vector<16xf32>
          %swap3A_481 = arith.index_cast %add3A_475 : i32 to index
          %swap3A_482 = arith.constant 0 : index
          %swap3A_483 = tpu.vector_load %arg12[%swap3A_481, %swap3A_482] {strides = array<i32>} : memref<128x128xf32, #tpu.memory_space<vmem>>, vector<1x16xf32>,
          %swap3A_484 = vector.shape_cast %swap3A_483 : vector<1x16xf32> to vector<16xf32>
          %swap3A_485 = vector.shape_cast %mul3A_480 : vector<16xf32> to vector<1x16xf32>
          tpu.vector_store %arg12[%swap3A_481, %swap3A_482], %swap3A_485 {strides = array<i32>} : memref<128x128xf32, #tpu.memory_space<vmem>>, vector<1x16xf32>,
          %get3A_486 = arith.index_cast %add3A_475 : i32 to index
          %get3A_487 = arith.constant 16 : index
          %get3A_488 = tpu.vector_load %arg12[%get3A_486, %get3A_487] {strides = array<i32>} : memref<128x128xf32, #tpu.memory_space<vmem>>, vector<1x16xf32>,
          %get3A_489 = vector.shape_cast %get3A_488 : vector<1x16xf32> to vector<16xf32>
          %mul3A_490 = arith.mulf %get3A_489, %gather3A_471 : vector<16xf32>
          %swap3A_491 = arith.index_cast %add3A_475 : i32 to index
          %swap3A_492 = arith.constant 16 : index
          %swap3A_493 = tpu.vector_load %arg12[%swap3A_491, %swap3A_492] {strides = array<i32>} : memref<128x128xf32, #tpu.memory_space<vmem>>, vector<1x16xf32>,
          %swap3A_494 = vector.shape_cast %swap3A_493 : vector<1x16xf32> to vector<16xf32>
          %swap3A_495 = vector.shape_cast %mul3A_490 : vector<16xf32> to vector<1x16xf32>
          tpu.vector_store %arg12[%swap3A_491, %swap3A_492], %swap3A_495 {strides = array<i32>} : memref<128x128xf32, #tpu.memory_space<vmem>>, vector<1x16xf32>,
          %get3A_496 = arith.index_cast %add3A_475 : i32 to index
          %get3A_497 = arith.constant 32 : index
          %get3A_498 = tpu.vector_load %arg12[%get3A_496, %get3A_497] {strides = array<i32>} : memref<128x128xf32, #tpu.memory_space<vmem>>, vector<1x16xf32>,
          %get3A_499 = vector.shape_cast %get3A_498 : vector<1x16xf32> to vector<16xf32>
          %mul3A_500 = arith.mulf %get3A_499, %gather3A_471 : vector<16xf32>
          %swap3A_501 = arith.index_cast %add3A_475 : i32 to index
          %swap3A_502 = arith.constant 32 : index
          %swap3A_503 = tpu.vector_load %arg12[%swap3A_501, %swap3A_502] {strides = array<i32>} : memref<128x128xf32, #tpu.memory_space<vmem>>, vector<1x16xf32>,
          %swap3A_504 = vector.shape_cast %swap3A_503 : vector<1x16xf32> to vector<16xf32>
          %swap3A_505 = vector.shape_cast %mul3A_500 : vector<16xf32> to vector<1x16xf32>
          tpu.vector_store %arg12[%swap3A_501, %swap3A_502], %swap3A_505 {strides = array<i32>} : memref<128x128xf32, #tpu.memory_space<vmem>>, vector<1x16xf32>,
          %get3A_506 = arith.index_cast %add3A_475 : i32 to index
          %get3A_507 = arith.constant 48 : index
          %get3A_508 = tpu.vector_load %arg12[%get3A_506, %get3A_507] {strides = array<i32>} : memref<128x128xf32, #tpu.memory_space<vmem>>, vector<1x16xf32>,
          %get3A_509 = vector.shape_cast %get3A_508 : vector<1x16xf32> to vector<16xf32>
          %mul3A_510 = arith.mulf %get3A_509, %gather3A_471 : vector<16xf32>
          %swap3A_511 = arith.index_cast %add3A_475 : i32 to index
          %swap3A_512 = arith.constant 48 : index
          %swap3A_513 = tpu.vector_load %arg12[%swap3A_511, %swap3A_512] {strides = array<i32>} : memref<128x128xf32, #tpu.memory_space<vmem>>, vector<1x16xf32>,
          %swap3A_514 = vector.shape_cast %swap3A_513 : vector<1x16xf32> to vector<16xf32>
          %swap3A_515 = vector.shape_cast %mul3A_510 : vector<16xf32> to vector<1x16xf32>
          tpu.vector_store %arg12[%swap3A_511, %swap3A_512], %swap3A_515 {strides = array<i32>} : memref<128x128xf32, #tpu.memory_space<vmem>>, vector<1x16xf32>,
          %get3A_516 = arith.index_cast %add3A_475 : i32 to index
          %get3A_517 = arith.constant 64 : index
          %get3A_518 = tpu.vector_load %arg12[%get3A_516, %get3A_517] {strides = array<i32>} : memref<128x128xf32, #tpu.memory_space<vmem>>, vector<1x16xf32>,
          %get3A_519 = vector.shape_cast %get3A_518 : vector<1x16xf32> to vector<16xf32>
          %mul3A_520 = arith.mulf %get3A_519, %gather3A_471 : vector<16xf32>
          %swap3A_521 = arith.index_cast %add3A_475 : i32 to index
          %swap3A_522 = arith.constant 64 : index
          %swap3A_523 = tpu.vector_load %arg12[%swap3A_521, %swap3A_522] {strides = array<i32>} : memref<128x128xf32, #tpu.memory_space<vmem>>, vector<1x16xf32>,
          %swap3A_524 = vector.shape_cast %swap3A_523 : vector<1x16xf32> to vector<16xf32>
          %swap3A_525 = vector.shape_cast %mul3A_520 : vector<16xf32> to vector<1x16xf32>
          tpu.vector_store %arg12[%swap3A_521, %swap3A_522], %swap3A_525 {strides = array<i32>} : memref<128x128xf32, #tpu.memory_space<vmem>>, vector<1x16xf32>,
          %get3A_526 = arith.index_cast %add3A_475 : i32 to index
          %get3A_527 = arith.constant 80 : index
          %get3A_528 = tpu.vector_load %arg12[%get3A_526, %get3A_527] {strides = array<i32>} : memref<128x128xf32, #tpu.memory_space<vmem>>, vector<1x16xf32>,
          %get3A_529 = vector.shape_cast %get3A_528 : vector<1x16xf32> to vector<16xf32>
          %mul3A_530 = arith.mulf %get3A_529, %gather3A_471 : vector<16xf32>
          %swap3A_531 = arith.index_cast %add3A_475 : i32 to index
          %swap3A_532 = arith.constant 80 : index
          %swap3A_533 = tpu.vector_load %arg12[%swap3A_531, %swap3A_532] {strides = array<i32>} : memref<128x128xf32, #tpu.memory_space<vmem>>, vector<1x16xf32>,
          %swap3A_534 = vector.shape_cast %swap3A_533 : vector<1x16xf32> to vector<16xf32>
          %swap3A_535 = vector.shape_cast %mul3A_530 : vector<16xf32> to vector<1x16xf32>
          tpu.vector_store %arg12[%swap3A_531, %swap3A_532], %swap3A_535 {strides = array<i32>} : memref<128x128xf32, #tpu.memory_space<vmem>>, vector<1x16xf32>,
          %get3A_536 = arith.index_cast %add3A_475 : i32 to index
          %get3A_537 = arith.constant 96 : index
          %get3A_538 = tpu.vector_load %arg12[%get3A_536, %get3A_537] {strides = array<i32>} : memref<128x128xf32, #tpu.memory_space<vmem>>, vector<1x16xf32>,
          %get3A_539 = vector.shape_cast %get3A_538 : vector<1x16xf32> to vector<16xf32>
          %mul3A_540 = arith.mulf %get3A_539, %gather3A_471 : vector<16xf32>
          %swap3A_541 = arith.index_cast %add3A_475 : i32 to index
          %swap3A_542 = arith.constant 96 : index
          %swap3A_543 = tpu.vector_load %arg12[%swap3A_541, %swap3A_542] {strides = array<i32>} : memref<128x128xf32, #tpu.memory_space<vmem>>, vector<1x16xf32>,
          %swap3A_544 = vector.shape_cast %swap3A_543 : vector<1x16xf32> to vector<16xf32>
          %swap3A_545 = vector.shape_cast %mul3A_540 : vector<16xf32> to vector<1x16xf32>
          tpu.vector_store %arg12[%swap3A_541, %swap3A_542], %swap3A_545 {strides = array<i32>} : memref<128x128xf32, #tpu.memory_space<vmem>>, vector<1x16xf32>,
          %get3A_546 = arith.index_cast %add3A_475 : i32 to index
          %get3A_547 = arith.constant 112 : index
          %get3A_548 = tpu.vector_load %arg12[%get3A_546, %get3A_547] {strides = array<i32>} : memref<128x128xf32, #tpu.memory_space<vmem>>, vector<1x16xf32>,
          %get3A_549 = vector.shape_cast %get3A_548 : vector<1x16xf32> to vector<16xf32>
          %mul3A_550 = arith.mulf %get3A_549, %gather3A_471 : vector<16xf32>
          %swap3A_551 = arith.index_cast %add3A_475 : i32 to index
          %swap3A_552 = arith.constant 112 : index
          %swap3A_553 = tpu.vector_load %arg12[%swap3A_551, %swap3A_552] {strides = array<i32>} : memref<128x128xf32, #tpu.memory_space<vmem>>, vector<1x16xf32>,
          %swap3A_554 = vector.shape_cast %swap3A_553 : vector<1x16xf32> to vector<16xf32>
          %swap3A_555 = vector.shape_cast %mul3A_550 : vector<16xf32> to vector<1x16xf32>
          tpu.vector_store %arg12[%swap3A_551, %swap3A_552], %swap3A_555 {strides = array<i32>} : memref<128x128xf32, #tpu.memory_space<vmem>>, vector<1x16xf32>,
          %broadcast_in_dim3A_556 = arith.constant 4 : i32
          %broadcast_in_dim3A_557 = vector.broadcast %broadcast_in_dim3A_556 : i32 to vector<16x1xi32>
          %gather3A_558 = vector.shape_cast %broadcast_in_dim3A_557 : vector<16x1xi32> to vector<16xi32>
          %gather3A_559 = tpu.dynamic_gather %get3A_205[%gather3A_558] in [0] : vector<16xf32>, vector<16xi32> -> vector<16xf32>
          %mul3A_560 = arith.constant 16 : i32
          %mul3A_561 = arith.muli %add3A_201, %mul3A_560 : i32
          %add3A_562 = arith.constant 4 : i32
          %add3A_563 = arith.addi %mul3A_561, %add3A_562 : i32
          %get3A_564 = arith.index_cast %add3A_563 : i32 to index
          %get3A_565 = arith.constant 0 : index
          %get3A_566 = tpu.vector_load %arg12[%get3A_564, %get3A_565] {strides = array<i32>} : memref<128x128xf32, #tpu.memory_space<vmem>>, vector<1x16xf32>,
          %get3A_567 = vector.shape_cast %get3A_566 : vector<1x16xf32> to vector<16xf32>
          %mul3A_568 = arith.mulf %get3A_567, %gather3A_559 : vector<16xf32>
          %swap3A_569 = arith.index_cast %add3A_563 : i32 to index
          %swap3A_570 = arith.constant 0 : index
          %swap3A_571 = tpu.vector_load %arg12[%swap3A_569, %swap3A_570] {strides = array<i32>} : memref<128x128xf32, #tpu.memory_space<vmem>>, vector<1x16xf32>,
          %swap3A_572 = vector.shape_cast %swap3A_571 : vector<1x16xf32> to vector<16xf32>
          %swap3A_573 = vector.shape_cast %mul3A_568 : vector<16xf32> to vector<1x16xf32>
          tpu.vector_store %arg12[%swap3A_569, %swap3A_570], %swap3A_573 {strides = array<i32>} : memref<128x128xf32, #tpu.memory_space<vmem>>, vector<1x16xf32>,
          %get3A_574 = arith.index_cast %add3A_563 : i32 to index
          %get3A_575 = arith.constant 16 : index
          %get3A_576 = tpu.vector_load %arg12[%get3A_574, %get3A_575] {strides = array<i32>} : memref<128x128xf32, #tpu.memory_space<vmem>>, vector<1x16xf32>,
          %get3A_577 = vector.shape_cast %get3A_576 : vector<1x16xf32> to vector<16xf32>
          %mul3A_578 = arith.mulf %get3A_577, %gather3A_559 : vector<16xf32>
          %swap3A_579 = arith.index_cast %add3A_563 : i32 to index
          %swap3A_580 = arith.constant 16 : index
          %swap3A_581 = tpu.vector_load %arg12[%swap3A_579, %swap3A_580] {strides = array<i32>} : memref<128x128xf32, #tpu.memory_space<vmem>>, vector<1x16xf32>,
          %swap3A_582 = vector.shape_cast %swap3A_581 : vector<1x16xf32> to vector<16xf32>
          %swap3A_583 = vector.shape_cast %mul3A_578 : vector<16xf32> to vector<1x16xf32>
          tpu.vector_store %arg12[%swap3A_579, %swap3A_580], %swap3A_583 {strides = array<i32>} : memref<128x128xf32, #tpu.memory_space<vmem>>, vector<1x16xf32>,
          %get3A_584 = arith.index_cast %add3A_563 : i32 to index
          %get3A_585 = arith.constant 32 : index
          %get3A_586 = tpu.vector_load %arg12[%get3A_584, %get3A_585] {strides = array<i32>} : memref<128x128xf32, #tpu.memory_space<vmem>>, vector<1x16xf32>,
          %get3A_587 = vector.shape_cast %get3A_586 : vector<1x16xf32> to vector<16xf32>
          %mul3A_588 = arith.mulf %get3A_587, %gather3A_559 : vector<16xf32>
          %swap3A_589 = arith.index_cast %add3A_563 : i32 to index
          %swap3A_590 = arith.constant 32 : index
          %swap3A_591 = tpu.vector_load %arg12[%swap3A_589, %swap3A_590] {strides = array<i32>} : memref<128x128xf32, #tpu.memory_space<vmem>>, vector<1x16xf32>,
          %swap3A_592 = vector.shape_cast %swap3A_591 : vector<1x16xf32> to vector<16xf32>
          %swap3A_593 = vector.shape_cast %mul3A_588 : vector<16xf32> to vector<1x16xf32>
          tpu.vector_store %arg12[%swap3A_589, %swap3A_590], %swap3A_593 {strides = array<i32>} : memref<128x128xf32, #tpu.memory_space<vmem>>, vector<1x16xf32>,
          %get3A_594 = arith.index_cast %add3A_563 : i32 to index
          %get3A_595 = arith.constant 48 : index
          %get3A_596 = tpu.vector_load %arg12[%get3A_594, %get3A_595] {strides = array<i32>} : memref<128x128xf32, #tpu.memory_space<vmem>>, vector<1x16xf32>,
          %get3A_597 = vector.shape_cast %get3A_596 : vector<1x16xf32> to vector<16xf32>
          %mul3A_598 = arith.mulf %get3A_597, %gather3A_559 : vector<16xf32>
          %swap3A_599 = arith.index_cast %add3A_563 : i32 to index
          %swap3A_600 = arith.constant 48 : index
          %swap3A_601 = tpu.vector_load %arg12[%swap3A_599, %swap3A_600] {strides = array<i32>} : memref<128x128xf32, #tpu.memory_space<vmem>>, vector<1x16xf32>,
          %swap3A_602 = vector.shape_cast %swap3A_601 : vector<1x16xf32> to vector<16xf32>
          %swap3A_603 = vector.shape_cast %mul3A_598 : vector<16xf32> to vector<1x16xf32>
          tpu.vector_store %arg12[%swap3A_599, %swap3A_600], %swap3A_603 {strides = array<i32>} : memref<128x128xf32, #tpu.memory_space<vmem>>, vector<1x16xf32>,
          %get3A_604 = arith.index_cast %add3A_563 : i32 to index
          %get3A_605 = arith.constant 64 : index
          %get3A_606 = tpu.vector_load %arg12[%get3A_604, %get3A_605] {strides = array<i32>} : memref<128x128xf32, #tpu.memory_space<vmem>>, vector<1x16xf32>,
          %get3A_607 = vector.shape_cast %get3A_606 : vector<1x16xf32> to vector<16xf32>
          %mul3A_608 = arith.mulf %get3A_607, %gather3A_559 : vector<16xf32>
          %swap3A_609 = arith.index_cast %add3A_563 : i32 to index
          %swap3A_610 = arith.constant 64 : index
          %swap3A_611 = tpu.vector_load %arg12[%swap3A_609, %swap3A_610] {strides = array<i32>} : memref<128x128xf32, #tpu.memory_space<vmem>>, vector<1x16xf32>,
          %swap3A_612 = vector.shape_cast %swap3A_611 : vector<1x16xf32> to vector<16xf32>
          %swap3A_613 = vector.shape_cast %mul3A_608 : vector<16xf32> to vector<1x16xf32>
          tpu.vector_store %arg12[%swap3A_609, %swap3A_610], %swap3A_613 {strides = array<i32>} : memref<128x128xf32, #tpu.memory_space<vmem>>, vector<1x16xf32>,
          %get3A_614 = arith.index_cast %add3A_563 : i32 to index
          %get3A_615 = arith.constant 80 : index
          %get3A_616 = tpu.vector_load %arg12[%get3A_614, %get3A_615] {strides = array<i32>} : memref<128x128xf32, #tpu.memory_space<vmem>>, vector<1x16xf32>,
          %get3A_617 = vector.shape_cast %get3A_616 : vector<1x16xf32> to vector<16xf32>
          %mul3A_618 = arith.mulf %get3A_617, %gather3A_559 : vector<16xf32>
          %swap3A_619 = arith.index_cast %add3A_563 : i32 to index
          %swap3A_620 = arith.constant 80 : index
          %swap3A_621 = tpu.vector_load %arg12[%swap3A_619, %swap3A_620] {strides = array<i32>} : memref<128x128xf32, #tpu.memory_space<vmem>>, vector<1x16xf32>,
          %swap3A_622 = vector.shape_cast %swap3A_621 : vector<1x16xf32> to vector<16xf32>
          %swap3A_623 = vector.shape_cast %mul3A_618 : vector<16xf32> to vector<1x16xf32>
          tpu.vector_store %arg12[%swap3A_619, %swap3A_620], %swap3A_623 {strides = array<i32>} : memref<128x128xf32, #tpu.memory_space<vmem>>, vector<1x16xf32>,
          %get3A_624 = arith.index_cast %add3A_563 : i32 to index
          %get3A_625 = arith.constant 96 : index
          %get3A_626 = tpu.vector_load %arg12[%get3A_624, %get3A_625] {strides = array<i32>} : memref<128x128xf32, #tpu.memory_space<vmem>>, vector<1x16xf32>,
          %get3A_627 = vector.shape_cast %get3A_626 : vector<1x16xf32> to vector<16xf32>
          %mul3A_628 = arith.mulf %get3A_627, %gather3A_559 : vector<16xf32>
          %swap3A_629 = arith.index_cast %add3A_563 : i32 to index
          %swap3A_630 = arith.constant 96 : index
          %swap3A_631 = tpu.vector_load %arg12[%swap3A_629, %swap3A_630] {strides = array<i32>} : memref<128x128xf32, #tpu.memory_space<vmem>>, vector<1x16xf32>,
          %swap3A_632 = vector.shape_cast %swap3A_631 : vector<1x16xf32> to vector<16xf32>
          %swap3A_633 = vector.shape_cast %mul3A_628 : vector<16xf32> to vector<1x16xf32>
          tpu.vector_store %arg12[%swap3A_629, %swap3A_630], %swap3A_633 {strides = array<i32>} : memref<128x128xf32, #tpu.memory_space<vmem>>, vector<1x16xf32>,
          %get3A_634 = arith.index_cast %add3A_563 : i32 to index
          %get3A_635 = arith.constant 112 : index
          %get3A_636 = tpu.vector_load %arg12[%get3A_634, %get3A_635] {strides = array<i32>} : memref<128x128xf32, #tpu.memory_space<vmem>>, vector<1x16xf32>,
          %get3A_637 = vector.shape_cast %get3A_636 : vector<1x16xf32> to vector<16xf32>
          %mul3A_638 = arith.mulf %get3A_637, %gather3A_559 : vector<16xf32>
          %swap3A_639 = arith.index_cast %add3A_563 : i32 to index
          %swap3A_640 = arith.constant 112 : index
          %swap3A_641 = tpu.vector_load %arg12[%swap3A_639, %swap3A_640] {strides = array<i32>} : memref<128x128xf32, #tpu.memory_space<vmem>>, vector<1x16xf32>,
          %swap3A_642 = vector.shape_cast %swap3A_641 : vector<1x16xf32> to vector<16xf32>
          %swap3A_643 = vector.shape_cast %mul3A_638 : vector<16xf32> to vector<1x16xf32>
          tpu.vector_store %arg12[%swap3A_639, %swap3A_640], %swap3A_643 {strides = array<i32>} : memref<128x128xf32, #tpu.memory_space<vmem>>, vector<1x16xf32>,
          %broadcast_in_dim3A_644 = arith.constant 5 : i32
          %broadcast_in_dim3A_645 = vector.broadcast %broadcast_in_dim3A_644 : i32 to vector<16x1xi32>
          %gather3A_646 = vector.shape_cast %broadcast_in_dim3A_645 : vector<16x1xi32> to vector<16xi32>
          %gather3A_647 = tpu.dynamic_gather %get3A_205[%gather3A_646] in [0] : vector<16xf32>, vector<16xi32> -> vector<16xf32>
          %mul3A_648 = arith.constant 16 : i32
          %mul3A_649 = arith.muli %add3A_201, %mul3A_648 : i32
          %add3A_650 = arith.constant 5 : i32
          %add3A_651 = arith.addi %mul3A_649, %add3A_650 : i32
          %get3A_652 = arith.index_cast %add3A_651 : i32 to index
          %get3A_653 = arith.constant 0 : index
          %get3A_654 = tpu.vector_load %arg12[%get3A_652, %get3A_653] {strides = array<i32>} : memref<128x128xf32, #tpu.memory_space<vmem>>, vector<1x16xf32>,
          %get3A_655 = vector.shape_cast %get3A_654 : vector<1x16xf32> to vector<16xf32>
          %mul3A_656 = arith.mulf %get3A_655, %gather3A_647 : vector<16xf32>
          %swap3A_657 = arith.index_cast %add3A_651 : i32 to index
          %swap3A_658 = arith.constant 0 : index
          %swap3A_659 = tpu.vector_load %arg12[%swap3A_657, %swap3A_658] {strides = array<i32>} : memref<128x128xf32, #tpu.memory_space<vmem>>, vector<1x16xf32>,
          %swap3A_660 = vector.shape_cast %swap3A_659 : vector<1x16xf32> to vector<16xf32>
          %swap3A_661 = vector.shape_cast %mul3A_656 : vector<16xf32> to vector<1x16xf32>
          tpu.vector_store %arg12[%swap3A_657, %swap3A_658], %swap3A_661 {strides = array<i32>} : memref<128x128xf32, #tpu.memory_space<vmem>>, vector<1x16xf32>,
          %get3A_662 = arith.index_cast %add3A_651 : i32 to index
          %get3A_663 = arith.constant 16 : index
          %get3A_664 = tpu.vector_load %arg12[%get3A_662, %get3A_663] {strides = array<i32>} : memref<128x128xf32, #tpu.memory_space<vmem>>, vector<1x16xf32>,
          %get3A_665 = vector.shape_cast %get3A_664 : vector<1x16xf32> to vector<16xf32>
          %mul3A_666 = arith.mulf %get3A_665, %gather3A_647 : vector<16xf32>
          %swap3A_667 = arith.index_cast %add3A_651 : i32 to index
          %swap3A_668 = arith.constant 16 : index
          %swap3A_669 = tpu.vector_load %arg12[%swap3A_667, %swap3A_668] {strides = array<i32>} : memref<128x128xf32, #tpu.memory_space<vmem>>, vector<1x16xf32>,
          %swap3A_670 = vector.shape_cast %swap3A_669 : vector<1x16xf32> to vector<16xf32>
          %swap3A_671 = vector.shape_cast %mul3A_666 : vector<16xf32> to vector<1x16xf32>
          tpu.vector_store %arg12[%swap3A_667, %swap3A_668], %swap3A_671 {strides = array<i32>} : memref<128x128xf32, #tpu.memory_space<vmem>>, vector<1x16xf32>,
          %get3A_672 = arith.index_cast %add3A_651 : i32 to index
          %get3A_673 = arith.constant 32 : index
          %get3A_674 = tpu.vector_load %arg12[%get3A_672, %get3A_673] {strides = array<i32>} : memref<128x128xf32, #tpu.memory_space<vmem>>, vector<1x16xf32>,
          %get3A_675 = vector.shape_cast %get3A_674 : vector<1x16xf32> to vector<16xf32>
          %mul3A_676 = arith.mulf %get3A_675, %gather3A_647 : vector<16xf32>
          %swap3A_677 = arith.index_cast %add3A_651 : i32 to index
          %swap3A_678 = arith.constant 32 : index
          %swap3A_679 = tpu.vector_load %arg12[%swap3A_677, %swap3A_678] {strides = array<i32>} : memref<128x128xf32, #tpu.memory_space<vmem>>, vector<1x16xf32>,
          %swap3A_680 = vector.shape_cast %swap3A_679 : vector<1x16xf32> to vector<16xf32>
          %swap3A_681 = vector.shape_cast %mul3A_676 : vector<16xf32> to vector<1x16xf32>
          tpu.vector_store %arg12[%swap3A_677, %swap3A_678], %swap3A_681 {strides = array<i32>} : memref<128x128xf32, #tpu.memory_space<vmem>>, vector<1x16xf32>,
          %get3A_682 = arith.index_cast %add3A_651 : i32 to index
          %get3A_683 = arith.constant 48 : index
          %get3A_684 = tpu.vector_load %arg12[%get3A_682, %get3A_683] {strides = array<i32>} : memref<128x128xf32, #tpu.memory_space<vmem>>, vector<1x16xf32>,
          %get3A_685 = vector.shape_cast %get3A_684 : vector<1x16xf32> to vector<16xf32>
          %mul3A_686 = arith.mulf %get3A_685, %gather3A_647 : vector<16xf32>
          %swap3A_687 = arith.index_cast %add3A_651 : i32 to index
          %swap3A_688 = arith.constant 48 : index
          %swap3A_689 = tpu.vector_load %arg12[%swap3A_687, %swap3A_688] {strides = array<i32>} : memref<128x128xf32, #tpu.memory_space<vmem>>, vector<1x16xf32>,
          %swap3A_690 = vector.shape_cast %swap3A_689 : vector<1x16xf32> to vector<16xf32>
          %swap3A_691 = vector.shape_cast %mul3A_686 : vector<16xf32> to vector<1x16xf32>
          tpu.vector_store %arg12[%swap3A_687, %swap3A_688], %swap3A_691 {strides = array<i32>} : memref<128x128xf32, #tpu.memory_space<vmem>>, vector<1x16xf32>,
          %get3A_692 = arith.index_cast %add3A_651 : i32 to index
          %get3A_693 = arith.constant 64 : index
          %get3A_694 = tpu.vector_load %arg12[%get3A_692, %get3A_693] {strides = array<i32>} : memref<128x128xf32, #tpu.memory_space<vmem>>, vector<1x16xf32>,
          %get3A_695 = vector.shape_cast %get3A_694 : vector<1x16xf32> to vector<16xf32>
          %mul3A_696 = arith.mulf %get3A_695, %gather3A_647 : vector<16xf32>
          %swap3A_697 = arith.index_cast %add3A_651 : i32 to index
          %swap3A_698 = arith.constant 64 : index
          %swap3A_699 = tpu.vector_load %arg12[%swap3A_697, %swap3A_698] {strides = array<i32>} : memref<128x128xf32, #tpu.memory_space<vmem>>, vector<1x16xf32>,
          %swap3A_700 = vector.shape_cast %swap3A_699 : vector<1x16xf32> to vector<16xf32>
          %swap3A_701 = vector.shape_cast %mul3A_696 : vector<16xf32> to vector<1x16xf32>
          tpu.vector_store %arg12[%swap3A_697, %swap3A_698], %swap3A_701 {strides = array<i32>} : memref<128x128xf32, #tpu.memory_space<vmem>>, vector<1x16xf32>,
          %get3A_702 = arith.index_cast %add3A_651 : i32 to index
          %get3A_703 = arith.constant 80 : index
          %get3A_704 = tpu.vector_load %arg12[%get3A_702, %get3A_703] {strides = array<i32>} : memref<128x128xf32, #tpu.memory_space<vmem>>, vector<1x16xf32>,
          %get3A_705 = vector.shape_cast %get3A_704 : vector<1x16xf32> to vector<16xf32>
          %mul3A_706 = arith.mulf %get3A_705, %gather3A_647 : vector<16xf32>
          %swap3A_707 = arith.index_cast %add3A_651 : i32 to index
          %swap3A_708 = arith.constant 80 : index
          %swap3A_709 = tpu.vector_load %arg12[%swap3A_707, %swap3A_708] {strides = array<i32>} : memref<128x128xf32, #tpu.memory_space<vmem>>, vector<1x16xf32>,
          %swap3A_710 = vector.shape_cast %swap3A_709 : vector<1x16xf32> to vector<16xf32>
          %swap3A_711 = vector.shape_cast %mul3A_706 : vector<16xf32> to vector<1x16xf32>
          tpu.vector_store %arg12[%swap3A_707, %swap3A_708], %swap3A_711 {strides = array<i32>} : memref<128x128xf32, #tpu.memory_space<vmem>>, vector<1x16xf32>,
          %get3A_712 = arith.index_cast %add3A_651 : i32 to index
          %get3A_713 = arith.constant 96 : index
          %get3A_714 = tpu.vector_load %arg12[%get3A_712, %get3A_713] {strides = array<i32>} : memref<128x128xf32, #tpu.memory_space<vmem>>, vector<1x16xf32>,
          %get3A_715 = vector.shape_cast %get3A_714 : vector<1x16xf32> to vector<16xf32>
          %mul3A_716 = arith.mulf %get3A_715, %gather3A_647 : vector<16xf32>
          %swap3A_717 = arith.index_cast %add3A_651 : i32 to index
          %swap3A_718 = arith.constant 96 : index
          %swap3A_719 = tpu.vector_load %arg12[%swap3A_717, %swap3A_718] {strides = array<i32>} : memref<128x128xf32, #tpu.memory_space<vmem>>, vector<1x16xf32>,
          %swap3A_720 = vector.shape_cast %swap3A_719 : vector<1x16xf32> to vector<16xf32>
          %swap3A_721 = vector.shape_cast %mul3A_716 : vector<16xf32> to vector<1x16xf32>
          tpu.vector_store %arg12[%swap3A_717, %swap3A_718], %swap3A_721 {strides = array<i32>} : memref<128x128xf32, #tpu.memory_space<vmem>>, vector<1x16xf32>,
          %get3A_722 = arith.index_cast %add3A_651 : i32 to index
          %get3A_723 = arith.constant 112 : index
          %get3A_724 = tpu.vector_load %arg12[%get3A_722, %get3A_723] {strides = array<i32>} : memref<128x128xf32, #tpu.memory_space<vmem>>, vector<1x16xf32>,
          %get3A_725 = vector.shape_cast %get3A_724 : vector<1x16xf32> to vector<16xf32>
          %mul3A_726 = arith.mulf %get3A_725, %gather3A_647 : vector<16xf32>
          %swap3A_727 = arith.index_cast %add3A_651 : i32 to index
          %swap3A_728 = arith.constant 112 : index
          %swap3A_729 = tpu.vector_load %arg12[%swap3A_727, %swap3A_728] {strides = array<i32>} : memref<128x128xf32, #tpu.memory_space<vmem>>, vector<1x16xf32>,
          %swap3A_730 = vector.shape_cast %swap3A_729 : vector<1x16xf32> to vector<16xf32>
          %swap3A_731 = vector.shape_cast %mul3A_726 : vector<16xf32> to vector<1x16xf32>
          tpu.vector_store %arg12[%swap3A_727, %swap3A_728], %swap3A_731 {strides = array<i32>} : memref<128x128xf32, #tpu.memory_space<vmem>>, vector<1x16xf32>,
          %broadcast_in_dim3A_732 = arith.constant 6 : i32
          %broadcast_in_dim3A_733 = vector.broadcast %broadcast_in_dim3A_732 : i32 to vector<16x1xi32>
          %gather3A_734 = vector.shape_cast %broadcast_in_dim3A_733 : vector<16x1xi32> to vector<16xi32>
          %gather3A_735 = tpu.dynamic_gather %get3A_205[%gather3A_734] in [0] : vector<16xf32>, vector<16xi32> -> vector<16xf32>
          %mul3A_736 = arith.constant 16 : i32
          %mul3A_737 = arith.muli %add3A_201, %mul3A_736 : i32
          %add3A_738 = arith.constant 6 : i32
          %add3A_739 = arith.addi %mul3A_737, %add3A_738 : i32
          %get3A_740 = arith.index_cast %add3A_739 : i32 to index
          %get3A_741 = arith.constant 0 : index
          %get3A_742 = tpu.vector_load %arg12[%get3A_740, %get3A_741] {strides = array<i32>} : memref<128x128xf32, #tpu.memory_space<vmem>>, vector<1x16xf32>,
          %get3A_743 = vector.shape_cast %get3A_742 : vector<1x16xf32> to vector<16xf32>
          %mul3A_744 = arith.mulf %get3A_743, %gather3A_735 : vector<16xf32>
          %swap3A_745 = arith.index_cast %add3A_739 : i32 to index
          %swap3A_746 = arith.constant 0 : index
          %swap3A_747 = tpu.vector_load %arg12[%swap3A_745, %swap3A_746] {strides = array<i32>} : memref<128x128xf32, #tpu.memory_space<vmem>>, vector<1x16xf32>,
          %swap3A_748 = vector.shape_cast %swap3A_747 : vector<1x16xf32> to vector<16xf32>
          %swap3A_749 = vector.shape_cast %mul3A_744 : vector<16xf32> to vector<1x16xf32>
          tpu.vector_store %arg12[%swap3A_745, %swap3A_746], %swap3A_749 {strides = array<i32>} : memref<128x128xf32, #tpu.memory_space<vmem>>, vector<1x16xf32>,
          %get3A_750 = arith.index_cast %add3A_739 : i32 to index
          %get3A_751 = arith.constant 16 : index
          %get3A_752 = tpu.vector_load %arg12[%get3A_750, %get3A_751] {strides = array<i32>} : memref<128x128xf32, #tpu.memory_space<vmem>>, vector<1x16xf32>,
          %get3A_753 = vector.shape_cast %get3A_752 : vector<1x16xf32> to vector<16xf32>
          %mul3A_754 = arith.mulf %get3A_753, %gather3A_735 : vector<16xf32>
          %swap3A_755 = arith.index_cast %add3A_739 : i32 to index
          %swap3A_756 = arith.constant 16 : index
          %swap3A_757 = tpu.vector_load %arg12[%swap3A_755, %swap3A_756] {strides = array<i32>} : memref<128x128xf32, #tpu.memory_space<vmem>>, vector<1x16xf32>,
          %swap3A_758 = vector.shape_cast %swap3A_757 : vector<1x16xf32> to vector<16xf32>
          %swap3A_759 = vector.shape_cast %mul3A_754 : vector<16xf32> to vector<1x16xf32>
          tpu.vector_store %arg12[%swap3A_755, %swap3A_756], %swap3A_759 {strides = array<i32>} : memref<128x128xf32, #tpu.memory_space<vmem>>, vector<1x16xf32>,
          %get3A_760 = arith.index_cast %add3A_739 : i32 to index
          %get3A_761 = arith.constant 32 : index
          %get3A_762 = tpu.vector_load %arg12[%get3A_760, %get3A_761] {strides = array<i32>} : memref<128x128xf32, #tpu.memory_space<vmem>>, vector<1x16xf32>,
          %get3A_763 = vector.shape_cast %get3A_762 : vector<1x16xf32> to vector<16xf32>
          %mul3A_764 = arith.mulf %get3A_763, %gather3A_735 : vector<16xf32>
          %swap3A_765 = arith.index_cast %add3A_739 : i32 to index
          %swap3A_766 = arith.constant 32 : index
          %swap3A_767 = tpu.vector_load %arg12[%swap3A_765, %swap3A_766] {strides = array<i32>} : memref<128x128xf32, #tpu.memory_space<vmem>>, vector<1x16xf32>,
          %swap3A_768 = vector.shape_cast %swap3A_767 : vector<1x16xf32> to vector<16xf32>
          %swap3A_769 = vector.shape_cast %mul3A_764 : vector<16xf32> to vector<1x16xf32>
          tpu.vector_store %arg12[%swap3A_765, %swap3A_766], %swap3A_769 {strides = array<i32>} : memref<128x128xf32, #tpu.memory_space<vmem>>, vector<1x16xf32>,
          %get3A_770 = arith.index_cast %add3A_739 : i32 to index
          %get3A_771 = arith.constant 48 : index
          %get3A_772 = tpu.vector_load %arg12[%get3A_770, %get3A_771] {strides = array<i32>} : memref<128x128xf32, #tpu.memory_space<vmem>>, vector<1x16xf32>,
          %get3A_773 = vector.shape_cast %get3A_772 : vector<1x16xf32> to vector<16xf32>
          %mul3A_774 = arith.mulf %get3A_773, %gather3A_735 : vector<16xf32>
          %swap3A_775 = arith.index_cast %add3A_739 : i32 to index
          %swap3A_776 = arith.constant 48 : index
          %swap3A_777 = tpu.vector_load %arg12[%swap3A_775, %swap3A_776] {strides = array<i32>} : memref<128x128xf32, #tpu.memory_space<vmem>>, vector<1x16xf32>,
          %swap3A_778 = vector.shape_cast %swap3A_777 : vector<1x16xf32> to vector<16xf32>
          %swap3A_779 = vector.shape_cast %mul3A_774 : vector<16xf32> to vector<1x16xf32>
          tpu.vector_store %arg12[%swap3A_775, %swap3A_776], %swap3A_779 {strides = array<i32>} : memref<128x128xf32, #tpu.memory_space<vmem>>, vector<1x16xf32>,
          %get3A_780 = arith.index_cast %add3A_739 : i32 to index
          %get3A_781 = arith.constant 64 : index
          %get3A_782 = tpu.vector_load %arg12[%get3A_780, %get3A_781] {strides = array<i32>} : memref<128x128xf32, #tpu.memory_space<vmem>>, vector<1x16xf32>,
          %get3A_783 = vector.shape_cast %get3A_782 : vector<1x16xf32> to vector<16xf32>
          %mul3A_784 = arith.mulf %get3A_783, %gather3A_735 : vector<16xf32>
          %swap3A_785 = arith.index_cast %add3A_739 : i32 to index
          %swap3A_786 = arith.constant 64 : index
          %swap3A_787 = tpu.vector_load %arg12[%swap3A_785, %swap3A_786] {strides = array<i32>} : memref<128x128xf32, #tpu.memory_space<vmem>>, vector<1x16xf32>,
          %swap3A_788 = vector.shape_cast %swap3A_787 : vector<1x16xf32> to vector<16xf32>
          %swap3A_789 = vector.shape_cast %mul3A_784 : vector<16xf32> to vector<1x16xf32>
          tpu.vector_store %arg12[%swap3A_785, %swap3A_786], %swap3A_789 {strides = array<i32>} : memref<128x128xf32, #tpu.memory_space<vmem>>, vector<1x16xf32>,
          %get3A_790 = arith.index_cast %add3A_739 : i32 to index
          %get3A_791 = arith.constant 80 : index
          %get3A_792 = tpu.vector_load %arg12[%get3A_790, %get3A_791] {strides = array<i32>} : memref<128x128xf32, #tpu.memory_space<vmem>>, vector<1x16xf32>,
          %get3A_793 = vector.shape_cast %get3A_792 : vector<1x16xf32> to vector<16xf32>
          %mul3A_794 = arith.mulf %get3A_793, %gather3A_735 : vector<16xf32>
          %swap3A_795 = arith.index_cast %add3A_739 : i32 to index
          %swap3A_796 = arith.constant 80 : index
          %swap3A_797 = tpu.vector_load %arg12[%swap3A_795, %swap3A_796] {strides = array<i32>} : memref<128x128xf32, #tpu.memory_space<vmem>>, vector<1x16xf32>,
          %swap3A_798 = vector.shape_cast %swap3A_797 : vector<1x16xf32> to vector<16xf32>
          %swap3A_799 = vector.shape_cast %mul3A_794 : vector<16xf32> to vector<1x16xf32>
          tpu.vector_store %arg12[%swap3A_795, %swap3A_796], %swap3A_799 {strides = array<i32>} : memref<128x128xf32, #tpu.memory_space<vmem>>, vector<1x16xf32>,
          %get3A_800 = arith.index_cast %add3A_739 : i32 to index
          %get3A_801 = arith.constant 96 : index
          %get3A_802 = tpu.vector_load %arg12[%get3A_800, %get3A_801] {strides = array<i32>} : memref<128x128xf32, #tpu.memory_space<vmem>>, vector<1x16xf32>,
          %get3A_803 = vector.shape_cast %get3A_802 : vector<1x16xf32> to vector<16xf32>
          %mul3A_804 = arith.mulf %get3A_803, %gather3A_735 : vector<16xf32>
          %swap3A_805 = arith.index_cast %add3A_739 : i32 to index
          %swap3A_806 = arith.constant 96 : index
          %swap3A_807 = tpu.vector_load %arg12[%swap3A_805, %swap3A_806] {strides = array<i32>} : memref<128x128xf32, #tpu.memory_space<vmem>>, vector<1x16xf32>,
          %swap3A_808 = vector.shape_cast %swap3A_807 : vector<1x16xf32> to vector<16xf32>
          %swap3A_809 = vector.shape_cast %mul3A_804 : vector<16xf32> to vector<1x16xf32>
          tpu.vector_store %arg12[%swap3A_805, %swap3A_806], %swap3A_809 {strides = array<i32>} : memref<128x128xf32, #tpu.memory_space<vmem>>, vector<1x16xf32>,
          %get3A_810 = arith.index_cast %add3A_739 : i32 to index
          %get3A_811 = arith.constant 112 : index
          %get3A_812 = tpu.vector_load %arg12[%get3A_810, %get3A_811] {strides = array<i32>} : memref<128x128xf32, #tpu.memory_space<vmem>>, vector<1x16xf32>,
          %get3A_813 = vector.shape_cast %get3A_812 : vector<1x16xf32> to vector<16xf32>
          %mul3A_814 = arith.mulf %get3A_813, %gather3A_735 : vector<16xf32>
          %swap3A_815 = arith.index_cast %add3A_739 : i32 to index
          %swap3A_816 = arith.constant 112 : index
          %swap3A_817 = tpu.vector_load %arg12[%swap3A_815, %swap3A_816] {strides = array<i32>} : memref<128x128xf32, #tpu.memory_space<vmem>>, vector<1x16xf32>,
          %swap3A_818 = vector.shape_cast %swap3A_817 : vector<1x16xf32> to vector<16xf32>
          %swap3A_819 = vector.shape_cast %mul3A_814 : vector<16xf32> to vector<1x16xf32>
          tpu.vector_store %arg12[%swap3A_815, %swap3A_816], %swap3A_819 {strides = array<i32>} : memref<128x128xf32, #tpu.memory_space<vmem>>, vector<1x16xf32>,
          %broadcast_in_dim3A_820 = arith.constant 7 : i32
          %broadcast_in_dim3A_821 = vector.broadcast %broadcast_in_dim3A_820 : i32 to vector<16x1xi32>
          %gather3A_822 = vector.shape_cast %broadcast_in_dim3A_821 : vector<16x1xi32> to vector<16xi32>
          %gather3A_823 = tpu.dynamic_gather %get3A_205[%gather3A_822] in [0] : vector<16xf32>, vector<16xi32> -> vector<16xf32>
          %mul3A_824 = arith.constant 16 : i32
          %mul3A_825 = arith.muli %add3A_201, %mul3A_824 : i32
          %add3A_826 = arith.constant 7 : i32
          %add3A_827 = arith.addi %mul3A_825, %add3A_826 : i32
          %get3A_828 = arith.index_cast %add3A_827 : i32 to index
          %get3A_829 = arith.constant 0 : index
          %get3A_830 = tpu.vector_load %arg12[%get3A_828, %get3A_829] {strides = array<i32>} : memref<128x128xf32, #tpu.memory_space<vmem>>, vector<1x16xf32>,
          %get3A_831 = vector.shape_cast %get3A_830 : vector<1x16xf32> to vector<16xf32>
          %mul3A_832 = arith.mulf %get3A_831, %gather3A_823 : vector<16xf32>
          %swap3A_833 = arith.index_cast %add3A_827 : i32 to index
          %swap3A_834 = arith.constant 0 : index
          %swap3A_835 = tpu.vector_load %arg12[%swap3A_833, %swap3A_834] {strides = array<i32>} : memref<128x128xf32, #tpu.memory_space<vmem>>, vector<1x16xf32>,
          %swap3A_836 = vector.shape_cast %swap3A_835 : vector<1x16xf32> to vector<16xf32>
          %swap3A_837 = vector.shape_cast %mul3A_832 : vector<16xf32> to vector<1x16xf32>
          tpu.vector_store %arg12[%swap3A_833, %swap3A_834], %swap3A_837 {strides = array<i32>} : memref<128x128xf32, #tpu.memory_space<vmem>>, vector<1x16xf32>,
          %get3A_838 = arith.index_cast %add3A_827 : i32 to index
          %get3A_839 = arith.constant 16 : index
          %get3A_840 = tpu.vector_load %arg12[%get3A_838, %get3A_839] {strides = array<i32>} : memref<128x128xf32, #tpu.memory_space<vmem>>, vector<1x16xf32>,
          %get3A_841 = vector.shape_cast %get3A_840 : vector<1x16xf32> to vector<16xf32>
          %mul3A_842 = arith.mulf %get3A_841, %gather3A_823 : vector<16xf32>
          %swap3A_843 = arith.index_cast %add3A_827 : i32 to index
          %swap3A_844 = arith.constant 16 : index
          %swap3A_845 = tpu.vector_load %arg12[%swap3A_843, %swap3A_844] {strides = array<i32>} : memref<128x128xf32, #tpu.memory_space<vmem>>, vector<1x16xf32>,
          %swap3A_846 = vector.shape_cast %swap3A_845 : vector<1x16xf32> to vector<16xf32>
          %swap3A_847 = vector.shape_cast %mul3A_842 : vector<16xf32> to vector<1x16xf32>
          tpu.vector_store %arg12[%swap3A_843, %swap3A_844], %swap3A_847 {strides = array<i32>} : memref<128x128xf32, #tpu.memory_space<vmem>>, vector<1x16xf32>,
          %get3A_848 = arith.index_cast %add3A_827 : i32 to index
          %get3A_849 = arith.constant 32 : index
          %get3A_850 = tpu.vector_load %arg12[%get3A_848, %get3A_849] {strides = array<i32>} : memref<128x128xf32, #tpu.memory_space<vmem>>, vector<1x16xf32>,
          %get3A_851 = vector.shape_cast %get3A_850 : vector<1x16xf32> to vector<16xf32>
          %mul3A_852 = arith.mulf %get3A_851, %gather3A_823 : vector<16xf32>
          %swap3A_853 = arith.index_cast %add3A_827 : i32 to index
          %swap3A_854 = arith.constant 32 : index
          %swap3A_855 = tpu.vector_load %arg12[%swap3A_853, %swap3A_854] {strides = array<i32>} : memref<128x128xf32, #tpu.memory_space<vmem>>, vector<1x16xf32>,
          %swap3A_856 = vector.shape_cast %swap3A_855 : vector<1x16xf32> to vector<16xf32>
          %swap3A_857 = vector.shape_cast %mul3A_852 : vector<16xf32> to vector<1x16xf32>
          tpu.vector_store %arg12[%swap3A_853, %swap3A_854], %swap3A_857 {strides = array<i32>} : memref<128x128xf32, #tpu.memory_space<vmem>>, vector<1x16xf32>,
          %get3A_858 = arith.index_cast %add3A_827 : i32 to index
          %get3A_859 = arith.constant 48 : index
          %get3A_860 = tpu.vector_load %arg12[%get3A_858, %get3A_859] {strides = array<i32>} : memref<128x128xf32, #tpu.memory_space<vmem>>, vector<1x16xf32>,
          %get3A_861 = vector.shape_cast %get3A_860 : vector<1x16xf32> to vector<16xf32>
          %mul3A_862 = arith.mulf %get3A_861, %gather3A_823 : vector<16xf32>
          %swap3A_863 = arith.index_cast %add3A_827 : i32 to index
          %swap3A_864 = arith.constant 48 : index
          %swap3A_865 = tpu.vector_load %arg12[%swap3A_863, %swap3A_864] {strides = array<i32>} : memref<128x128xf32, #tpu.memory_space<vmem>>, vector<1x16xf32>,
          %swap3A_866 = vector.shape_cast %swap3A_865 : vector<1x16xf32> to vector<16xf32>
          %swap3A_867 = vector.shape_cast %mul3A_862 : vector<16xf32> to vector<1x16xf32>
          tpu.vector_store %arg12[%swap3A_863, %swap3A_864], %swap3A_867 {strides = array<i32>} : memref<128x128xf32, #tpu.memory_space<vmem>>, vector<1x16xf32>,
          %get3A_868 = arith.index_cast %add3A_827 : i32 to index
          %get3A_869 = arith.constant 64 : index
          %get3A_870 = tpu.vector_load %arg12[%get3A_868, %get3A_869] {strides = array<i32>} : memref<128x128xf32, #tpu.memory_space<vmem>>, vector<1x16xf32>,
          %get3A_871 = vector.shape_cast %get3A_870 : vector<1x16xf32> to vector<16xf32>
          %mul3A_872 = arith.mulf %get3A_871, %gather3A_823 : vector<16xf32>
          %swap3A_873 = arith.index_cast %add3A_827 : i32 to index
          %swap3A_874 = arith.constant 64 : index
          %swap3A_875 = tpu.vector_load %arg12[%swap3A_873, %swap3A_874] {strides = array<i32>} : memref<128x128xf32, #tpu.memory_space<vmem>>, vector<1x16xf32>,
          %swap3A_876 = vector.shape_cast %swap3A_875 : vector<1x16xf32> to vector<16xf32>
          %swap3A_877 = vector.shape_cast %mul3A_872 : vector<16xf32> to vector<1x16xf32>
          tpu.vector_store %arg12[%swap3A_873, %swap3A_874], %swap3A_877 {strides = array<i32>} : memref<128x128xf32, #tpu.memory_space<vmem>>, vector<1x16xf32>,
          %get3A_878 = arith.index_cast %add3A_827 : i32 to index
          %get3A_879 = arith.constant 80 : index
          %get3A_880 = tpu.vector_load %arg12[%get3A_878, %get3A_879] {strides = array<i32>} : memref<128x128xf32, #tpu.memory_space<vmem>>, vector<1x16xf32>,
          %get3A_881 = vector.shape_cast %get3A_880 : vector<1x16xf32> to vector<16xf32>
          %mul3A_882 = arith.mulf %get3A_881, %gather3A_823 : vector<16xf32>
          %swap3A_883 = arith.index_cast %add3A_827 : i32 to index
          %swap3A_884 = arith.constant 80 : index
          %swap3A_885 = tpu.vector_load %arg12[%swap3A_883, %swap3A_884] {strides = array<i32>} : memref<128x128xf32, #tpu.memory_space<vmem>>, vector<1x16xf32>,
          %swap3A_886 = vector.shape_cast %swap3A_885 : vector<1x16xf32> to vector<16xf32>
          %swap3A_887 = vector.shape_cast %mul3A_882 : vector<16xf32> to vector<1x16xf32>
          tpu.vector_store %arg12[%swap3A_883, %swap3A_884], %swap3A_887 {strides = array<i32>} : memref<128x128xf32, #tpu.memory_space<vmem>>, vector<1x16xf32>,
          %get3A_888 = arith.index_cast %add3A_827 : i32 to index
          %get3A_889 = arith.constant 96 : index
          %get3A_890 = tpu.vector_load %arg12[%get3A_888, %get3A_889] {strides = array<i32>} : memref<128x128xf32, #tpu.memory_space<vmem>>, vector<1x16xf32>,
          %get3A_891 = vector.shape_cast %get3A_890 : vector<1x16xf32> to vector<16xf32>
          %mul3A_892 = arith.mulf %get3A_891, %gather3A_823 : vector<16xf32>
          %swap3A_893 = arith.index_cast %add3A_827 : i32 to index
          %swap3A_894 = arith.constant 96 : index
          %swap3A_895 = tpu.vector_load %arg12[%swap3A_893, %swap3A_894] {strides = array<i32>} : memref<128x128xf32, #tpu.memory_space<vmem>>, vector<1x16xf32>,
          %swap3A_896 = vector.shape_cast %swap3A_895 : vector<1x16xf32> to vector<16xf32>
          %swap3A_897 = vector.shape_cast %mul3A_892 : vector<16xf32> to vector<1x16xf32>
          tpu.vector_store %arg12[%swap3A_893, %swap3A_894], %swap3A_897 {strides = array<i32>} : memref<128x128xf32, #tpu.memory_space<vmem>>, vector<1x16xf32>,
          %get3A_898 = arith.index_cast %add3A_827 : i32 to index
          %get3A_899 = arith.constant 112 : index
          %get3A_900 = tpu.vector_load %arg12[%get3A_898, %get3A_899] {strides = array<i32>} : memref<128x128xf32, #tpu.memory_space<vmem>>, vector<1x16xf32>,
          %get3A_901 = vector.shape_cast %get3A_900 : vector<1x16xf32> to vector<16xf32>
          %mul3A_902 = arith.mulf %get3A_901, %gather3A_823 : vector<16xf32>
          %swap3A_903 = arith.index_cast %add3A_827 : i32 to index
          %swap3A_904 = arith.constant 112 : index
          %swap3A_905 = tpu.vector_load %arg12[%swap3A_903, %swap3A_904] {strides = array<i32>} : memref<128x128xf32, #tpu.memory_space<vmem>>, vector<1x16xf32>,
          %swap3A_906 = vector.shape_cast %swap3A_905 : vector<1x16xf32> to vector<16xf32>
          %swap3A_907 = vector.shape_cast %mul3A_902 : vector<16xf32> to vector<1x16xf32>
          tpu.vector_store %arg12[%swap3A_903, %swap3A_904], %swap3A_907 {strides = array<i32>} : memref<128x128xf32, #tpu.memory_space<vmem>>, vector<1x16xf32>,
          %broadcast_in_dim3A_908 = arith.constant 8 : i32
          %broadcast_in_dim3A_909 = vector.broadcast %broadcast_in_dim3A_908 : i32 to vector<16x1xi32>
          %gather3A_910 = vector.shape_cast %broadcast_in_dim3A_909 : vector<16x1xi32> to vector<16xi32>
          %gather3A_911 = tpu.dynamic_gather %get3A_205[%gather3A_910] in [0] : vector<16xf32>, vector<16xi32> -> vector<16xf32>
          %mul3A_912 = arith.constant 16 : i32
          %mul3A_913 = arith.muli %add3A_201, %mul3A_912 : i32
          %add3A_914 = arith.constant 8 : i32
          %add3A_915 = arith.addi %mul3A_913, %add3A_914 : i32
          %get3A_916 = arith.index_cast %add3A_915 : i32 to index
          %get3A_917 = arith.constant 0 : index
          %get3A_918 = tpu.vector_load %arg12[%get3A_916, %get3A_917] {strides = array<i32>} : memref<128x128xf32, #tpu.memory_space<vmem>>, vector<1x16xf32>,
          %get3A_919 = vector.shape_cast %get3A_918 : vector<1x16xf32> to vector<16xf32>
          %mul3A_920 = arith.mulf %get3A_919, %gather3A_911 : vector<16xf32>
          %swap3A_921 = arith.index_cast %add3A_915 : i32 to index
          %swap3A_922 = arith.constant 0 : index
          %swap3A_923 = tpu.vector_load %arg12[%swap3A_921, %swap3A_922] {strides = array<i32>} : memref<128x128xf32, #tpu.memory_space<vmem>>, vector<1x16xf32>,
          %swap3A_924 = vector.shape_cast %swap3A_923 : vector<1x16xf32> to vector<16xf32>
          %swap3A_925 = vector.shape_cast %mul3A_920 : vector<16xf32> to vector<1x16xf32>
          tpu.vector_store %arg12[%swap3A_921, %swap3A_922], %swap3A_925 {strides = array<i32>} : memref<128x128xf32, #tpu.memory_space<vmem>>, vector<1x16xf32>,
          %get3A_926 = arith.index_cast %add3A_915 : i32 to index
          %get3A_927 = arith.constant 16 : index
          %get3A_928 = tpu.vector_load %arg12[%get3A_926, %get3A_927] {strides = array<i32>} : memref<128x128xf32, #tpu.memory_space<vmem>>, vector<1x16xf32>,
          %get3A_929 = vector.shape_cast %get3A_928 : vector<1x16xf32> to vector<16xf32>
          %mul3A_930 = arith.mulf %get3A_929, %gather3A_911 : vector<16xf32>
          %swap3A_931 = arith.index_cast %add3A_915 : i32 to index
          %swap3A_932 = arith.constant 16 : index
          %swap3A_933 = tpu.vector_load %arg12[%swap3A_931, %swap3A_932] {strides = array<i32>} : memref<128x128xf32, #tpu.memory_space<vmem>>, vector<1x16xf32>,
          %swap3A_934 = vector.shape_cast %swap3A_933 : vector<1x16xf32> to vector<16xf32>
          %swap3A_935 = vector.shape_cast %mul3A_930 : vector<16xf32> to vector<1x16xf32>
          tpu.vector_store %arg12[%swap3A_931, %swap3A_932], %swap3A_935 {strides = array<i32>} : memref<128x128xf32, #tpu.memory_space<vmem>>, vector<1x16xf32>,
          %get3A_936 = arith.index_cast %add3A_915 : i32 to index
          %get3A_937 = arith.constant 32 : index
          %get3A_938 = tpu.vector_load %arg12[%get3A_936, %get3A_937] {strides = array<i32>} : memref<128x128xf32, #tpu.memory_space<vmem>>, vector<1x16xf32>,
          %get3A_939 = vector.shape_cast %get3A_938 : vector<1x16xf32> to vector<16xf32>
          %mul3A_940 = arith.mulf %get3A_939, %gather3A_911 : vector<16xf32>
          %swap3A_941 = arith.index_cast %add3A_915 : i32 to index
          %swap3A_942 = arith.constant 32 : index
          %swap3A_943 = tpu.vector_load %arg12[%swap3A_941, %swap3A_942] {strides = array<i32>} : memref<128x128xf32, #tpu.memory_space<vmem>>, vector<1x16xf32>,
          %swap3A_944 = vector.shape_cast %swap3A_943 : vector<1x16xf32> to vector<16xf32>
          %swap3A_945 = vector.shape_cast %mul3A_940 : vector<16xf32> to vector<1x16xf32>
          tpu.vector_store %arg12[%swap3A_941, %swap3A_942], %swap3A_945 {strides = array<i32>} : memref<128x128xf32, #tpu.memory_space<vmem>>, vector<1x16xf32>,
          %get3A_946 = arith.index_cast %add3A_915 : i32 to index
          %get3A_947 = arith.constant 48 : index
          %get3A_948 = tpu.vector_load %arg12[%get3A_946, %get3A_947] {strides = array<i32>} : memref<128x128xf32, #tpu.memory_space<vmem>>, vector<1x16xf32>,
          %get3A_949 = vector.shape_cast %get3A_948 : vector<1x16xf32> to vector<16xf32>
          %mul3A_950 = arith.mulf %get3A_949, %gather3A_911 : vector<16xf32>
          %swap3A_951 = arith.index_cast %add3A_915 : i32 to index
          %swap3A_952 = arith.constant 48 : index
          %swap3A_953 = tpu.vector_load %arg12[%swap3A_951, %swap3A_952] {strides = array<i32>} : memref<128x128xf32, #tpu.memory_space<vmem>>, vector<1x16xf32>,
          %swap3A_954 = vector.shape_cast %swap3A_953 : vector<1x16xf32> to vector<16xf32>
          %swap3A_955 = vector.shape_cast %mul3A_950 : vector<16xf32> to vector<1x16xf32>
          tpu.vector_store %arg12[%swap3A_951, %swap3A_952], %swap3A_955 {strides = array<i32>} : memref<128x128xf32, #tpu.memory_space<vmem>>, vector<1x16xf32>,
          %get3A_956 = arith.index_cast %add3A_915 : i32 to index
          %get3A_957 = arith.constant 64 : index
          %get3A_958 = tpu.vector_load %arg12[%get3A_956, %get3A_957] {strides = array<i32>} : memref<128x128xf32, #tpu.memory_space<vmem>>, vector<1x16xf32>,
          %get3A_959 = vector.shape_cast %get3A_958 : vector<1x16xf32> to vector<16xf32>
          %mul3A_960 = arith.mulf %get3A_959, %gather3A_911 : vector<16xf32>
          %swap3A_961 = arith.index_cast %add3A_915 : i32 to index
          %swap3A_962 = arith.constant 64 : index
          %swap3A_963 = tpu.vector_load %arg12[%swap3A_961, %swap3A_962] {strides = array<i32>} : memref<128x128xf32, #tpu.memory_space<vmem>>, vector<1x16xf32>,
          %swap3A_964 = vector.shape_cast %swap3A_963 : vector<1x16xf32> to vector<16xf32>
          %swap3A_965 = vector.shape_cast %mul3A_960 : vector<16xf32> to vector<1x16xf32>
          tpu.vector_store %arg12[%swap3A_961, %swap3A_962], %swap3A_965 {strides = array<i32>} : memref<128x128xf32, #tpu.memory_space<vmem>>, vector<1x16xf32>,
          %get3A_966 = arith.index_cast %add3A_915 : i32 to index
          %get3A_967 = arith.constant 80 : index
          %get3A_968 = tpu.vector_load %arg12[%get3A_966, %get3A_967] {strides = array<i32>} : memref<128x128xf32, #tpu.memory_space<vmem>>, vector<1x16xf32>,
          %get3A_969 = vector.shape_cast %get3A_968 : vector<1x16xf32> to vector<16xf32>
          %mul3A_970 = arith.mulf %get3A_969, %gather3A_911 : vector<16xf32>
          %swap3A_971 = arith.index_cast %add3A_915 : i32 to index
          %swap3A_972 = arith.constant 80 : index
          %swap3A_973 = tpu.vector_load %arg12[%swap3A_971, %swap3A_972] {strides = array<i32>} : memref<128x128xf32, #tpu.memory_space<vmem>>, vector<1x16xf32>,
          %swap3A_974 = vector.shape_cast %swap3A_973 : vector<1x16xf32> to vector<16xf32>
          %swap3A_975 = vector.shape_cast %mul3A_970 : vector<16xf32> to vector<1x16xf32>
          tpu.vector_store %arg12[%swap3A_971, %swap3A_972], %swap3A_975 {strides = array<i32>} : memref<128x128xf32, #tpu.memory_space<vmem>>, vector<1x16xf32>,
          %get3A_976 = arith.index_cast %add3A_915 : i32 to index
          %get3A_977 = arith.constant 96 : index
          %get3A_978 = tpu.vector_load %arg12[%get3A_976, %get3A_977] {strides = array<i32>} : memref<128x128xf32, #tpu.memory_space<vmem>>, vector<1x16xf32>,
          %get3A_979 = vector.shape_cast %get3A_978 : vector<1x16xf32> to vector<16xf32>
          %mul3A_980 = arith.mulf %get3A_979, %gather3A_911 : vector<16xf32>
          %swap3A_981 = arith.index_cast %add3A_915 : i32 to index
          %swap3A_982 = arith.constant 96 : index
          %swap3A_983 = tpu.vector_load %arg12[%swap3A_981, %swap3A_982] {strides = array<i32>} : memref<128x128xf32, #tpu.memory_space<vmem>>, vector<1x16xf32>,
          %swap3A_984 = vector.shape_cast %swap3A_983 : vector<1x16xf32> to vector<16xf32>
          %swap3A_985 = vector.shape_cast %mul3A_980 : vector<16xf32> to vector<1x16xf32>
          tpu.vector_store %arg12[%swap3A_981, %swap3A_982], %swap3A_985 {strides = array<i32>} : memref<128x128xf32, #tpu.memory_space<vmem>>, vector<1x16xf32>,
          %get3A_986 = arith.index_cast %add3A_915 : i32 to index
          %get3A_987 = arith.constant 112 : index
          %get3A_988 = tpu.vector_load %arg12[%get3A_986, %get3A_987] {strides = array<i32>} : memref<128x128xf32, #tpu.memory_space<vmem>>, vector<1x16xf32>,
          %get3A_989 = vector.shape_cast %get3A_988 : vector<1x16xf32> to vector<16xf32>
          %mul3A_990 = arith.mulf %get3A_989, %gather3A_911 : vector<16xf32>
          %swap3A_991 = arith.index_cast %add3A_915 : i32 to index
          %swap3A_992 = arith.constant 112 : index
          %swap3A_993 = tpu.vector_load %arg12[%swap3A_991, %swap3A_992] {strides = array<i32>} : memref<128x128xf32, #tpu.memory_space<vmem>>, vector<1x16xf32>,
          %swap3A_994 = vector.shape_cast %swap3A_993 : vector<1x16xf32> to vector<16xf32>
          %swap3A_995 = vector.shape_cast %mul3A_990 : vector<16xf32> to vector<1x16xf32>
          tpu.vector_store %arg12[%swap3A_991, %swap3A_992], %swap3A_995 {strides = array<i32>} : memref<128x128xf32, #tpu.memory_space<vmem>>, vector<1x16xf32>,
          %broadcast_in_dim3A_996 = arith.constant 9 : i32
          %broadcast_in_dim3A_997 = vector.broadcast %broadcast_in_dim3A_996 : i32 to vector<16x1xi32>
          %gather3A_998 = vector.shape_cast %broadcast_in_dim3A_997 : vector<16x1xi32> to vector<16xi32>
          %gather3A_999 = tpu.dynamic_gather %get3A_205[%gather3A_998] in [0] : vector<16xf32>, vector<16xi32> -> vector<16xf32>
          %mul3A_1000 = arith.constant 16 : i32
          %mul3A_1001 = arith.muli %add3A_201, %mul3A_1000 : i32
          %add3A_1002 = arith.constant 9 : i32
          %add3A_1003 = arith.addi %mul3A_1001, %add3A_1002 : i32
          %get3A_1004 = arith.index_cast %add3A_1003 : i32 to index
          %get3A_1005 = arith.constant 0 : index
          %get3A_1006 = tpu.vector_load %arg12[%get3A_1004, %get3A_1005] {strides = array<i32>} : memref<128x128xf32, #tpu.memory_space<vmem>>, vector<1x16xf32>,
          %get3A_1007 = vector.shape_cast %get3A_1006 : vector<1x16xf32> to vector<16xf32>
          %mul3A_1008 = arith.mulf %get3A_1007, %gather3A_999 : vector<16xf32>
          %swap3A_1009 = arith.index_cast %add3A_1003 : i32 to index
          %swap3A_1010 = arith.constant 0 : index
          %swap3A_1011 = tpu.vector_load %arg12[%swap3A_1009, %swap3A_1010] {strides = array<i32>} : memref<128x128xf32, #tpu.memory_space<vmem>>, vector<1x16xf32>,
          %swap3A_1012 = vector.shape_cast %swap3A_1011 : vector<1x16xf32> to vector<16xf32>
          %swap3A_1013 = vector.shape_cast %mul3A_1008 : vector<16xf32> to vector<1x16xf32>
          tpu.vector_store %arg12[%swap3A_1009, %swap3A_1010], %swap3A_1013 {strides = array<i32>} : memref<128x128xf32, #tpu.memory_space<vmem>>, vector<1x16xf32>,
          %get3A_1014 = arith.index_cast %add3A_1003 : i32 to index
          %get3A_1015 = arith.constant 16 : index
          %get3A_1016 = tpu.vector_load %arg12[%get3A_1014, %get3A_1015] {strides = array<i32>} : memref<128x128xf32, #tpu.memory_space<vmem>>, vector<1x16xf32>,
          %get3A_1017 = vector.shape_cast %get3A_1016 : vector<1x16xf32> to vector<16xf32>
          %mul3A_1018 = arith.mulf %get3A_1017, %gather3A_999 : vector<16xf32>
          %swap3A_1019 = arith.index_cast %add3A_1003 : i32 to index
          %swap3A_1020 = arith.constant 16 : index
          %swap3A_1021 = tpu.vector_load %arg12[%swap3A_1019, %swap3A_1020] {strides = array<i32>} : memref<128x128xf32, #tpu.memory_space<vmem>>, vector<1x16xf32>,
          %swap3A_1022 = vector.shape_cast %swap3A_1021 : vector<1x16xf32> to vector<16xf32>
          %swap3A_1023 = vector.shape_cast %mul3A_1018 : vector<16xf32> to vector<1x16xf32>
          tpu.vector_store %arg12[%swap3A_1019, %swap3A_1020], %swap3A_1023 {strides = array<i32>} : memref<128x128xf32, #tpu.memory_space<vmem>>, vector<1x16xf32>,
          %get3A_1024 = arith.index_cast %add3A_1003 : i32 to index
          %get3A_1025 = arith.constant 32 : index
          %get3A_1026 = tpu.vector_load %arg12[%get3A_1024, %get3A_1025] {strides = array<i32>} : memref<128x128xf32, #tpu.memory_space<vmem>>, vector<1x16xf32>,
          %get3A_1027 = vector.shape_cast %get3A_1026 : vector<1x16xf32> to vector<16xf32>
          %mul3A_1028 = arith.mulf %get3A_1027, %gather3A_999 : vector<16xf32>
          %swap3A_1029 = arith.index_cast %add3A_1003 : i32 to index
          %swap3A_1030 = arith.constant 32 : index
          %swap3A_1031 = tpu.vector_load %arg12[%swap3A_1029, %swap3A_1030] {strides = array<i32>} : memref<128x128xf32, #tpu.memory_space<vmem>>, vector<1x16xf32>,
          %swap3A_1032 = vector.shape_cast %swap3A_1031 : vector<1x16xf32> to vector<16xf32>
          %swap3A_1033 = vector.shape_cast %mul3A_1028 : vector<16xf32> to vector<1x16xf32>
          tpu.vector_store %arg12[%swap3A_1029, %swap3A_1030], %swap3A_1033 {strides = array<i32>} : memref<128x128xf32, #tpu.memory_space<vmem>>, vector<1x16xf32>,
          %get3A_1034 = arith.index_cast %add3A_1003 : i32 to index
          %get3A_1035 = arith.constant 48 : index
          %get3A_1036 = tpu.vector_load %arg12[%get3A_1034, %get3A_1035] {strides = array<i32>} : memref<128x128xf32, #tpu.memory_space<vmem>>, vector<1x16xf32>,
          %get3A_1037 = vector.shape_cast %get3A_1036 : vector<1x16xf32> to vector<16xf32>
          %mul3A_1038 = arith.mulf %get3A_1037, %gather3A_999 : vector<16xf32>
          %swap3A_1039 = arith.index_cast %add3A_1003 : i32 to index
          %swap3A_1040 = arith.constant 48 : index
          %swap3A_1041 = tpu.vector_load %arg12[%swap3A_1039, %swap3A_1040] {strides = array<i32>} : memref<128x128xf32, #tpu.memory_space<vmem>>, vector<1x16xf32>,
          %swap3A_1042 = vector.shape_cast %swap3A_1041 : vector<1x16xf32> to vector<16xf32>
          %swap3A_1043 = vector.shape_cast %mul3A_1038 : vector<16xf32> to vector<1x16xf32>
          tpu.vector_store %arg12[%swap3A_1039, %swap3A_1040], %swap3A_1043 {strides = array<i32>} : memref<128x128xf32, #tpu.memory_space<vmem>>, vector<1x16xf32>,
          %get3A_1044 = arith.index_cast %add3A_1003 : i32 to index
          %get3A_1045 = arith.constant 64 : index
          %get3A_1046 = tpu.vector_load %arg12[%get3A_1044, %get3A_1045] {strides = array<i32>} : memref<128x128xf32, #tpu.memory_space<vmem>>, vector<1x16xf32>,
          %get3A_1047 = vector.shape_cast %get3A_1046 : vector<1x16xf32> to vector<16xf32>
          %mul3A_1048 = arith.mulf %get3A_1047, %gather3A_999 : vector<16xf32>
          %swap3A_1049 = arith.index_cast %add3A_1003 : i32 to index
          %swap3A_1050 = arith.constant 64 : index
          %swap3A_1051 = tpu.vector_load %arg12[%swap3A_1049, %swap3A_1050] {strides = array<i32>} : memref<128x128xf32, #tpu.memory_space<vmem>>, vector<1x16xf32>,
          %swap3A_1052 = vector.shape_cast %swap3A_1051 : vector<1x16xf32> to vector<16xf32>
          %swap3A_1053 = vector.shape_cast %mul3A_1048 : vector<16xf32> to vector<1x16xf32>
          tpu.vector_store %arg12[%swap3A_1049, %swap3A_1050], %swap3A_1053 {strides = array<i32>} : memref<128x128xf32, #tpu.memory_space<vmem>>, vector<1x16xf32>,
          %get3A_1054 = arith.index_cast %add3A_1003 : i32 to index
          %get3A_1055 = arith.constant 80 : index
          %get3A_1056 = tpu.vector_load %arg12[%get3A_1054, %get3A_1055] {strides = array<i32>} : memref<128x128xf32, #tpu.memory_space<vmem>>, vector<1x16xf32>,
          %get3A_1057 = vector.shape_cast %get3A_1056 : vector<1x16xf32> to vector<16xf32>
          %mul3A_1058 = arith.mulf %get3A_1057, %gather3A_999 : vector<16xf32>
          %swap3A_1059 = arith.index_cast %add3A_1003 : i32 to index
          %swap3A_1060 = arith.constant 80 : index
          %swap3A_1061 = tpu.vector_load %arg12[%swap3A_1059, %swap3A_1060] {strides = array<i32>} : memref<128x128xf32, #tpu.memory_space<vmem>>, vector<1x16xf32>,
          %swap3A_1062 = vector.shape_cast %swap3A_1061 : vector<1x16xf32> to vector<16xf32>
          %swap3A_1063 = vector.shape_cast %mul3A_1058 : vector<16xf32> to vector<1x16xf32>
          tpu.vector_store %arg12[%swap3A_1059, %swap3A_1060], %swap3A_1063 {strides = array<i32>} : memref<128x128xf32, #tpu.memory_space<vmem>>, vector<1x16xf32>,
          %get3A_1064 = arith.index_cast %add3A_1003 : i32 to index
          %get3A_1065 = arith.constant 96 : index
          %get3A_1066 = tpu.vector_load %arg12[%get3A_1064, %get3A_1065] {strides = array<i32>} : memref<128x128xf32, #tpu.memory_space<vmem>>, vector<1x16xf32>,
          %get3A_1067 = vector.shape_cast %get3A_1066 : vector<1x16xf32> to vector<16xf32>
          %mul3A_1068 = arith.mulf %get3A_1067, %gather3A_999 : vector<16xf32>
          %swap3A_1069 = arith.index_cast %add3A_1003 : i32 to index
          %swap3A_1070 = arith.constant 96 : index
          %swap3A_1071 = tpu.vector_load %arg12[%swap3A_1069, %swap3A_1070] {strides = array<i32>} : memref<128x128xf32, #tpu.memory_space<vmem>>, vector<1x16xf32>,
          %swap3A_1072 = vector.shape_cast %swap3A_1071 : vector<1x16xf32> to vector<16xf32>
          %swap3A_1073 = vector.shape_cast %mul3A_1068 : vector<16xf32> to vector<1x16xf32>
          tpu.vector_store %arg12[%swap3A_1069, %swap3A_1070], %swap3A_1073 {strides = array<i32>} : memref<128x128xf32, #tpu.memory_space<vmem>>, vector<1x16xf32>,
          %get3A_1074 = arith.index_cast %add3A_1003 : i32 to index
          %get3A_1075 = arith.constant 112 : index
          %get3A_1076 = tpu.vector_load %arg12[%get3A_1074, %get3A_1075] {strides = array<i32>} : memref<128x128xf32, #tpu.memory_space<vmem>>, vector<1x16xf32>,
          %get3A_1077 = vector.shape_cast %get3A_1076 : vector<1x16xf32> to vector<16xf32>
          %mul3A_1078 = arith.mulf %get3A_1077, %gather3A_999 : vector<16xf32>
          %swap3A_1079 = arith.index_cast %add3A_1003 : i32 to index
          %swap3A_1080 = arith.constant 112 : index
          %swap3A_1081 = tpu.vector_load %arg12[%swap3A_1079, %swap3A_1080] {strides = array<i32>} : memref<128x128xf32, #tpu.memory_space<vmem>>, vector<1x16xf32>,
          %swap3A_1082 = vector.shape_cast %swap3A_1081 : vector<1x16xf32> to vector<16xf32>
          %swap3A_1083 = vector.shape_cast %mul3A_1078 : vector<16xf32> to vector<1x16xf32>
          tpu.vector_store %arg12[%swap3A_1079, %swap3A_1080], %swap3A_1083 {strides = array<i32>} : memref<128x128xf32, #tpu.memory_space<vmem>>, vector<1x16xf32>,
          %broadcast_in_dim3A_1084 = arith.constant 10 : i32
          %broadcast_in_dim3A_1085 = vector.broadcast %broadcast_in_dim3A_1084 : i32 to vector<16x1xi32>
          %gather3A_1086 = vector.shape_cast %broadcast_in_dim3A_1085 : vector<16x1xi32> to vector<16xi32>
          %gather3A_1087 = tpu.dynamic_gather %get3A_205[%gather3A_1086] in [0] : vector<16xf32>, vector<16xi32> -> vector<16xf32>
          %mul3A_1088 = arith.constant 16 : i32
          %mul3A_1089 = arith.muli %add3A_201, %mul3A_1088 : i32
          %add3A_1090 = arith.constant 10 : i32
          %add3A_1091 = arith.addi %mul3A_1089, %add3A_1090 : i32
          %get3A_1092 = arith.index_cast %add3A_1091 : i32 to index
          %get3A_1093 = arith.constant 0 : index
          %get3A_1094 = tpu.vector_load %arg12[%get3A_1092, %get3A_1093] {strides = array<i32>} : memref<128x128xf32, #tpu.memory_space<vmem>>, vector<1x16xf32>,
          %get3A_1095 = vector.shape_cast %get3A_1094 : vector<1x16xf32> to vector<16xf32>
          %mul3A_1096 = arith.mulf %get3A_1095, %gather3A_1087 : vector<16xf32>
          %swap3A_1097 = arith.index_cast %add3A_1091 : i32 to index
          %swap3A_1098 = arith.constant 0 : index
          %swap3A_1099 = tpu.vector_load %arg12[%swap3A_1097, %swap3A_1098] {strides = array<i32>} : memref<128x128xf32, #tpu.memory_space<vmem>>, vector<1x16xf32>,
          %swap3A_1100 = vector.shape_cast %swap3A_1099 : vector<1x16xf32> to vector<16xf32>
          %swap3A_1101 = vector.shape_cast %mul3A_1096 : vector<16xf32> to vector<1x16xf32>
          tpu.vector_store %arg12[%swap3A_1097, %swap3A_1098], %swap3A_1101 {strides = array<i32>} : memref<128x128xf32, #tpu.memory_space<vmem>>, vector<1x16xf32>,
          %get3A_1102 = arith.index_cast %add3A_1091 : i32 to index
          %get3A_1103 = arith.constant 16 : index
          %get3A_1104 = tpu.vector_load %arg12[%get3A_1102, %get3A_1103] {strides = array<i32>} : memref<128x128xf32, #tpu.memory_space<vmem>>, vector<1x16xf32>,
          %get3A_1105 = vector.shape_cast %get3A_1104 : vector<1x16xf32> to vector<16xf32>
          %mul3A_1106 = arith.mulf %get3A_1105, %gather3A_1087 : vector<16xf32>
          %swap3A_1107 = arith.index_cast %add3A_1091 : i32 to index
          %swap3A_1108 = arith.constant 16 : index
          %swap3A_1109 = tpu.vector_load %arg12[%swap3A_1107, %swap3A_1108] {strides = array<i32>} : memref<128x128xf32, #tpu.memory_space<vmem>>, vector<1x16xf32>,
          %swap3A_1110 = vector.shape_cast %swap3A_1109 : vector<1x16xf32> to vector<16xf32>
          %swap3A_1111 = vector.shape_cast %mul3A_1106 : vector<16xf32> to vector<1x16xf32>
          tpu.vector_store %arg12[%swap3A_1107, %swap3A_1108], %swap3A_1111 {strides = array<i32>} : memref<128x128xf32, #tpu.memory_space<vmem>>, vector<1x16xf32>,
          %get3A_1112 = arith.index_cast %add3A_1091 : i32 to index
          %get3A_1113 = arith.constant 32 : index
          %get3A_1114 = tpu.vector_load %arg12[%get3A_1112, %get3A_1113] {strides = array<i32>} : memref<128x128xf32, #tpu.memory_space<vmem>>, vector<1x16xf32>,
          %get3A_1115 = vector.shape_cast %get3A_1114 : vector<1x16xf32> to vector<16xf32>
          %mul3A_1116 = arith.mulf %get3A_1115, %gather3A_1087 : vector<16xf32>
          %swap3A_1117 = arith.index_cast %add3A_1091 : i32 to index
          %swap3A_1118 = arith.constant 32 : index
          %swap3A_1119 = tpu.vector_load %arg12[%swap3A_1117, %swap3A_1118] {strides = array<i32>} : memref<128x128xf32, #tpu.memory_space<vmem>>, vector<1x16xf32>,
          %swap3A_1120 = vector.shape_cast %swap3A_1119 : vector<1x16xf32> to vector<16xf32>
          %swap3A_1121 = vector.shape_cast %mul3A_1116 : vector<16xf32> to vector<1x16xf32>
          tpu.vector_store %arg12[%swap3A_1117, %swap3A_1118], %swap3A_1121 {strides = array<i32>} : memref<128x128xf32, #tpu.memory_space<vmem>>, vector<1x16xf32>,
          %get3A_1122 = arith.index_cast %add3A_1091 : i32 to index
          %get3A_1123 = arith.constant 48 : index
          %get3A_1124 = tpu.vector_load %arg12[%get3A_1122, %get3A_1123] {strides = array<i32>} : memref<128x128xf32, #tpu.memory_space<vmem>>, vector<1x16xf32>,
          %get3A_1125 = vector.shape_cast %get3A_1124 : vector<1x16xf32> to vector<16xf32>
          %mul3A_1126 = arith.mulf %get3A_1125, %gather3A_1087 : vector<16xf32>
          %swap3A_1127 = arith.index_cast %add3A_1091 : i32 to index
          %swap3A_1128 = arith.constant 48 : index
          %swap3A_1129 = tpu.vector_load %arg12[%swap3A_1127, %swap3A_1128] {strides = array<i32>} : memref<128x128xf32, #tpu.memory_space<vmem>>, vector<1x16xf32>,
          %swap3A_1130 = vector.shape_cast %swap3A_1129 : vector<1x16xf32> to vector<16xf32>
          %swap3A_1131 = vector.shape_cast %mul3A_1126 : vector<16xf32> to vector<1x16xf32>
          tpu.vector_store %arg12[%swap3A_1127, %swap3A_1128], %swap3A_1131 {strides = array<i32>} : memref<128x128xf32, #tpu.memory_space<vmem>>, vector<1x16xf32>,
          %get3A_1132 = arith.index_cast %add3A_1091 : i32 to index
          %get3A_1133 = arith.constant 64 : index
          %get3A_1134 = tpu.vector_load %arg12[%get3A_1132, %get3A_1133] {strides = array<i32>} : memref<128x128xf32, #tpu.memory_space<vmem>>, vector<1x16xf32>,
          %get3A_1135 = vector.shape_cast %get3A_1134 : vector<1x16xf32> to vector<16xf32>
          %mul3A_1136 = arith.mulf %get3A_1135, %gather3A_1087 : vector<16xf32>
          %swap3A_1137 = arith.index_cast %add3A_1091 : i32 to index
          %swap3A_1138 = arith.constant 64 : index
          %swap3A_1139 = tpu.vector_load %arg12[%swap3A_1137, %swap3A_1138] {strides = array<i32>} : memref<128x128xf32, #tpu.memory_space<vmem>>, vector<1x16xf32>,
          %swap3A_1140 = vector.shape_cast %swap3A_1139 : vector<1x16xf32> to vector<16xf32>
          %swap3A_1141 = vector.shape_cast %mul3A_1136 : vector<16xf32> to vector<1x16xf32>
          tpu.vector_store %arg12[%swap3A_1137, %swap3A_1138], %swap3A_1141 {strides = array<i32>} : memref<128x128xf32, #tpu.memory_space<vmem>>, vector<1x16xf32>,
          %get3A_1142 = arith.index_cast %add3A_1091 : i32 to index
          %get3A_1143 = arith.constant 80 : index
          %get3A_1144 = tpu.vector_load %arg12[%get3A_1142, %get3A_1143] {strides = array<i32>} : memref<128x128xf32, #tpu.memory_space<vmem>>, vector<1x16xf32>,
          %get3A_1145 = vector.shape_cast %get3A_1144 : vector<1x16xf32> to vector<16xf32>
          %mul3A_1146 = arith.mulf %get3A_1145, %gather3A_1087 : vector<16xf32>
          %swap3A_1147 = arith.index_cast %add3A_1091 : i32 to index
          %swap3A_1148 = arith.constant 80 : index
          %swap3A_1149 = tpu.vector_load %arg12[%swap3A_1147, %swap3A_1148] {strides = array<i32>} : memref<128x128xf32, #tpu.memory_space<vmem>>, vector<1x16xf32>,
          %swap3A_1150 = vector.shape_cast %swap3A_1149 : vector<1x16xf32> to vector<16xf32>
          %swap3A_1151 = vector.shape_cast %mul3A_1146 : vector<16xf32> to vector<1x16xf32>
          tpu.vector_store %arg12[%swap3A_1147, %swap3A_1148], %swap3A_1151 {strides = array<i32>} : memref<128x128xf32, #tpu.memory_space<vmem>>, vector<1x16xf32>,
          %get3A_1152 = arith.index_cast %add3A_1091 : i32 to index
          %get3A_1153 = arith.constant 96 : index
          %get3A_1154 = tpu.vector_load %arg12[%get3A_1152, %get3A_1153] {strides = array<i32>} : memref<128x128xf32, #tpu.memory_space<vmem>>, vector<1x16xf32>,
          %get3A_1155 = vector.shape_cast %get3A_1154 : vector<1x16xf32> to vector<16xf32>
          %mul3A_1156 = arith.mulf %get3A_1155, %gather3A_1087 : vector<16xf32>
          %swap3A_1157 = arith.index_cast %add3A_1091 : i32 to index
          %swap3A_1158 = arith.constant 96 : index
          %swap3A_1159 = tpu.vector_load %arg12[%swap3A_1157, %swap3A_1158] {strides = array<i32>} : memref<128x128xf32, #tpu.memory_space<vmem>>, vector<1x16xf32>,
          %swap3A_1160 = vector.shape_cast %swap3A_1159 : vector<1x16xf32> to vector<16xf32>
          %swap3A_1161 = vector.shape_cast %mul3A_1156 : vector<16xf32> to vector<1x16xf32>
          tpu.vector_store %arg12[%swap3A_1157, %swap3A_1158], %swap3A_1161 {strides = array<i32>} : memref<128x128xf32, #tpu.memory_space<vmem>>, vector<1x16xf32>,
          %get3A_1162 = arith.index_cast %add3A_1091 : i32 to index
          %get3A_1163 = arith.constant 112 : index
          %get3A_1164 = tpu.vector_load %arg12[%get3A_1162, %get3A_1163] {strides = array<i32>} : memref<128x128xf32, #tpu.memory_space<vmem>>, vector<1x16xf32>,
          %get3A_1165 = vector.shape_cast %get3A_1164 : vector<1x16xf32> to vector<16xf32>
          %mul3A_1166 = arith.mulf %get3A_1165, %gather3A_1087 : vector<16xf32>
          %swap3A_1167 = arith.index_cast %add3A_1091 : i32 to index
          %swap3A_1168 = arith.constant 112 : index
          %swap3A_1169 = tpu.vector_load %arg12[%swap3A_1167, %swap3A_1168] {strides = array<i32>} : memref<128x128xf32, #tpu.memory_space<vmem>>, vector<1x16xf32>,
          %swap3A_1170 = vector.shape_cast %swap3A_1169 : vector<1x16xf32> to vector<16xf32>
          %swap3A_1171 = vector.shape_cast %mul3A_1166 : vector<16xf32> to vector<1x16xf32>
          tpu.vector_store %arg12[%swap3A_1167, %swap3A_1168], %swap3A_1171 {strides = array<i32>} : memref<128x128xf32, #tpu.memory_space<vmem>>, vector<1x16xf32>,
          %broadcast_in_dim3A_1172 = arith.constant 11 : i32
          %broadcast_in_dim3A_1173 = vector.broadcast %broadcast_in_dim3A_1172 : i32 to vector<16x1xi32>
          %gather3A_1174 = vector.shape_cast %broadcast_in_dim3A_1173 : vector<16x1xi32> to vector<16xi32>
          %gather3A_1175 = tpu.dynamic_gather %get3A_205[%gather3A_1174] in [0] : vector<16xf32>, vector<16xi32> -> vector<16xf32>
          %mul3A_1176 = arith.constant 16 : i32
          %mul3A_1177 = arith.muli %add3A_201, %mul3A_1176 : i32
          %add3A_1178 = arith.constant 11 : i32
          %add3A_1179 = arith.addi %mul3A_1177, %add3A_1178 : i32
          %get3A_1180 = arith.index_cast %add3A_1179 : i32 to index
          %get3A_1181 = arith.constant 0 : index
          %get3A_1182 = tpu.vector_load %arg12[%get3A_1180, %get3A_1181] {strides = array<i32>} : memref<128x128xf32, #tpu.memory_space<vmem>>, vector<1x16xf32>,
          %get3A_1183 = vector.shape_cast %get3A_1182 : vector<1x16xf32> to vector<16xf32>
          %mul3A_1184 = arith.mulf %get3A_1183, %gather3A_1175 : vector<16xf32>
          %swap3A_1185 = arith.index_cast %add3A_1179 : i32 to index
          %swap3A_1186 = arith.constant 0 : index
          %swap3A_1187 = tpu.vector_load %arg12[%swap3A_1185, %swap3A_1186] {strides = array<i32>} : memref<128x128xf32, #tpu.memory_space<vmem>>, vector<1x16xf32>,
          %swap3A_1188 = vector.shape_cast %swap3A_1187 : vector<1x16xf32> to vector<16xf32>
          %swap3A_1189 = vector.shape_cast %mul3A_1184 : vector<16xf32> to vector<1x16xf32>
          tpu.vector_store %arg12[%swap3A_1185, %swap3A_1186], %swap3A_1189 {strides = array<i32>} : memref<128x128xf32, #tpu.memory_space<vmem>>, vector<1x16xf32>,
          %get3A_1190 = arith.index_cast %add3A_1179 : i32 to index
          %get3A_1191 = arith.constant 16 : index
          %get3A_1192 = tpu.vector_load %arg12[%get3A_1190, %get3A_1191] {strides = array<i32>} : memref<128x128xf32, #tpu.memory_space<vmem>>, vector<1x16xf32>,
          %get3A_1193 = vector.shape_cast %get3A_1192 : vector<1x16xf32> to vector<16xf32>
          %mul3A_1194 = arith.mulf %get3A_1193, %gather3A_1175 : vector<16xf32>
          %swap3A_1195 = arith.index_cast %add3A_1179 : i32 to index
          %swap3A_1196 = arith.constant 16 : index
          %swap3A_1197 = tpu.vector_load %arg12[%swap3A_1195, %swap3A_1196] {strides = array<i32>} : memref<128x128xf32, #tpu.memory_space<vmem>>, vector<1x16xf32>,
          %swap3A_1198 = vector.shape_cast %swap3A_1197 : vector<1x16xf32> to vector<16xf32>
          %swap3A_1199 = vector.shape_cast %mul3A_1194 : vector<16xf32> to vector<1x16xf32>
          tpu.vector_store %arg12[%swap3A_1195, %swap3A_1196], %swap3A_1199 {strides = array<i32>} : memref<128x128xf32, #tpu.memory_space<vmem>>, vector<1x16xf32>,
          %get3A_1200 = arith.index_cast %add3A_1179 : i32 to index
          %get3A_1201 = arith.constant 32 : index
          %get3A_1202 = tpu.vector_load %arg12[%get3A_1200, %get3A_1201] {strides = array<i32>} : memref<128x128xf32, #tpu.memory_space<vmem>>, vector<1x16xf32>,
          %get3A_1203 = vector.shape_cast %get3A_1202 : vector<1x16xf32> to vector<16xf32>
          %mul3A_1204 = arith.mulf %get3A_1203, %gather3A_1175 : vector<16xf32>
          %swap3A_1205 = arith.index_cast %add3A_1179 : i32 to index
          %swap3A_1206 = arith.constant 32 : index
          %swap3A_1207 = tpu.vector_load %arg12[%swap3A_1205, %swap3A_1206] {strides = array<i32>} : memref<128x128xf32, #tpu.memory_space<vmem>>, vector<1x16xf32>,
          %swap3A_1208 = vector.shape_cast %swap3A_1207 : vector<1x16xf32> to vector<16xf32>
          %swap3A_1209 = vector.shape_cast %mul3A_1204 : vector<16xf32> to vector<1x16xf32>
          tpu.vector_store %arg12[%swap3A_1205, %swap3A_1206], %swap3A_1209 {strides = array<i32>} : memref<128x128xf32, #tpu.memory_space<vmem>>, vector<1x16xf32>,
          %get3A_1210 = arith.index_cast %add3A_1179 : i32 to index
          %get3A_1211 = arith.constant 48 : index
          %get3A_1212 = tpu.vector_load %arg12[%get3A_1210, %get3A_1211] {strides = array<i32>} : memref<128x128xf32, #tpu.memory_space<vmem>>, vector<1x16xf32>,
          %get3A_1213 = vector.shape_cast %get3A_1212 : vector<1x16xf32> to vector<16xf32>
          %mul3A_1214 = arith.mulf %get3A_1213, %gather3A_1175 : vector<16xf32>
          %swap3A_1215 = arith.index_cast %add3A_1179 : i32 to index
          %swap3A_1216 = arith.constant 48 : index
          %swap3A_1217 = tpu.vector_load %arg12[%swap3A_1215, %swap3A_1216] {strides = array<i32>} : memref<128x128xf32, #tpu.memory_space<vmem>>, vector<1x16xf32>,
          %swap3A_1218 = vector.shape_cast %swap3A_1217 : vector<1x16xf32> to vector<16xf32>
          %swap3A_1219 = vector.shape_cast %mul3A_1214 : vector<16xf32> to vector<1x16xf32>
          tpu.vector_store %arg12[%swap3A_1215, %swap3A_1216], %swap3A_1219 {strides = array<i32>} : memref<128x128xf32, #tpu.memory_space<vmem>>, vector<1x16xf32>,
          %get3A_1220 = arith.index_cast %add3A_1179 : i32 to index
          %get3A_1221 = arith.constant 64 : index
          %get3A_1222 = tpu.vector_load %arg12[%get3A_1220, %get3A_1221] {strides = array<i32>} : memref<128x128xf32, #tpu.memory_space<vmem>>, vector<1x16xf32>,
          %get3A_1223 = vector.shape_cast %get3A_1222 : vector<1x16xf32> to vector<16xf32>
          %mul3A_1224 = arith.mulf %get3A_1223, %gather3A_1175 : vector<16xf32>
          %swap3A_1225 = arith.index_cast %add3A_1179 : i32 to index
          %swap3A_1226 = arith.constant 64 : index
          %swap3A_1227 = tpu.vector_load %arg12[%swap3A_1225, %swap3A_1226] {strides = array<i32>} : memref<128x128xf32, #tpu.memory_space<vmem>>, vector<1x16xf32>,
          %swap3A_1228 = vector.shape_cast %swap3A_1227 : vector<1x16xf32> to vector<16xf32>
          %swap3A_1229 = vector.shape_cast %mul3A_1224 : vector<16xf32> to vector<1x16xf32>
          tpu.vector_store %arg12[%swap3A_1225, %swap3A_1226], %swap3A_1229 {strides = array<i32>} : memref<128x128xf32, #tpu.memory_space<vmem>>, vector<1x16xf32>,
          %get3A_1230 = arith.index_cast %add3A_1179 : i32 to index
          %get3A_1231 = arith.constant 80 : index
          %get3A_1232 = tpu.vector_load %arg12[%get3A_1230, %get3A_1231] {strides = array<i32>} : memref<128x128xf32, #tpu.memory_space<vmem>>, vector<1x16xf32>,
          %get3A_1233 = vector.shape_cast %get3A_1232 : vector<1x16xf32> to vector<16xf32>
          %mul3A_1234 = arith.mulf %get3A_1233, %gather3A_1175 : vector<16xf32>
          %swap3A_1235 = arith.index_cast %add3A_1179 : i32 to index
          %swap3A_1236 = arith.constant 80 : index
          %swap3A_1237 = tpu.vector_load %arg12[%swap3A_1235, %swap3A_1236] {strides = array<i32>} : memref<128x128xf32, #tpu.memory_space<vmem>>, vector<1x16xf32>,
          %swap3A_1238 = vector.shape_cast %swap3A_1237 : vector<1x16xf32> to vector<16xf32>
          %swap3A_1239 = vector.shape_cast %mul3A_1234 : vector<16xf32> to vector<1x16xf32>
          tpu.vector_store %arg12[%swap3A_1235, %swap3A_1236], %swap3A_1239 {strides = array<i32>} : memref<128x128xf32, #tpu.memory_space<vmem>>, vector<1x16xf32>,
          %get3A_1240 = arith.index_cast %add3A_1179 : i32 to index
          %get3A_1241 = arith.constant 96 : index
          %get3A_1242 = tpu.vector_load %arg12[%get3A_1240, %get3A_1241] {strides = array<i32>} : memref<128x128xf32, #tpu.memory_space<vmem>>, vector<1x16xf32>,
          %get3A_1243 = vector.shape_cast %get3A_1242 : vector<1x16xf32> to vector<16xf32>
          %mul3A_1244 = arith.mulf %get3A_1243, %gather3A_1175 : vector<16xf32>
          %swap3A_1245 = arith.index_cast %add3A_1179 : i32 to index
          %swap3A_1246 = arith.constant 96 : index
          %swap3A_1247 = tpu.vector_load %arg12[%swap3A_1245, %swap3A_1246] {strides = array<i32>} : memref<128x128xf32, #tpu.memory_space<vmem>>, vector<1x16xf32>,
          %swap3A_1248 = vector.shape_cast %swap3A_1247 : vector<1x16xf32> to vector<16xf32>
          %swap3A_1249 = vector.shape_cast %mul3A_1244 : vector<16xf32> to vector<1x16xf32>
          tpu.vector_store %arg12[%swap3A_1245, %swap3A_1246], %swap3A_1249 {strides = array<i32>} : memref<128x128xf32, #tpu.memory_space<vmem>>, vector<1x16xf32>,
          %get3A_1250 = arith.index_cast %add3A_1179 : i32 to index
          %get3A_1251 = arith.constant 112 : index
          %get3A_1252 = tpu.vector_load %arg12[%get3A_1250, %get3A_1251] {strides = array<i32>} : memref<128x128xf32, #tpu.memory_space<vmem>>, vector<1x16xf32>,
          %get3A_1253 = vector.shape_cast %get3A_1252 : vector<1x16xf32> to vector<16xf32>
          %mul3A_1254 = arith.mulf %get3A_1253, %gather3A_1175 : vector<16xf32>
          %swap3A_1255 = arith.index_cast %add3A_1179 : i32 to index
          %swap3A_1256 = arith.constant 112 : index
          %swap3A_1257 = tpu.vector_load %arg12[%swap3A_1255, %swap3A_1256] {strides = array<i32>} : memref<128x128xf32, #tpu.memory_space<vmem>>, vector<1x16xf32>,
          %swap3A_1258 = vector.shape_cast %swap3A_1257 : vector<1x16xf32> to vector<16xf32>
          %swap3A_1259 = vector.shape_cast %mul3A_1254 : vector<16xf32> to vector<1x16xf32>
          tpu.vector_store %arg12[%swap3A_1255, %swap3A_1256], %swap3A_1259 {strides = array<i32>} : memref<128x128xf32, #tpu.memory_space<vmem>>, vector<1x16xf32>,
          %broadcast_in_dim3A_1260 = arith.constant 12 : i32
          %broadcast_in_dim3A_1261 = vector.broadcast %broadcast_in_dim3A_1260 : i32 to vector<16x1xi32>
          %gather3A_1262 = vector.shape_cast %broadcast_in_dim3A_1261 : vector<16x1xi32> to vector<16xi32>
          %gather3A_1263 = tpu.dynamic_gather %get3A_205[%gather3A_1262] in [0] : vector<16xf32>, vector<16xi32> -> vector<16xf32>
          %mul3A_1264 = arith.constant 16 : i32
          %mul3A_1265 = arith.muli %add3A_201, %mul3A_1264 : i32
          %add3A_1266 = arith.constant 12 : i32
          %add3A_1267 = arith.addi %mul3A_1265, %add3A_1266 : i32
          %get3A_1268 = arith.index_cast %add3A_1267 : i32 to index
          %get3A_1269 = arith.constant 0 : index
          %get3A_1270 = tpu.vector_load %arg12[%get3A_1268, %get3A_1269] {strides = array<i32>} : memref<128x128xf32, #tpu.memory_space<vmem>>, vector<1x16xf32>,
          %get3A_1271 = vector.shape_cast %get3A_1270 : vector<1x16xf32> to vector<16xf32>
          %mul3A_1272 = arith.mulf %get3A_1271, %gather3A_1263 : vector<16xf32>
          %swap3A_1273 = arith.index_cast %add3A_1267 : i32 to index
          %swap3A_1274 = arith.constant 0 : index
          %swap3A_1275 = tpu.vector_load %arg12[%swap3A_1273, %swap3A_1274] {strides = array<i32>} : memref<128x128xf32, #tpu.memory_space<vmem>>, vector<1x16xf32>,
          %swap3A_1276 = vector.shape_cast %swap3A_1275 : vector<1x16xf32> to vector<16xf32>
          %swap3A_1277 = vector.shape_cast %mul3A_1272 : vector<16xf32> to vector<1x16xf32>
          tpu.vector_store %arg12[%swap3A_1273, %swap3A_1274], %swap3A_1277 {strides = array<i32>} : memref<128x128xf32, #tpu.memory_space<vmem>>, vector<1x16xf32>,
          %get3A_1278 = arith.index_cast %add3A_1267 : i32 to index
          %get3A_1279 = arith.constant 16 : index
          %get3A_1280 = tpu.vector_load %arg12[%get3A_1278, %get3A_1279] {strides = array<i32>} : memref<128x128xf32, #tpu.memory_space<vmem>>, vector<1x16xf32>,
          %get3A_1281 = vector.shape_cast %get3A_1280 : vector<1x16xf32> to vector<16xf32>
          %mul3A_1282 = arith.mulf %get3A_1281, %gather3A_1263 : vector<16xf32>
          %swap3A_1283 = arith.index_cast %add3A_1267 : i32 to index
          %swap3A_1284 = arith.constant 16 : index
          %swap3A_1285 = tpu.vector_load %arg12[%swap3A_1283, %swap3A_1284] {strides = array<i32>} : memref<128x128xf32, #tpu.memory_space<vmem>>, vector<1x16xf32>,
          %swap3A_1286 = vector.shape_cast %swap3A_1285 : vector<1x16xf32> to vector<16xf32>
          %swap3A_1287 = vector.shape_cast %mul3A_1282 : vector<16xf32> to vector<1x16xf32>
          tpu.vector_store %arg12[%swap3A_1283, %swap3A_1284], %swap3A_1287 {strides = array<i32>} : memref<128x128xf32, #tpu.memory_space<vmem>>, vector<1x16xf32>,
          %get3A_1288 = arith.index_cast %add3A_1267 : i32 to index
          %get3A_1289 = arith.constant 32 : index
          %get3A_1290 = tpu.vector_load %arg12[%get3A_1288, %get3A_1289] {strides = array<i32>} : memref<128x128xf32, #tpu.memory_space<vmem>>, vector<1x16xf32>,
          %get3A_1291 = vector.shape_cast %get3A_1290 : vector<1x16xf32> to vector<16xf32>
          %mul3A_1292 = arith.mulf %get3A_1291, %gather3A_1263 : vector<16xf32>
          %swap3A_1293 = arith.index_cast %add3A_1267 : i32 to index
          %swap3A_1294 = arith.constant 32 : index
          %swap3A_1295 = tpu.vector_load %arg12[%swap3A_1293, %swap3A_1294] {strides = array<i32>} : memref<128x128xf32, #tpu.memory_space<vmem>>, vector<1x16xf32>,
          %swap3A_1296 = vector.shape_cast %swap3A_1295 : vector<1x16xf32> to vector<16xf32>
          %swap3A_1297 = vector.shape_cast %mul3A_1292 : vector<16xf32> to vector<1x16xf32>
          tpu.vector_store %arg12[%swap3A_1293, %swap3A_1294], %swap3A_1297 {strides = array<i32>} : memref<128x128xf32, #tpu.memory_space<vmem>>, vector<1x16xf32>,
          %get3A_1298 = arith.index_cast %add3A_1267 : i32 to index
          %get3A_1299 = arith.constant 48 : index
          %get3A_1300 = tpu.vector_load %arg12[%get3A_1298, %get3A_1299] {strides = array<i32>} : memref<128x128xf32, #tpu.memory_space<vmem>>, vector<1x16xf32>,
          %get3A_1301 = vector.shape_cast %get3A_1300 : vector<1x16xf32> to vector<16xf32>
          %mul3A_1302 = arith.mulf %get3A_1301, %gather3A_1263 : vector<16xf32>
          %swap3A_1303 = arith.index_cast %add3A_1267 : i32 to index
          %swap3A_1304 = arith.constant 48 : index
          %swap3A_1305 = tpu.vector_load %arg12[%swap3A_1303, %swap3A_1304] {strides = array<i32>} : memref<128x128xf32, #tpu.memory_space<vmem>>, vector<1x16xf32>,
          %swap3A_1306 = vector.shape_cast %swap3A_1305 : vector<1x16xf32> to vector<16xf32>
          %swap3A_1307 = vector.shape_cast %mul3A_1302 : vector<16xf32> to vector<1x16xf32>
          tpu.vector_store %arg12[%swap3A_1303, %swap3A_1304], %swap3A_1307 {strides = array<i32>} : memref<128x128xf32, #tpu.memory_space<vmem>>, vector<1x16xf32>,
          %get3A_1308 = arith.index_cast %add3A_1267 : i32 to index
          %get3A_1309 = arith.constant 64 : index
          %get3A_1310 = tpu.vector_load %arg12[%get3A_1308, %get3A_1309] {strides = array<i32>} : memref<128x128xf32, #tpu.memory_space<vmem>>, vector<1x16xf32>,
          %get3A_1311 = vector.shape_cast %get3A_1310 : vector<1x16xf32> to vector<16xf32>
          %mul3A_1312 = arith.mulf %get3A_1311, %gather3A_1263 : vector<16xf32>
          %swap3A_1313 = arith.index_cast %add3A_1267 : i32 to index
          %swap3A_1314 = arith.constant 64 : index
          %swap3A_1315 = tpu.vector_load %arg12[%swap3A_1313, %swap3A_1314] {strides = array<i32>} : memref<128x128xf32, #tpu.memory_space<vmem>>, vector<1x16xf32>,
          %swap3A_1316 = vector.shape_cast %swap3A_1315 : vector<1x16xf32> to vector<16xf32>
          %swap3A_1317 = vector.shape_cast %mul3A_1312 : vector<16xf32> to vector<1x16xf32>
          tpu.vector_store %arg12[%swap3A_1313, %swap3A_1314], %swap3A_1317 {strides = array<i32>} : memref<128x128xf32, #tpu.memory_space<vmem>>, vector<1x16xf32>,
          %get3A_1318 = arith.index_cast %add3A_1267 : i32 to index
          %get3A_1319 = arith.constant 80 : index
          %get3A_1320 = tpu.vector_load %arg12[%get3A_1318, %get3A_1319] {strides = array<i32>} : memref<128x128xf32, #tpu.memory_space<vmem>>, vector<1x16xf32>,
          %get3A_1321 = vector.shape_cast %get3A_1320 : vector<1x16xf32> to vector<16xf32>
          %mul3A_1322 = arith.mulf %get3A_1321, %gather3A_1263 : vector<16xf32>
          %swap3A_1323 = arith.index_cast %add3A_1267 : i32 to index
          %swap3A_1324 = arith.constant 80 : index
          %swap3A_1325 = tpu.vector_load %arg12[%swap3A_1323, %swap3A_1324] {strides = array<i32>} : memref<128x128xf32, #tpu.memory_space<vmem>>, vector<1x16xf32>,
          %swap3A_1326 = vector.shape_cast %swap3A_1325 : vector<1x16xf32> to vector<16xf32>
          %swap3A_1327 = vector.shape_cast %mul3A_1322 : vector<16xf32> to vector<1x16xf32>
          tpu.vector_store %arg12[%swap3A_1323, %swap3A_1324], %swap3A_1327 {strides = array<i32>} : memref<128x128xf32, #tpu.memory_space<vmem>>, vector<1x16xf32>,
          %get3A_1328 = arith.index_cast %add3A_1267 : i32 to index
          %get3A_1329 = arith.constant 96 : index
          %get3A_1330 = tpu.vector_load %arg12[%get3A_1328, %get3A_1329] {strides = array<i32>} : memref<128x128xf32, #tpu.memory_space<vmem>>, vector<1x16xf32>,
          %get3A_1331 = vector.shape_cast %get3A_1330 : vector<1x16xf32> to vector<16xf32>
          %mul3A_1332 = arith.mulf %get3A_1331, %gather3A_1263 : vector<16xf32>
          %swap3A_1333 = arith.index_cast %add3A_1267 : i32 to index
          %swap3A_1334 = arith.constant 96 : index
          %swap3A_1335 = tpu.vector_load %arg12[%swap3A_1333, %swap3A_1334] {strides = array<i32>} : memref<128x128xf32, #tpu.memory_space<vmem>>, vector<1x16xf32>,
          %swap3A_1336 = vector.shape_cast %swap3A_1335 : vector<1x16xf32> to vector<16xf32>
          %swap3A_1337 = vector.shape_cast %mul3A_1332 : vector<16xf32> to vector<1x16xf32>
          tpu.vector_store %arg12[%swap3A_1333, %swap3A_1334], %swap3A_1337 {strides = array<i32>} : memref<128x128xf32, #tpu.memory_space<vmem>>, vector<1x16xf32>,
          %get3A_1338 = arith.index_cast %add3A_1267 : i32 to index
          %get3A_1339 = arith.constant 112 : index
          %get3A_1340 = tpu.vector_load %arg12[%get3A_1338, %get3A_1339] {strides = array<i32>} : memref<128x128xf32, #tpu.memory_space<vmem>>, vector<1x16xf32>,
          %get3A_1341 = vector.shape_cast %get3A_1340 : vector<1x16xf32> to vector<16xf32>
          %mul3A_1342 = arith.mulf %get3A_1341, %gather3A_1263 : vector<16xf32>
          %swap3A_1343 = arith.index_cast %add3A_1267 : i32 to index
          %swap3A_1344 = arith.constant 112 : index
          %swap3A_1345 = tpu.vector_load %arg12[%swap3A_1343, %swap3A_1344] {strides = array<i32>} : memref<128x128xf32, #tpu.memory_space<vmem>>, vector<1x16xf32>,
          %swap3A_1346 = vector.shape_cast %swap3A_1345 : vector<1x16xf32> to vector<16xf32>
          %swap3A_1347 = vector.shape_cast %mul3A_1342 : vector<16xf32> to vector<1x16xf32>
          tpu.vector_store %arg12[%swap3A_1343, %swap3A_1344], %swap3A_1347 {strides = array<i32>} : memref<128x128xf32, #tpu.memory_space<vmem>>, vector<1x16xf32>,
          %broadcast_in_dim3A_1348 = arith.constant 13 : i32
          %broadcast_in_dim3A_1349 = vector.broadcast %broadcast_in_dim3A_1348 : i32 to vector<16x1xi32>
          %gather3A_1350 = vector.shape_cast %broadcast_in_dim3A_1349 : vector<16x1xi32> to vector<16xi32>
          %gather3A_1351 = tpu.dynamic_gather %get3A_205[%gather3A_1350] in [0] : vector<16xf32>, vector<16xi32> -> vector<16xf32>
          %mul3A_1352 = arith.constant 16 : i32
          %mul3A_1353 = arith.muli %add3A_201, %mul3A_1352 : i32
          %add3A_1354 = arith.constant 13 : i32
          %add3A_1355 = arith.addi %mul3A_1353, %add3A_1354 : i32
          %get3A_1356 = arith.index_cast %add3A_1355 : i32 to index
          %get3A_1357 = arith.constant 0 : index
          %get3A_1358 = tpu.vector_load %arg12[%get3A_1356, %get3A_1357] {strides = array<i32>} : memref<128x128xf32, #tpu.memory_space<vmem>>, vector<1x16xf32>,
          %get3A_1359 = vector.shape_cast %get3A_1358 : vector<1x16xf32> to vector<16xf32>
          %mul3A_1360 = arith.mulf %get3A_1359, %gather3A_1351 : vector<16xf32>
          %swap3A_1361 = arith.index_cast %add3A_1355 : i32 to index
          %swap3A_1362 = arith.constant 0 : index
          %swap3A_1363 = tpu.vector_load %arg12[%swap3A_1361, %swap3A_1362] {strides = array<i32>} : memref<128x128xf32, #tpu.memory_space<vmem>>, vector<1x16xf32>,
          %swap3A_1364 = vector.shape_cast %swap3A_1363 : vector<1x16xf32> to vector<16xf32>
          %swap3A_1365 = vector.shape_cast %mul3A_1360 : vector<16xf32> to vector<1x16xf32>
          tpu.vector_store %arg12[%swap3A_1361, %swap3A_1362], %swap3A_1365 {strides = array<i32>} : memref<128x128xf32, #tpu.memory_space<vmem>>, vector<1x16xf32>,
          %get3A_1366 = arith.index_cast %add3A_1355 : i32 to index
          %get3A_1367 = arith.constant 16 : index
          %get3A_1368 = tpu.vector_load %arg12[%get3A_1366, %get3A_1367] {strides = array<i32>} : memref<128x128xf32, #tpu.memory_space<vmem>>, vector<1x16xf32>,
          %get3A_1369 = vector.shape_cast %get3A_1368 : vector<1x16xf32> to vector<16xf32>
          %mul3A_1370 = arith.mulf %get3A_1369, %gather3A_1351 : vector<16xf32>
          %swap3A_1371 = arith.index_cast %add3A_1355 : i32 to index
          %swap3A_1372 = arith.constant 16 : index
          %swap3A_1373 = tpu.vector_load %arg12[%swap3A_1371, %swap3A_1372] {strides = array<i32>} : memref<128x128xf32, #tpu.memory_space<vmem>>, vector<1x16xf32>,
          %swap3A_1374 = vector.shape_cast %swap3A_1373 : vector<1x16xf32> to vector<16xf32>
          %swap3A_1375 = vector.shape_cast %mul3A_1370 : vector<16xf32> to vector<1x16xf32>
          tpu.vector_store %arg12[%swap3A_1371, %swap3A_1372], %swap3A_1375 {strides = array<i32>} : memref<128x128xf32, #tpu.memory_space<vmem>>, vector<1x16xf32>,
          %get3A_1376 = arith.index_cast %add3A_1355 : i32 to index
          %get3A_1377 = arith.constant 32 : index
          %get3A_1378 = tpu.vector_load %arg12[%get3A_1376, %get3A_1377] {strides = array<i32>} : memref<128x128xf32, #tpu.memory_space<vmem>>, vector<1x16xf32>,
          %get3A_1379 = vector.shape_cast %get3A_1378 : vector<1x16xf32> to vector<16xf32>
          %mul3A_1380 = arith.mulf %get3A_1379, %gather3A_1351 : vector<16xf32>
          %swap3A_1381 = arith.index_cast %add3A_1355 : i32 to index
          %swap3A_1382 = arith.constant 32 : index
          %swap3A_1383 = tpu.vector_load %arg12[%swap3A_1381, %swap3A_1382] {strides = array<i32>} : memref<128x128xf32, #tpu.memory_space<vmem>>, vector<1x16xf32>,
          %swap3A_1384 = vector.shape_cast %swap3A_1383 : vector<1x16xf32> to vector<16xf32>
          %swap3A_1385 = vector.shape_cast %mul3A_1380 : vector<16xf32> to vector<1x16xf32>
          tpu.vector_store %arg12[%swap3A_1381, %swap3A_1382], %swap3A_1385 {strides = array<i32>} : memref<128x128xf32, #tpu.memory_space<vmem>>, vector<1x16xf32>,
          %get3A_1386 = arith.index_cast %add3A_1355 : i32 to index
          %get3A_1387 = arith.constant 48 : index
          %get3A_1388 = tpu.vector_load %arg12[%get3A_1386, %get3A_1387] {strides = array<i32>} : memref<128x128xf32, #tpu.memory_space<vmem>>, vector<1x16xf32>,
          %get3A_1389 = vector.shape_cast %get3A_1388 : vector<1x16xf32> to vector<16xf32>
          %mul3A_1390 = arith.mulf %get3A_1389, %gather3A_1351 : vector<16xf32>
          %swap3A_1391 = arith.index_cast %add3A_1355 : i32 to index
          %swap3A_1392 = arith.constant 48 : index
          %swap3A_1393 = tpu.vector_load %arg12[%swap3A_1391, %swap3A_1392] {strides = array<i32>} : memref<128x128xf32, #tpu.memory_space<vmem>>, vector<1x16xf32>,
          %swap3A_1394 = vector.shape_cast %swap3A_1393 : vector<1x16xf32> to vector<16xf32>
          %swap3A_1395 = vector.shape_cast %mul3A_1390 : vector<16xf32> to vector<1x16xf32>
          tpu.vector_store %arg12[%swap3A_1391, %swap3A_1392], %swap3A_1395 {strides = array<i32>} : memref<128x128xf32, #tpu.memory_space<vmem>>, vector<1x16xf32>,
          %get3A_1396 = arith.index_cast %add3A_1355 : i32 to index
          %get3A_1397 = arith.constant 64 : index
          %get3A_1398 = tpu.vector_load %arg12[%get3A_1396, %get3A_1397] {strides = array<i32>} : memref<128x128xf32, #tpu.memory_space<vmem>>, vector<1x16xf32>,
          %get3A_1399 = vector.shape_cast %get3A_1398 : vector<1x16xf32> to vector<16xf32>
          %mul3A_1400 = arith.mulf %get3A_1399, %gather3A_1351 : vector<16xf32>
          %swap3A_1401 = arith.index_cast %add3A_1355 : i32 to index
          %swap3A_1402 = arith.constant 64 : index
          %swap3A_1403 = tpu.vector_load %arg12[%swap3A_1401, %swap3A_1402] {strides = array<i32>} : memref<128x128xf32, #tpu.memory_space<vmem>>, vector<1x16xf32>,
          %swap3A_1404 = vector.shape_cast %swap3A_1403 : vector<1x16xf32> to vector<16xf32>
          %swap3A_1405 = vector.shape_cast %mul3A_1400 : vector<16xf32> to vector<1x16xf32>
          tpu.vector_store %arg12[%swap3A_1401, %swap3A_1402], %swap3A_1405 {strides = array<i32>} : memref<128x128xf32, #tpu.memory_space<vmem>>, vector<1x16xf32>,
          %get3A_1406 = arith.index_cast %add3A_1355 : i32 to index
          %get3A_1407 = arith.constant 80 : index
          %get3A_1408 = tpu.vector_load %arg12[%get3A_1406, %get3A_1407] {strides = array<i32>} : memref<128x128xf32, #tpu.memory_space<vmem>>, vector<1x16xf32>,
          %get3A_1409 = vector.shape_cast %get3A_1408 : vector<1x16xf32> to vector<16xf32>
          %mul3A_1410 = arith.mulf %get3A_1409, %gather3A_1351 : vector<16xf32>
          %swap3A_1411 = arith.index_cast %add3A_1355 : i32 to index
          %swap3A_1412 = arith.constant 80 : index
          %swap3A_1413 = tpu.vector_load %arg12[%swap3A_1411, %swap3A_1412] {strides = array<i32>} : memref<128x128xf32, #tpu.memory_space<vmem>>, vector<1x16xf32>,
          %swap3A_1414 = vector.shape_cast %swap3A_1413 : vector<1x16xf32> to vector<16xf32>
          %swap3A_1415 = vector.shape_cast %mul3A_1410 : vector<16xf32> to vector<1x16xf32>
          tpu.vector_store %arg12[%swap3A_1411, %swap3A_1412], %swap3A_1415 {strides = array<i32>} : memref<128x128xf32, #tpu.memory_space<vmem>>, vector<1x16xf32>,
          %get3A_1416 = arith.index_cast %add3A_1355 : i32 to index
          %get3A_1417 = arith.constant 96 : index
          %get3A_1418 = tpu.vector_load %arg12[%get3A_1416, %get3A_1417] {strides = array<i32>} : memref<128x128xf32, #tpu.memory_space<vmem>>, vector<1x16xf32>,
          %get3A_1419 = vector.shape_cast %get3A_1418 : vector<1x16xf32> to vector<16xf32>
          %mul3A_1420 = arith.mulf %get3A_1419, %gather3A_1351 : vector<16xf32>
          %swap3A_1421 = arith.index_cast %add3A_1355 : i32 to index
          %swap3A_1422 = arith.constant 96 : index
          %swap3A_1423 = tpu.vector_load %arg12[%swap3A_1421, %swap3A_1422] {strides = array<i32>} : memref<128x128xf32, #tpu.memory_space<vmem>>, vector<1x16xf32>,
          %swap3A_1424 = vector.shape_cast %swap3A_1423 : vector<1x16xf32> to vector<16xf32>
          %swap3A_1425 = vector.shape_cast %mul3A_1420 : vector<16xf32> to vector<1x16xf32>
          tpu.vector_store %arg12[%swap3A_1421, %swap3A_1422], %swap3A_1425 {strides = array<i32>} : memref<128x128xf32, #tpu.memory_space<vmem>>, vector<1x16xf32>,
          %get3A_1426 = arith.index_cast %add3A_1355 : i32 to index
          %get3A_1427 = arith.constant 112 : index
          %get3A_1428 = tpu.vector_load %arg12[%get3A_1426, %get3A_1427] {strides = array<i32>} : memref<128x128xf32, #tpu.memory_space<vmem>>, vector<1x16xf32>,
          %get3A_1429 = vector.shape_cast %get3A_1428 : vector<1x16xf32> to vector<16xf32>
          %mul3A_1430 = arith.mulf %get3A_1429, %gather3A_1351 : vector<16xf32>
          %swap3A_1431 = arith.index_cast %add3A_1355 : i32 to index
          %swap3A_1432 = arith.constant 112 : index
          %swap3A_1433 = tpu.vector_load %arg12[%swap3A_1431, %swap3A_1432] {strides = array<i32>} : memref<128x128xf32, #tpu.memory_space<vmem>>, vector<1x16xf32>,
          %swap3A_1434 = vector.shape_cast %swap3A_1433 : vector<1x16xf32> to vector<16xf32>
          %swap3A_1435 = vector.shape_cast %mul3A_1430 : vector<16xf32> to vector<1x16xf32>
          tpu.vector_store %arg12[%swap3A_1431, %swap3A_1432], %swap3A_1435 {strides = array<i32>} : memref<128x128xf32, #tpu.memory_space<vmem>>, vector<1x16xf32>,
          %broadcast_in_dim3A_1436 = arith.constant 14 : i32
          %broadcast_in_dim3A_1437 = vector.broadcast %broadcast_in_dim3A_1436 : i32 to vector<16x1xi32>
          %gather3A_1438 = vector.shape_cast %broadcast_in_dim3A_1437 : vector<16x1xi32> to vector<16xi32>
          %gather3A_1439 = tpu.dynamic_gather %get3A_205[%gather3A_1438] in [0] : vector<16xf32>, vector<16xi32> -> vector<16xf32>
          %mul3A_1440 = arith.constant 16 : i32
          %mul3A_1441 = arith.muli %add3A_201, %mul3A_1440 : i32
          %add3A_1442 = arith.constant 14 : i32
          %add3A_1443 = arith.addi %mul3A_1441, %add3A_1442 : i32
          %get3A_1444 = arith.index_cast %add3A_1443 : i32 to index
          %get3A_1445 = arith.constant 0 : index
          %get3A_1446 = tpu.vector_load %arg12[%get3A_1444, %get3A_1445] {strides = array<i32>} : memref<128x128xf32, #tpu.memory_space<vmem>>, vector<1x16xf32>,
          %get3A_1447 = vector.shape_cast %get3A_1446 : vector<1x16xf32> to vector<16xf32>
          %mul3A_1448 = arith.mulf %get3A_1447, %gather3A_1439 : vector<16xf32>
          %swap3A_1449 = arith.index_cast %add3A_1443 : i32 to index
          %swap3A_1450 = arith.constant 0 : index
          %swap3A_1451 = tpu.vector_load %arg12[%swap3A_1449, %swap3A_1450] {strides = array<i32>} : memref<128x128xf32, #tpu.memory_space<vmem>>, vector<1x16xf32>,
          %swap3A_1452 = vector.shape_cast %swap3A_1451 : vector<1x16xf32> to vector<16xf32>
          %swap3A_1453 = vector.shape_cast %mul3A_1448 : vector<16xf32> to vector<1x16xf32>
          tpu.vector_store %arg12[%swap3A_1449, %swap3A_1450], %swap3A_1453 {strides = array<i32>} : memref<128x128xf32, #tpu.memory_space<vmem>>, vector<1x16xf32>,
          %get3A_1454 = arith.index_cast %add3A_1443 : i32 to index
          %get3A_1455 = arith.constant 16 : index
          %get3A_1456 = tpu.vector_load %arg12[%get3A_1454, %get3A_1455] {strides = array<i32>} : memref<128x128xf32, #tpu.memory_space<vmem>>, vector<1x16xf32>,
          %get3A_1457 = vector.shape_cast %get3A_1456 : vector<1x16xf32> to vector<16xf32>
          %mul3A_1458 = arith.mulf %get3A_1457, %gather3A_1439 : vector<16xf32>
          %swap3A_1459 = arith.index_cast %add3A_1443 : i32 to index
          %swap3A_1460 = arith.constant 16 : index
          %swap3A_1461 = tpu.vector_load %arg12[%swap3A_1459, %swap3A_1460] {strides = array<i32>} : memref<128x128xf32, #tpu.memory_space<vmem>>, vector<1x16xf32>,
          %swap3A_1462 = vector.shape_cast %swap3A_1461 : vector<1x16xf32> to vector<16xf32>
          %swap3A_1463 = vector.shape_cast %mul3A_1458 : vector<16xf32> to vector<1x16xf32>
          tpu.vector_store %arg12[%swap3A_1459, %swap3A_1460], %swap3A_1463 {strides = array<i32>} : memref<128x128xf32, #tpu.memory_space<vmem>>, vector<1x16xf32>,
          %get3A_1464 = arith.index_cast %add3A_1443 : i32 to index
          %get3A_1465 = arith.constant 32 : index
          %get3A_1466 = tpu.vector_load %arg12[%get3A_1464, %get3A_1465] {strides = array<i32>} : memref<128x128xf32, #tpu.memory_space<vmem>>, vector<1x16xf32>,
          %get3A_1467 = vector.shape_cast %get3A_1466 : vector<1x16xf32> to vector<16xf32>
          %mul3A_1468 = arith.mulf %get3A_1467, %gather3A_1439 : vector<16xf32>
          %swap3A_1469 = arith.index_cast %add3A_1443 : i32 to index
          %swap3A_1470 = arith.constant 32 : index
          %swap3A_1471 = tpu.vector_load %arg12[%swap3A_1469, %swap3A_1470] {strides = array<i32>} : memref<128x128xf32, #tpu.memory_space<vmem>>, vector<1x16xf32>,
          %swap3A_1472 = vector.shape_cast %swap3A_1471 : vector<1x16xf32> to vector<16xf32>
          %swap3A_1473 = vector.shape_cast %mul3A_1468 : vector<16xf32> to vector<1x16xf32>
          tpu.vector_store %arg12[%swap3A_1469, %swap3A_1470], %swap3A_1473 {strides = array<i32>} : memref<128x128xf32, #tpu.memory_space<vmem>>, vector<1x16xf32>,
          %get3A_1474 = arith.index_cast %add3A_1443 : i32 to index
          %get3A_1475 = arith.constant 48 : index
          %get3A_1476 = tpu.vector_load %arg12[%get3A_1474, %get3A_1475] {strides = array<i32>} : memref<128x128xf32, #tpu.memory_space<vmem>>, vector<1x16xf32>,
          %get3A_1477 = vector.shape_cast %get3A_1476 : vector<1x16xf32> to vector<16xf32>
          %mul3A_1478 = arith.mulf %get3A_1477, %gather3A_1439 : vector<16xf32>
          %swap3A_1479 = arith.index_cast %add3A_1443 : i32 to index
          %swap3A_1480 = arith.constant 48 : index
          %swap3A_1481 = tpu.vector_load %arg12[%swap3A_1479, %swap3A_1480] {strides = array<i32>} : memref<128x128xf32, #tpu.memory_space<vmem>>, vector<1x16xf32>,
          %swap3A_1482 = vector.shape_cast %swap3A_1481 : vector<1x16xf32> to vector<16xf32>
          %swap3A_1483 = vector.shape_cast %mul3A_1478 : vector<16xf32> to vector<1x16xf32>
          tpu.vector_store %arg12[%swap3A_1479, %swap3A_1480], %swap3A_1483 {strides = array<i32>} : memref<128x128xf32, #tpu.memory_space<vmem>>, vector<1x16xf32>,
          %get3A_1484 = arith.index_cast %add3A_1443 : i32 to index
          %get3A_1485 = arith.constant 64 : index
          %get3A_1486 = tpu.vector_load %arg12[%get3A_1484, %get3A_1485] {strides = array<i32>} : memref<128x128xf32, #tpu.memory_space<vmem>>, vector<1x16xf32>,
          %get3A_1487 = vector.shape_cast %get3A_1486 : vector<1x16xf32> to vector<16xf32>
          %mul3A_1488 = arith.mulf %get3A_1487, %gather3A_1439 : vector<16xf32>
          %swap3A_1489 = arith.index_cast %add3A_1443 : i32 to index
          %swap3A_1490 = arith.constant 64 : index
          %swap3A_1491 = tpu.vector_load %arg12[%swap3A_1489, %swap3A_1490] {strides = array<i32>} : memref<128x128xf32, #tpu.memory_space<vmem>>, vector<1x16xf32>,
          %swap3A_1492 = vector.shape_cast %swap3A_1491 : vector<1x16xf32> to vector<16xf32>
          %swap3A_1493 = vector.shape_cast %mul3A_1488 : vector<16xf32> to vector<1x16xf32>
          tpu.vector_store %arg12[%swap3A_1489, %swap3A_1490], %swap3A_1493 {strides = array<i32>} : memref<128x128xf32, #tpu.memory_space<vmem>>, vector<1x16xf32>,
          %get3A_1494 = arith.index_cast %add3A_1443 : i32 to index
          %get3A_1495 = arith.constant 80 : index
          %get3A_1496 = tpu.vector_load %arg12[%get3A_1494, %get3A_1495] {strides = array<i32>} : memref<128x128xf32, #tpu.memory_space<vmem>>, vector<1x16xf32>,
          %get3A_1497 = vector.shape_cast %get3A_1496 : vector<1x16xf32> to vector<16xf32>
          %mul3A_1498 = arith.mulf %get3A_1497, %gather3A_1439 : vector<16xf32>
          %swap3A_1499 = arith.index_cast %add3A_1443 : i32 to index
          %swap3A_1500 = arith.constant 80 : index
          %swap3A_1501 = tpu.vector_load %arg12[%swap3A_1499, %swap3A_1500] {strides = array<i32>} : memref<128x128xf32, #tpu.memory_space<vmem>>, vector<1x16xf32>,
          %swap3A_1502 = vector.shape_cast %swap3A_1501 : vector<1x16xf32> to vector<16xf32>
          %swap3A_1503 = vector.shape_cast %mul3A_1498 : vector<16xf32> to vector<1x16xf32>
          tpu.vector_store %arg12[%swap3A_1499, %swap3A_1500], %swap3A_1503 {strides = array<i32>} : memref<128x128xf32, #tpu.memory_space<vmem>>, vector<1x16xf32>,
          %get3A_1504 = arith.index_cast %add3A_1443 : i32 to index
          %get3A_1505 = arith.constant 96 : index
          %get3A_1506 = tpu.vector_load %arg12[%get3A_1504, %get3A_1505] {strides = array<i32>} : memref<128x128xf32, #tpu.memory_space<vmem>>, vector<1x16xf32>,
          %get3A_1507 = vector.shape_cast %get3A_1506 : vector<1x16xf32> to vector<16xf32>
          %mul3A_1508 = arith.mulf %get3A_1507, %gather3A_1439 : vector<16xf32>
          %swap3A_1509 = arith.index_cast %add3A_1443 : i32 to index
          %swap3A_1510 = arith.constant 96 : index
          %swap3A_1511 = tpu.vector_load %arg12[%swap3A_1509, %swap3A_1510] {strides = array<i32>} : memref<128x128xf32, #tpu.memory_space<vmem>>, vector<1x16xf32>,
          %swap3A_1512 = vector.shape_cast %swap3A_1511 : vector<1x16xf32> to vector<16xf32>
          %swap3A_1513 = vector.shape_cast %mul3A_1508 : vector<16xf32> to vector<1x16xf32>
          tpu.vector_store %arg12[%swap3A_1509, %swap3A_1510], %swap3A_1513 {strides = array<i32>} : memref<128x128xf32, #tpu.memory_space<vmem>>, vector<1x16xf32>,
          %get3A_1514 = arith.index_cast %add3A_1443 : i32 to index
          %get3A_1515 = arith.constant 112 : index
          %get3A_1516 = tpu.vector_load %arg12[%get3A_1514, %get3A_1515] {strides = array<i32>} : memref<128x128xf32, #tpu.memory_space<vmem>>, vector<1x16xf32>,
          %get3A_1517 = vector.shape_cast %get3A_1516 : vector<1x16xf32> to vector<16xf32>
          %mul3A_1518 = arith.mulf %get3A_1517, %gather3A_1439 : vector<16xf32>
          %swap3A_1519 = arith.index_cast %add3A_1443 : i32 to index
          %swap3A_1520 = arith.constant 112 : index
          %swap3A_1521 = tpu.vector_load %arg12[%swap3A_1519, %swap3A_1520] {strides = array<i32>} : memref<128x128xf32, #tpu.memory_space<vmem>>, vector<1x16xf32>,
          %swap3A_1522 = vector.shape_cast %swap3A_1521 : vector<1x16xf32> to vector<16xf32>
          %swap3A_1523 = vector.shape_cast %mul3A_1518 : vector<16xf32> to vector<1x16xf32>
          tpu.vector_store %arg12[%swap3A_1519, %swap3A_1520], %swap3A_1523 {strides = array<i32>} : memref<128x128xf32, #tpu.memory_space<vmem>>, vector<1x16xf32>,
          %broadcast_in_dim3A_1524 = arith.constant 15 : i32
          %broadcast_in_dim3A_1525 = vector.broadcast %broadcast_in_dim3A_1524 : i32 to vector<16x1xi32>
          %gather3A_1526 = vector.shape_cast %broadcast_in_dim3A_1525 : vector<16x1xi32> to vector<16xi32>
          %gather3A_1527 = tpu.dynamic_gather %get3A_205[%gather3A_1526] in [0] : vector<16xf32>, vector<16xi32> -> vector<16xf32>
          %mul3A_1528 = arith.constant 16 : i32
          %mul3A_1529 = arith.muli %add3A_201, %mul3A_1528 : i32
          %add3A_1530 = arith.constant 15 : i32
          %add3A_1531 = arith.addi %mul3A_1529, %add3A_1530 : i32
          %get3A_1532 = arith.index_cast %add3A_1531 : i32 to index
          %get3A_1533 = arith.constant 0 : index
          %get3A_1534 = tpu.vector_load %arg12[%get3A_1532, %get3A_1533] {strides = array<i32>} : memref<128x128xf32, #tpu.memory_space<vmem>>, vector<1x16xf32>,
          %get3A_1535 = vector.shape_cast %get3A_1534 : vector<1x16xf32> to vector<16xf32>
          %mul3A_1536 = arith.mulf %get3A_1535, %gather3A_1527 : vector<16xf32>
          %swap3A_1537 = arith.index_cast %add3A_1531 : i32 to index
          %swap3A_1538 = arith.constant 0 : index
          %swap3A_1539 = tpu.vector_load %arg12[%swap3A_1537, %swap3A_1538] {strides = array<i32>} : memref<128x128xf32, #tpu.memory_space<vmem>>, vector<1x16xf32>,
          %swap3A_1540 = vector.shape_cast %swap3A_1539 : vector<1x16xf32> to vector<16xf32>
          %swap3A_1541 = vector.shape_cast %mul3A_1536 : vector<16xf32> to vector<1x16xf32>
          tpu.vector_store %arg12[%swap3A_1537, %swap3A_1538], %swap3A_1541 {strides = array<i32>} : memref<128x128xf32, #tpu.memory_space<vmem>>, vector<1x16xf32>,
          %get3A_1542 = arith.index_cast %add3A_1531 : i32 to index
          %get3A_1543 = arith.constant 16 : index
          %get3A_1544 = tpu.vector_load %arg12[%get3A_1542, %get3A_1543] {strides = array<i32>} : memref<128x128xf32, #tpu.memory_space<vmem>>, vector<1x16xf32>,
          %get3A_1545 = vector.shape_cast %get3A_1544 : vector<1x16xf32> to vector<16xf32>
          %mul3A_1546 = arith.mulf %get3A_1545, %gather3A_1527 : vector<16xf32>
          %swap3A_1547 = arith.index_cast %add3A_1531 : i32 to index
          %swap3A_1548 = arith.constant 16 : index
          %swap3A_1549 = tpu.vector_load %arg12[%swap3A_1547, %swap3A_1548] {strides = array<i32>} : memref<128x128xf32, #tpu.memory_space<vmem>>, vector<1x16xf32>,
          %swap3A_1550 = vector.shape_cast %swap3A_1549 : vector<1x16xf32> to vector<16xf32>
          %swap3A_1551 = vector.shape_cast %mul3A_1546 : vector<16xf32> to vector<1x16xf32>
          tpu.vector_store %arg12[%swap3A_1547, %swap3A_1548], %swap3A_1551 {strides = array<i32>} : memref<128x128xf32, #tpu.memory_space<vmem>>, vector<1x16xf32>,
          %get3A_1552 = arith.index_cast %add3A_1531 : i32 to index
          %get3A_1553 = arith.constant 32 : index
          %get3A_1554 = tpu.vector_load %arg12[%get3A_1552, %get3A_1553] {strides = array<i32>} : memref<128x128xf32, #tpu.memory_space<vmem>>, vector<1x16xf32>,
          %get3A_1555 = vector.shape_cast %get3A_1554 : vector<1x16xf32> to vector<16xf32>
          %mul3A_1556 = arith.mulf %get3A_1555, %gather3A_1527 : vector<16xf32>
          %swap3A_1557 = arith.index_cast %add3A_1531 : i32 to index
          %swap3A_1558 = arith.constant 32 : index
          %swap3A_1559 = tpu.vector_load %arg12[%swap3A_1557, %swap3A_1558] {strides = array<i32>} : memref<128x128xf32, #tpu.memory_space<vmem>>, vector<1x16xf32>,
          %swap3A_1560 = vector.shape_cast %swap3A_1559 : vector<1x16xf32> to vector<16xf32>
          %swap3A_1561 = vector.shape_cast %mul3A_1556 : vector<16xf32> to vector<1x16xf32>
          tpu.vector_store %arg12[%swap3A_1557, %swap3A_1558], %swap3A_1561 {strides = array<i32>} : memref<128x128xf32, #tpu.memory_space<vmem>>, vector<1x16xf32>,
          %get3A_1562 = arith.index_cast %add3A_1531 : i32 to index
          %get3A_1563 = arith.constant 48 : index
          %get3A_1564 = tpu.vector_load %arg12[%get3A_1562, %get3A_1563] {strides = array<i32>} : memref<128x128xf32, #tpu.memory_space<vmem>>, vector<1x16xf32>,
          %get3A_1565 = vector.shape_cast %get3A_1564 : vector<1x16xf32> to vector<16xf32>
          %mul3A_1566 = arith.mulf %get3A_1565, %gather3A_1527 : vector<16xf32>
          %swap3A_1567 = arith.index_cast %add3A_1531 : i32 to index
          %swap3A_1568 = arith.constant 48 : index
          %swap3A_1569 = tpu.vector_load %arg12[%swap3A_1567, %swap3A_1568] {strides = array<i32>} : memref<128x128xf32, #tpu.memory_space<vmem>>, vector<1x16xf32>,
          %swap3A_1570 = vector.shape_cast %swap3A_1569 : vector<1x16xf32> to vector<16xf32>
          %swap3A_1571 = vector.shape_cast %mul3A_1566 : vector<16xf32> to vector<1x16xf32>
          tpu.vector_store %arg12[%swap3A_1567, %swap3A_1568], %swap3A_1571 {strides = array<i32>} : memref<128x128xf32, #tpu.memory_space<vmem>>, vector<1x16xf32>,
          %get3A_1572 = arith.index_cast %add3A_1531 : i32 to index
          %get3A_1573 = arith.constant 64 : index
          %get3A_1574 = tpu.vector_load %arg12[%get3A_1572, %get3A_1573] {strides = array<i32>} : memref<128x128xf32, #tpu.memory_space<vmem>>, vector<1x16xf32>,
          %get3A_1575 = vector.shape_cast %get3A_1574 : vector<1x16xf32> to vector<16xf32>
          %mul3A_1576 = arith.mulf %get3A_1575, %gather3A_1527 : vector<16xf32>
          %swap3A_1577 = arith.index_cast %add3A_1531 : i32 to index
          %swap3A_1578 = arith.constant 64 : index
          %swap3A_1579 = tpu.vector_load %arg12[%swap3A_1577, %swap3A_1578] {strides = array<i32>} : memref<128x128xf32, #tpu.memory_space<vmem>>, vector<1x16xf32>,
          %swap3A_1580 = vector.shape_cast %swap3A_1579 : vector<1x16xf32> to vector<16xf32>
          %swap3A_1581 = vector.shape_cast %mul3A_1576 : vector<16xf32> to vector<1x16xf32>
          tpu.vector_store %arg12[%swap3A_1577, %swap3A_1578], %swap3A_1581 {strides = array<i32>} : memref<128x128xf32, #tpu.memory_space<vmem>>, vector<1x16xf32>,
          %get3A_1582 = arith.index_cast %add3A_1531 : i32 to index
          %get3A_1583 = arith.constant 80 : index
          %get3A_1584 = tpu.vector_load %arg12[%get3A_1582, %get3A_1583] {strides = array<i32>} : memref<128x128xf32, #tpu.memory_space<vmem>>, vector<1x16xf32>,
          %get3A_1585 = vector.shape_cast %get3A_1584 : vector<1x16xf32> to vector<16xf32>
          %mul3A_1586 = arith.mulf %get3A_1585, %gather3A_1527 : vector<16xf32>
          %swap3A_1587 = arith.index_cast %add3A_1531 : i32 to index
          %swap3A_1588 = arith.constant 80 : index
          %swap3A_1589 = tpu.vector_load %arg12[%swap3A_1587, %swap3A_1588] {strides = array<i32>} : memref<128x128xf32, #tpu.memory_space<vmem>>, vector<1x16xf32>,
          %swap3A_1590 = vector.shape_cast %swap3A_1589 : vector<1x16xf32> to vector<16xf32>
          %swap3A_1591 = vector.shape_cast %mul3A_1586 : vector<16xf32> to vector<1x16xf32>
          tpu.vector_store %arg12[%swap3A_1587, %swap3A_1588], %swap3A_1591 {strides = array<i32>} : memref<128x128xf32, #tpu.memory_space<vmem>>, vector<1x16xf32>,
          %get3A_1592 = arith.index_cast %add3A_1531 : i32 to index
          %get3A_1593 = arith.constant 96 : index
          %get3A_1594 = tpu.vector_load %arg12[%get3A_1592, %get3A_1593] {strides = array<i32>} : memref<128x128xf32, #tpu.memory_space<vmem>>, vector<1x16xf32>,
          %get3A_1595 = vector.shape_cast %get3A_1594 : vector<1x16xf32> to vector<16xf32>
          %mul3A_1596 = arith.mulf %get3A_1595, %gather3A_1527 : vector<16xf32>
          %swap3A_1597 = arith.index_cast %add3A_1531 : i32 to index
          %swap3A_1598 = arith.constant 96 : index
          %swap3A_1599 = tpu.vector_load %arg12[%swap3A_1597, %swap3A_1598] {strides = array<i32>} : memref<128x128xf32, #tpu.memory_space<vmem>>, vector<1x16xf32>,
          %swap3A_1600 = vector.shape_cast %swap3A_1599 : vector<1x16xf32> to vector<16xf32>
          %swap3A_1601 = vector.shape_cast %mul3A_1596 : vector<16xf32> to vector<1x16xf32>
          tpu.vector_store %arg12[%swap3A_1597, %swap3A_1598], %swap3A_1601 {strides = array<i32>} : memref<128x128xf32, #tpu.memory_space<vmem>>, vector<1x16xf32>,
          %get3A_1602 = arith.index_cast %add3A_1531 : i32 to index
          %get3A_1603 = arith.constant 112 : index
          %get3A_1604 = tpu.vector_load %arg12[%get3A_1602, %get3A_1603] {strides = array<i32>} : memref<128x128xf32, #tpu.memory_space<vmem>>, vector<1x16xf32>,
          %get3A_1605 = vector.shape_cast %get3A_1604 : vector<1x16xf32> to vector<16xf32>
          %mul3A_1606 = arith.mulf %get3A_1605, %gather3A_1527 : vector<16xf32>
          %swap3A_1607 = arith.index_cast %add3A_1531 : i32 to index
          %swap3A_1608 = arith.constant 112 : index
          %swap3A_1609 = tpu.vector_load %arg12[%swap3A_1607, %swap3A_1608] {strides = array<i32>} : memref<128x128xf32, #tpu.memory_space<vmem>>, vector<1x16xf32>,
          %swap3A_1610 = vector.shape_cast %swap3A_1609 : vector<1x16xf32> to vector<16xf32>
          %swap3A_1611 = vector.shape_cast %mul3A_1606 : vector<16xf32> to vector<1x16xf32>
          tpu.vector_store %arg12[%swap3A_1607, %swap3A_1608], %swap3A_1611 {strides = array<i32>} : memref<128x128xf32, #tpu.memory_space<vmem>>, vector<1x16xf32>,
        }
        %scan3A_171 = arith.constant 8 : i32
        %lt3A_172 = arith.constant 78 : i32
        %lt3A_173 = arith.cmpi slt, %mul3A_128, %lt3A_172 : i32
        %mul3A_174 = arith.constant 128 : i32
        %mul3A_175 = arith.muli %mul3A_128, %mul3A_174 : i32
        %add3A_176 = arith.addi %mul3A_2, %mul3A_175 : i32
        %mul3A_177 = arith.constant 128 : i32
        %mul3A_178 = arith.muli %add3A, %mul3A_177 : i32
        %add3A_179 = arith.constant 319488 : i32
        %add3A_180 = arith.addi %add3A_179, %mul3A_178 : i32
        %select_n3A_181 = arith.select %lt3A_173, %add3A_176, %add3A_180 : i32
        %add3A_182 = arith.constant 320000 : i32
        %add3A_183 = arith.addi %add3A_182, %select_n3A_181 : i32
        %dma_wait3A_184 = tpu.memref_slice %arg3[%add3A_183] : memref<640000xi32, #tpu.memory_space<hbm>> -> memref<128xi32, #tpu.memory_space<hbm>>
        %dma_wait3A_185 = tpu.memref_slice %arg3[%add3A_183] : memref<640000xi32, #tpu.memory_space<hbm>> -> memref<128xi32, #tpu.memory_space<hbm>>
        tpu.wait_dma2 semaphore(%arg15 : memref<!tpu.dma_semaphore, #tpu.memory_space<semaphore_mem>>) src(%dma_wait3A_185 : memref<128xi32, #tpu.memory_space<hbm>>) dst(%arg10 : memref<128xi32, #tpu.memory_space<vmem>>)
        "tpu.region"() ({
          %run_scoped3A = tpu.sem_alloc : memref<!tpu.dma_semaphore, #tpu.memory_space<semaphore_mem>>
          %dma_start3A_197 = arith.constant 0 : i32
          %dma_start3A_198 = arith.constant 0 : i32
          %dma_start3A_199 = tpu.memref_slice %arg6[%dma_start3A_197, %dma_start3A_198] : memref<10000x128xf32, #tpu.memory_space<vmem_shared>> -> memref<10000x128xf32, #tpu.memory_space<vmem_shared>>
          tpu.enqueue_indirect_dma source(%arg12 : memref<128x128xf32, #tpu.memory_space<vmem>>) target(%dma_start3A_199 : memref<10000x128xf32, #tpu.memory_space<vmem_shared>>) offsets(%arg10 : memref<128xi32, #tpu.memory_space<vmem>>) semaphore(%run_scoped3A : memref<!tpu.dma_semaphore, #tpu.memory_space<semaphore_mem>>) {add = true}
          %dma_wait3A_200 = arith.constant 0 : i32
          %dma_wait3A_201 = arith.constant 0 : i32
          %dma_wait3A_202 = tpu.memref_slice %arg6[%dma_wait3A_200, %dma_wait3A_201] : memref<10000x128xf32, #tpu.memory_space<vmem_shared>> -> memref<10000x128xf32, #tpu.memory_space<vmem_shared>>
          tpu.wait_indirect_dma semaphore(%run_scoped3A : memref<!tpu.dma_semaphore, #tpu.memory_space<semaphore_mem>>) src(%arg12 : memref<128x128xf32, #tpu.memory_space<vmem>>) dst(%dma_wait3A_202 : memref<10000x128xf32, #tpu.memory_space<vmem_shared>>)
          tpu.yield
        }) : () -> ()
        %add3A_186 = arith.constant 2 : i32
        %add3A_187 = arith.addi %mul3A_128, %add3A_186 : i32
        %lt3A_188 = arith.constant 78 : i32
        %lt3A_189 = arith.cmpi slt, %add3A_187, %lt3A_188 : i32
        %lt3A_190 = arith.constant 79 : i32
        %lt3A_191 = arith.cmpi slt, %add3A_187, %lt3A_190 : i32
        %and3A_192 = arith.andi %lt3A_191, %lt3A_3 : i1
        %or3A_193 = arith.ori %lt3A_189, %and3A_192 : i1
        %convert_element_type3A_194 = arith.extui %or3A_193 : i1 to i32
        %cond3A_195 = arith.constant 0 : i32
        %cond3A_196 = arith.cmpi ne, %convert_element_type3A_194, %cond3A_195 : i32
        scf.if %cond3A_196 {
          %add3A_197 = arith.constant 2 : i32
          %add3A_198 = arith.addi %mul3A_128, %add3A_197 : i32
          %lt3A_199 = arith.constant 78 : i32
          %lt3A_200 = arith.cmpi slt, %add3A_198, %lt3A_199 : i32
          %mul3A_201 = arith.constant 128 : i32
          %mul3A_202 = arith.muli %add3A_198, %mul3A_201 : i32
          %add3A_203 = arith.addi %mul3A_2, %mul3A_202 : i32
          %mul3A_204 = arith.constant 128 : i32
          %mul3A_205 = arith.muli %add3A, %mul3A_204 : i32
          %add3A_206 = arith.constant 319488 : i32
          %add3A_207 = arith.addi %add3A_206, %mul3A_205 : i32
          %select_n3A_208 = arith.select %lt3A_200, %add3A_203, %add3A_207 : i32
          %add3A_209 = arith.constant 320000 : i32
          %add3A_210 = arith.addi %add3A_209, %select_n3A_208 : i32
          %dma_start3A_211 = tpu.memref_slice %arg3[%add3A_210] : memref<640000xi32, #tpu.memory_space<hbm>> -> memref<128xi32, #tpu.memory_space<hbm>>
          %dma_start3A_212 = tpu.memref_slice %arg3[%add3A_210] : memref<640000xi32, #tpu.memory_space<hbm>> -> memref<128xi32, #tpu.memory_space<hbm>>
          tpu.enqueue_dma source(%dma_start3A_212 : memref<128xi32, #tpu.memory_space<hbm>>) target(%arg10 : memref<128xi32, #tpu.memory_space<vmem>>) target_semaphore(%arg15 : memref<!tpu.dma_semaphore, #tpu.memory_space<semaphore_mem>>)
          %lt3A_213 = arith.constant 78 : i32
          %lt3A_214 = arith.cmpi slt, %add3A_198, %lt3A_213 : i32
          %mul3A_215 = arith.constant 128 : i32
          %mul3A_216 = arith.muli %add3A_198, %mul3A_215 : i32
          %add3A_217 = arith.addi %mul3A_2, %mul3A_216 : i32
          %mul3A_218 = arith.constant 128 : i32
          %mul3A_219 = arith.muli %add3A, %mul3A_218 : i32
          %add3A_220 = arith.constant 319488 : i32
          %add3A_221 = arith.addi %add3A_220, %mul3A_219 : i32
          %select_n3A_222 = arith.select %lt3A_214, %add3A_217, %add3A_221 : i32
          %dma_start3A_223 = tpu.memref_slice %arg4[%select_n3A_222] : memref<320000xf32, #tpu.memory_space<hbm>> -> memref<128xf32, #tpu.memory_space<hbm>>
          %dma_start3A_224 = tpu.memref_slice %arg4[%select_n3A_222] : memref<320000xf32, #tpu.memory_space<hbm>> -> memref<128xf32, #tpu.memory_space<hbm>>
          tpu.enqueue_dma source(%dma_start3A_224 : memref<128xf32, #tpu.memory_space<hbm>>) target(%arg8 : memref<128xf32, #tpu.memory_space<vmem>>) target_semaphore(%arg15 : memref<!tpu.dma_semaphore, #tpu.memory_space<semaphore_mem>>)
          %mul3A_225 = arith.constant 128 : i32
          %mul3A_226 = arith.muli %add3A_198, %mul3A_225 : i32
          %dma_start3A_227 = tpu.memref_slice %arg7[%mul3A_226] : memref<10112xi32, #tpu.memory_space<vmem>> -> memref<128xi32, #tpu.memory_space<vmem>>
          %dma_start3A_228 = arith.constant 0 : i32
          %dma_start3A_229 = arith.constant 0 : i32
          %dma_start3A_230 = tpu.memref_slice %arg2[%dma_start3A_228, %dma_start3A_229] : memref<10000x128xf32, #tpu.memory_space<hbm>> -> memref<10000x128xf32, #tpu.memory_space<hbm>>
          tpu.enqueue_indirect_dma source(%dma_start3A_230 : memref<10000x128xf32, #tpu.memory_space<hbm>>) target(%arg12 : memref<128x128xf32, #tpu.memory_space<vmem>>) offsets(%dma_start3A_227 : memref<128xi32, #tpu.memory_space<vmem>>) semaphore(%arg17 : memref<!tpu.dma_semaphore, #tpu.memory_space<semaphore_mem>>)
        } else {
        }
      } else {
      }
      %mul3A_136 = arith.constant 2 : i32
      %mul3A_137 = arith.muli %mul3A_136, %add3A_126 : i32
      %add3A_138 = arith.constant 1 : i32
      %add3A_139 = arith.addi %mul3A_137, %add3A_138 : i32
      %lt3A_140 = arith.constant 78 : i32
      %lt3A_141 = arith.cmpi slt, %add3A_139, %lt3A_140 : i32
      %lt3A_142 = arith.constant 79 : i32
      %lt3A_143 = arith.cmpi slt, %add3A_139, %lt3A_142 : i32
      %and3A_144 = arith.andi %lt3A_143, %lt3A_3 : i1
      %or3A_145 = arith.ori %lt3A_141, %and3A_144 : i1
      %convert_element_type3A_146 = arith.extui %or3A_145 : i1 to i32
      %cond3A_147 = arith.constant 0 : i32
      %cond3A_148 = arith.cmpi ne, %convert_element_type3A_146, %cond3A_147 : i32
      scf.if %cond3A_148 {
        %mul3A_149 = arith.constant 128 : i32
        %mul3A_150 = arith.muli %add3A_139, %mul3A_149 : i32
        %dma_wait3A_151 = tpu.memref_slice %arg7[%mul3A_150] : memref<10112xi32, #tpu.memory_space<vmem>> -> memref<128xi32, #tpu.memory_space<vmem>>
        %dma_wait3A_152 = arith.constant 0 : i32
        %dma_wait3A_153 = arith.constant 0 : i32
        %dma_wait3A_154 = tpu.memref_slice %arg2[%dma_wait3A_152, %dma_wait3A_153] : memref<10000x128xf32, #tpu.memory_space<hbm>> -> memref<10000x128xf32, #tpu.memory_space<hbm>>
        tpu.wait_indirect_dma semaphore(%arg18 : memref<!tpu.dma_semaphore, #tpu.memory_space<semaphore_mem>>) src(%dma_wait3A_154 : memref<10000x128xf32, #tpu.memory_space<hbm>>) dst(%arg13 : memref<128x128xf32, #tpu.memory_space<vmem>>)
        %lt3A_155 = arith.constant 78 : i32
        %lt3A_156 = arith.cmpi slt, %add3A_139, %lt3A_155 : i32
        %mul3A_157 = arith.constant 128 : i32
        %mul3A_158 = arith.muli %add3A_139, %mul3A_157 : i32
        %add3A_159 = arith.addi %mul3A_2, %mul3A_158 : i32
        %mul3A_160 = arith.constant 128 : i32
        %mul3A_161 = arith.muli %add3A, %mul3A_160 : i32
        %add3A_162 = arith.constant 319488 : i32
        %add3A_163 = arith.addi %add3A_162, %mul3A_161 : i32
        %select_n3A_164 = arith.select %lt3A_156, %add3A_159, %add3A_163 : i32
        %dma_wait3A_165 = tpu.memref_slice %arg4[%select_n3A_164] : memref<320000xf32, #tpu.memory_space<hbm>> -> memref<128xf32, #tpu.memory_space<hbm>>
        %dma_wait3A_166 = tpu.memref_slice %arg4[%select_n3A_164] : memref<320000xf32, #tpu.memory_space<hbm>> -> memref<128xf32, #tpu.memory_space<hbm>>
        tpu.wait_dma2 semaphore(%arg16 : memref<!tpu.dma_semaphore, #tpu.memory_space<semaphore_mem>>) src(%dma_wait3A_166 : memref<128xf32, #tpu.memory_space<hbm>>) dst(%arg9 : memref<128xf32, #tpu.memory_space<vmem>>)
        %scan3A_167 = arith.constant 0 : i32
        %scan3A_168 = arith.constant 8 : i32
        %scan3A_169 = arith.addi %scan3A_167, %scan3A_168 : i32
        %scan3A_170 = arith.constant 1 : i32
        scf.for %scan3A_197 = %scan3A_167 to %scan3A_169 step %scan3A_170  : i32 {
          %mul3A_198 = arith.constant 1 : i32
          %mul3A_199 = arith.muli %scan3A_197, %mul3A_198 : i32
          %add3A_200 = arith.constant 0 : i32
          %add3A_201 = arith.addi %add3A_200, %mul3A_199 : i32
          %mul3A_202 = arith.constant 16 : i32
          %mul3A_203 = arith.muli %add3A_201, %mul3A_202 : i32
          %get3A = arith.index_cast %mul3A_203 : i32 to index
          %get3A_204 = tpu.vector_load %arg9[%get3A] {strides = array<i32>} : memref<128xf32, #tpu.memory_space<vmem>>, vector<16xf32>,
          %get3A_205 = vector.shape_cast %get3A_204 : vector<16xf32> to vector<16xf32>
          %broadcast_in_dim3A_206 = arith.constant 0 : i32
          %broadcast_in_dim3A_207 = vector.broadcast %broadcast_in_dim3A_206 : i32 to vector<16x1xi32>
          %gather3A = vector.shape_cast %broadcast_in_dim3A_207 : vector<16x1xi32> to vector<16xi32>
          %gather3A_208 = tpu.dynamic_gather %get3A_205[%gather3A] in [0] : vector<16xf32>, vector<16xi32> -> vector<16xf32>
          %mul3A_209 = arith.constant 16 : i32
          %mul3A_210 = arith.muli %add3A_201, %mul3A_209 : i32
          %add3A_211 = arith.constant 0 : i32
          %add3A_212 = arith.addi %mul3A_210, %add3A_211 : i32
          %get3A_213 = arith.index_cast %add3A_212 : i32 to index
          %get3A_214 = arith.constant 0 : index
          %get3A_215 = tpu.vector_load %arg13[%get3A_213, %get3A_214] {strides = array<i32>} : memref<128x128xf32, #tpu.memory_space<vmem>>, vector<1x16xf32>,
          %get3A_216 = vector.shape_cast %get3A_215 : vector<1x16xf32> to vector<16xf32>
          %mul3A_217 = arith.mulf %get3A_216, %gather3A_208 : vector<16xf32>
          %swap3A = arith.index_cast %add3A_212 : i32 to index
          %swap3A_218 = arith.constant 0 : index
          %swap3A_219 = tpu.vector_load %arg13[%swap3A, %swap3A_218] {strides = array<i32>} : memref<128x128xf32, #tpu.memory_space<vmem>>, vector<1x16xf32>,
          %swap3A_220 = vector.shape_cast %swap3A_219 : vector<1x16xf32> to vector<16xf32>
          %swap3A_221 = vector.shape_cast %mul3A_217 : vector<16xf32> to vector<1x16xf32>
          tpu.vector_store %arg13[%swap3A, %swap3A_218], %swap3A_221 {strides = array<i32>} : memref<128x128xf32, #tpu.memory_space<vmem>>, vector<1x16xf32>,
          %get3A_222 = arith.index_cast %add3A_212 : i32 to index
          %get3A_223 = arith.constant 16 : index
          %get3A_224 = tpu.vector_load %arg13[%get3A_222, %get3A_223] {strides = array<i32>} : memref<128x128xf32, #tpu.memory_space<vmem>>, vector<1x16xf32>,
          %get3A_225 = vector.shape_cast %get3A_224 : vector<1x16xf32> to vector<16xf32>
          %mul3A_226 = arith.mulf %get3A_225, %gather3A_208 : vector<16xf32>
          %swap3A_227 = arith.index_cast %add3A_212 : i32 to index
          %swap3A_228 = arith.constant 16 : index
          %swap3A_229 = tpu.vector_load %arg13[%swap3A_227, %swap3A_228] {strides = array<i32>} : memref<128x128xf32, #tpu.memory_space<vmem>>, vector<1x16xf32>,
          %swap3A_230 = vector.shape_cast %swap3A_229 : vector<1x16xf32> to vector<16xf32>
          %swap3A_231 = vector.shape_cast %mul3A_226 : vector<16xf32> to vector<1x16xf32>
          tpu.vector_store %arg13[%swap3A_227, %swap3A_228], %swap3A_231 {strides = array<i32>} : memref<128x128xf32, #tpu.memory_space<vmem>>, vector<1x16xf32>,
          %get3A_232 = arith.index_cast %add3A_212 : i32 to index
          %get3A_233 = arith.constant 32 : index
          %get3A_234 = tpu.vector_load %arg13[%get3A_232, %get3A_233] {strides = array<i32>} : memref<128x128xf32, #tpu.memory_space<vmem>>, vector<1x16xf32>,
          %get3A_235 = vector.shape_cast %get3A_234 : vector<1x16xf32> to vector<16xf32>
          %mul3A_236 = arith.mulf %get3A_235, %gather3A_208 : vector<16xf32>
          %swap3A_237 = arith.index_cast %add3A_212 : i32 to index
          %swap3A_238 = arith.constant 32 : index
          %swap3A_239 = tpu.vector_load %arg13[%swap3A_237, %swap3A_238] {strides = array<i32>} : memref<128x128xf32, #tpu.memory_space<vmem>>, vector<1x16xf32>,
          %swap3A_240 = vector.shape_cast %swap3A_239 : vector<1x16xf32> to vector<16xf32>
          %swap3A_241 = vector.shape_cast %mul3A_236 : vector<16xf32> to vector<1x16xf32>
          tpu.vector_store %arg13[%swap3A_237, %swap3A_238], %swap3A_241 {strides = array<i32>} : memref<128x128xf32, #tpu.memory_space<vmem>>, vector<1x16xf32>,
          %get3A_242 = arith.index_cast %add3A_212 : i32 to index
          %get3A_243 = arith.constant 48 : index
          %get3A_244 = tpu.vector_load %arg13[%get3A_242, %get3A_243] {strides = array<i32>} : memref<128x128xf32, #tpu.memory_space<vmem>>, vector<1x16xf32>,
          %get3A_245 = vector.shape_cast %get3A_244 : vector<1x16xf32> to vector<16xf32>
          %mul3A_246 = arith.mulf %get3A_245, %gather3A_208 : vector<16xf32>
          %swap3A_247 = arith.index_cast %add3A_212 : i32 to index
          %swap3A_248 = arith.constant 48 : index
          %swap3A_249 = tpu.vector_load %arg13[%swap3A_247, %swap3A_248] {strides = array<i32>} : memref<128x128xf32, #tpu.memory_space<vmem>>, vector<1x16xf32>,
          %swap3A_250 = vector.shape_cast %swap3A_249 : vector<1x16xf32> to vector<16xf32>
          %swap3A_251 = vector.shape_cast %mul3A_246 : vector<16xf32> to vector<1x16xf32>
          tpu.vector_store %arg13[%swap3A_247, %swap3A_248], %swap3A_251 {strides = array<i32>} : memref<128x128xf32, #tpu.memory_space<vmem>>, vector<1x16xf32>,
          %get3A_252 = arith.index_cast %add3A_212 : i32 to index
          %get3A_253 = arith.constant 64 : index
          %get3A_254 = tpu.vector_load %arg13[%get3A_252, %get3A_253] {strides = array<i32>} : memref<128x128xf32, #tpu.memory_space<vmem>>, vector<1x16xf32>,
          %get3A_255 = vector.shape_cast %get3A_254 : vector<1x16xf32> to vector<16xf32>
          %mul3A_256 = arith.mulf %get3A_255, %gather3A_208 : vector<16xf32>
          %swap3A_257 = arith.index_cast %add3A_212 : i32 to index
          %swap3A_258 = arith.constant 64 : index
          %swap3A_259 = tpu.vector_load %arg13[%swap3A_257, %swap3A_258] {strides = array<i32>} : memref<128x128xf32, #tpu.memory_space<vmem>>, vector<1x16xf32>,
          %swap3A_260 = vector.shape_cast %swap3A_259 : vector<1x16xf32> to vector<16xf32>
          %swap3A_261 = vector.shape_cast %mul3A_256 : vector<16xf32> to vector<1x16xf32>
          tpu.vector_store %arg13[%swap3A_257, %swap3A_258], %swap3A_261 {strides = array<i32>} : memref<128x128xf32, #tpu.memory_space<vmem>>, vector<1x16xf32>,
          %get3A_262 = arith.index_cast %add3A_212 : i32 to index
          %get3A_263 = arith.constant 80 : index
          %get3A_264 = tpu.vector_load %arg13[%get3A_262, %get3A_263] {strides = array<i32>} : memref<128x128xf32, #tpu.memory_space<vmem>>, vector<1x16xf32>,
          %get3A_265 = vector.shape_cast %get3A_264 : vector<1x16xf32> to vector<16xf32>
          %mul3A_266 = arith.mulf %get3A_265, %gather3A_208 : vector<16xf32>
          %swap3A_267 = arith.index_cast %add3A_212 : i32 to index
          %swap3A_268 = arith.constant 80 : index
          %swap3A_269 = tpu.vector_load %arg13[%swap3A_267, %swap3A_268] {strides = array<i32>} : memref<128x128xf32, #tpu.memory_space<vmem>>, vector<1x16xf32>,
          %swap3A_270 = vector.shape_cast %swap3A_269 : vector<1x16xf32> to vector<16xf32>
          %swap3A_271 = vector.shape_cast %mul3A_266 : vector<16xf32> to vector<1x16xf32>
          tpu.vector_store %arg13[%swap3A_267, %swap3A_268], %swap3A_271 {strides = array<i32>} : memref<128x128xf32, #tpu.memory_space<vmem>>, vector<1x16xf32>,
          %get3A_272 = arith.index_cast %add3A_212 : i32 to index
          %get3A_273 = arith.constant 96 : index
          %get3A_274 = tpu.vector_load %arg13[%get3A_272, %get3A_273] {strides = array<i32>} : memref<128x128xf32, #tpu.memory_space<vmem>>, vector<1x16xf32>,
          %get3A_275 = vector.shape_cast %get3A_274 : vector<1x16xf32> to vector<16xf32>
          %mul3A_276 = arith.mulf %get3A_275, %gather3A_208 : vector<16xf32>
          %swap3A_277 = arith.index_cast %add3A_212 : i32 to index
          %swap3A_278 = arith.constant 96 : index
          %swap3A_279 = tpu.vector_load %arg13[%swap3A_277, %swap3A_278] {strides = array<i32>} : memref<128x128xf32, #tpu.memory_space<vmem>>, vector<1x16xf32>,
          %swap3A_280 = vector.shape_cast %swap3A_279 : vector<1x16xf32> to vector<16xf32>
          %swap3A_281 = vector.shape_cast %mul3A_276 : vector<16xf32> to vector<1x16xf32>
          tpu.vector_store %arg13[%swap3A_277, %swap3A_278], %swap3A_281 {strides = array<i32>} : memref<128x128xf32, #tpu.memory_space<vmem>>, vector<1x16xf32>,
          %get3A_282 = arith.index_cast %add3A_212 : i32 to index
          %get3A_283 = arith.constant 112 : index
          %get3A_284 = tpu.vector_load %arg13[%get3A_282, %get3A_283] {strides = array<i32>} : memref<128x128xf32, #tpu.memory_space<vmem>>, vector<1x16xf32>,
          %get3A_285 = vector.shape_cast %get3A_284 : vector<1x16xf32> to vector<16xf32>
          %mul3A_286 = arith.mulf %get3A_285, %gather3A_208 : vector<16xf32>
          %swap3A_287 = arith.index_cast %add3A_212 : i32 to index
          %swap3A_288 = arith.constant 112 : index
          %swap3A_289 = tpu.vector_load %arg13[%swap3A_287, %swap3A_288] {strides = array<i32>} : memref<128x128xf32, #tpu.memory_space<vmem>>, vector<1x16xf32>,
          %swap3A_290 = vector.shape_cast %swap3A_289 : vector<1x16xf32> to vector<16xf32>
          %swap3A_291 = vector.shape_cast %mul3A_286 : vector<16xf32> to vector<1x16xf32>
          tpu.vector_store %arg13[%swap3A_287, %swap3A_288], %swap3A_291 {strides = array<i32>} : memref<128x128xf32, #tpu.memory_space<vmem>>, vector<1x16xf32>,
          %broadcast_in_dim3A_292 = arith.constant 1 : i32
          %broadcast_in_dim3A_293 = vector.broadcast %broadcast_in_dim3A_292 : i32 to vector<16x1xi32>
          %gather3A_294 = vector.shape_cast %broadcast_in_dim3A_293 : vector<16x1xi32> to vector<16xi32>
          %gather3A_295 = tpu.dynamic_gather %get3A_205[%gather3A_294] in [0] : vector<16xf32>, vector<16xi32> -> vector<16xf32>
          %mul3A_296 = arith.constant 16 : i32
          %mul3A_297 = arith.muli %add3A_201, %mul3A_296 : i32
          %add3A_298 = arith.constant 1 : i32
          %add3A_299 = arith.addi %mul3A_297, %add3A_298 : i32
          %get3A_300 = arith.index_cast %add3A_299 : i32 to index
          %get3A_301 = arith.constant 0 : index
          %get3A_302 = tpu.vector_load %arg13[%get3A_300, %get3A_301] {strides = array<i32>} : memref<128x128xf32, #tpu.memory_space<vmem>>, vector<1x16xf32>,
          %get3A_303 = vector.shape_cast %get3A_302 : vector<1x16xf32> to vector<16xf32>
          %mul3A_304 = arith.mulf %get3A_303, %gather3A_295 : vector<16xf32>
          %swap3A_305 = arith.index_cast %add3A_299 : i32 to index
          %swap3A_306 = arith.constant 0 : index
          %swap3A_307 = tpu.vector_load %arg13[%swap3A_305, %swap3A_306] {strides = array<i32>} : memref<128x128xf32, #tpu.memory_space<vmem>>, vector<1x16xf32>,
          %swap3A_308 = vector.shape_cast %swap3A_307 : vector<1x16xf32> to vector<16xf32>
          %swap3A_309 = vector.shape_cast %mul3A_304 : vector<16xf32> to vector<1x16xf32>
          tpu.vector_store %arg13[%swap3A_305, %swap3A_306], %swap3A_309 {strides = array<i32>} : memref<128x128xf32, #tpu.memory_space<vmem>>, vector<1x16xf32>,
          %get3A_310 = arith.index_cast %add3A_299 : i32 to index
          %get3A_311 = arith.constant 16 : index
          %get3A_312 = tpu.vector_load %arg13[%get3A_310, %get3A_311] {strides = array<i32>} : memref<128x128xf32, #tpu.memory_space<vmem>>, vector<1x16xf32>,
          %get3A_313 = vector.shape_cast %get3A_312 : vector<1x16xf32> to vector<16xf32>
          %mul3A_314 = arith.mulf %get3A_313, %gather3A_295 : vector<16xf32>
          %swap3A_315 = arith.index_cast %add3A_299 : i32 to index
          %swap3A_316 = arith.constant 16 : index
          %swap3A_317 = tpu.vector_load %arg13[%swap3A_315, %swap3A_316] {strides = array<i32>} : memref<128x128xf32, #tpu.memory_space<vmem>>, vector<1x16xf32>,
          %swap3A_318 = vector.shape_cast %swap3A_317 : vector<1x16xf32> to vector<16xf32>
          %swap3A_319 = vector.shape_cast %mul3A_314 : vector<16xf32> to vector<1x16xf32>
          tpu.vector_store %arg13[%swap3A_315, %swap3A_316], %swap3A_319 {strides = array<i32>} : memref<128x128xf32, #tpu.memory_space<vmem>>, vector<1x16xf32>,
          %get3A_320 = arith.index_cast %add3A_299 : i32 to index
          %get3A_321 = arith.constant 32 : index
          %get3A_322 = tpu.vector_load %arg13[%get3A_320, %get3A_321] {strides = array<i32>} : memref<128x128xf32, #tpu.memory_space<vmem>>, vector<1x16xf32>,
          %get3A_323 = vector.shape_cast %get3A_322 : vector<1x16xf32> to vector<16xf32>
          %mul3A_324 = arith.mulf %get3A_323, %gather3A_295 : vector<16xf32>
          %swap3A_325 = arith.index_cast %add3A_299 : i32 to index
          %swap3A_326 = arith.constant 32 : index
          %swap3A_327 = tpu.vector_load %arg13[%swap3A_325, %swap3A_326] {strides = array<i32>} : memref<128x128xf32, #tpu.memory_space<vmem>>, vector<1x16xf32>,
          %swap3A_328 = vector.shape_cast %swap3A_327 : vector<1x16xf32> to vector<16xf32>
          %swap3A_329 = vector.shape_cast %mul3A_324 : vector<16xf32> to vector<1x16xf32>
          tpu.vector_store %arg13[%swap3A_325, %swap3A_326], %swap3A_329 {strides = array<i32>} : memref<128x128xf32, #tpu.memory_space<vmem>>, vector<1x16xf32>,
          %get3A_330 = arith.index_cast %add3A_299 : i32 to index
          %get3A_331 = arith.constant 48 : index
          %get3A_332 = tpu.vector_load %arg13[%get3A_330, %get3A_331] {strides = array<i32>} : memref<128x128xf32, #tpu.memory_space<vmem>>, vector<1x16xf32>,
          %get3A_333 = vector.shape_cast %get3A_332 : vector<1x16xf32> to vector<16xf32>
          %mul3A_334 = arith.mulf %get3A_333, %gather3A_295 : vector<16xf32>
          %swap3A_335 = arith.index_cast %add3A_299 : i32 to index
          %swap3A_336 = arith.constant 48 : index
          %swap3A_337 = tpu.vector_load %arg13[%swap3A_335, %swap3A_336] {strides = array<i32>} : memref<128x128xf32, #tpu.memory_space<vmem>>, vector<1x16xf32>,
          %swap3A_338 = vector.shape_cast %swap3A_337 : vector<1x16xf32> to vector<16xf32>
          %swap3A_339 = vector.shape_cast %mul3A_334 : vector<16xf32> to vector<1x16xf32>
          tpu.vector_store %arg13[%swap3A_335, %swap3A_336], %swap3A_339 {strides = array<i32>} : memref<128x128xf32, #tpu.memory_space<vmem>>, vector<1x16xf32>,
          %get3A_340 = arith.index_cast %add3A_299 : i32 to index
          %get3A_341 = arith.constant 64 : index
          %get3A_342 = tpu.vector_load %arg13[%get3A_340, %get3A_341] {strides = array<i32>} : memref<128x128xf32, #tpu.memory_space<vmem>>, vector<1x16xf32>,
          %get3A_343 = vector.shape_cast %get3A_342 : vector<1x16xf32> to vector<16xf32>
          %mul3A_344 = arith.mulf %get3A_343, %gather3A_295 : vector<16xf32>
          %swap3A_345 = arith.index_cast %add3A_299 : i32 to index
          %swap3A_346 = arith.constant 64 : index
          %swap3A_347 = tpu.vector_load %arg13[%swap3A_345, %swap3A_346] {strides = array<i32>} : memref<128x128xf32, #tpu.memory_space<vmem>>, vector<1x16xf32>,
          %swap3A_348 = vector.shape_cast %swap3A_347 : vector<1x16xf32> to vector<16xf32>
          %swap3A_349 = vector.shape_cast %mul3A_344 : vector<16xf32> to vector<1x16xf32>
          tpu.vector_store %arg13[%swap3A_345, %swap3A_346], %swap3A_349 {strides = array<i32>} : memref<128x128xf32, #tpu.memory_space<vmem>>, vector<1x16xf32>,
          %get3A_350 = arith.index_cast %add3A_299 : i32 to index
          %get3A_351 = arith.constant 80 : index
          %get3A_352 = tpu.vector_load %arg13[%get3A_350, %get3A_351] {strides = array<i32>} : memref<128x128xf32, #tpu.memory_space<vmem>>, vector<1x16xf32>,
          %get3A_353 = vector.shape_cast %get3A_352 : vector<1x16xf32> to vector<16xf32>
          %mul3A_354 = arith.mulf %get3A_353, %gather3A_295 : vector<16xf32>
          %swap3A_355 = arith.index_cast %add3A_299 : i32 to index
          %swap3A_356 = arith.constant 80 : index
          %swap3A_357 = tpu.vector_load %arg13[%swap3A_355, %swap3A_356] {strides = array<i32>} : memref<128x128xf32, #tpu.memory_space<vmem>>, vector<1x16xf32>,
          %swap3A_358 = vector.shape_cast %swap3A_357 : vector<1x16xf32> to vector<16xf32>
          %swap3A_359 = vector.shape_cast %mul3A_354 : vector<16xf32> to vector<1x16xf32>
          tpu.vector_store %arg13[%swap3A_355, %swap3A_356], %swap3A_359 {strides = array<i32>} : memref<128x128xf32, #tpu.memory_space<vmem>>, vector<1x16xf32>,
          %get3A_360 = arith.index_cast %add3A_299 : i32 to index
          %get3A_361 = arith.constant 96 : index
          %get3A_362 = tpu.vector_load %arg13[%get3A_360, %get3A_361] {strides = array<i32>} : memref<128x128xf32, #tpu.memory_space<vmem>>, vector<1x16xf32>,
          %get3A_363 = vector.shape_cast %get3A_362 : vector<1x16xf32> to vector<16xf32>
          %mul3A_364 = arith.mulf %get3A_363, %gather3A_295 : vector<16xf32>
          %swap3A_365 = arith.index_cast %add3A_299 : i32 to index
          %swap3A_366 = arith.constant 96 : index
          %swap3A_367 = tpu.vector_load %arg13[%swap3A_365, %swap3A_366] {strides = array<i32>} : memref<128x128xf32, #tpu.memory_space<vmem>>, vector<1x16xf32>,
          %swap3A_368 = vector.shape_cast %swap3A_367 : vector<1x16xf32> to vector<16xf32>
          %swap3A_369 = vector.shape_cast %mul3A_364 : vector<16xf32> to vector<1x16xf32>
          tpu.vector_store %arg13[%swap3A_365, %swap3A_366], %swap3A_369 {strides = array<i32>} : memref<128x128xf32, #tpu.memory_space<vmem>>, vector<1x16xf32>,
          %get3A_370 = arith.index_cast %add3A_299 : i32 to index
          %get3A_371 = arith.constant 112 : index
          %get3A_372 = tpu.vector_load %arg13[%get3A_370, %get3A_371] {strides = array<i32>} : memref<128x128xf32, #tpu.memory_space<vmem>>, vector<1x16xf32>,
          %get3A_373 = vector.shape_cast %get3A_372 : vector<1x16xf32> to vector<16xf32>
          %mul3A_374 = arith.mulf %get3A_373, %gather3A_295 : vector<16xf32>
          %swap3A_375 = arith.index_cast %add3A_299 : i32 to index
          %swap3A_376 = arith.constant 112 : index
          %swap3A_377 = tpu.vector_load %arg13[%swap3A_375, %swap3A_376] {strides = array<i32>} : memref<128x128xf32, #tpu.memory_space<vmem>>, vector<1x16xf32>,
          %swap3A_378 = vector.shape_cast %swap3A_377 : vector<1x16xf32> to vector<16xf32>
          %swap3A_379 = vector.shape_cast %mul3A_374 : vector<16xf32> to vector<1x16xf32>
          tpu.vector_store %arg13[%swap3A_375, %swap3A_376], %swap3A_379 {strides = array<i32>} : memref<128x128xf32, #tpu.memory_space<vmem>>, vector<1x16xf32>,
          %broadcast_in_dim3A_380 = arith.constant 2 : i32
          %broadcast_in_dim3A_381 = vector.broadcast %broadcast_in_dim3A_380 : i32 to vector<16x1xi32>
          %gather3A_382 = vector.shape_cast %broadcast_in_dim3A_381 : vector<16x1xi32> to vector<16xi32>
          %gather3A_383 = tpu.dynamic_gather %get3A_205[%gather3A_382] in [0] : vector<16xf32>, vector<16xi32> -> vector<16xf32>
          %mul3A_384 = arith.constant 16 : i32
          %mul3A_385 = arith.muli %add3A_201, %mul3A_384 : i32
          %add3A_386 = arith.constant 2 : i32
          %add3A_387 = arith.addi %mul3A_385, %add3A_386 : i32
          %get3A_388 = arith.index_cast %add3A_387 : i32 to index
          %get3A_389 = arith.constant 0 : index
          %get3A_390 = tpu.vector_load %arg13[%get3A_388, %get3A_389] {strides = array<i32>} : memref<128x128xf32, #tpu.memory_space<vmem>>, vector<1x16xf32>,
          %get3A_391 = vector.shape_cast %get3A_390 : vector<1x16xf32> to vector<16xf32>
          %mul3A_392 = arith.mulf %get3A_391, %gather3A_383 : vector<16xf32>
          %swap3A_393 = arith.index_cast %add3A_387 : i32 to index
          %swap3A_394 = arith.constant 0 : index
          %swap3A_395 = tpu.vector_load %arg13[%swap3A_393, %swap3A_394] {strides = array<i32>} : memref<128x128xf32, #tpu.memory_space<vmem>>, vector<1x16xf32>,
          %swap3A_396 = vector.shape_cast %swap3A_395 : vector<1x16xf32> to vector<16xf32>
          %swap3A_397 = vector.shape_cast %mul3A_392 : vector<16xf32> to vector<1x16xf32>
          tpu.vector_store %arg13[%swap3A_393, %swap3A_394], %swap3A_397 {strides = array<i32>} : memref<128x128xf32, #tpu.memory_space<vmem>>, vector<1x16xf32>,
          %get3A_398 = arith.index_cast %add3A_387 : i32 to index
          %get3A_399 = arith.constant 16 : index
          %get3A_400 = tpu.vector_load %arg13[%get3A_398, %get3A_399] {strides = array<i32>} : memref<128x128xf32, #tpu.memory_space<vmem>>, vector<1x16xf32>,
          %get3A_401 = vector.shape_cast %get3A_400 : vector<1x16xf32> to vector<16xf32>
          %mul3A_402 = arith.mulf %get3A_401, %gather3A_383 : vector<16xf32>
          %swap3A_403 = arith.index_cast %add3A_387 : i32 to index
          %swap3A_404 = arith.constant 16 : index
          %swap3A_405 = tpu.vector_load %arg13[%swap3A_403, %swap3A_404] {strides = array<i32>} : memref<128x128xf32, #tpu.memory_space<vmem>>, vector<1x16xf32>,
          %swap3A_406 = vector.shape_cast %swap3A_405 : vector<1x16xf32> to vector<16xf32>
          %swap3A_407 = vector.shape_cast %mul3A_402 : vector<16xf32> to vector<1x16xf32>
          tpu.vector_store %arg13[%swap3A_403, %swap3A_404], %swap3A_407 {strides = array<i32>} : memref<128x128xf32, #tpu.memory_space<vmem>>, vector<1x16xf32>,
          %get3A_408 = arith.index_cast %add3A_387 : i32 to index
          %get3A_409 = arith.constant 32 : index
          %get3A_410 = tpu.vector_load %arg13[%get3A_408, %get3A_409] {strides = array<i32>} : memref<128x128xf32, #tpu.memory_space<vmem>>, vector<1x16xf32>,
          %get3A_411 = vector.shape_cast %get3A_410 : vector<1x16xf32> to vector<16xf32>
          %mul3A_412 = arith.mulf %get3A_411, %gather3A_383 : vector<16xf32>
          %swap3A_413 = arith.index_cast %add3A_387 : i32 to index
          %swap3A_414 = arith.constant 32 : index
          %swap3A_415 = tpu.vector_load %arg13[%swap3A_413, %swap3A_414] {strides = array<i32>} : memref<128x128xf32, #tpu.memory_space<vmem>>, vector<1x16xf32>,
          %swap3A_416 = vector.shape_cast %swap3A_415 : vector<1x16xf32> to vector<16xf32>
          %swap3A_417 = vector.shape_cast %mul3A_412 : vector<16xf32> to vector<1x16xf32>
          tpu.vector_store %arg13[%swap3A_413, %swap3A_414], %swap3A_417 {strides = array<i32>} : memref<128x128xf32, #tpu.memory_space<vmem>>, vector<1x16xf32>,
          %get3A_418 = arith.index_cast %add3A_387 : i32 to index
          %get3A_419 = arith.constant 48 : index
          %get3A_420 = tpu.vector_load %arg13[%get3A_418, %get3A_419] {strides = array<i32>} : memref<128x128xf32, #tpu.memory_space<vmem>>, vector<1x16xf32>,
          %get3A_421 = vector.shape_cast %get3A_420 : vector<1x16xf32> to vector<16xf32>
          %mul3A_422 = arith.mulf %get3A_421, %gather3A_383 : vector<16xf32>
          %swap3A_423 = arith.index_cast %add3A_387 : i32 to index
          %swap3A_424 = arith.constant 48 : index
          %swap3A_425 = tpu.vector_load %arg13[%swap3A_423, %swap3A_424] {strides = array<i32>} : memref<128x128xf32, #tpu.memory_space<vmem>>, vector<1x16xf32>,
          %swap3A_426 = vector.shape_cast %swap3A_425 : vector<1x16xf32> to vector<16xf32>
          %swap3A_427 = vector.shape_cast %mul3A_422 : vector<16xf32> to vector<1x16xf32>
          tpu.vector_store %arg13[%swap3A_423, %swap3A_424], %swap3A_427 {strides = array<i32>} : memref<128x128xf32, #tpu.memory_space<vmem>>, vector<1x16xf32>,
          %get3A_428 = arith.index_cast %add3A_387 : i32 to index
          %get3A_429 = arith.constant 64 : index
          %get3A_430 = tpu.vector_load %arg13[%get3A_428, %get3A_429] {strides = array<i32>} : memref<128x128xf32, #tpu.memory_space<vmem>>, vector<1x16xf32>,
          %get3A_431 = vector.shape_cast %get3A_430 : vector<1x16xf32> to vector<16xf32>
          %mul3A_432 = arith.mulf %get3A_431, %gather3A_383 : vector<16xf32>
          %swap3A_433 = arith.index_cast %add3A_387 : i32 to index
          %swap3A_434 = arith.constant 64 : index
          %swap3A_435 = tpu.vector_load %arg13[%swap3A_433, %swap3A_434] {strides = array<i32>} : memref<128x128xf32, #tpu.memory_space<vmem>>, vector<1x16xf32>,
          %swap3A_436 = vector.shape_cast %swap3A_435 : vector<1x16xf32> to vector<16xf32>
          %swap3A_437 = vector.shape_cast %mul3A_432 : vector<16xf32> to vector<1x16xf32>
          tpu.vector_store %arg13[%swap3A_433, %swap3A_434], %swap3A_437 {strides = array<i32>} : memref<128x128xf32, #tpu.memory_space<vmem>>, vector<1x16xf32>,
          %get3A_438 = arith.index_cast %add3A_387 : i32 to index
          %get3A_439 = arith.constant 80 : index
          %get3A_440 = tpu.vector_load %arg13[%get3A_438, %get3A_439] {strides = array<i32>} : memref<128x128xf32, #tpu.memory_space<vmem>>, vector<1x16xf32>,
          %get3A_441 = vector.shape_cast %get3A_440 : vector<1x16xf32> to vector<16xf32>
          %mul3A_442 = arith.mulf %get3A_441, %gather3A_383 : vector<16xf32>
          %swap3A_443 = arith.index_cast %add3A_387 : i32 to index
          %swap3A_444 = arith.constant 80 : index
          %swap3A_445 = tpu.vector_load %arg13[%swap3A_443, %swap3A_444] {strides = array<i32>} : memref<128x128xf32, #tpu.memory_space<vmem>>, vector<1x16xf32>,
          %swap3A_446 = vector.shape_cast %swap3A_445 : vector<1x16xf32> to vector<16xf32>
          %swap3A_447 = vector.shape_cast %mul3A_442 : vector<16xf32> to vector<1x16xf32>
          tpu.vector_store %arg13[%swap3A_443, %swap3A_444], %swap3A_447 {strides = array<i32>} : memref<128x128xf32, #tpu.memory_space<vmem>>, vector<1x16xf32>,
          %get3A_448 = arith.index_cast %add3A_387 : i32 to index
          %get3A_449 = arith.constant 96 : index
          %get3A_450 = tpu.vector_load %arg13[%get3A_448, %get3A_449] {strides = array<i32>} : memref<128x128xf32, #tpu.memory_space<vmem>>, vector<1x16xf32>,
          %get3A_451 = vector.shape_cast %get3A_450 : vector<1x16xf32> to vector<16xf32>
          %mul3A_452 = arith.mulf %get3A_451, %gather3A_383 : vector<16xf32>
          %swap3A_453 = arith.index_cast %add3A_387 : i32 to index
          %swap3A_454 = arith.constant 96 : index
          %swap3A_455 = tpu.vector_load %arg13[%swap3A_453, %swap3A_454] {strides = array<i32>} : memref<128x128xf32, #tpu.memory_space<vmem>>, vector<1x16xf32>,
          %swap3A_456 = vector.shape_cast %swap3A_455 : vector<1x16xf32> to vector<16xf32>
          %swap3A_457 = vector.shape_cast %mul3A_452 : vector<16xf32> to vector<1x16xf32>
          tpu.vector_store %arg13[%swap3A_453, %swap3A_454], %swap3A_457 {strides = array<i32>} : memref<128x128xf32, #tpu.memory_space<vmem>>, vector<1x16xf32>,
          %get3A_458 = arith.index_cast %add3A_387 : i32 to index
          %get3A_459 = arith.constant 112 : index
          %get3A_460 = tpu.vector_load %arg13[%get3A_458, %get3A_459] {strides = array<i32>} : memref<128x128xf32, #tpu.memory_space<vmem>>, vector<1x16xf32>,
          %get3A_461 = vector.shape_cast %get3A_460 : vector<1x16xf32> to vector<16xf32>
          %mul3A_462 = arith.mulf %get3A_461, %gather3A_383 : vector<16xf32>
          %swap3A_463 = arith.index_cast %add3A_387 : i32 to index
          %swap3A_464 = arith.constant 112 : index
          %swap3A_465 = tpu.vector_load %arg13[%swap3A_463, %swap3A_464] {strides = array<i32>} : memref<128x128xf32, #tpu.memory_space<vmem>>, vector<1x16xf32>,
          %swap3A_466 = vector.shape_cast %swap3A_465 : vector<1x16xf32> to vector<16xf32>
          %swap3A_467 = vector.shape_cast %mul3A_462 : vector<16xf32> to vector<1x16xf32>
          tpu.vector_store %arg13[%swap3A_463, %swap3A_464], %swap3A_467 {strides = array<i32>} : memref<128x128xf32, #tpu.memory_space<vmem>>, vector<1x16xf32>,
          %broadcast_in_dim3A_468 = arith.constant 3 : i32
          %broadcast_in_dim3A_469 = vector.broadcast %broadcast_in_dim3A_468 : i32 to vector<16x1xi32>
          %gather3A_470 = vector.shape_cast %broadcast_in_dim3A_469 : vector<16x1xi32> to vector<16xi32>
          %gather3A_471 = tpu.dynamic_gather %get3A_205[%gather3A_470] in [0] : vector<16xf32>, vector<16xi32> -> vector<16xf32>
          %mul3A_472 = arith.constant 16 : i32
          %mul3A_473 = arith.muli %add3A_201, %mul3A_472 : i32
          %add3A_474 = arith.constant 3 : i32
          %add3A_475 = arith.addi %mul3A_473, %add3A_474 : i32
          %get3A_476 = arith.index_cast %add3A_475 : i32 to index
          %get3A_477 = arith.constant 0 : index
          %get3A_478 = tpu.vector_load %arg13[%get3A_476, %get3A_477] {strides = array<i32>} : memref<128x128xf32, #tpu.memory_space<vmem>>, vector<1x16xf32>,
          %get3A_479 = vector.shape_cast %get3A_478 : vector<1x16xf32> to vector<16xf32>
          %mul3A_480 = arith.mulf %get3A_479, %gather3A_471 : vector<16xf32>
          %swap3A_481 = arith.index_cast %add3A_475 : i32 to index
          %swap3A_482 = arith.constant 0 : index
          %swap3A_483 = tpu.vector_load %arg13[%swap3A_481, %swap3A_482] {strides = array<i32>} : memref<128x128xf32, #tpu.memory_space<vmem>>, vector<1x16xf32>,
          %swap3A_484 = vector.shape_cast %swap3A_483 : vector<1x16xf32> to vector<16xf32>
          %swap3A_485 = vector.shape_cast %mul3A_480 : vector<16xf32> to vector<1x16xf32>
          tpu.vector_store %arg13[%swap3A_481, %swap3A_482], %swap3A_485 {strides = array<i32>} : memref<128x128xf32, #tpu.memory_space<vmem>>, vector<1x16xf32>,
          %get3A_486 = arith.index_cast %add3A_475 : i32 to index
          %get3A_487 = arith.constant 16 : index
          %get3A_488 = tpu.vector_load %arg13[%get3A_486, %get3A_487] {strides = array<i32>} : memref<128x128xf32, #tpu.memory_space<vmem>>, vector<1x16xf32>,
          %get3A_489 = vector.shape_cast %get3A_488 : vector<1x16xf32> to vector<16xf32>
          %mul3A_490 = arith.mulf %get3A_489, %gather3A_471 : vector<16xf32>
          %swap3A_491 = arith.index_cast %add3A_475 : i32 to index
          %swap3A_492 = arith.constant 16 : index
          %swap3A_493 = tpu.vector_load %arg13[%swap3A_491, %swap3A_492] {strides = array<i32>} : memref<128x128xf32, #tpu.memory_space<vmem>>, vector<1x16xf32>,
          %swap3A_494 = vector.shape_cast %swap3A_493 : vector<1x16xf32> to vector<16xf32>
          %swap3A_495 = vector.shape_cast %mul3A_490 : vector<16xf32> to vector<1x16xf32>
          tpu.vector_store %arg13[%swap3A_491, %swap3A_492], %swap3A_495 {strides = array<i32>} : memref<128x128xf32, #tpu.memory_space<vmem>>, vector<1x16xf32>,
          %get3A_496 = arith.index_cast %add3A_475 : i32 to index
          %get3A_497 = arith.constant 32 : index
          %get3A_498 = tpu.vector_load %arg13[%get3A_496, %get3A_497] {strides = array<i32>} : memref<128x128xf32, #tpu.memory_space<vmem>>, vector<1x16xf32>,
          %get3A_499 = vector.shape_cast %get3A_498 : vector<1x16xf32> to vector<16xf32>
          %mul3A_500 = arith.mulf %get3A_499, %gather3A_471 : vector<16xf32>
          %swap3A_501 = arith.index_cast %add3A_475 : i32 to index
          %swap3A_502 = arith.constant 32 : index
          %swap3A_503 = tpu.vector_load %arg13[%swap3A_501, %swap3A_502] {strides = array<i32>} : memref<128x128xf32, #tpu.memory_space<vmem>>, vector<1x16xf32>,
          %swap3A_504 = vector.shape_cast %swap3A_503 : vector<1x16xf32> to vector<16xf32>
          %swap3A_505 = vector.shape_cast %mul3A_500 : vector<16xf32> to vector<1x16xf32>
          tpu.vector_store %arg13[%swap3A_501, %swap3A_502], %swap3A_505 {strides = array<i32>} : memref<128x128xf32, #tpu.memory_space<vmem>>, vector<1x16xf32>,
          %get3A_506 = arith.index_cast %add3A_475 : i32 to index
          %get3A_507 = arith.constant 48 : index
          %get3A_508 = tpu.vector_load %arg13[%get3A_506, %get3A_507] {strides = array<i32>} : memref<128x128xf32, #tpu.memory_space<vmem>>, vector<1x16xf32>,
          %get3A_509 = vector.shape_cast %get3A_508 : vector<1x16xf32> to vector<16xf32>
          %mul3A_510 = arith.mulf %get3A_509, %gather3A_471 : vector<16xf32>
          %swap3A_511 = arith.index_cast %add3A_475 : i32 to index
          %swap3A_512 = arith.constant 48 : index
          %swap3A_513 = tpu.vector_load %arg13[%swap3A_511, %swap3A_512] {strides = array<i32>} : memref<128x128xf32, #tpu.memory_space<vmem>>, vector<1x16xf32>,
          %swap3A_514 = vector.shape_cast %swap3A_513 : vector<1x16xf32> to vector<16xf32>
          %swap3A_515 = vector.shape_cast %mul3A_510 : vector<16xf32> to vector<1x16xf32>
          tpu.vector_store %arg13[%swap3A_511, %swap3A_512], %swap3A_515 {strides = array<i32>} : memref<128x128xf32, #tpu.memory_space<vmem>>, vector<1x16xf32>,
          %get3A_516 = arith.index_cast %add3A_475 : i32 to index
          %get3A_517 = arith.constant 64 : index
          %get3A_518 = tpu.vector_load %arg13[%get3A_516, %get3A_517] {strides = array<i32>} : memref<128x128xf32, #tpu.memory_space<vmem>>, vector<1x16xf32>,
          %get3A_519 = vector.shape_cast %get3A_518 : vector<1x16xf32> to vector<16xf32>
          %mul3A_520 = arith.mulf %get3A_519, %gather3A_471 : vector<16xf32>
          %swap3A_521 = arith.index_cast %add3A_475 : i32 to index
          %swap3A_522 = arith.constant 64 : index
          %swap3A_523 = tpu.vector_load %arg13[%swap3A_521, %swap3A_522] {strides = array<i32>} : memref<128x128xf32, #tpu.memory_space<vmem>>, vector<1x16xf32>,
          %swap3A_524 = vector.shape_cast %swap3A_523 : vector<1x16xf32> to vector<16xf32>
          %swap3A_525 = vector.shape_cast %mul3A_520 : vector<16xf32> to vector<1x16xf32>
          tpu.vector_store %arg13[%swap3A_521, %swap3A_522], %swap3A_525 {strides = array<i32>} : memref<128x128xf32, #tpu.memory_space<vmem>>, vector<1x16xf32>,
          %get3A_526 = arith.index_cast %add3A_475 : i32 to index
          %get3A_527 = arith.constant 80 : index
          %get3A_528 = tpu.vector_load %arg13[%get3A_526, %get3A_527] {strides = array<i32>} : memref<128x128xf32, #tpu.memory_space<vmem>>, vector<1x16xf32>,
          %get3A_529 = vector.shape_cast %get3A_528 : vector<1x16xf32> to vector<16xf32>
          %mul3A_530 = arith.mulf %get3A_529, %gather3A_471 : vector<16xf32>
          %swap3A_531 = arith.index_cast %add3A_475 : i32 to index
          %swap3A_532 = arith.constant 80 : index
          %swap3A_533 = tpu.vector_load %arg13[%swap3A_531, %swap3A_532] {strides = array<i32>} : memref<128x128xf32, #tpu.memory_space<vmem>>, vector<1x16xf32>,
          %swap3A_534 = vector.shape_cast %swap3A_533 : vector<1x16xf32> to vector<16xf32>
          %swap3A_535 = vector.shape_cast %mul3A_530 : vector<16xf32> to vector<1x16xf32>
          tpu.vector_store %arg13[%swap3A_531, %swap3A_532], %swap3A_535 {strides = array<i32>} : memref<128x128xf32, #tpu.memory_space<vmem>>, vector<1x16xf32>,
          %get3A_536 = arith.index_cast %add3A_475 : i32 to index
          %get3A_537 = arith.constant 96 : index
          %get3A_538 = tpu.vector_load %arg13[%get3A_536, %get3A_537] {strides = array<i32>} : memref<128x128xf32, #tpu.memory_space<vmem>>, vector<1x16xf32>,
          %get3A_539 = vector.shape_cast %get3A_538 : vector<1x16xf32> to vector<16xf32>
          %mul3A_540 = arith.mulf %get3A_539, %gather3A_471 : vector<16xf32>
          %swap3A_541 = arith.index_cast %add3A_475 : i32 to index
          %swap3A_542 = arith.constant 96 : index
          %swap3A_543 = tpu.vector_load %arg13[%swap3A_541, %swap3A_542] {strides = array<i32>} : memref<128x128xf32, #tpu.memory_space<vmem>>, vector<1x16xf32>,
          %swap3A_544 = vector.shape_cast %swap3A_543 : vector<1x16xf32> to vector<16xf32>
          %swap3A_545 = vector.shape_cast %mul3A_540 : vector<16xf32> to vector<1x16xf32>
          tpu.vector_store %arg13[%swap3A_541, %swap3A_542], %swap3A_545 {strides = array<i32>} : memref<128x128xf32, #tpu.memory_space<vmem>>, vector<1x16xf32>,
          %get3A_546 = arith.index_cast %add3A_475 : i32 to index
          %get3A_547 = arith.constant 112 : index
          %get3A_548 = tpu.vector_load %arg13[%get3A_546, %get3A_547] {strides = array<i32>} : memref<128x128xf32, #tpu.memory_space<vmem>>, vector<1x16xf32>,
          %get3A_549 = vector.shape_cast %get3A_548 : vector<1x16xf32> to vector<16xf32>
          %mul3A_550 = arith.mulf %get3A_549, %gather3A_471 : vector<16xf32>
          %swap3A_551 = arith.index_cast %add3A_475 : i32 to index
          %swap3A_552 = arith.constant 112 : index
          %swap3A_553 = tpu.vector_load %arg13[%swap3A_551, %swap3A_552] {strides = array<i32>} : memref<128x128xf32, #tpu.memory_space<vmem>>, vector<1x16xf32>,
          %swap3A_554 = vector.shape_cast %swap3A_553 : vector<1x16xf32> to vector<16xf32>
          %swap3A_555 = vector.shape_cast %mul3A_550 : vector<16xf32> to vector<1x16xf32>
          tpu.vector_store %arg13[%swap3A_551, %swap3A_552], %swap3A_555 {strides = array<i32>} : memref<128x128xf32, #tpu.memory_space<vmem>>, vector<1x16xf32>,
          %broadcast_in_dim3A_556 = arith.constant 4 : i32
          %broadcast_in_dim3A_557 = vector.broadcast %broadcast_in_dim3A_556 : i32 to vector<16x1xi32>
          %gather3A_558 = vector.shape_cast %broadcast_in_dim3A_557 : vector<16x1xi32> to vector<16xi32>
          %gather3A_559 = tpu.dynamic_gather %get3A_205[%gather3A_558] in [0] : vector<16xf32>, vector<16xi32> -> vector<16xf32>
          %mul3A_560 = arith.constant 16 : i32
          %mul3A_561 = arith.muli %add3A_201, %mul3A_560 : i32
          %add3A_562 = arith.constant 4 : i32
          %add3A_563 = arith.addi %mul3A_561, %add3A_562 : i32
          %get3A_564 = arith.index_cast %add3A_563 : i32 to index
          %get3A_565 = arith.constant 0 : index
          %get3A_566 = tpu.vector_load %arg13[%get3A_564, %get3A_565] {strides = array<i32>} : memref<128x128xf32, #tpu.memory_space<vmem>>, vector<1x16xf32>,
          %get3A_567 = vector.shape_cast %get3A_566 : vector<1x16xf32> to vector<16xf32>
          %mul3A_568 = arith.mulf %get3A_567, %gather3A_559 : vector<16xf32>
          %swap3A_569 = arith.index_cast %add3A_563 : i32 to index
          %swap3A_570 = arith.constant 0 : index
          %swap3A_571 = tpu.vector_load %arg13[%swap3A_569, %swap3A_570] {strides = array<i32>} : memref<128x128xf32, #tpu.memory_space<vmem>>, vector<1x16xf32>,
          %swap3A_572 = vector.shape_cast %swap3A_571 : vector<1x16xf32> to vector<16xf32>
          %swap3A_573 = vector.shape_cast %mul3A_568 : vector<16xf32> to vector<1x16xf32>
          tpu.vector_store %arg13[%swap3A_569, %swap3A_570], %swap3A_573 {strides = array<i32>} : memref<128x128xf32, #tpu.memory_space<vmem>>, vector<1x16xf32>,
          %get3A_574 = arith.index_cast %add3A_563 : i32 to index
          %get3A_575 = arith.constant 16 : index
          %get3A_576 = tpu.vector_load %arg13[%get3A_574, %get3A_575] {strides = array<i32>} : memref<128x128xf32, #tpu.memory_space<vmem>>, vector<1x16xf32>,
          %get3A_577 = vector.shape_cast %get3A_576 : vector<1x16xf32> to vector<16xf32>
          %mul3A_578 = arith.mulf %get3A_577, %gather3A_559 : vector<16xf32>
          %swap3A_579 = arith.index_cast %add3A_563 : i32 to index
          %swap3A_580 = arith.constant 16 : index
          %swap3A_581 = tpu.vector_load %arg13[%swap3A_579, %swap3A_580] {strides = array<i32>} : memref<128x128xf32, #tpu.memory_space<vmem>>, vector<1x16xf32>,
          %swap3A_582 = vector.shape_cast %swap3A_581 : vector<1x16xf32> to vector<16xf32>
          %swap3A_583 = vector.shape_cast %mul3A_578 : vector<16xf32> to vector<1x16xf32>
          tpu.vector_store %arg13[%swap3A_579, %swap3A_580], %swap3A_583 {strides = array<i32>} : memref<128x128xf32, #tpu.memory_space<vmem>>, vector<1x16xf32>,
          %get3A_584 = arith.index_cast %add3A_563 : i32 to index
          %get3A_585 = arith.constant 32 : index
          %get3A_586 = tpu.vector_load %arg13[%get3A_584, %get3A_585] {strides = array<i32>} : memref<128x128xf32, #tpu.memory_space<vmem>>, vector<1x16xf32>,
          %get3A_587 = vector.shape_cast %get3A_586 : vector<1x16xf32> to vector<16xf32>
          %mul3A_588 = arith.mulf %get3A_587, %gather3A_559 : vector<16xf32>
          %swap3A_589 = arith.index_cast %add3A_563 : i32 to index
          %swap3A_590 = arith.constant 32 : index
          %swap3A_591 = tpu.vector_load %arg13[%swap3A_589, %swap3A_590] {strides = array<i32>} : memref<128x128xf32, #tpu.memory_space<vmem>>, vector<1x16xf32>,
          %swap3A_592 = vector.shape_cast %swap3A_591 : vector<1x16xf32> to vector<16xf32>
          %swap3A_593 = vector.shape_cast %mul3A_588 : vector<16xf32> to vector<1x16xf32>
          tpu.vector_store %arg13[%swap3A_589, %swap3A_590], %swap3A_593 {strides = array<i32>} : memref<128x128xf32, #tpu.memory_space<vmem>>, vector<1x16xf32>,
          %get3A_594 = arith.index_cast %add3A_563 : i32 to index
          %get3A_595 = arith.constant 48 : index
          %get3A_596 = tpu.vector_load %arg13[%get3A_594, %get3A_595] {strides = array<i32>} : memref<128x128xf32, #tpu.memory_space<vmem>>, vector<1x16xf32>,
          %get3A_597 = vector.shape_cast %get3A_596 : vector<1x16xf32> to vector<16xf32>
          %mul3A_598 = arith.mulf %get3A_597, %gather3A_559 : vector<16xf32>
          %swap3A_599 = arith.index_cast %add3A_563 : i32 to index
          %swap3A_600 = arith.constant 48 : index
          %swap3A_601 = tpu.vector_load %arg13[%swap3A_599, %swap3A_600] {strides = array<i32>} : memref<128x128xf32, #tpu.memory_space<vmem>>, vector<1x16xf32>,
          %swap3A_602 = vector.shape_cast %swap3A_601 : vector<1x16xf32> to vector<16xf32>
          %swap3A_603 = vector.shape_cast %mul3A_598 : vector<16xf32> to vector<1x16xf32>
          tpu.vector_store %arg13[%swap3A_599, %swap3A_600], %swap3A_603 {strides = array<i32>} : memref<128x128xf32, #tpu.memory_space<vmem>>, vector<1x16xf32>,
          %get3A_604 = arith.index_cast %add3A_563 : i32 to index
          %get3A_605 = arith.constant 64 : index
          %get3A_606 = tpu.vector_load %arg13[%get3A_604, %get3A_605] {strides = array<i32>} : memref<128x128xf32, #tpu.memory_space<vmem>>, vector<1x16xf32>,
          %get3A_607 = vector.shape_cast %get3A_606 : vector<1x16xf32> to vector<16xf32>
          %mul3A_608 = arith.mulf %get3A_607, %gather3A_559 : vector<16xf32>
          %swap3A_609 = arith.index_cast %add3A_563 : i32 to index
          %swap3A_610 = arith.constant 64 : index
          %swap3A_611 = tpu.vector_load %arg13[%swap3A_609, %swap3A_610] {strides = array<i32>} : memref<128x128xf32, #tpu.memory_space<vmem>>, vector<1x16xf32>,
          %swap3A_612 = vector.shape_cast %swap3A_611 : vector<1x16xf32> to vector<16xf32>
          %swap3A_613 = vector.shape_cast %mul3A_608 : vector<16xf32> to vector<1x16xf32>
          tpu.vector_store %arg13[%swap3A_609, %swap3A_610], %swap3A_613 {strides = array<i32>} : memref<128x128xf32, #tpu.memory_space<vmem>>, vector<1x16xf32>,
          %get3A_614 = arith.index_cast %add3A_563 : i32 to index
          %get3A_615 = arith.constant 80 : index
          %get3A_616 = tpu.vector_load %arg13[%get3A_614, %get3A_615] {strides = array<i32>} : memref<128x128xf32, #tpu.memory_space<vmem>>, vector<1x16xf32>,
          %get3A_617 = vector.shape_cast %get3A_616 : vector<1x16xf32> to vector<16xf32>
          %mul3A_618 = arith.mulf %get3A_617, %gather3A_559 : vector<16xf32>
          %swap3A_619 = arith.index_cast %add3A_563 : i32 to index
          %swap3A_620 = arith.constant 80 : index
          %swap3A_621 = tpu.vector_load %arg13[%swap3A_619, %swap3A_620] {strides = array<i32>} : memref<128x128xf32, #tpu.memory_space<vmem>>, vector<1x16xf32>,
          %swap3A_622 = vector.shape_cast %swap3A_621 : vector<1x16xf32> to vector<16xf32>
          %swap3A_623 = vector.shape_cast %mul3A_618 : vector<16xf32> to vector<1x16xf32>
          tpu.vector_store %arg13[%swap3A_619, %swap3A_620], %swap3A_623 {strides = array<i32>} : memref<128x128xf32, #tpu.memory_space<vmem>>, vector<1x16xf32>,
          %get3A_624 = arith.index_cast %add3A_563 : i32 to index
          %get3A_625 = arith.constant 96 : index
          %get3A_626 = tpu.vector_load %arg13[%get3A_624, %get3A_625] {strides = array<i32>} : memref<128x128xf32, #tpu.memory_space<vmem>>, vector<1x16xf32>,
          %get3A_627 = vector.shape_cast %get3A_626 : vector<1x16xf32> to vector<16xf32>
          %mul3A_628 = arith.mulf %get3A_627, %gather3A_559 : vector<16xf32>
          %swap3A_629 = arith.index_cast %add3A_563 : i32 to index
          %swap3A_630 = arith.constant 96 : index
          %swap3A_631 = tpu.vector_load %arg13[%swap3A_629, %swap3A_630] {strides = array<i32>} : memref<128x128xf32, #tpu.memory_space<vmem>>, vector<1x16xf32>,
          %swap3A_632 = vector.shape_cast %swap3A_631 : vector<1x16xf32> to vector<16xf32>
          %swap3A_633 = vector.shape_cast %mul3A_628 : vector<16xf32> to vector<1x16xf32>
          tpu.vector_store %arg13[%swap3A_629, %swap3A_630], %swap3A_633 {strides = array<i32>} : memref<128x128xf32, #tpu.memory_space<vmem>>, vector<1x16xf32>,
          %get3A_634 = arith.index_cast %add3A_563 : i32 to index
          %get3A_635 = arith.constant 112 : index
          %get3A_636 = tpu.vector_load %arg13[%get3A_634, %get3A_635] {strides = array<i32>} : memref<128x128xf32, #tpu.memory_space<vmem>>, vector<1x16xf32>,
          %get3A_637 = vector.shape_cast %get3A_636 : vector<1x16xf32> to vector<16xf32>
          %mul3A_638 = arith.mulf %get3A_637, %gather3A_559 : vector<16xf32>
          %swap3A_639 = arith.index_cast %add3A_563 : i32 to index
          %swap3A_640 = arith.constant 112 : index
          %swap3A_641 = tpu.vector_load %arg13[%swap3A_639, %swap3A_640] {strides = array<i32>} : memref<128x128xf32, #tpu.memory_space<vmem>>, vector<1x16xf32>,
          %swap3A_642 = vector.shape_cast %swap3A_641 : vector<1x16xf32> to vector<16xf32>
          %swap3A_643 = vector.shape_cast %mul3A_638 : vector<16xf32> to vector<1x16xf32>
          tpu.vector_store %arg13[%swap3A_639, %swap3A_640], %swap3A_643 {strides = array<i32>} : memref<128x128xf32, #tpu.memory_space<vmem>>, vector<1x16xf32>,
          %broadcast_in_dim3A_644 = arith.constant 5 : i32
          %broadcast_in_dim3A_645 = vector.broadcast %broadcast_in_dim3A_644 : i32 to vector<16x1xi32>
          %gather3A_646 = vector.shape_cast %broadcast_in_dim3A_645 : vector<16x1xi32> to vector<16xi32>
          %gather3A_647 = tpu.dynamic_gather %get3A_205[%gather3A_646] in [0] : vector<16xf32>, vector<16xi32> -> vector<16xf32>
          %mul3A_648 = arith.constant 16 : i32
          %mul3A_649 = arith.muli %add3A_201, %mul3A_648 : i32
          %add3A_650 = arith.constant 5 : i32
          %add3A_651 = arith.addi %mul3A_649, %add3A_650 : i32
          %get3A_652 = arith.index_cast %add3A_651 : i32 to index
          %get3A_653 = arith.constant 0 : index
          %get3A_654 = tpu.vector_load %arg13[%get3A_652, %get3A_653] {strides = array<i32>} : memref<128x128xf32, #tpu.memory_space<vmem>>, vector<1x16xf32>,
          %get3A_655 = vector.shape_cast %get3A_654 : vector<1x16xf32> to vector<16xf32>
          %mul3A_656 = arith.mulf %get3A_655, %gather3A_647 : vector<16xf32>
          %swap3A_657 = arith.index_cast %add3A_651 : i32 to index
          %swap3A_658 = arith.constant 0 : index
          %swap3A_659 = tpu.vector_load %arg13[%swap3A_657, %swap3A_658] {strides = array<i32>} : memref<128x128xf32, #tpu.memory_space<vmem>>, vector<1x16xf32>,
          %swap3A_660 = vector.shape_cast %swap3A_659 : vector<1x16xf32> to vector<16xf32>
          %swap3A_661 = vector.shape_cast %mul3A_656 : vector<16xf32> to vector<1x16xf32>
          tpu.vector_store %arg13[%swap3A_657, %swap3A_658], %swap3A_661 {strides = array<i32>} : memref<128x128xf32, #tpu.memory_space<vmem>>, vector<1x16xf32>,
          %get3A_662 = arith.index_cast %add3A_651 : i32 to index
          %get3A_663 = arith.constant 16 : index
          %get3A_664 = tpu.vector_load %arg13[%get3A_662, %get3A_663] {strides = array<i32>} : memref<128x128xf32, #tpu.memory_space<vmem>>, vector<1x16xf32>,
          %get3A_665 = vector.shape_cast %get3A_664 : vector<1x16xf32> to vector<16xf32>
          %mul3A_666 = arith.mulf %get3A_665, %gather3A_647 : vector<16xf32>
          %swap3A_667 = arith.index_cast %add3A_651 : i32 to index
          %swap3A_668 = arith.constant 16 : index
          %swap3A_669 = tpu.vector_load %arg13[%swap3A_667, %swap3A_668] {strides = array<i32>} : memref<128x128xf32, #tpu.memory_space<vmem>>, vector<1x16xf32>,
          %swap3A_670 = vector.shape_cast %swap3A_669 : vector<1x16xf32> to vector<16xf32>
          %swap3A_671 = vector.shape_cast %mul3A_666 : vector<16xf32> to vector<1x16xf32>
          tpu.vector_store %arg13[%swap3A_667, %swap3A_668], %swap3A_671 {strides = array<i32>} : memref<128x128xf32, #tpu.memory_space<vmem>>, vector<1x16xf32>,
          %get3A_672 = arith.index_cast %add3A_651 : i32 to index
          %get3A_673 = arith.constant 32 : index
          %get3A_674 = tpu.vector_load %arg13[%get3A_672, %get3A_673] {strides = array<i32>} : memref<128x128xf32, #tpu.memory_space<vmem>>, vector<1x16xf32>,
          %get3A_675 = vector.shape_cast %get3A_674 : vector<1x16xf32> to vector<16xf32>
          %mul3A_676 = arith.mulf %get3A_675, %gather3A_647 : vector<16xf32>
          %swap3A_677 = arith.index_cast %add3A_651 : i32 to index
          %swap3A_678 = arith.constant 32 : index
          %swap3A_679 = tpu.vector_load %arg13[%swap3A_677, %swap3A_678] {strides = array<i32>} : memref<128x128xf32, #tpu.memory_space<vmem>>, vector<1x16xf32>,
          %swap3A_680 = vector.shape_cast %swap3A_679 : vector<1x16xf32> to vector<16xf32>
          %swap3A_681 = vector.shape_cast %mul3A_676 : vector<16xf32> to vector<1x16xf32>
          tpu.vector_store %arg13[%swap3A_677, %swap3A_678], %swap3A_681 {strides = array<i32>} : memref<128x128xf32, #tpu.memory_space<vmem>>, vector<1x16xf32>,
          %get3A_682 = arith.index_cast %add3A_651 : i32 to index
          %get3A_683 = arith.constant 48 : index
          %get3A_684 = tpu.vector_load %arg13[%get3A_682, %get3A_683] {strides = array<i32>} : memref<128x128xf32, #tpu.memory_space<vmem>>, vector<1x16xf32>,
          %get3A_685 = vector.shape_cast %get3A_684 : vector<1x16xf32> to vector<16xf32>
          %mul3A_686 = arith.mulf %get3A_685, %gather3A_647 : vector<16xf32>
          %swap3A_687 = arith.index_cast %add3A_651 : i32 to index
          %swap3A_688 = arith.constant 48 : index
          %swap3A_689 = tpu.vector_load %arg13[%swap3A_687, %swap3A_688] {strides = array<i32>} : memref<128x128xf32, #tpu.memory_space<vmem>>, vector<1x16xf32>,
          %swap3A_690 = vector.shape_cast %swap3A_689 : vector<1x16xf32> to vector<16xf32>
          %swap3A_691 = vector.shape_cast %mul3A_686 : vector<16xf32> to vector<1x16xf32>
          tpu.vector_store %arg13[%swap3A_687, %swap3A_688], %swap3A_691 {strides = array<i32>} : memref<128x128xf32, #tpu.memory_space<vmem>>, vector<1x16xf32>,
          %get3A_692 = arith.index_cast %add3A_651 : i32 to index
          %get3A_693 = arith.constant 64 : index
          %get3A_694 = tpu.vector_load %arg13[%get3A_692, %get3A_693] {strides = array<i32>} : memref<128x128xf32, #tpu.memory_space<vmem>>, vector<1x16xf32>,
          %get3A_695 = vector.shape_cast %get3A_694 : vector<1x16xf32> to vector<16xf32>
          %mul3A_696 = arith.mulf %get3A_695, %gather3A_647 : vector<16xf32>
          %swap3A_697 = arith.index_cast %add3A_651 : i32 to index
          %swap3A_698 = arith.constant 64 : index
          %swap3A_699 = tpu.vector_load %arg13[%swap3A_697, %swap3A_698] {strides = array<i32>} : memref<128x128xf32, #tpu.memory_space<vmem>>, vector<1x16xf32>,
          %swap3A_700 = vector.shape_cast %swap3A_699 : vector<1x16xf32> to vector<16xf32>
          %swap3A_701 = vector.shape_cast %mul3A_696 : vector<16xf32> to vector<1x16xf32>
          tpu.vector_store %arg13[%swap3A_697, %swap3A_698], %swap3A_701 {strides = array<i32>} : memref<128x128xf32, #tpu.memory_space<vmem>>, vector<1x16xf32>,
          %get3A_702 = arith.index_cast %add3A_651 : i32 to index
          %get3A_703 = arith.constant 80 : index
          %get3A_704 = tpu.vector_load %arg13[%get3A_702, %get3A_703] {strides = array<i32>} : memref<128x128xf32, #tpu.memory_space<vmem>>, vector<1x16xf32>,
          %get3A_705 = vector.shape_cast %get3A_704 : vector<1x16xf32> to vector<16xf32>
          %mul3A_706 = arith.mulf %get3A_705, %gather3A_647 : vector<16xf32>
          %swap3A_707 = arith.index_cast %add3A_651 : i32 to index
          %swap3A_708 = arith.constant 80 : index
          %swap3A_709 = tpu.vector_load %arg13[%swap3A_707, %swap3A_708] {strides = array<i32>} : memref<128x128xf32, #tpu.memory_space<vmem>>, vector<1x16xf32>,
          %swap3A_710 = vector.shape_cast %swap3A_709 : vector<1x16xf32> to vector<16xf32>
          %swap3A_711 = vector.shape_cast %mul3A_706 : vector<16xf32> to vector<1x16xf32>
          tpu.vector_store %arg13[%swap3A_707, %swap3A_708], %swap3A_711 {strides = array<i32>} : memref<128x128xf32, #tpu.memory_space<vmem>>, vector<1x16xf32>,
          %get3A_712 = arith.index_cast %add3A_651 : i32 to index
          %get3A_713 = arith.constant 96 : index
          %get3A_714 = tpu.vector_load %arg13[%get3A_712, %get3A_713] {strides = array<i32>} : memref<128x128xf32, #tpu.memory_space<vmem>>, vector<1x16xf32>,
          %get3A_715 = vector.shape_cast %get3A_714 : vector<1x16xf32> to vector<16xf32>
          %mul3A_716 = arith.mulf %get3A_715, %gather3A_647 : vector<16xf32>
          %swap3A_717 = arith.index_cast %add3A_651 : i32 to index
          %swap3A_718 = arith.constant 96 : index
          %swap3A_719 = tpu.vector_load %arg13[%swap3A_717, %swap3A_718] {strides = array<i32>} : memref<128x128xf32, #tpu.memory_space<vmem>>, vector<1x16xf32>,
          %swap3A_720 = vector.shape_cast %swap3A_719 : vector<1x16xf32> to vector<16xf32>
          %swap3A_721 = vector.shape_cast %mul3A_716 : vector<16xf32> to vector<1x16xf32>
          tpu.vector_store %arg13[%swap3A_717, %swap3A_718], %swap3A_721 {strides = array<i32>} : memref<128x128xf32, #tpu.memory_space<vmem>>, vector<1x16xf32>,
          %get3A_722 = arith.index_cast %add3A_651 : i32 to index
          %get3A_723 = arith.constant 112 : index
          %get3A_724 = tpu.vector_load %arg13[%get3A_722, %get3A_723] {strides = array<i32>} : memref<128x128xf32, #tpu.memory_space<vmem>>, vector<1x16xf32>,
          %get3A_725 = vector.shape_cast %get3A_724 : vector<1x16xf32> to vector<16xf32>
          %mul3A_726 = arith.mulf %get3A_725, %gather3A_647 : vector<16xf32>
          %swap3A_727 = arith.index_cast %add3A_651 : i32 to index
          %swap3A_728 = arith.constant 112 : index
          %swap3A_729 = tpu.vector_load %arg13[%swap3A_727, %swap3A_728] {strides = array<i32>} : memref<128x128xf32, #tpu.memory_space<vmem>>, vector<1x16xf32>,
          %swap3A_730 = vector.shape_cast %swap3A_729 : vector<1x16xf32> to vector<16xf32>
          %swap3A_731 = vector.shape_cast %mul3A_726 : vector<16xf32> to vector<1x16xf32>
          tpu.vector_store %arg13[%swap3A_727, %swap3A_728], %swap3A_731 {strides = array<i32>} : memref<128x128xf32, #tpu.memory_space<vmem>>, vector<1x16xf32>,
          %broadcast_in_dim3A_732 = arith.constant 6 : i32
          %broadcast_in_dim3A_733 = vector.broadcast %broadcast_in_dim3A_732 : i32 to vector<16x1xi32>
          %gather3A_734 = vector.shape_cast %broadcast_in_dim3A_733 : vector<16x1xi32> to vector<16xi32>
          %gather3A_735 = tpu.dynamic_gather %get3A_205[%gather3A_734] in [0] : vector<16xf32>, vector<16xi32> -> vector<16xf32>
          %mul3A_736 = arith.constant 16 : i32
          %mul3A_737 = arith.muli %add3A_201, %mul3A_736 : i32
          %add3A_738 = arith.constant 6 : i32
          %add3A_739 = arith.addi %mul3A_737, %add3A_738 : i32
          %get3A_740 = arith.index_cast %add3A_739 : i32 to index
          %get3A_741 = arith.constant 0 : index
          %get3A_742 = tpu.vector_load %arg13[%get3A_740, %get3A_741] {strides = array<i32>} : memref<128x128xf32, #tpu.memory_space<vmem>>, vector<1x16xf32>,
          %get3A_743 = vector.shape_cast %get3A_742 : vector<1x16xf32> to vector<16xf32>
          %mul3A_744 = arith.mulf %get3A_743, %gather3A_735 : vector<16xf32>
          %swap3A_745 = arith.index_cast %add3A_739 : i32 to index
          %swap3A_746 = arith.constant 0 : index
          %swap3A_747 = tpu.vector_load %arg13[%swap3A_745, %swap3A_746] {strides = array<i32>} : memref<128x128xf32, #tpu.memory_space<vmem>>, vector<1x16xf32>,
          %swap3A_748 = vector.shape_cast %swap3A_747 : vector<1x16xf32> to vector<16xf32>
          %swap3A_749 = vector.shape_cast %mul3A_744 : vector<16xf32> to vector<1x16xf32>
          tpu.vector_store %arg13[%swap3A_745, %swap3A_746], %swap3A_749 {strides = array<i32>} : memref<128x128xf32, #tpu.memory_space<vmem>>, vector<1x16xf32>,
          %get3A_750 = arith.index_cast %add3A_739 : i32 to index
          %get3A_751 = arith.constant 16 : index
          %get3A_752 = tpu.vector_load %arg13[%get3A_750, %get3A_751] {strides = array<i32>} : memref<128x128xf32, #tpu.memory_space<vmem>>, vector<1x16xf32>,
          %get3A_753 = vector.shape_cast %get3A_752 : vector<1x16xf32> to vector<16xf32>
          %mul3A_754 = arith.mulf %get3A_753, %gather3A_735 : vector<16xf32>
          %swap3A_755 = arith.index_cast %add3A_739 : i32 to index
          %swap3A_756 = arith.constant 16 : index
          %swap3A_757 = tpu.vector_load %arg13[%swap3A_755, %swap3A_756] {strides = array<i32>} : memref<128x128xf32, #tpu.memory_space<vmem>>, vector<1x16xf32>,
          %swap3A_758 = vector.shape_cast %swap3A_757 : vector<1x16xf32> to vector<16xf32>
          %swap3A_759 = vector.shape_cast %mul3A_754 : vector<16xf32> to vector<1x16xf32>
          tpu.vector_store %arg13[%swap3A_755, %swap3A_756], %swap3A_759 {strides = array<i32>} : memref<128x128xf32, #tpu.memory_space<vmem>>, vector<1x16xf32>,
          %get3A_760 = arith.index_cast %add3A_739 : i32 to index
          %get3A_761 = arith.constant 32 : index
          %get3A_762 = tpu.vector_load %arg13[%get3A_760, %get3A_761] {strides = array<i32>} : memref<128x128xf32, #tpu.memory_space<vmem>>, vector<1x16xf32>,
          %get3A_763 = vector.shape_cast %get3A_762 : vector<1x16xf32> to vector<16xf32>
          %mul3A_764 = arith.mulf %get3A_763, %gather3A_735 : vector<16xf32>
          %swap3A_765 = arith.index_cast %add3A_739 : i32 to index
          %swap3A_766 = arith.constant 32 : index
          %swap3A_767 = tpu.vector_load %arg13[%swap3A_765, %swap3A_766] {strides = array<i32>} : memref<128x128xf32, #tpu.memory_space<vmem>>, vector<1x16xf32>,
          %swap3A_768 = vector.shape_cast %swap3A_767 : vector<1x16xf32> to vector<16xf32>
          %swap3A_769 = vector.shape_cast %mul3A_764 : vector<16xf32> to vector<1x16xf32>
          tpu.vector_store %arg13[%swap3A_765, %swap3A_766], %swap3A_769 {strides = array<i32>} : memref<128x128xf32, #tpu.memory_space<vmem>>, vector<1x16xf32>,
          %get3A_770 = arith.index_cast %add3A_739 : i32 to index
          %get3A_771 = arith.constant 48 : index
          %get3A_772 = tpu.vector_load %arg13[%get3A_770, %get3A_771] {strides = array<i32>} : memref<128x128xf32, #tpu.memory_space<vmem>>, vector<1x16xf32>,
          %get3A_773 = vector.shape_cast %get3A_772 : vector<1x16xf32> to vector<16xf32>
          %mul3A_774 = arith.mulf %get3A_773, %gather3A_735 : vector<16xf32>
          %swap3A_775 = arith.index_cast %add3A_739 : i32 to index
          %swap3A_776 = arith.constant 48 : index
          %swap3A_777 = tpu.vector_load %arg13[%swap3A_775, %swap3A_776] {strides = array<i32>} : memref<128x128xf32, #tpu.memory_space<vmem>>, vector<1x16xf32>,
          %swap3A_778 = vector.shape_cast %swap3A_777 : vector<1x16xf32> to vector<16xf32>
          %swap3A_779 = vector.shape_cast %mul3A_774 : vector<16xf32> to vector<1x16xf32>
          tpu.vector_store %arg13[%swap3A_775, %swap3A_776], %swap3A_779 {strides = array<i32>} : memref<128x128xf32, #tpu.memory_space<vmem>>, vector<1x16xf32>,
          %get3A_780 = arith.index_cast %add3A_739 : i32 to index
          %get3A_781 = arith.constant 64 : index
          %get3A_782 = tpu.vector_load %arg13[%get3A_780, %get3A_781] {strides = array<i32>} : memref<128x128xf32, #tpu.memory_space<vmem>>, vector<1x16xf32>,
          %get3A_783 = vector.shape_cast %get3A_782 : vector<1x16xf32> to vector<16xf32>
          %mul3A_784 = arith.mulf %get3A_783, %gather3A_735 : vector<16xf32>
          %swap3A_785 = arith.index_cast %add3A_739 : i32 to index
          %swap3A_786 = arith.constant 64 : index
          %swap3A_787 = tpu.vector_load %arg13[%swap3A_785, %swap3A_786] {strides = array<i32>} : memref<128x128xf32, #tpu.memory_space<vmem>>, vector<1x16xf32>,
          %swap3A_788 = vector.shape_cast %swap3A_787 : vector<1x16xf32> to vector<16xf32>
          %swap3A_789 = vector.shape_cast %mul3A_784 : vector<16xf32> to vector<1x16xf32>
          tpu.vector_store %arg13[%swap3A_785, %swap3A_786], %swap3A_789 {strides = array<i32>} : memref<128x128xf32, #tpu.memory_space<vmem>>, vector<1x16xf32>,
          %get3A_790 = arith.index_cast %add3A_739 : i32 to index
          %get3A_791 = arith.constant 80 : index
          %get3A_792 = tpu.vector_load %arg13[%get3A_790, %get3A_791] {strides = array<i32>} : memref<128x128xf32, #tpu.memory_space<vmem>>, vector<1x16xf32>,
          %get3A_793 = vector.shape_cast %get3A_792 : vector<1x16xf32> to vector<16xf32>
          %mul3A_794 = arith.mulf %get3A_793, %gather3A_735 : vector<16xf32>
          %swap3A_795 = arith.index_cast %add3A_739 : i32 to index
          %swap3A_796 = arith.constant 80 : index
          %swap3A_797 = tpu.vector_load %arg13[%swap3A_795, %swap3A_796] {strides = array<i32>} : memref<128x128xf32, #tpu.memory_space<vmem>>, vector<1x16xf32>,
          %swap3A_798 = vector.shape_cast %swap3A_797 : vector<1x16xf32> to vector<16xf32>
          %swap3A_799 = vector.shape_cast %mul3A_794 : vector<16xf32> to vector<1x16xf32>
          tpu.vector_store %arg13[%swap3A_795, %swap3A_796], %swap3A_799 {strides = array<i32>} : memref<128x128xf32, #tpu.memory_space<vmem>>, vector<1x16xf32>,
          %get3A_800 = arith.index_cast %add3A_739 : i32 to index
          %get3A_801 = arith.constant 96 : index
          %get3A_802 = tpu.vector_load %arg13[%get3A_800, %get3A_801] {strides = array<i32>} : memref<128x128xf32, #tpu.memory_space<vmem>>, vector<1x16xf32>,
          %get3A_803 = vector.shape_cast %get3A_802 : vector<1x16xf32> to vector<16xf32>
          %mul3A_804 = arith.mulf %get3A_803, %gather3A_735 : vector<16xf32>
          %swap3A_805 = arith.index_cast %add3A_739 : i32 to index
          %swap3A_806 = arith.constant 96 : index
          %swap3A_807 = tpu.vector_load %arg13[%swap3A_805, %swap3A_806] {strides = array<i32>} : memref<128x128xf32, #tpu.memory_space<vmem>>, vector<1x16xf32>,
          %swap3A_808 = vector.shape_cast %swap3A_807 : vector<1x16xf32> to vector<16xf32>
          %swap3A_809 = vector.shape_cast %mul3A_804 : vector<16xf32> to vector<1x16xf32>
          tpu.vector_store %arg13[%swap3A_805, %swap3A_806], %swap3A_809 {strides = array<i32>} : memref<128x128xf32, #tpu.memory_space<vmem>>, vector<1x16xf32>,
          %get3A_810 = arith.index_cast %add3A_739 : i32 to index
          %get3A_811 = arith.constant 112 : index
          %get3A_812 = tpu.vector_load %arg13[%get3A_810, %get3A_811] {strides = array<i32>} : memref<128x128xf32, #tpu.memory_space<vmem>>, vector<1x16xf32>,
          %get3A_813 = vector.shape_cast %get3A_812 : vector<1x16xf32> to vector<16xf32>
          %mul3A_814 = arith.mulf %get3A_813, %gather3A_735 : vector<16xf32>
          %swap3A_815 = arith.index_cast %add3A_739 : i32 to index
          %swap3A_816 = arith.constant 112 : index
          %swap3A_817 = tpu.vector_load %arg13[%swap3A_815, %swap3A_816] {strides = array<i32>} : memref<128x128xf32, #tpu.memory_space<vmem>>, vector<1x16xf32>,
          %swap3A_818 = vector.shape_cast %swap3A_817 : vector<1x16xf32> to vector<16xf32>
          %swap3A_819 = vector.shape_cast %mul3A_814 : vector<16xf32> to vector<1x16xf32>
          tpu.vector_store %arg13[%swap3A_815, %swap3A_816], %swap3A_819 {strides = array<i32>} : memref<128x128xf32, #tpu.memory_space<vmem>>, vector<1x16xf32>,
          %broadcast_in_dim3A_820 = arith.constant 7 : i32
          %broadcast_in_dim3A_821 = vector.broadcast %broadcast_in_dim3A_820 : i32 to vector<16x1xi32>
          %gather3A_822 = vector.shape_cast %broadcast_in_dim3A_821 : vector<16x1xi32> to vector<16xi32>
          %gather3A_823 = tpu.dynamic_gather %get3A_205[%gather3A_822] in [0] : vector<16xf32>, vector<16xi32> -> vector<16xf32>
          %mul3A_824 = arith.constant 16 : i32
          %mul3A_825 = arith.muli %add3A_201, %mul3A_824 : i32
          %add3A_826 = arith.constant 7 : i32
          %add3A_827 = arith.addi %mul3A_825, %add3A_826 : i32
          %get3A_828 = arith.index_cast %add3A_827 : i32 to index
          %get3A_829 = arith.constant 0 : index
          %get3A_830 = tpu.vector_load %arg13[%get3A_828, %get3A_829] {strides = array<i32>} : memref<128x128xf32, #tpu.memory_space<vmem>>, vector<1x16xf32>,
          %get3A_831 = vector.shape_cast %get3A_830 : vector<1x16xf32> to vector<16xf32>
          %mul3A_832 = arith.mulf %get3A_831, %gather3A_823 : vector<16xf32>
          %swap3A_833 = arith.index_cast %add3A_827 : i32 to index
          %swap3A_834 = arith.constant 0 : index
          %swap3A_835 = tpu.vector_load %arg13[%swap3A_833, %swap3A_834] {strides = array<i32>} : memref<128x128xf32, #tpu.memory_space<vmem>>, vector<1x16xf32>,
          %swap3A_836 = vector.shape_cast %swap3A_835 : vector<1x16xf32> to vector<16xf32>
          %swap3A_837 = vector.shape_cast %mul3A_832 : vector<16xf32> to vector<1x16xf32>
          tpu.vector_store %arg13[%swap3A_833, %swap3A_834], %swap3A_837 {strides = array<i32>} : memref<128x128xf32, #tpu.memory_space<vmem>>, vector<1x16xf32>,
          %get3A_838 = arith.index_cast %add3A_827 : i32 to index
          %get3A_839 = arith.constant 16 : index
          %get3A_840 = tpu.vector_load %arg13[%get3A_838, %get3A_839] {strides = array<i32>} : memref<128x128xf32, #tpu.memory_space<vmem>>, vector<1x16xf32>,
          %get3A_841 = vector.shape_cast %get3A_840 : vector<1x16xf32> to vector<16xf32>
          %mul3A_842 = arith.mulf %get3A_841, %gather3A_823 : vector<16xf32>
          %swap3A_843 = arith.index_cast %add3A_827 : i32 to index
          %swap3A_844 = arith.constant 16 : index
          %swap3A_845 = tpu.vector_load %arg13[%swap3A_843, %swap3A_844] {strides = array<i32>} : memref<128x128xf32, #tpu.memory_space<vmem>>, vector<1x16xf32>,
          %swap3A_846 = vector.shape_cast %swap3A_845 : vector<1x16xf32> to vector<16xf32>
          %swap3A_847 = vector.shape_cast %mul3A_842 : vector<16xf32> to vector<1x16xf32>
          tpu.vector_store %arg13[%swap3A_843, %swap3A_844], %swap3A_847 {strides = array<i32>} : memref<128x128xf32, #tpu.memory_space<vmem>>, vector<1x16xf32>,
          %get3A_848 = arith.index_cast %add3A_827 : i32 to index
          %get3A_849 = arith.constant 32 : index
          %get3A_850 = tpu.vector_load %arg13[%get3A_848, %get3A_849] {strides = array<i32>} : memref<128x128xf32, #tpu.memory_space<vmem>>, vector<1x16xf32>,
          %get3A_851 = vector.shape_cast %get3A_850 : vector<1x16xf32> to vector<16xf32>
          %mul3A_852 = arith.mulf %get3A_851, %gather3A_823 : vector<16xf32>
          %swap3A_853 = arith.index_cast %add3A_827 : i32 to index
          %swap3A_854 = arith.constant 32 : index
          %swap3A_855 = tpu.vector_load %arg13[%swap3A_853, %swap3A_854] {strides = array<i32>} : memref<128x128xf32, #tpu.memory_space<vmem>>, vector<1x16xf32>,
          %swap3A_856 = vector.shape_cast %swap3A_855 : vector<1x16xf32> to vector<16xf32>
          %swap3A_857 = vector.shape_cast %mul3A_852 : vector<16xf32> to vector<1x16xf32>
          tpu.vector_store %arg13[%swap3A_853, %swap3A_854], %swap3A_857 {strides = array<i32>} : memref<128x128xf32, #tpu.memory_space<vmem>>, vector<1x16xf32>,
          %get3A_858 = arith.index_cast %add3A_827 : i32 to index
          %get3A_859 = arith.constant 48 : index
          %get3A_860 = tpu.vector_load %arg13[%get3A_858, %get3A_859] {strides = array<i32>} : memref<128x128xf32, #tpu.memory_space<vmem>>, vector<1x16xf32>,
          %get3A_861 = vector.shape_cast %get3A_860 : vector<1x16xf32> to vector<16xf32>
          %mul3A_862 = arith.mulf %get3A_861, %gather3A_823 : vector<16xf32>
          %swap3A_863 = arith.index_cast %add3A_827 : i32 to index
          %swap3A_864 = arith.constant 48 : index
          %swap3A_865 = tpu.vector_load %arg13[%swap3A_863, %swap3A_864] {strides = array<i32>} : memref<128x128xf32, #tpu.memory_space<vmem>>, vector<1x16xf32>,
          %swap3A_866 = vector.shape_cast %swap3A_865 : vector<1x16xf32> to vector<16xf32>
          %swap3A_867 = vector.shape_cast %mul3A_862 : vector<16xf32> to vector<1x16xf32>
          tpu.vector_store %arg13[%swap3A_863, %swap3A_864], %swap3A_867 {strides = array<i32>} : memref<128x128xf32, #tpu.memory_space<vmem>>, vector<1x16xf32>,
          %get3A_868 = arith.index_cast %add3A_827 : i32 to index
          %get3A_869 = arith.constant 64 : index
          %get3A_870 = tpu.vector_load %arg13[%get3A_868, %get3A_869] {strides = array<i32>} : memref<128x128xf32, #tpu.memory_space<vmem>>, vector<1x16xf32>,
          %get3A_871 = vector.shape_cast %get3A_870 : vector<1x16xf32> to vector<16xf32>
          %mul3A_872 = arith.mulf %get3A_871, %gather3A_823 : vector<16xf32>
          %swap3A_873 = arith.index_cast %add3A_827 : i32 to index
          %swap3A_874 = arith.constant 64 : index
          %swap3A_875 = tpu.vector_load %arg13[%swap3A_873, %swap3A_874] {strides = array<i32>} : memref<128x128xf32, #tpu.memory_space<vmem>>, vector<1x16xf32>,
          %swap3A_876 = vector.shape_cast %swap3A_875 : vector<1x16xf32> to vector<16xf32>
          %swap3A_877 = vector.shape_cast %mul3A_872 : vector<16xf32> to vector<1x16xf32>
          tpu.vector_store %arg13[%swap3A_873, %swap3A_874], %swap3A_877 {strides = array<i32>} : memref<128x128xf32, #tpu.memory_space<vmem>>, vector<1x16xf32>,
          %get3A_878 = arith.index_cast %add3A_827 : i32 to index
          %get3A_879 = arith.constant 80 : index
          %get3A_880 = tpu.vector_load %arg13[%get3A_878, %get3A_879] {strides = array<i32>} : memref<128x128xf32, #tpu.memory_space<vmem>>, vector<1x16xf32>,
          %get3A_881 = vector.shape_cast %get3A_880 : vector<1x16xf32> to vector<16xf32>
          %mul3A_882 = arith.mulf %get3A_881, %gather3A_823 : vector<16xf32>
          %swap3A_883 = arith.index_cast %add3A_827 : i32 to index
          %swap3A_884 = arith.constant 80 : index
          %swap3A_885 = tpu.vector_load %arg13[%swap3A_883, %swap3A_884] {strides = array<i32>} : memref<128x128xf32, #tpu.memory_space<vmem>>, vector<1x16xf32>,
          %swap3A_886 = vector.shape_cast %swap3A_885 : vector<1x16xf32> to vector<16xf32>
          %swap3A_887 = vector.shape_cast %mul3A_882 : vector<16xf32> to vector<1x16xf32>
          tpu.vector_store %arg13[%swap3A_883, %swap3A_884], %swap3A_887 {strides = array<i32>} : memref<128x128xf32, #tpu.memory_space<vmem>>, vector<1x16xf32>,
          %get3A_888 = arith.index_cast %add3A_827 : i32 to index
          %get3A_889 = arith.constant 96 : index
          %get3A_890 = tpu.vector_load %arg13[%get3A_888, %get3A_889] {strides = array<i32>} : memref<128x128xf32, #tpu.memory_space<vmem>>, vector<1x16xf32>,
          %get3A_891 = vector.shape_cast %get3A_890 : vector<1x16xf32> to vector<16xf32>
          %mul3A_892 = arith.mulf %get3A_891, %gather3A_823 : vector<16xf32>
          %swap3A_893 = arith.index_cast %add3A_827 : i32 to index
          %swap3A_894 = arith.constant 96 : index
          %swap3A_895 = tpu.vector_load %arg13[%swap3A_893, %swap3A_894] {strides = array<i32>} : memref<128x128xf32, #tpu.memory_space<vmem>>, vector<1x16xf32>,
          %swap3A_896 = vector.shape_cast %swap3A_895 : vector<1x16xf32> to vector<16xf32>
          %swap3A_897 = vector.shape_cast %mul3A_892 : vector<16xf32> to vector<1x16xf32>
          tpu.vector_store %arg13[%swap3A_893, %swap3A_894], %swap3A_897 {strides = array<i32>} : memref<128x128xf32, #tpu.memory_space<vmem>>, vector<1x16xf32>,
          %get3A_898 = arith.index_cast %add3A_827 : i32 to index
          %get3A_899 = arith.constant 112 : index
          %get3A_900 = tpu.vector_load %arg13[%get3A_898, %get3A_899] {strides = array<i32>} : memref<128x128xf32, #tpu.memory_space<vmem>>, vector<1x16xf32>,
          %get3A_901 = vector.shape_cast %get3A_900 : vector<1x16xf32> to vector<16xf32>
          %mul3A_902 = arith.mulf %get3A_901, %gather3A_823 : vector<16xf32>
          %swap3A_903 = arith.index_cast %add3A_827 : i32 to index
          %swap3A_904 = arith.constant 112 : index
          %swap3A_905 = tpu.vector_load %arg13[%swap3A_903, %swap3A_904] {strides = array<i32>} : memref<128x128xf32, #tpu.memory_space<vmem>>, vector<1x16xf32>,
          %swap3A_906 = vector.shape_cast %swap3A_905 : vector<1x16xf32> to vector<16xf32>
          %swap3A_907 = vector.shape_cast %mul3A_902 : vector<16xf32> to vector<1x16xf32>
          tpu.vector_store %arg13[%swap3A_903, %swap3A_904], %swap3A_907 {strides = array<i32>} : memref<128x128xf32, #tpu.memory_space<vmem>>, vector<1x16xf32>,
          %broadcast_in_dim3A_908 = arith.constant 8 : i32
          %broadcast_in_dim3A_909 = vector.broadcast %broadcast_in_dim3A_908 : i32 to vector<16x1xi32>
          %gather3A_910 = vector.shape_cast %broadcast_in_dim3A_909 : vector<16x1xi32> to vector<16xi32>
          %gather3A_911 = tpu.dynamic_gather %get3A_205[%gather3A_910] in [0] : vector<16xf32>, vector<16xi32> -> vector<16xf32>
          %mul3A_912 = arith.constant 16 : i32
          %mul3A_913 = arith.muli %add3A_201, %mul3A_912 : i32
          %add3A_914 = arith.constant 8 : i32
          %add3A_915 = arith.addi %mul3A_913, %add3A_914 : i32
          %get3A_916 = arith.index_cast %add3A_915 : i32 to index
          %get3A_917 = arith.constant 0 : index
          %get3A_918 = tpu.vector_load %arg13[%get3A_916, %get3A_917] {strides = array<i32>} : memref<128x128xf32, #tpu.memory_space<vmem>>, vector<1x16xf32>,
          %get3A_919 = vector.shape_cast %get3A_918 : vector<1x16xf32> to vector<16xf32>
          %mul3A_920 = arith.mulf %get3A_919, %gather3A_911 : vector<16xf32>
          %swap3A_921 = arith.index_cast %add3A_915 : i32 to index
          %swap3A_922 = arith.constant 0 : index
          %swap3A_923 = tpu.vector_load %arg13[%swap3A_921, %swap3A_922] {strides = array<i32>} : memref<128x128xf32, #tpu.memory_space<vmem>>, vector<1x16xf32>,
          %swap3A_924 = vector.shape_cast %swap3A_923 : vector<1x16xf32> to vector<16xf32>
          %swap3A_925 = vector.shape_cast %mul3A_920 : vector<16xf32> to vector<1x16xf32>
          tpu.vector_store %arg13[%swap3A_921, %swap3A_922], %swap3A_925 {strides = array<i32>} : memref<128x128xf32, #tpu.memory_space<vmem>>, vector<1x16xf32>,
          %get3A_926 = arith.index_cast %add3A_915 : i32 to index
          %get3A_927 = arith.constant 16 : index
          %get3A_928 = tpu.vector_load %arg13[%get3A_926, %get3A_927] {strides = array<i32>} : memref<128x128xf32, #tpu.memory_space<vmem>>, vector<1x16xf32>,
          %get3A_929 = vector.shape_cast %get3A_928 : vector<1x16xf32> to vector<16xf32>
          %mul3A_930 = arith.mulf %get3A_929, %gather3A_911 : vector<16xf32>
          %swap3A_931 = arith.index_cast %add3A_915 : i32 to index
          %swap3A_932 = arith.constant 16 : index
          %swap3A_933 = tpu.vector_load %arg13[%swap3A_931, %swap3A_932] {strides = array<i32>} : memref<128x128xf32, #tpu.memory_space<vmem>>, vector<1x16xf32>,
          %swap3A_934 = vector.shape_cast %swap3A_933 : vector<1x16xf32> to vector<16xf32>
          %swap3A_935 = vector.shape_cast %mul3A_930 : vector<16xf32> to vector<1x16xf32>
          tpu.vector_store %arg13[%swap3A_931, %swap3A_932], %swap3A_935 {strides = array<i32>} : memref<128x128xf32, #tpu.memory_space<vmem>>, vector<1x16xf32>,
          %get3A_936 = arith.index_cast %add3A_915 : i32 to index
          %get3A_937 = arith.constant 32 : index
          %get3A_938 = tpu.vector_load %arg13[%get3A_936, %get3A_937] {strides = array<i32>} : memref<128x128xf32, #tpu.memory_space<vmem>>, vector<1x16xf32>,
          %get3A_939 = vector.shape_cast %get3A_938 : vector<1x16xf32> to vector<16xf32>
          %mul3A_940 = arith.mulf %get3A_939, %gather3A_911 : vector<16xf32>
          %swap3A_941 = arith.index_cast %add3A_915 : i32 to index
          %swap3A_942 = arith.constant 32 : index
          %swap3A_943 = tpu.vector_load %arg13[%swap3A_941, %swap3A_942] {strides = array<i32>} : memref<128x128xf32, #tpu.memory_space<vmem>>, vector<1x16xf32>,
          %swap3A_944 = vector.shape_cast %swap3A_943 : vector<1x16xf32> to vector<16xf32>
          %swap3A_945 = vector.shape_cast %mul3A_940 : vector<16xf32> to vector<1x16xf32>
          tpu.vector_store %arg13[%swap3A_941, %swap3A_942], %swap3A_945 {strides = array<i32>} : memref<128x128xf32, #tpu.memory_space<vmem>>, vector<1x16xf32>,
          %get3A_946 = arith.index_cast %add3A_915 : i32 to index
          %get3A_947 = arith.constant 48 : index
          %get3A_948 = tpu.vector_load %arg13[%get3A_946, %get3A_947] {strides = array<i32>} : memref<128x128xf32, #tpu.memory_space<vmem>>, vector<1x16xf32>,
          %get3A_949 = vector.shape_cast %get3A_948 : vector<1x16xf32> to vector<16xf32>
          %mul3A_950 = arith.mulf %get3A_949, %gather3A_911 : vector<16xf32>
          %swap3A_951 = arith.index_cast %add3A_915 : i32 to index
          %swap3A_952 = arith.constant 48 : index
          %swap3A_953 = tpu.vector_load %arg13[%swap3A_951, %swap3A_952] {strides = array<i32>} : memref<128x128xf32, #tpu.memory_space<vmem>>, vector<1x16xf32>,
          %swap3A_954 = vector.shape_cast %swap3A_953 : vector<1x16xf32> to vector<16xf32>
          %swap3A_955 = vector.shape_cast %mul3A_950 : vector<16xf32> to vector<1x16xf32>
          tpu.vector_store %arg13[%swap3A_951, %swap3A_952], %swap3A_955 {strides = array<i32>} : memref<128x128xf32, #tpu.memory_space<vmem>>, vector<1x16xf32>,
          %get3A_956 = arith.index_cast %add3A_915 : i32 to index
          %get3A_957 = arith.constant 64 : index
          %get3A_958 = tpu.vector_load %arg13[%get3A_956, %get3A_957] {strides = array<i32>} : memref<128x128xf32, #tpu.memory_space<vmem>>, vector<1x16xf32>,
          %get3A_959 = vector.shape_cast %get3A_958 : vector<1x16xf32> to vector<16xf32>
          %mul3A_960 = arith.mulf %get3A_959, %gather3A_911 : vector<16xf32>
          %swap3A_961 = arith.index_cast %add3A_915 : i32 to index
          %swap3A_962 = arith.constant 64 : index
          %swap3A_963 = tpu.vector_load %arg13[%swap3A_961, %swap3A_962] {strides = array<i32>} : memref<128x128xf32, #tpu.memory_space<vmem>>, vector<1x16xf32>,
          %swap3A_964 = vector.shape_cast %swap3A_963 : vector<1x16xf32> to vector<16xf32>
          %swap3A_965 = vector.shape_cast %mul3A_960 : vector<16xf32> to vector<1x16xf32>
          tpu.vector_store %arg13[%swap3A_961, %swap3A_962], %swap3A_965 {strides = array<i32>} : memref<128x128xf32, #tpu.memory_space<vmem>>, vector<1x16xf32>,
          %get3A_966 = arith.index_cast %add3A_915 : i32 to index
          %get3A_967 = arith.constant 80 : index
          %get3A_968 = tpu.vector_load %arg13[%get3A_966, %get3A_967] {strides = array<i32>} : memref<128x128xf32, #tpu.memory_space<vmem>>, vector<1x16xf32>,
          %get3A_969 = vector.shape_cast %get3A_968 : vector<1x16xf32> to vector<16xf32>
          %mul3A_970 = arith.mulf %get3A_969, %gather3A_911 : vector<16xf32>
          %swap3A_971 = arith.index_cast %add3A_915 : i32 to index
          %swap3A_972 = arith.constant 80 : index
          %swap3A_973 = tpu.vector_load %arg13[%swap3A_971, %swap3A_972] {strides = array<i32>} : memref<128x128xf32, #tpu.memory_space<vmem>>, vector<1x16xf32>,
          %swap3A_974 = vector.shape_cast %swap3A_973 : vector<1x16xf32> to vector<16xf32>
          %swap3A_975 = vector.shape_cast %mul3A_970 : vector<16xf32> to vector<1x16xf32>
          tpu.vector_store %arg13[%swap3A_971, %swap3A_972], %swap3A_975 {strides = array<i32>} : memref<128x128xf32, #tpu.memory_space<vmem>>, vector<1x16xf32>,
          %get3A_976 = arith.index_cast %add3A_915 : i32 to index
          %get3A_977 = arith.constant 96 : index
          %get3A_978 = tpu.vector_load %arg13[%get3A_976, %get3A_977] {strides = array<i32>} : memref<128x128xf32, #tpu.memory_space<vmem>>, vector<1x16xf32>,
          %get3A_979 = vector.shape_cast %get3A_978 : vector<1x16xf32> to vector<16xf32>
          %mul3A_980 = arith.mulf %get3A_979, %gather3A_911 : vector<16xf32>
          %swap3A_981 = arith.index_cast %add3A_915 : i32 to index
          %swap3A_982 = arith.constant 96 : index
          %swap3A_983 = tpu.vector_load %arg13[%swap3A_981, %swap3A_982] {strides = array<i32>} : memref<128x128xf32, #tpu.memory_space<vmem>>, vector<1x16xf32>,
          %swap3A_984 = vector.shape_cast %swap3A_983 : vector<1x16xf32> to vector<16xf32>
          %swap3A_985 = vector.shape_cast %mul3A_980 : vector<16xf32> to vector<1x16xf32>
          tpu.vector_store %arg13[%swap3A_981, %swap3A_982], %swap3A_985 {strides = array<i32>} : memref<128x128xf32, #tpu.memory_space<vmem>>, vector<1x16xf32>,
          %get3A_986 = arith.index_cast %add3A_915 : i32 to index
          %get3A_987 = arith.constant 112 : index
          %get3A_988 = tpu.vector_load %arg13[%get3A_986, %get3A_987] {strides = array<i32>} : memref<128x128xf32, #tpu.memory_space<vmem>>, vector<1x16xf32>,
          %get3A_989 = vector.shape_cast %get3A_988 : vector<1x16xf32> to vector<16xf32>
          %mul3A_990 = arith.mulf %get3A_989, %gather3A_911 : vector<16xf32>
          %swap3A_991 = arith.index_cast %add3A_915 : i32 to index
          %swap3A_992 = arith.constant 112 : index
          %swap3A_993 = tpu.vector_load %arg13[%swap3A_991, %swap3A_992] {strides = array<i32>} : memref<128x128xf32, #tpu.memory_space<vmem>>, vector<1x16xf32>,
          %swap3A_994 = vector.shape_cast %swap3A_993 : vector<1x16xf32> to vector<16xf32>
          %swap3A_995 = vector.shape_cast %mul3A_990 : vector<16xf32> to vector<1x16xf32>
          tpu.vector_store %arg13[%swap3A_991, %swap3A_992], %swap3A_995 {strides = array<i32>} : memref<128x128xf32, #tpu.memory_space<vmem>>, vector<1x16xf32>,
          %broadcast_in_dim3A_996 = arith.constant 9 : i32
          %broadcast_in_dim3A_997 = vector.broadcast %broadcast_in_dim3A_996 : i32 to vector<16x1xi32>
          %gather3A_998 = vector.shape_cast %broadcast_in_dim3A_997 : vector<16x1xi32> to vector<16xi32>
          %gather3A_999 = tpu.dynamic_gather %get3A_205[%gather3A_998] in [0] : vector<16xf32>, vector<16xi32> -> vector<16xf32>
          %mul3A_1000 = arith.constant 16 : i32
          %mul3A_1001 = arith.muli %add3A_201, %mul3A_1000 : i32
          %add3A_1002 = arith.constant 9 : i32
          %add3A_1003 = arith.addi %mul3A_1001, %add3A_1002 : i32
          %get3A_1004 = arith.index_cast %add3A_1003 : i32 to index
          %get3A_1005 = arith.constant 0 : index
          %get3A_1006 = tpu.vector_load %arg13[%get3A_1004, %get3A_1005] {strides = array<i32>} : memref<128x128xf32, #tpu.memory_space<vmem>>, vector<1x16xf32>,
          %get3A_1007 = vector.shape_cast %get3A_1006 : vector<1x16xf32> to vector<16xf32>
          %mul3A_1008 = arith.mulf %get3A_1007, %gather3A_999 : vector<16xf32>
          %swap3A_1009 = arith.index_cast %add3A_1003 : i32 to index
          %swap3A_1010 = arith.constant 0 : index
          %swap3A_1011 = tpu.vector_load %arg13[%swap3A_1009, %swap3A_1010] {strides = array<i32>} : memref<128x128xf32, #tpu.memory_space<vmem>>, vector<1x16xf32>,
          %swap3A_1012 = vector.shape_cast %swap3A_1011 : vector<1x16xf32> to vector<16xf32>
          %swap3A_1013 = vector.shape_cast %mul3A_1008 : vector<16xf32> to vector<1x16xf32>
          tpu.vector_store %arg13[%swap3A_1009, %swap3A_1010], %swap3A_1013 {strides = array<i32>} : memref<128x128xf32, #tpu.memory_space<vmem>>, vector<1x16xf32>,
          %get3A_1014 = arith.index_cast %add3A_1003 : i32 to index
          %get3A_1015 = arith.constant 16 : index
          %get3A_1016 = tpu.vector_load %arg13[%get3A_1014, %get3A_1015] {strides = array<i32>} : memref<128x128xf32, #tpu.memory_space<vmem>>, vector<1x16xf32>,
          %get3A_1017 = vector.shape_cast %get3A_1016 : vector<1x16xf32> to vector<16xf32>
          %mul3A_1018 = arith.mulf %get3A_1017, %gather3A_999 : vector<16xf32>
          %swap3A_1019 = arith.index_cast %add3A_1003 : i32 to index
          %swap3A_1020 = arith.constant 16 : index
          %swap3A_1021 = tpu.vector_load %arg13[%swap3A_1019, %swap3A_1020] {strides = array<i32>} : memref<128x128xf32, #tpu.memory_space<vmem>>, vector<1x16xf32>,
          %swap3A_1022 = vector.shape_cast %swap3A_1021 : vector<1x16xf32> to vector<16xf32>
          %swap3A_1023 = vector.shape_cast %mul3A_1018 : vector<16xf32> to vector<1x16xf32>
          tpu.vector_store %arg13[%swap3A_1019, %swap3A_1020], %swap3A_1023 {strides = array<i32>} : memref<128x128xf32, #tpu.memory_space<vmem>>, vector<1x16xf32>,
          %get3A_1024 = arith.index_cast %add3A_1003 : i32 to index
          %get3A_1025 = arith.constant 32 : index
          %get3A_1026 = tpu.vector_load %arg13[%get3A_1024, %get3A_1025] {strides = array<i32>} : memref<128x128xf32, #tpu.memory_space<vmem>>, vector<1x16xf32>,
          %get3A_1027 = vector.shape_cast %get3A_1026 : vector<1x16xf32> to vector<16xf32>
          %mul3A_1028 = arith.mulf %get3A_1027, %gather3A_999 : vector<16xf32>
          %swap3A_1029 = arith.index_cast %add3A_1003 : i32 to index
          %swap3A_1030 = arith.constant 32 : index
          %swap3A_1031 = tpu.vector_load %arg13[%swap3A_1029, %swap3A_1030] {strides = array<i32>} : memref<128x128xf32, #tpu.memory_space<vmem>>, vector<1x16xf32>,
          %swap3A_1032 = vector.shape_cast %swap3A_1031 : vector<1x16xf32> to vector<16xf32>
          %swap3A_1033 = vector.shape_cast %mul3A_1028 : vector<16xf32> to vector<1x16xf32>
          tpu.vector_store %arg13[%swap3A_1029, %swap3A_1030], %swap3A_1033 {strides = array<i32>} : memref<128x128xf32, #tpu.memory_space<vmem>>, vector<1x16xf32>,
          %get3A_1034 = arith.index_cast %add3A_1003 : i32 to index
          %get3A_1035 = arith.constant 48 : index
          %get3A_1036 = tpu.vector_load %arg13[%get3A_1034, %get3A_1035] {strides = array<i32>} : memref<128x128xf32, #tpu.memory_space<vmem>>, vector<1x16xf32>,
          %get3A_1037 = vector.shape_cast %get3A_1036 : vector<1x16xf32> to vector<16xf32>
          %mul3A_1038 = arith.mulf %get3A_1037, %gather3A_999 : vector<16xf32>
          %swap3A_1039 = arith.index_cast %add3A_1003 : i32 to index
          %swap3A_1040 = arith.constant 48 : index
          %swap3A_1041 = tpu.vector_load %arg13[%swap3A_1039, %swap3A_1040] {strides = array<i32>} : memref<128x128xf32, #tpu.memory_space<vmem>>, vector<1x16xf32>,
          %swap3A_1042 = vector.shape_cast %swap3A_1041 : vector<1x16xf32> to vector<16xf32>
          %swap3A_1043 = vector.shape_cast %mul3A_1038 : vector<16xf32> to vector<1x16xf32>
          tpu.vector_store %arg13[%swap3A_1039, %swap3A_1040], %swap3A_1043 {strides = array<i32>} : memref<128x128xf32, #tpu.memory_space<vmem>>, vector<1x16xf32>,
          %get3A_1044 = arith.index_cast %add3A_1003 : i32 to index
          %get3A_1045 = arith.constant 64 : index
          %get3A_1046 = tpu.vector_load %arg13[%get3A_1044, %get3A_1045] {strides = array<i32>} : memref<128x128xf32, #tpu.memory_space<vmem>>, vector<1x16xf32>,
          %get3A_1047 = vector.shape_cast %get3A_1046 : vector<1x16xf32> to vector<16xf32>
          %mul3A_1048 = arith.mulf %get3A_1047, %gather3A_999 : vector<16xf32>
          %swap3A_1049 = arith.index_cast %add3A_1003 : i32 to index
          %swap3A_1050 = arith.constant 64 : index
          %swap3A_1051 = tpu.vector_load %arg13[%swap3A_1049, %swap3A_1050] {strides = array<i32>} : memref<128x128xf32, #tpu.memory_space<vmem>>, vector<1x16xf32>,
          %swap3A_1052 = vector.shape_cast %swap3A_1051 : vector<1x16xf32> to vector<16xf32>
          %swap3A_1053 = vector.shape_cast %mul3A_1048 : vector<16xf32> to vector<1x16xf32>
          tpu.vector_store %arg13[%swap3A_1049, %swap3A_1050], %swap3A_1053 {strides = array<i32>} : memref<128x128xf32, #tpu.memory_space<vmem>>, vector<1x16xf32>,
          %get3A_1054 = arith.index_cast %add3A_1003 : i32 to index
          %get3A_1055 = arith.constant 80 : index
          %get3A_1056 = tpu.vector_load %arg13[%get3A_1054, %get3A_1055] {strides = array<i32>} : memref<128x128xf32, #tpu.memory_space<vmem>>, vector<1x16xf32>,
          %get3A_1057 = vector.shape_cast %get3A_1056 : vector<1x16xf32> to vector<16xf32>
          %mul3A_1058 = arith.mulf %get3A_1057, %gather3A_999 : vector<16xf32>
          %swap3A_1059 = arith.index_cast %add3A_1003 : i32 to index
          %swap3A_1060 = arith.constant 80 : index
          %swap3A_1061 = tpu.vector_load %arg13[%swap3A_1059, %swap3A_1060] {strides = array<i32>} : memref<128x128xf32, #tpu.memory_space<vmem>>, vector<1x16xf32>,
          %swap3A_1062 = vector.shape_cast %swap3A_1061 : vector<1x16xf32> to vector<16xf32>
          %swap3A_1063 = vector.shape_cast %mul3A_1058 : vector<16xf32> to vector<1x16xf32>
          tpu.vector_store %arg13[%swap3A_1059, %swap3A_1060], %swap3A_1063 {strides = array<i32>} : memref<128x128xf32, #tpu.memory_space<vmem>>, vector<1x16xf32>,
          %get3A_1064 = arith.index_cast %add3A_1003 : i32 to index
          %get3A_1065 = arith.constant 96 : index
          %get3A_1066 = tpu.vector_load %arg13[%get3A_1064, %get3A_1065] {strides = array<i32>} : memref<128x128xf32, #tpu.memory_space<vmem>>, vector<1x16xf32>,
          %get3A_1067 = vector.shape_cast %get3A_1066 : vector<1x16xf32> to vector<16xf32>
          %mul3A_1068 = arith.mulf %get3A_1067, %gather3A_999 : vector<16xf32>
          %swap3A_1069 = arith.index_cast %add3A_1003 : i32 to index
          %swap3A_1070 = arith.constant 96 : index
          %swap3A_1071 = tpu.vector_load %arg13[%swap3A_1069, %swap3A_1070] {strides = array<i32>} : memref<128x128xf32, #tpu.memory_space<vmem>>, vector<1x16xf32>,
          %swap3A_1072 = vector.shape_cast %swap3A_1071 : vector<1x16xf32> to vector<16xf32>
          %swap3A_1073 = vector.shape_cast %mul3A_1068 : vector<16xf32> to vector<1x16xf32>
          tpu.vector_store %arg13[%swap3A_1069, %swap3A_1070], %swap3A_1073 {strides = array<i32>} : memref<128x128xf32, #tpu.memory_space<vmem>>, vector<1x16xf32>,
          %get3A_1074 = arith.index_cast %add3A_1003 : i32 to index
          %get3A_1075 = arith.constant 112 : index
          %get3A_1076 = tpu.vector_load %arg13[%get3A_1074, %get3A_1075] {strides = array<i32>} : memref<128x128xf32, #tpu.memory_space<vmem>>, vector<1x16xf32>,
          %get3A_1077 = vector.shape_cast %get3A_1076 : vector<1x16xf32> to vector<16xf32>
          %mul3A_1078 = arith.mulf %get3A_1077, %gather3A_999 : vector<16xf32>
          %swap3A_1079 = arith.index_cast %add3A_1003 : i32 to index
          %swap3A_1080 = arith.constant 112 : index
          %swap3A_1081 = tpu.vector_load %arg13[%swap3A_1079, %swap3A_1080] {strides = array<i32>} : memref<128x128xf32, #tpu.memory_space<vmem>>, vector<1x16xf32>,
          %swap3A_1082 = vector.shape_cast %swap3A_1081 : vector<1x16xf32> to vector<16xf32>
          %swap3A_1083 = vector.shape_cast %mul3A_1078 : vector<16xf32> to vector<1x16xf32>
          tpu.vector_store %arg13[%swap3A_1079, %swap3A_1080], %swap3A_1083 {strides = array<i32>} : memref<128x128xf32, #tpu.memory_space<vmem>>, vector<1x16xf32>,
          %broadcast_in_dim3A_1084 = arith.constant 10 : i32
          %broadcast_in_dim3A_1085 = vector.broadcast %broadcast_in_dim3A_1084 : i32 to vector<16x1xi32>
          %gather3A_1086 = vector.shape_cast %broadcast_in_dim3A_1085 : vector<16x1xi32> to vector<16xi32>
          %gather3A_1087 = tpu.dynamic_gather %get3A_205[%gather3A_1086] in [0] : vector<16xf32>, vector<16xi32> -> vector<16xf32>
          %mul3A_1088 = arith.constant 16 : i32
          %mul3A_1089 = arith.muli %add3A_201, %mul3A_1088 : i32
          %add3A_1090 = arith.constant 10 : i32
          %add3A_1091 = arith.addi %mul3A_1089, %add3A_1090 : i32
          %get3A_1092 = arith.index_cast %add3A_1091 : i32 to index
          %get3A_1093 = arith.constant 0 : index
          %get3A_1094 = tpu.vector_load %arg13[%get3A_1092, %get3A_1093] {strides = array<i32>} : memref<128x128xf32, #tpu.memory_space<vmem>>, vector<1x16xf32>,
          %get3A_1095 = vector.shape_cast %get3A_1094 : vector<1x16xf32> to vector<16xf32>
          %mul3A_1096 = arith.mulf %get3A_1095, %gather3A_1087 : vector<16xf32>
          %swap3A_1097 = arith.index_cast %add3A_1091 : i32 to index
          %swap3A_1098 = arith.constant 0 : index
          %swap3A_1099 = tpu.vector_load %arg13[%swap3A_1097, %swap3A_1098] {strides = array<i32>} : memref<128x128xf32, #tpu.memory_space<vmem>>, vector<1x16xf32>,
          %swap3A_1100 = vector.shape_cast %swap3A_1099 : vector<1x16xf32> to vector<16xf32>
          %swap3A_1101 = vector.shape_cast %mul3A_1096 : vector<16xf32> to vector<1x16xf32>
          tpu.vector_store %arg13[%swap3A_1097, %swap3A_1098], %swap3A_1101 {strides = array<i32>} : memref<128x128xf32, #tpu.memory_space<vmem>>, vector<1x16xf32>,
          %get3A_1102 = arith.index_cast %add3A_1091 : i32 to index
          %get3A_1103 = arith.constant 16 : index
          %get3A_1104 = tpu.vector_load %arg13[%get3A_1102, %get3A_1103] {strides = array<i32>} : memref<128x128xf32, #tpu.memory_space<vmem>>, vector<1x16xf32>,
          %get3A_1105 = vector.shape_cast %get3A_1104 : vector<1x16xf32> to vector<16xf32>
          %mul3A_1106 = arith.mulf %get3A_1105, %gather3A_1087 : vector<16xf32>
          %swap3A_1107 = arith.index_cast %add3A_1091 : i32 to index
          %swap3A_1108 = arith.constant 16 : index
          %swap3A_1109 = tpu.vector_load %arg13[%swap3A_1107, %swap3A_1108] {strides = array<i32>} : memref<128x128xf32, #tpu.memory_space<vmem>>, vector<1x16xf32>,
          %swap3A_1110 = vector.shape_cast %swap3A_1109 : vector<1x16xf32> to vector<16xf32>
          %swap3A_1111 = vector.shape_cast %mul3A_1106 : vector<16xf32> to vector<1x16xf32>
          tpu.vector_store %arg13[%swap3A_1107, %swap3A_1108], %swap3A_1111 {strides = array<i32>} : memref<128x128xf32, #tpu.memory_space<vmem>>, vector<1x16xf32>,
          %get3A_1112 = arith.index_cast %add3A_1091 : i32 to index
          %get3A_1113 = arith.constant 32 : index
          %get3A_1114 = tpu.vector_load %arg13[%get3A_1112, %get3A_1113] {strides = array<i32>} : memref<128x128xf32, #tpu.memory_space<vmem>>, vector<1x16xf32>,
          %get3A_1115 = vector.shape_cast %get3A_1114 : vector<1x16xf32> to vector<16xf32>
          %mul3A_1116 = arith.mulf %get3A_1115, %gather3A_1087 : vector<16xf32>
          %swap3A_1117 = arith.index_cast %add3A_1091 : i32 to index
          %swap3A_1118 = arith.constant 32 : index
          %swap3A_1119 = tpu.vector_load %arg13[%swap3A_1117, %swap3A_1118] {strides = array<i32>} : memref<128x128xf32, #tpu.memory_space<vmem>>, vector<1x16xf32>,
          %swap3A_1120 = vector.shape_cast %swap3A_1119 : vector<1x16xf32> to vector<16xf32>
          %swap3A_1121 = vector.shape_cast %mul3A_1116 : vector<16xf32> to vector<1x16xf32>
          tpu.vector_store %arg13[%swap3A_1117, %swap3A_1118], %swap3A_1121 {strides = array<i32>} : memref<128x128xf32, #tpu.memory_space<vmem>>, vector<1x16xf32>,
          %get3A_1122 = arith.index_cast %add3A_1091 : i32 to index
          %get3A_1123 = arith.constant 48 : index
          %get3A_1124 = tpu.vector_load %arg13[%get3A_1122, %get3A_1123] {strides = array<i32>} : memref<128x128xf32, #tpu.memory_space<vmem>>, vector<1x16xf32>,
          %get3A_1125 = vector.shape_cast %get3A_1124 : vector<1x16xf32> to vector<16xf32>
          %mul3A_1126 = arith.mulf %get3A_1125, %gather3A_1087 : vector<16xf32>
          %swap3A_1127 = arith.index_cast %add3A_1091 : i32 to index
          %swap3A_1128 = arith.constant 48 : index
          %swap3A_1129 = tpu.vector_load %arg13[%swap3A_1127, %swap3A_1128] {strides = array<i32>} : memref<128x128xf32, #tpu.memory_space<vmem>>, vector<1x16xf32>,
          %swap3A_1130 = vector.shape_cast %swap3A_1129 : vector<1x16xf32> to vector<16xf32>
          %swap3A_1131 = vector.shape_cast %mul3A_1126 : vector<16xf32> to vector<1x16xf32>
          tpu.vector_store %arg13[%swap3A_1127, %swap3A_1128], %swap3A_1131 {strides = array<i32>} : memref<128x128xf32, #tpu.memory_space<vmem>>, vector<1x16xf32>,
          %get3A_1132 = arith.index_cast %add3A_1091 : i32 to index
          %get3A_1133 = arith.constant 64 : index
          %get3A_1134 = tpu.vector_load %arg13[%get3A_1132, %get3A_1133] {strides = array<i32>} : memref<128x128xf32, #tpu.memory_space<vmem>>, vector<1x16xf32>,
          %get3A_1135 = vector.shape_cast %get3A_1134 : vector<1x16xf32> to vector<16xf32>
          %mul3A_1136 = arith.mulf %get3A_1135, %gather3A_1087 : vector<16xf32>
          %swap3A_1137 = arith.index_cast %add3A_1091 : i32 to index
          %swap3A_1138 = arith.constant 64 : index
          %swap3A_1139 = tpu.vector_load %arg13[%swap3A_1137, %swap3A_1138] {strides = array<i32>} : memref<128x128xf32, #tpu.memory_space<vmem>>, vector<1x16xf32>,
          %swap3A_1140 = vector.shape_cast %swap3A_1139 : vector<1x16xf32> to vector<16xf32>
          %swap3A_1141 = vector.shape_cast %mul3A_1136 : vector<16xf32> to vector<1x16xf32>
          tpu.vector_store %arg13[%swap3A_1137, %swap3A_1138], %swap3A_1141 {strides = array<i32>} : memref<128x128xf32, #tpu.memory_space<vmem>>, vector<1x16xf32>,
          %get3A_1142 = arith.index_cast %add3A_1091 : i32 to index
          %get3A_1143 = arith.constant 80 : index
          %get3A_1144 = tpu.vector_load %arg13[%get3A_1142, %get3A_1143] {strides = array<i32>} : memref<128x128xf32, #tpu.memory_space<vmem>>, vector<1x16xf32>,
          %get3A_1145 = vector.shape_cast %get3A_1144 : vector<1x16xf32> to vector<16xf32>
          %mul3A_1146 = arith.mulf %get3A_1145, %gather3A_1087 : vector<16xf32>
          %swap3A_1147 = arith.index_cast %add3A_1091 : i32 to index
          %swap3A_1148 = arith.constant 80 : index
          %swap3A_1149 = tpu.vector_load %arg13[%swap3A_1147, %swap3A_1148] {strides = array<i32>} : memref<128x128xf32, #tpu.memory_space<vmem>>, vector<1x16xf32>,
          %swap3A_1150 = vector.shape_cast %swap3A_1149 : vector<1x16xf32> to vector<16xf32>
          %swap3A_1151 = vector.shape_cast %mul3A_1146 : vector<16xf32> to vector<1x16xf32>
          tpu.vector_store %arg13[%swap3A_1147, %swap3A_1148], %swap3A_1151 {strides = array<i32>} : memref<128x128xf32, #tpu.memory_space<vmem>>, vector<1x16xf32>,
          %get3A_1152 = arith.index_cast %add3A_1091 : i32 to index
          %get3A_1153 = arith.constant 96 : index
          %get3A_1154 = tpu.vector_load %arg13[%get3A_1152, %get3A_1153] {strides = array<i32>} : memref<128x128xf32, #tpu.memory_space<vmem>>, vector<1x16xf32>,
          %get3A_1155 = vector.shape_cast %get3A_1154 : vector<1x16xf32> to vector<16xf32>
          %mul3A_1156 = arith.mulf %get3A_1155, %gather3A_1087 : vector<16xf32>
          %swap3A_1157 = arith.index_cast %add3A_1091 : i32 to index
          %swap3A_1158 = arith.constant 96 : index
          %swap3A_1159 = tpu.vector_load %arg13[%swap3A_1157, %swap3A_1158] {strides = array<i32>} : memref<128x128xf32, #tpu.memory_space<vmem>>, vector<1x16xf32>,
          %swap3A_1160 = vector.shape_cast %swap3A_1159 : vector<1x16xf32> to vector<16xf32>
          %swap3A_1161 = vector.shape_cast %mul3A_1156 : vector<16xf32> to vector<1x16xf32>
          tpu.vector_store %arg13[%swap3A_1157, %swap3A_1158], %swap3A_1161 {strides = array<i32>} : memref<128x128xf32, #tpu.memory_space<vmem>>, vector<1x16xf32>,
          %get3A_1162 = arith.index_cast %add3A_1091 : i32 to index
          %get3A_1163 = arith.constant 112 : index
          %get3A_1164 = tpu.vector_load %arg13[%get3A_1162, %get3A_1163] {strides = array<i32>} : memref<128x128xf32, #tpu.memory_space<vmem>>, vector<1x16xf32>,
          %get3A_1165 = vector.shape_cast %get3A_1164 : vector<1x16xf32> to vector<16xf32>
          %mul3A_1166 = arith.mulf %get3A_1165, %gather3A_1087 : vector<16xf32>
          %swap3A_1167 = arith.index_cast %add3A_1091 : i32 to index
          %swap3A_1168 = arith.constant 112 : index
          %swap3A_1169 = tpu.vector_load %arg13[%swap3A_1167, %swap3A_1168] {strides = array<i32>} : memref<128x128xf32, #tpu.memory_space<vmem>>, vector<1x16xf32>,
          %swap3A_1170 = vector.shape_cast %swap3A_1169 : vector<1x16xf32> to vector<16xf32>
          %swap3A_1171 = vector.shape_cast %mul3A_1166 : vector<16xf32> to vector<1x16xf32>
          tpu.vector_store %arg13[%swap3A_1167, %swap3A_1168], %swap3A_1171 {strides = array<i32>} : memref<128x128xf32, #tpu.memory_space<vmem>>, vector<1x16xf32>,
          %broadcast_in_dim3A_1172 = arith.constant 11 : i32
          %broadcast_in_dim3A_1173 = vector.broadcast %broadcast_in_dim3A_1172 : i32 to vector<16x1xi32>
          %gather3A_1174 = vector.shape_cast %broadcast_in_dim3A_1173 : vector<16x1xi32> to vector<16xi32>
          %gather3A_1175 = tpu.dynamic_gather %get3A_205[%gather3A_1174] in [0] : vector<16xf32>, vector<16xi32> -> vector<16xf32>
          %mul3A_1176 = arith.constant 16 : i32
          %mul3A_1177 = arith.muli %add3A_201, %mul3A_1176 : i32
          %add3A_1178 = arith.constant 11 : i32
          %add3A_1179 = arith.addi %mul3A_1177, %add3A_1178 : i32
          %get3A_1180 = arith.index_cast %add3A_1179 : i32 to index
          %get3A_1181 = arith.constant 0 : index
          %get3A_1182 = tpu.vector_load %arg13[%get3A_1180, %get3A_1181] {strides = array<i32>} : memref<128x128xf32, #tpu.memory_space<vmem>>, vector<1x16xf32>,
          %get3A_1183 = vector.shape_cast %get3A_1182 : vector<1x16xf32> to vector<16xf32>
          %mul3A_1184 = arith.mulf %get3A_1183, %gather3A_1175 : vector<16xf32>
          %swap3A_1185 = arith.index_cast %add3A_1179 : i32 to index
          %swap3A_1186 = arith.constant 0 : index
          %swap3A_1187 = tpu.vector_load %arg13[%swap3A_1185, %swap3A_1186] {strides = array<i32>} : memref<128x128xf32, #tpu.memory_space<vmem>>, vector<1x16xf32>,
          %swap3A_1188 = vector.shape_cast %swap3A_1187 : vector<1x16xf32> to vector<16xf32>
          %swap3A_1189 = vector.shape_cast %mul3A_1184 : vector<16xf32> to vector<1x16xf32>
          tpu.vector_store %arg13[%swap3A_1185, %swap3A_1186], %swap3A_1189 {strides = array<i32>} : memref<128x128xf32, #tpu.memory_space<vmem>>, vector<1x16xf32>,
          %get3A_1190 = arith.index_cast %add3A_1179 : i32 to index
          %get3A_1191 = arith.constant 16 : index
          %get3A_1192 = tpu.vector_load %arg13[%get3A_1190, %get3A_1191] {strides = array<i32>} : memref<128x128xf32, #tpu.memory_space<vmem>>, vector<1x16xf32>,
          %get3A_1193 = vector.shape_cast %get3A_1192 : vector<1x16xf32> to vector<16xf32>
          %mul3A_1194 = arith.mulf %get3A_1193, %gather3A_1175 : vector<16xf32>
          %swap3A_1195 = arith.index_cast %add3A_1179 : i32 to index
          %swap3A_1196 = arith.constant 16 : index
          %swap3A_1197 = tpu.vector_load %arg13[%swap3A_1195, %swap3A_1196] {strides = array<i32>} : memref<128x128xf32, #tpu.memory_space<vmem>>, vector<1x16xf32>,
          %swap3A_1198 = vector.shape_cast %swap3A_1197 : vector<1x16xf32> to vector<16xf32>
          %swap3A_1199 = vector.shape_cast %mul3A_1194 : vector<16xf32> to vector<1x16xf32>
          tpu.vector_store %arg13[%swap3A_1195, %swap3A_1196], %swap3A_1199 {strides = array<i32>} : memref<128x128xf32, #tpu.memory_space<vmem>>, vector<1x16xf32>,
          %get3A_1200 = arith.index_cast %add3A_1179 : i32 to index
          %get3A_1201 = arith.constant 32 : index
          %get3A_1202 = tpu.vector_load %arg13[%get3A_1200, %get3A_1201] {strides = array<i32>} : memref<128x128xf32, #tpu.memory_space<vmem>>, vector<1x16xf32>,
          %get3A_1203 = vector.shape_cast %get3A_1202 : vector<1x16xf32> to vector<16xf32>
          %mul3A_1204 = arith.mulf %get3A_1203, %gather3A_1175 : vector<16xf32>
          %swap3A_1205 = arith.index_cast %add3A_1179 : i32 to index
          %swap3A_1206 = arith.constant 32 : index
          %swap3A_1207 = tpu.vector_load %arg13[%swap3A_1205, %swap3A_1206] {strides = array<i32>} : memref<128x128xf32, #tpu.memory_space<vmem>>, vector<1x16xf32>,
          %swap3A_1208 = vector.shape_cast %swap3A_1207 : vector<1x16xf32> to vector<16xf32>
          %swap3A_1209 = vector.shape_cast %mul3A_1204 : vector<16xf32> to vector<1x16xf32>
          tpu.vector_store %arg13[%swap3A_1205, %swap3A_1206], %swap3A_1209 {strides = array<i32>} : memref<128x128xf32, #tpu.memory_space<vmem>>, vector<1x16xf32>,
          %get3A_1210 = arith.index_cast %add3A_1179 : i32 to index
          %get3A_1211 = arith.constant 48 : index
          %get3A_1212 = tpu.vector_load %arg13[%get3A_1210, %get3A_1211] {strides = array<i32>} : memref<128x128xf32, #tpu.memory_space<vmem>>, vector<1x16xf32>,
          %get3A_1213 = vector.shape_cast %get3A_1212 : vector<1x16xf32> to vector<16xf32>
          %mul3A_1214 = arith.mulf %get3A_1213, %gather3A_1175 : vector<16xf32>
          %swap3A_1215 = arith.index_cast %add3A_1179 : i32 to index
          %swap3A_1216 = arith.constant 48 : index
          %swap3A_1217 = tpu.vector_load %arg13[%swap3A_1215, %swap3A_1216] {strides = array<i32>} : memref<128x128xf32, #tpu.memory_space<vmem>>, vector<1x16xf32>,
          %swap3A_1218 = vector.shape_cast %swap3A_1217 : vector<1x16xf32> to vector<16xf32>
          %swap3A_1219 = vector.shape_cast %mul3A_1214 : vector<16xf32> to vector<1x16xf32>
          tpu.vector_store %arg13[%swap3A_1215, %swap3A_1216], %swap3A_1219 {strides = array<i32>} : memref<128x128xf32, #tpu.memory_space<vmem>>, vector<1x16xf32>,
          %get3A_1220 = arith.index_cast %add3A_1179 : i32 to index
          %get3A_1221 = arith.constant 64 : index
          %get3A_1222 = tpu.vector_load %arg13[%get3A_1220, %get3A_1221] {strides = array<i32>} : memref<128x128xf32, #tpu.memory_space<vmem>>, vector<1x16xf32>,
          %get3A_1223 = vector.shape_cast %get3A_1222 : vector<1x16xf32> to vector<16xf32>
          %mul3A_1224 = arith.mulf %get3A_1223, %gather3A_1175 : vector<16xf32>
          %swap3A_1225 = arith.index_cast %add3A_1179 : i32 to index
          %swap3A_1226 = arith.constant 64 : index
          %swap3A_1227 = tpu.vector_load %arg13[%swap3A_1225, %swap3A_1226] {strides = array<i32>} : memref<128x128xf32, #tpu.memory_space<vmem>>, vector<1x16xf32>,
          %swap3A_1228 = vector.shape_cast %swap3A_1227 : vector<1x16xf32> to vector<16xf32>
          %swap3A_1229 = vector.shape_cast %mul3A_1224 : vector<16xf32> to vector<1x16xf32>
          tpu.vector_store %arg13[%swap3A_1225, %swap3A_1226], %swap3A_1229 {strides = array<i32>} : memref<128x128xf32, #tpu.memory_space<vmem>>, vector<1x16xf32>,
          %get3A_1230 = arith.index_cast %add3A_1179 : i32 to index
          %get3A_1231 = arith.constant 80 : index
          %get3A_1232 = tpu.vector_load %arg13[%get3A_1230, %get3A_1231] {strides = array<i32>} : memref<128x128xf32, #tpu.memory_space<vmem>>, vector<1x16xf32>,
          %get3A_1233 = vector.shape_cast %get3A_1232 : vector<1x16xf32> to vector<16xf32>
          %mul3A_1234 = arith.mulf %get3A_1233, %gather3A_1175 : vector<16xf32>
          %swap3A_1235 = arith.index_cast %add3A_1179 : i32 to index
          %swap3A_1236 = arith.constant 80 : index
          %swap3A_1237 = tpu.vector_load %arg13[%swap3A_1235, %swap3A_1236] {strides = array<i32>} : memref<128x128xf32, #tpu.memory_space<vmem>>, vector<1x16xf32>,
          %swap3A_1238 = vector.shape_cast %swap3A_1237 : vector<1x16xf32> to vector<16xf32>
          %swap3A_1239 = vector.shape_cast %mul3A_1234 : vector<16xf32> to vector<1x16xf32>
          tpu.vector_store %arg13[%swap3A_1235, %swap3A_1236], %swap3A_1239 {strides = array<i32>} : memref<128x128xf32, #tpu.memory_space<vmem>>, vector<1x16xf32>,
          %get3A_1240 = arith.index_cast %add3A_1179 : i32 to index
          %get3A_1241 = arith.constant 96 : index
          %get3A_1242 = tpu.vector_load %arg13[%get3A_1240, %get3A_1241] {strides = array<i32>} : memref<128x128xf32, #tpu.memory_space<vmem>>, vector<1x16xf32>,
          %get3A_1243 = vector.shape_cast %get3A_1242 : vector<1x16xf32> to vector<16xf32>
          %mul3A_1244 = arith.mulf %get3A_1243, %gather3A_1175 : vector<16xf32>
          %swap3A_1245 = arith.index_cast %add3A_1179 : i32 to index
          %swap3A_1246 = arith.constant 96 : index
          %swap3A_1247 = tpu.vector_load %arg13[%swap3A_1245, %swap3A_1246] {strides = array<i32>} : memref<128x128xf32, #tpu.memory_space<vmem>>, vector<1x16xf32>,
          %swap3A_1248 = vector.shape_cast %swap3A_1247 : vector<1x16xf32> to vector<16xf32>
          %swap3A_1249 = vector.shape_cast %mul3A_1244 : vector<16xf32> to vector<1x16xf32>
          tpu.vector_store %arg13[%swap3A_1245, %swap3A_1246], %swap3A_1249 {strides = array<i32>} : memref<128x128xf32, #tpu.memory_space<vmem>>, vector<1x16xf32>,
          %get3A_1250 = arith.index_cast %add3A_1179 : i32 to index
          %get3A_1251 = arith.constant 112 : index
          %get3A_1252 = tpu.vector_load %arg13[%get3A_1250, %get3A_1251] {strides = array<i32>} : memref<128x128xf32, #tpu.memory_space<vmem>>, vector<1x16xf32>,
          %get3A_1253 = vector.shape_cast %get3A_1252 : vector<1x16xf32> to vector<16xf32>
          %mul3A_1254 = arith.mulf %get3A_1253, %gather3A_1175 : vector<16xf32>
          %swap3A_1255 = arith.index_cast %add3A_1179 : i32 to index
          %swap3A_1256 = arith.constant 112 : index
          %swap3A_1257 = tpu.vector_load %arg13[%swap3A_1255, %swap3A_1256] {strides = array<i32>} : memref<128x128xf32, #tpu.memory_space<vmem>>, vector<1x16xf32>,
          %swap3A_1258 = vector.shape_cast %swap3A_1257 : vector<1x16xf32> to vector<16xf32>
          %swap3A_1259 = vector.shape_cast %mul3A_1254 : vector<16xf32> to vector<1x16xf32>
          tpu.vector_store %arg13[%swap3A_1255, %swap3A_1256], %swap3A_1259 {strides = array<i32>} : memref<128x128xf32, #tpu.memory_space<vmem>>, vector<1x16xf32>,
          %broadcast_in_dim3A_1260 = arith.constant 12 : i32
          %broadcast_in_dim3A_1261 = vector.broadcast %broadcast_in_dim3A_1260 : i32 to vector<16x1xi32>
          %gather3A_1262 = vector.shape_cast %broadcast_in_dim3A_1261 : vector<16x1xi32> to vector<16xi32>
          %gather3A_1263 = tpu.dynamic_gather %get3A_205[%gather3A_1262] in [0] : vector<16xf32>, vector<16xi32> -> vector<16xf32>
          %mul3A_1264 = arith.constant 16 : i32
          %mul3A_1265 = arith.muli %add3A_201, %mul3A_1264 : i32
          %add3A_1266 = arith.constant 12 : i32
          %add3A_1267 = arith.addi %mul3A_1265, %add3A_1266 : i32
          %get3A_1268 = arith.index_cast %add3A_1267 : i32 to index
          %get3A_1269 = arith.constant 0 : index
          %get3A_1270 = tpu.vector_load %arg13[%get3A_1268, %get3A_1269] {strides = array<i32>} : memref<128x128xf32, #tpu.memory_space<vmem>>, vector<1x16xf32>,
          %get3A_1271 = vector.shape_cast %get3A_1270 : vector<1x16xf32> to vector<16xf32>
          %mul3A_1272 = arith.mulf %get3A_1271, %gather3A_1263 : vector<16xf32>
          %swap3A_1273 = arith.index_cast %add3A_1267 : i32 to index
          %swap3A_1274 = arith.constant 0 : index
          %swap3A_1275 = tpu.vector_load %arg13[%swap3A_1273, %swap3A_1274] {strides = array<i32>} : memref<128x128xf32, #tpu.memory_space<vmem>>, vector<1x16xf32>,
          %swap3A_1276 = vector.shape_cast %swap3A_1275 : vector<1x16xf32> to vector<16xf32>
          %swap3A_1277 = vector.shape_cast %mul3A_1272 : vector<16xf32> to vector<1x16xf32>
          tpu.vector_store %arg13[%swap3A_1273, %swap3A_1274], %swap3A_1277 {strides = array<i32>} : memref<128x128xf32, #tpu.memory_space<vmem>>, vector<1x16xf32>,
          %get3A_1278 = arith.index_cast %add3A_1267 : i32 to index
          %get3A_1279 = arith.constant 16 : index
          %get3A_1280 = tpu.vector_load %arg13[%get3A_1278, %get3A_1279] {strides = array<i32>} : memref<128x128xf32, #tpu.memory_space<vmem>>, vector<1x16xf32>,
          %get3A_1281 = vector.shape_cast %get3A_1280 : vector<1x16xf32> to vector<16xf32>
          %mul3A_1282 = arith.mulf %get3A_1281, %gather3A_1263 : vector<16xf32>
          %swap3A_1283 = arith.index_cast %add3A_1267 : i32 to index
          %swap3A_1284 = arith.constant 16 : index
          %swap3A_1285 = tpu.vector_load %arg13[%swap3A_1283, %swap3A_1284] {strides = array<i32>} : memref<128x128xf32, #tpu.memory_space<vmem>>, vector<1x16xf32>,
          %swap3A_1286 = vector.shape_cast %swap3A_1285 : vector<1x16xf32> to vector<16xf32>
          %swap3A_1287 = vector.shape_cast %mul3A_1282 : vector<16xf32> to vector<1x16xf32>
          tpu.vector_store %arg13[%swap3A_1283, %swap3A_1284], %swap3A_1287 {strides = array<i32>} : memref<128x128xf32, #tpu.memory_space<vmem>>, vector<1x16xf32>,
          %get3A_1288 = arith.index_cast %add3A_1267 : i32 to index
          %get3A_1289 = arith.constant 32 : index
          %get3A_1290 = tpu.vector_load %arg13[%get3A_1288, %get3A_1289] {strides = array<i32>} : memref<128x128xf32, #tpu.memory_space<vmem>>, vector<1x16xf32>,
          %get3A_1291 = vector.shape_cast %get3A_1290 : vector<1x16xf32> to vector<16xf32>
          %mul3A_1292 = arith.mulf %get3A_1291, %gather3A_1263 : vector<16xf32>
          %swap3A_1293 = arith.index_cast %add3A_1267 : i32 to index
          %swap3A_1294 = arith.constant 32 : index
          %swap3A_1295 = tpu.vector_load %arg13[%swap3A_1293, %swap3A_1294] {strides = array<i32>} : memref<128x128xf32, #tpu.memory_space<vmem>>, vector<1x16xf32>,
          %swap3A_1296 = vector.shape_cast %swap3A_1295 : vector<1x16xf32> to vector<16xf32>
          %swap3A_1297 = vector.shape_cast %mul3A_1292 : vector<16xf32> to vector<1x16xf32>
          tpu.vector_store %arg13[%swap3A_1293, %swap3A_1294], %swap3A_1297 {strides = array<i32>} : memref<128x128xf32, #tpu.memory_space<vmem>>, vector<1x16xf32>,
          %get3A_1298 = arith.index_cast %add3A_1267 : i32 to index
          %get3A_1299 = arith.constant 48 : index
          %get3A_1300 = tpu.vector_load %arg13[%get3A_1298, %get3A_1299] {strides = array<i32>} : memref<128x128xf32, #tpu.memory_space<vmem>>, vector<1x16xf32>,
          %get3A_1301 = vector.shape_cast %get3A_1300 : vector<1x16xf32> to vector<16xf32>
          %mul3A_1302 = arith.mulf %get3A_1301, %gather3A_1263 : vector<16xf32>
          %swap3A_1303 = arith.index_cast %add3A_1267 : i32 to index
          %swap3A_1304 = arith.constant 48 : index
          %swap3A_1305 = tpu.vector_load %arg13[%swap3A_1303, %swap3A_1304] {strides = array<i32>} : memref<128x128xf32, #tpu.memory_space<vmem>>, vector<1x16xf32>,
          %swap3A_1306 = vector.shape_cast %swap3A_1305 : vector<1x16xf32> to vector<16xf32>
          %swap3A_1307 = vector.shape_cast %mul3A_1302 : vector<16xf32> to vector<1x16xf32>
          tpu.vector_store %arg13[%swap3A_1303, %swap3A_1304], %swap3A_1307 {strides = array<i32>} : memref<128x128xf32, #tpu.memory_space<vmem>>, vector<1x16xf32>,
          %get3A_1308 = arith.index_cast %add3A_1267 : i32 to index
          %get3A_1309 = arith.constant 64 : index
          %get3A_1310 = tpu.vector_load %arg13[%get3A_1308, %get3A_1309] {strides = array<i32>} : memref<128x128xf32, #tpu.memory_space<vmem>>, vector<1x16xf32>,
          %get3A_1311 = vector.shape_cast %get3A_1310 : vector<1x16xf32> to vector<16xf32>
          %mul3A_1312 = arith.mulf %get3A_1311, %gather3A_1263 : vector<16xf32>
          %swap3A_1313 = arith.index_cast %add3A_1267 : i32 to index
          %swap3A_1314 = arith.constant 64 : index
          %swap3A_1315 = tpu.vector_load %arg13[%swap3A_1313, %swap3A_1314] {strides = array<i32>} : memref<128x128xf32, #tpu.memory_space<vmem>>, vector<1x16xf32>,
          %swap3A_1316 = vector.shape_cast %swap3A_1315 : vector<1x16xf32> to vector<16xf32>
          %swap3A_1317 = vector.shape_cast %mul3A_1312 : vector<16xf32> to vector<1x16xf32>
          tpu.vector_store %arg13[%swap3A_1313, %swap3A_1314], %swap3A_1317 {strides = array<i32>} : memref<128x128xf32, #tpu.memory_space<vmem>>, vector<1x16xf32>,
          %get3A_1318 = arith.index_cast %add3A_1267 : i32 to index
          %get3A_1319 = arith.constant 80 : index
          %get3A_1320 = tpu.vector_load %arg13[%get3A_1318, %get3A_1319] {strides = array<i32>} : memref<128x128xf32, #tpu.memory_space<vmem>>, vector<1x16xf32>,
          %get3A_1321 = vector.shape_cast %get3A_1320 : vector<1x16xf32> to vector<16xf32>
          %mul3A_1322 = arith.mulf %get3A_1321, %gather3A_1263 : vector<16xf32>
          %swap3A_1323 = arith.index_cast %add3A_1267 : i32 to index
          %swap3A_1324 = arith.constant 80 : index
          %swap3A_1325 = tpu.vector_load %arg13[%swap3A_1323, %swap3A_1324] {strides = array<i32>} : memref<128x128xf32, #tpu.memory_space<vmem>>, vector<1x16xf32>,
          %swap3A_1326 = vector.shape_cast %swap3A_1325 : vector<1x16xf32> to vector<16xf32>
          %swap3A_1327 = vector.shape_cast %mul3A_1322 : vector<16xf32> to vector<1x16xf32>
          tpu.vector_store %arg13[%swap3A_1323, %swap3A_1324], %swap3A_1327 {strides = array<i32>} : memref<128x128xf32, #tpu.memory_space<vmem>>, vector<1x16xf32>,
          %get3A_1328 = arith.index_cast %add3A_1267 : i32 to index
          %get3A_1329 = arith.constant 96 : index
          %get3A_1330 = tpu.vector_load %arg13[%get3A_1328, %get3A_1329] {strides = array<i32>} : memref<128x128xf32, #tpu.memory_space<vmem>>, vector<1x16xf32>,
          %get3A_1331 = vector.shape_cast %get3A_1330 : vector<1x16xf32> to vector<16xf32>
          %mul3A_1332 = arith.mulf %get3A_1331, %gather3A_1263 : vector<16xf32>
          %swap3A_1333 = arith.index_cast %add3A_1267 : i32 to index
          %swap3A_1334 = arith.constant 96 : index
          %swap3A_1335 = tpu.vector_load %arg13[%swap3A_1333, %swap3A_1334] {strides = array<i32>} : memref<128x128xf32, #tpu.memory_space<vmem>>, vector<1x16xf32>,
          %swap3A_1336 = vector.shape_cast %swap3A_1335 : vector<1x16xf32> to vector<16xf32>
          %swap3A_1337 = vector.shape_cast %mul3A_1332 : vector<16xf32> to vector<1x16xf32>
          tpu.vector_store %arg13[%swap3A_1333, %swap3A_1334], %swap3A_1337 {strides = array<i32>} : memref<128x128xf32, #tpu.memory_space<vmem>>, vector<1x16xf32>,
          %get3A_1338 = arith.index_cast %add3A_1267 : i32 to index
          %get3A_1339 = arith.constant 112 : index
          %get3A_1340 = tpu.vector_load %arg13[%get3A_1338, %get3A_1339] {strides = array<i32>} : memref<128x128xf32, #tpu.memory_space<vmem>>, vector<1x16xf32>,
          %get3A_1341 = vector.shape_cast %get3A_1340 : vector<1x16xf32> to vector<16xf32>
          %mul3A_1342 = arith.mulf %get3A_1341, %gather3A_1263 : vector<16xf32>
          %swap3A_1343 = arith.index_cast %add3A_1267 : i32 to index
          %swap3A_1344 = arith.constant 112 : index
          %swap3A_1345 = tpu.vector_load %arg13[%swap3A_1343, %swap3A_1344] {strides = array<i32>} : memref<128x128xf32, #tpu.memory_space<vmem>>, vector<1x16xf32>,
          %swap3A_1346 = vector.shape_cast %swap3A_1345 : vector<1x16xf32> to vector<16xf32>
          %swap3A_1347 = vector.shape_cast %mul3A_1342 : vector<16xf32> to vector<1x16xf32>
          tpu.vector_store %arg13[%swap3A_1343, %swap3A_1344], %swap3A_1347 {strides = array<i32>} : memref<128x128xf32, #tpu.memory_space<vmem>>, vector<1x16xf32>,
          %broadcast_in_dim3A_1348 = arith.constant 13 : i32
          %broadcast_in_dim3A_1349 = vector.broadcast %broadcast_in_dim3A_1348 : i32 to vector<16x1xi32>
          %gather3A_1350 = vector.shape_cast %broadcast_in_dim3A_1349 : vector<16x1xi32> to vector<16xi32>
          %gather3A_1351 = tpu.dynamic_gather %get3A_205[%gather3A_1350] in [0] : vector<16xf32>, vector<16xi32> -> vector<16xf32>
          %mul3A_1352 = arith.constant 16 : i32
          %mul3A_1353 = arith.muli %add3A_201, %mul3A_1352 : i32
          %add3A_1354 = arith.constant 13 : i32
          %add3A_1355 = arith.addi %mul3A_1353, %add3A_1354 : i32
          %get3A_1356 = arith.index_cast %add3A_1355 : i32 to index
          %get3A_1357 = arith.constant 0 : index
          %get3A_1358 = tpu.vector_load %arg13[%get3A_1356, %get3A_1357] {strides = array<i32>} : memref<128x128xf32, #tpu.memory_space<vmem>>, vector<1x16xf32>,
          %get3A_1359 = vector.shape_cast %get3A_1358 : vector<1x16xf32> to vector<16xf32>
          %mul3A_1360 = arith.mulf %get3A_1359, %gather3A_1351 : vector<16xf32>
          %swap3A_1361 = arith.index_cast %add3A_1355 : i32 to index
          %swap3A_1362 = arith.constant 0 : index
          %swap3A_1363 = tpu.vector_load %arg13[%swap3A_1361, %swap3A_1362] {strides = array<i32>} : memref<128x128xf32, #tpu.memory_space<vmem>>, vector<1x16xf32>,
          %swap3A_1364 = vector.shape_cast %swap3A_1363 : vector<1x16xf32> to vector<16xf32>
          %swap3A_1365 = vector.shape_cast %mul3A_1360 : vector<16xf32> to vector<1x16xf32>
          tpu.vector_store %arg13[%swap3A_1361, %swap3A_1362], %swap3A_1365 {strides = array<i32>} : memref<128x128xf32, #tpu.memory_space<vmem>>, vector<1x16xf32>,
          %get3A_1366 = arith.index_cast %add3A_1355 : i32 to index
          %get3A_1367 = arith.constant 16 : index
          %get3A_1368 = tpu.vector_load %arg13[%get3A_1366, %get3A_1367] {strides = array<i32>} : memref<128x128xf32, #tpu.memory_space<vmem>>, vector<1x16xf32>,
          %get3A_1369 = vector.shape_cast %get3A_1368 : vector<1x16xf32> to vector<16xf32>
          %mul3A_1370 = arith.mulf %get3A_1369, %gather3A_1351 : vector<16xf32>
          %swap3A_1371 = arith.index_cast %add3A_1355 : i32 to index
          %swap3A_1372 = arith.constant 16 : index
          %swap3A_1373 = tpu.vector_load %arg13[%swap3A_1371, %swap3A_1372] {strides = array<i32>} : memref<128x128xf32, #tpu.memory_space<vmem>>, vector<1x16xf32>,
          %swap3A_1374 = vector.shape_cast %swap3A_1373 : vector<1x16xf32> to vector<16xf32>
          %swap3A_1375 = vector.shape_cast %mul3A_1370 : vector<16xf32> to vector<1x16xf32>
          tpu.vector_store %arg13[%swap3A_1371, %swap3A_1372], %swap3A_1375 {strides = array<i32>} : memref<128x128xf32, #tpu.memory_space<vmem>>, vector<1x16xf32>,
          %get3A_1376 = arith.index_cast %add3A_1355 : i32 to index
          %get3A_1377 = arith.constant 32 : index
          %get3A_1378 = tpu.vector_load %arg13[%get3A_1376, %get3A_1377] {strides = array<i32>} : memref<128x128xf32, #tpu.memory_space<vmem>>, vector<1x16xf32>,
          %get3A_1379 = vector.shape_cast %get3A_1378 : vector<1x16xf32> to vector<16xf32>
          %mul3A_1380 = arith.mulf %get3A_1379, %gather3A_1351 : vector<16xf32>
          %swap3A_1381 = arith.index_cast %add3A_1355 : i32 to index
          %swap3A_1382 = arith.constant 32 : index
          %swap3A_1383 = tpu.vector_load %arg13[%swap3A_1381, %swap3A_1382] {strides = array<i32>} : memref<128x128xf32, #tpu.memory_space<vmem>>, vector<1x16xf32>,
          %swap3A_1384 = vector.shape_cast %swap3A_1383 : vector<1x16xf32> to vector<16xf32>
          %swap3A_1385 = vector.shape_cast %mul3A_1380 : vector<16xf32> to vector<1x16xf32>
          tpu.vector_store %arg13[%swap3A_1381, %swap3A_1382], %swap3A_1385 {strides = array<i32>} : memref<128x128xf32, #tpu.memory_space<vmem>>, vector<1x16xf32>,
          %get3A_1386 = arith.index_cast %add3A_1355 : i32 to index
          %get3A_1387 = arith.constant 48 : index
          %get3A_1388 = tpu.vector_load %arg13[%get3A_1386, %get3A_1387] {strides = array<i32>} : memref<128x128xf32, #tpu.memory_space<vmem>>, vector<1x16xf32>,
          %get3A_1389 = vector.shape_cast %get3A_1388 : vector<1x16xf32> to vector<16xf32>
          %mul3A_1390 = arith.mulf %get3A_1389, %gather3A_1351 : vector<16xf32>
          %swap3A_1391 = arith.index_cast %add3A_1355 : i32 to index
          %swap3A_1392 = arith.constant 48 : index
          %swap3A_1393 = tpu.vector_load %arg13[%swap3A_1391, %swap3A_1392] {strides = array<i32>} : memref<128x128xf32, #tpu.memory_space<vmem>>, vector<1x16xf32>,
          %swap3A_1394 = vector.shape_cast %swap3A_1393 : vector<1x16xf32> to vector<16xf32>
          %swap3A_1395 = vector.shape_cast %mul3A_1390 : vector<16xf32> to vector<1x16xf32>
          tpu.vector_store %arg13[%swap3A_1391, %swap3A_1392], %swap3A_1395 {strides = array<i32>} : memref<128x128xf32, #tpu.memory_space<vmem>>, vector<1x16xf32>,
          %get3A_1396 = arith.index_cast %add3A_1355 : i32 to index
          %get3A_1397 = arith.constant 64 : index
          %get3A_1398 = tpu.vector_load %arg13[%get3A_1396, %get3A_1397] {strides = array<i32>} : memref<128x128xf32, #tpu.memory_space<vmem>>, vector<1x16xf32>,
          %get3A_1399 = vector.shape_cast %get3A_1398 : vector<1x16xf32> to vector<16xf32>
          %mul3A_1400 = arith.mulf %get3A_1399, %gather3A_1351 : vector<16xf32>
          %swap3A_1401 = arith.index_cast %add3A_1355 : i32 to index
          %swap3A_1402 = arith.constant 64 : index
          %swap3A_1403 = tpu.vector_load %arg13[%swap3A_1401, %swap3A_1402] {strides = array<i32>} : memref<128x128xf32, #tpu.memory_space<vmem>>, vector<1x16xf32>,
          %swap3A_1404 = vector.shape_cast %swap3A_1403 : vector<1x16xf32> to vector<16xf32>
          %swap3A_1405 = vector.shape_cast %mul3A_1400 : vector<16xf32> to vector<1x16xf32>
          tpu.vector_store %arg13[%swap3A_1401, %swap3A_1402], %swap3A_1405 {strides = array<i32>} : memref<128x128xf32, #tpu.memory_space<vmem>>, vector<1x16xf32>,
          %get3A_1406 = arith.index_cast %add3A_1355 : i32 to index
          %get3A_1407 = arith.constant 80 : index
          %get3A_1408 = tpu.vector_load %arg13[%get3A_1406, %get3A_1407] {strides = array<i32>} : memref<128x128xf32, #tpu.memory_space<vmem>>, vector<1x16xf32>,
          %get3A_1409 = vector.shape_cast %get3A_1408 : vector<1x16xf32> to vector<16xf32>
          %mul3A_1410 = arith.mulf %get3A_1409, %gather3A_1351 : vector<16xf32>
          %swap3A_1411 = arith.index_cast %add3A_1355 : i32 to index
          %swap3A_1412 = arith.constant 80 : index
          %swap3A_1413 = tpu.vector_load %arg13[%swap3A_1411, %swap3A_1412] {strides = array<i32>} : memref<128x128xf32, #tpu.memory_space<vmem>>, vector<1x16xf32>,
          %swap3A_1414 = vector.shape_cast %swap3A_1413 : vector<1x16xf32> to vector<16xf32>
          %swap3A_1415 = vector.shape_cast %mul3A_1410 : vector<16xf32> to vector<1x16xf32>
          tpu.vector_store %arg13[%swap3A_1411, %swap3A_1412], %swap3A_1415 {strides = array<i32>} : memref<128x128xf32, #tpu.memory_space<vmem>>, vector<1x16xf32>,
          %get3A_1416 = arith.index_cast %add3A_1355 : i32 to index
          %get3A_1417 = arith.constant 96 : index
          %get3A_1418 = tpu.vector_load %arg13[%get3A_1416, %get3A_1417] {strides = array<i32>} : memref<128x128xf32, #tpu.memory_space<vmem>>, vector<1x16xf32>,
          %get3A_1419 = vector.shape_cast %get3A_1418 : vector<1x16xf32> to vector<16xf32>
          %mul3A_1420 = arith.mulf %get3A_1419, %gather3A_1351 : vector<16xf32>
          %swap3A_1421 = arith.index_cast %add3A_1355 : i32 to index
          %swap3A_1422 = arith.constant 96 : index
          %swap3A_1423 = tpu.vector_load %arg13[%swap3A_1421, %swap3A_1422] {strides = array<i32>} : memref<128x128xf32, #tpu.memory_space<vmem>>, vector<1x16xf32>,
          %swap3A_1424 = vector.shape_cast %swap3A_1423 : vector<1x16xf32> to vector<16xf32>
          %swap3A_1425 = vector.shape_cast %mul3A_1420 : vector<16xf32> to vector<1x16xf32>
          tpu.vector_store %arg13[%swap3A_1421, %swap3A_1422], %swap3A_1425 {strides = array<i32>} : memref<128x128xf32, #tpu.memory_space<vmem>>, vector<1x16xf32>,
          %get3A_1426 = arith.index_cast %add3A_1355 : i32 to index
          %get3A_1427 = arith.constant 112 : index
          %get3A_1428 = tpu.vector_load %arg13[%get3A_1426, %get3A_1427] {strides = array<i32>} : memref<128x128xf32, #tpu.memory_space<vmem>>, vector<1x16xf32>,
          %get3A_1429 = vector.shape_cast %get3A_1428 : vector<1x16xf32> to vector<16xf32>
          %mul3A_1430 = arith.mulf %get3A_1429, %gather3A_1351 : vector<16xf32>
          %swap3A_1431 = arith.index_cast %add3A_1355 : i32 to index
          %swap3A_1432 = arith.constant 112 : index
          %swap3A_1433 = tpu.vector_load %arg13[%swap3A_1431, %swap3A_1432] {strides = array<i32>} : memref<128x128xf32, #tpu.memory_space<vmem>>, vector<1x16xf32>,
          %swap3A_1434 = vector.shape_cast %swap3A_1433 : vector<1x16xf32> to vector<16xf32>
          %swap3A_1435 = vector.shape_cast %mul3A_1430 : vector<16xf32> to vector<1x16xf32>
          tpu.vector_store %arg13[%swap3A_1431, %swap3A_1432], %swap3A_1435 {strides = array<i32>} : memref<128x128xf32, #tpu.memory_space<vmem>>, vector<1x16xf32>,
          %broadcast_in_dim3A_1436 = arith.constant 14 : i32
          %broadcast_in_dim3A_1437 = vector.broadcast %broadcast_in_dim3A_1436 : i32 to vector<16x1xi32>
          %gather3A_1438 = vector.shape_cast %broadcast_in_dim3A_1437 : vector<16x1xi32> to vector<16xi32>
          %gather3A_1439 = tpu.dynamic_gather %get3A_205[%gather3A_1438] in [0] : vector<16xf32>, vector<16xi32> -> vector<16xf32>
          %mul3A_1440 = arith.constant 16 : i32
          %mul3A_1441 = arith.muli %add3A_201, %mul3A_1440 : i32
          %add3A_1442 = arith.constant 14 : i32
          %add3A_1443 = arith.addi %mul3A_1441, %add3A_1442 : i32
          %get3A_1444 = arith.index_cast %add3A_1443 : i32 to index
          %get3A_1445 = arith.constant 0 : index
          %get3A_1446 = tpu.vector_load %arg13[%get3A_1444, %get3A_1445] {strides = array<i32>} : memref<128x128xf32, #tpu.memory_space<vmem>>, vector<1x16xf32>,
          %get3A_1447 = vector.shape_cast %get3A_1446 : vector<1x16xf32> to vector<16xf32>
          %mul3A_1448 = arith.mulf %get3A_1447, %gather3A_1439 : vector<16xf32>
          %swap3A_1449 = arith.index_cast %add3A_1443 : i32 to index
          %swap3A_1450 = arith.constant 0 : index
          %swap3A_1451 = tpu.vector_load %arg13[%swap3A_1449, %swap3A_1450] {strides = array<i32>} : memref<128x128xf32, #tpu.memory_space<vmem>>, vector<1x16xf32>,
          %swap3A_1452 = vector.shape_cast %swap3A_1451 : vector<1x16xf32> to vector<16xf32>
          %swap3A_1453 = vector.shape_cast %mul3A_1448 : vector<16xf32> to vector<1x16xf32>
          tpu.vector_store %arg13[%swap3A_1449, %swap3A_1450], %swap3A_1453 {strides = array<i32>} : memref<128x128xf32, #tpu.memory_space<vmem>>, vector<1x16xf32>,
          %get3A_1454 = arith.index_cast %add3A_1443 : i32 to index
          %get3A_1455 = arith.constant 16 : index
          %get3A_1456 = tpu.vector_load %arg13[%get3A_1454, %get3A_1455] {strides = array<i32>} : memref<128x128xf32, #tpu.memory_space<vmem>>, vector<1x16xf32>,
          %get3A_1457 = vector.shape_cast %get3A_1456 : vector<1x16xf32> to vector<16xf32>
          %mul3A_1458 = arith.mulf %get3A_1457, %gather3A_1439 : vector<16xf32>
          %swap3A_1459 = arith.index_cast %add3A_1443 : i32 to index
          %swap3A_1460 = arith.constant 16 : index
          %swap3A_1461 = tpu.vector_load %arg13[%swap3A_1459, %swap3A_1460] {strides = array<i32>} : memref<128x128xf32, #tpu.memory_space<vmem>>, vector<1x16xf32>,
          %swap3A_1462 = vector.shape_cast %swap3A_1461 : vector<1x16xf32> to vector<16xf32>
          %swap3A_1463 = vector.shape_cast %mul3A_1458 : vector<16xf32> to vector<1x16xf32>
          tpu.vector_store %arg13[%swap3A_1459, %swap3A_1460], %swap3A_1463 {strides = array<i32>} : memref<128x128xf32, #tpu.memory_space<vmem>>, vector<1x16xf32>,
          %get3A_1464 = arith.index_cast %add3A_1443 : i32 to index
          %get3A_1465 = arith.constant 32 : index
          %get3A_1466 = tpu.vector_load %arg13[%get3A_1464, %get3A_1465] {strides = array<i32>} : memref<128x128xf32, #tpu.memory_space<vmem>>, vector<1x16xf32>,
          %get3A_1467 = vector.shape_cast %get3A_1466 : vector<1x16xf32> to vector<16xf32>
          %mul3A_1468 = arith.mulf %get3A_1467, %gather3A_1439 : vector<16xf32>
          %swap3A_1469 = arith.index_cast %add3A_1443 : i32 to index
          %swap3A_1470 = arith.constant 32 : index
          %swap3A_1471 = tpu.vector_load %arg13[%swap3A_1469, %swap3A_1470] {strides = array<i32>} : memref<128x128xf32, #tpu.memory_space<vmem>>, vector<1x16xf32>,
          %swap3A_1472 = vector.shape_cast %swap3A_1471 : vector<1x16xf32> to vector<16xf32>
          %swap3A_1473 = vector.shape_cast %mul3A_1468 : vector<16xf32> to vector<1x16xf32>
          tpu.vector_store %arg13[%swap3A_1469, %swap3A_1470], %swap3A_1473 {strides = array<i32>} : memref<128x128xf32, #tpu.memory_space<vmem>>, vector<1x16xf32>,
          %get3A_1474 = arith.index_cast %add3A_1443 : i32 to index
          %get3A_1475 = arith.constant 48 : index
          %get3A_1476 = tpu.vector_load %arg13[%get3A_1474, %get3A_1475] {strides = array<i32>} : memref<128x128xf32, #tpu.memory_space<vmem>>, vector<1x16xf32>,
          %get3A_1477 = vector.shape_cast %get3A_1476 : vector<1x16xf32> to vector<16xf32>
          %mul3A_1478 = arith.mulf %get3A_1477, %gather3A_1439 : vector<16xf32>
          %swap3A_1479 = arith.index_cast %add3A_1443 : i32 to index
          %swap3A_1480 = arith.constant 48 : index
          %swap3A_1481 = tpu.vector_load %arg13[%swap3A_1479, %swap3A_1480] {strides = array<i32>} : memref<128x128xf32, #tpu.memory_space<vmem>>, vector<1x16xf32>,
          %swap3A_1482 = vector.shape_cast %swap3A_1481 : vector<1x16xf32> to vector<16xf32>
          %swap3A_1483 = vector.shape_cast %mul3A_1478 : vector<16xf32> to vector<1x16xf32>
          tpu.vector_store %arg13[%swap3A_1479, %swap3A_1480], %swap3A_1483 {strides = array<i32>} : memref<128x128xf32, #tpu.memory_space<vmem>>, vector<1x16xf32>,
          %get3A_1484 = arith.index_cast %add3A_1443 : i32 to index
          %get3A_1485 = arith.constant 64 : index
          %get3A_1486 = tpu.vector_load %arg13[%get3A_1484, %get3A_1485] {strides = array<i32>} : memref<128x128xf32, #tpu.memory_space<vmem>>, vector<1x16xf32>,
          %get3A_1487 = vector.shape_cast %get3A_1486 : vector<1x16xf32> to vector<16xf32>
          %mul3A_1488 = arith.mulf %get3A_1487, %gather3A_1439 : vector<16xf32>
          %swap3A_1489 = arith.index_cast %add3A_1443 : i32 to index
          %swap3A_1490 = arith.constant 64 : index
          %swap3A_1491 = tpu.vector_load %arg13[%swap3A_1489, %swap3A_1490] {strides = array<i32>} : memref<128x128xf32, #tpu.memory_space<vmem>>, vector<1x16xf32>,
          %swap3A_1492 = vector.shape_cast %swap3A_1491 : vector<1x16xf32> to vector<16xf32>
          %swap3A_1493 = vector.shape_cast %mul3A_1488 : vector<16xf32> to vector<1x16xf32>
          tpu.vector_store %arg13[%swap3A_1489, %swap3A_1490], %swap3A_1493 {strides = array<i32>} : memref<128x128xf32, #tpu.memory_space<vmem>>, vector<1x16xf32>,
          %get3A_1494 = arith.index_cast %add3A_1443 : i32 to index
          %get3A_1495 = arith.constant 80 : index
          %get3A_1496 = tpu.vector_load %arg13[%get3A_1494, %get3A_1495] {strides = array<i32>} : memref<128x128xf32, #tpu.memory_space<vmem>>, vector<1x16xf32>,
          %get3A_1497 = vector.shape_cast %get3A_1496 : vector<1x16xf32> to vector<16xf32>
          %mul3A_1498 = arith.mulf %get3A_1497, %gather3A_1439 : vector<16xf32>
          %swap3A_1499 = arith.index_cast %add3A_1443 : i32 to index
          %swap3A_1500 = arith.constant 80 : index
          %swap3A_1501 = tpu.vector_load %arg13[%swap3A_1499, %swap3A_1500] {strides = array<i32>} : memref<128x128xf32, #tpu.memory_space<vmem>>, vector<1x16xf32>,
          %swap3A_1502 = vector.shape_cast %swap3A_1501 : vector<1x16xf32> to vector<16xf32>
          %swap3A_1503 = vector.shape_cast %mul3A_1498 : vector<16xf32> to vector<1x16xf32>
          tpu.vector_store %arg13[%swap3A_1499, %swap3A_1500], %swap3A_1503 {strides = array<i32>} : memref<128x128xf32, #tpu.memory_space<vmem>>, vector<1x16xf32>,
          %get3A_1504 = arith.index_cast %add3A_1443 : i32 to index
          %get3A_1505 = arith.constant 96 : index
          %get3A_1506 = tpu.vector_load %arg13[%get3A_1504, %get3A_1505] {strides = array<i32>} : memref<128x128xf32, #tpu.memory_space<vmem>>, vector<1x16xf32>,
          %get3A_1507 = vector.shape_cast %get3A_1506 : vector<1x16xf32> to vector<16xf32>
          %mul3A_1508 = arith.mulf %get3A_1507, %gather3A_1439 : vector<16xf32>
          %swap3A_1509 = arith.index_cast %add3A_1443 : i32 to index
          %swap3A_1510 = arith.constant 96 : index
          %swap3A_1511 = tpu.vector_load %arg13[%swap3A_1509, %swap3A_1510] {strides = array<i32>} : memref<128x128xf32, #tpu.memory_space<vmem>>, vector<1x16xf32>,
          %swap3A_1512 = vector.shape_cast %swap3A_1511 : vector<1x16xf32> to vector<16xf32>
          %swap3A_1513 = vector.shape_cast %mul3A_1508 : vector<16xf32> to vector<1x16xf32>
          tpu.vector_store %arg13[%swap3A_1509, %swap3A_1510], %swap3A_1513 {strides = array<i32>} : memref<128x128xf32, #tpu.memory_space<vmem>>, vector<1x16xf32>,
          %get3A_1514 = arith.index_cast %add3A_1443 : i32 to index
          %get3A_1515 = arith.constant 112 : index
          %get3A_1516 = tpu.vector_load %arg13[%get3A_1514, %get3A_1515] {strides = array<i32>} : memref<128x128xf32, #tpu.memory_space<vmem>>, vector<1x16xf32>,
          %get3A_1517 = vector.shape_cast %get3A_1516 : vector<1x16xf32> to vector<16xf32>
          %mul3A_1518 = arith.mulf %get3A_1517, %gather3A_1439 : vector<16xf32>
          %swap3A_1519 = arith.index_cast %add3A_1443 : i32 to index
          %swap3A_1520 = arith.constant 112 : index
          %swap3A_1521 = tpu.vector_load %arg13[%swap3A_1519, %swap3A_1520] {strides = array<i32>} : memref<128x128xf32, #tpu.memory_space<vmem>>, vector<1x16xf32>,
          %swap3A_1522 = vector.shape_cast %swap3A_1521 : vector<1x16xf32> to vector<16xf32>
          %swap3A_1523 = vector.shape_cast %mul3A_1518 : vector<16xf32> to vector<1x16xf32>
          tpu.vector_store %arg13[%swap3A_1519, %swap3A_1520], %swap3A_1523 {strides = array<i32>} : memref<128x128xf32, #tpu.memory_space<vmem>>, vector<1x16xf32>,
          %broadcast_in_dim3A_1524 = arith.constant 15 : i32
          %broadcast_in_dim3A_1525 = vector.broadcast %broadcast_in_dim3A_1524 : i32 to vector<16x1xi32>
          %gather3A_1526 = vector.shape_cast %broadcast_in_dim3A_1525 : vector<16x1xi32> to vector<16xi32>
          %gather3A_1527 = tpu.dynamic_gather %get3A_205[%gather3A_1526] in [0] : vector<16xf32>, vector<16xi32> -> vector<16xf32>
          %mul3A_1528 = arith.constant 16 : i32
          %mul3A_1529 = arith.muli %add3A_201, %mul3A_1528 : i32
          %add3A_1530 = arith.constant 15 : i32
          %add3A_1531 = arith.addi %mul3A_1529, %add3A_1530 : i32
          %get3A_1532 = arith.index_cast %add3A_1531 : i32 to index
          %get3A_1533 = arith.constant 0 : index
          %get3A_1534 = tpu.vector_load %arg13[%get3A_1532, %get3A_1533] {strides = array<i32>} : memref<128x128xf32, #tpu.memory_space<vmem>>, vector<1x16xf32>,
          %get3A_1535 = vector.shape_cast %get3A_1534 : vector<1x16xf32> to vector<16xf32>
          %mul3A_1536 = arith.mulf %get3A_1535, %gather3A_1527 : vector<16xf32>
          %swap3A_1537 = arith.index_cast %add3A_1531 : i32 to index
          %swap3A_1538 = arith.constant 0 : index
          %swap3A_1539 = tpu.vector_load %arg13[%swap3A_1537, %swap3A_1538] {strides = array<i32>} : memref<128x128xf32, #tpu.memory_space<vmem>>, vector<1x16xf32>,
          %swap3A_1540 = vector.shape_cast %swap3A_1539 : vector<1x16xf32> to vector<16xf32>
          %swap3A_1541 = vector.shape_cast %mul3A_1536 : vector<16xf32> to vector<1x16xf32>
          tpu.vector_store %arg13[%swap3A_1537, %swap3A_1538], %swap3A_1541 {strides = array<i32>} : memref<128x128xf32, #tpu.memory_space<vmem>>, vector<1x16xf32>,
          %get3A_1542 = arith.index_cast %add3A_1531 : i32 to index
          %get3A_1543 = arith.constant 16 : index
          %get3A_1544 = tpu.vector_load %arg13[%get3A_1542, %get3A_1543] {strides = array<i32>} : memref<128x128xf32, #tpu.memory_space<vmem>>, vector<1x16xf32>,
          %get3A_1545 = vector.shape_cast %get3A_1544 : vector<1x16xf32> to vector<16xf32>
          %mul3A_1546 = arith.mulf %get3A_1545, %gather3A_1527 : vector<16xf32>
          %swap3A_1547 = arith.index_cast %add3A_1531 : i32 to index
          %swap3A_1548 = arith.constant 16 : index
          %swap3A_1549 = tpu.vector_load %arg13[%swap3A_1547, %swap3A_1548] {strides = array<i32>} : memref<128x128xf32, #tpu.memory_space<vmem>>, vector<1x16xf32>,
          %swap3A_1550 = vector.shape_cast %swap3A_1549 : vector<1x16xf32> to vector<16xf32>
          %swap3A_1551 = vector.shape_cast %mul3A_1546 : vector<16xf32> to vector<1x16xf32>
          tpu.vector_store %arg13[%swap3A_1547, %swap3A_1548], %swap3A_1551 {strides = array<i32>} : memref<128x128xf32, #tpu.memory_space<vmem>>, vector<1x16xf32>,
          %get3A_1552 = arith.index_cast %add3A_1531 : i32 to index
          %get3A_1553 = arith.constant 32 : index
          %get3A_1554 = tpu.vector_load %arg13[%get3A_1552, %get3A_1553] {strides = array<i32>} : memref<128x128xf32, #tpu.memory_space<vmem>>, vector<1x16xf32>,
          %get3A_1555 = vector.shape_cast %get3A_1554 : vector<1x16xf32> to vector<16xf32>
          %mul3A_1556 = arith.mulf %get3A_1555, %gather3A_1527 : vector<16xf32>
          %swap3A_1557 = arith.index_cast %add3A_1531 : i32 to index
          %swap3A_1558 = arith.constant 32 : index
          %swap3A_1559 = tpu.vector_load %arg13[%swap3A_1557, %swap3A_1558] {strides = array<i32>} : memref<128x128xf32, #tpu.memory_space<vmem>>, vector<1x16xf32>,
          %swap3A_1560 = vector.shape_cast %swap3A_1559 : vector<1x16xf32> to vector<16xf32>
          %swap3A_1561 = vector.shape_cast %mul3A_1556 : vector<16xf32> to vector<1x16xf32>
          tpu.vector_store %arg13[%swap3A_1557, %swap3A_1558], %swap3A_1561 {strides = array<i32>} : memref<128x128xf32, #tpu.memory_space<vmem>>, vector<1x16xf32>,
          %get3A_1562 = arith.index_cast %add3A_1531 : i32 to index
          %get3A_1563 = arith.constant 48 : index
          %get3A_1564 = tpu.vector_load %arg13[%get3A_1562, %get3A_1563] {strides = array<i32>} : memref<128x128xf32, #tpu.memory_space<vmem>>, vector<1x16xf32>,
          %get3A_1565 = vector.shape_cast %get3A_1564 : vector<1x16xf32> to vector<16xf32>
          %mul3A_1566 = arith.mulf %get3A_1565, %gather3A_1527 : vector<16xf32>
          %swap3A_1567 = arith.index_cast %add3A_1531 : i32 to index
          %swap3A_1568 = arith.constant 48 : index
          %swap3A_1569 = tpu.vector_load %arg13[%swap3A_1567, %swap3A_1568] {strides = array<i32>} : memref<128x128xf32, #tpu.memory_space<vmem>>, vector<1x16xf32>,
          %swap3A_1570 = vector.shape_cast %swap3A_1569 : vector<1x16xf32> to vector<16xf32>
          %swap3A_1571 = vector.shape_cast %mul3A_1566 : vector<16xf32> to vector<1x16xf32>
          tpu.vector_store %arg13[%swap3A_1567, %swap3A_1568], %swap3A_1571 {strides = array<i32>} : memref<128x128xf32, #tpu.memory_space<vmem>>, vector<1x16xf32>,
          %get3A_1572 = arith.index_cast %add3A_1531 : i32 to index
          %get3A_1573 = arith.constant 64 : index
          %get3A_1574 = tpu.vector_load %arg13[%get3A_1572, %get3A_1573] {strides = array<i32>} : memref<128x128xf32, #tpu.memory_space<vmem>>, vector<1x16xf32>,
          %get3A_1575 = vector.shape_cast %get3A_1574 : vector<1x16xf32> to vector<16xf32>
          %mul3A_1576 = arith.mulf %get3A_1575, %gather3A_1527 : vector<16xf32>
          %swap3A_1577 = arith.index_cast %add3A_1531 : i32 to index
          %swap3A_1578 = arith.constant 64 : index
          %swap3A_1579 = tpu.vector_load %arg13[%swap3A_1577, %swap3A_1578] {strides = array<i32>} : memref<128x128xf32, #tpu.memory_space<vmem>>, vector<1x16xf32>,
          %swap3A_1580 = vector.shape_cast %swap3A_1579 : vector<1x16xf32> to vector<16xf32>
          %swap3A_1581 = vector.shape_cast %mul3A_1576 : vector<16xf32> to vector<1x16xf32>
          tpu.vector_store %arg13[%swap3A_1577, %swap3A_1578], %swap3A_1581 {strides = array<i32>} : memref<128x128xf32, #tpu.memory_space<vmem>>, vector<1x16xf32>,
          %get3A_1582 = arith.index_cast %add3A_1531 : i32 to index
          %get3A_1583 = arith.constant 80 : index
          %get3A_1584 = tpu.vector_load %arg13[%get3A_1582, %get3A_1583] {strides = array<i32>} : memref<128x128xf32, #tpu.memory_space<vmem>>, vector<1x16xf32>,
          %get3A_1585 = vector.shape_cast %get3A_1584 : vector<1x16xf32> to vector<16xf32>
          %mul3A_1586 = arith.mulf %get3A_1585, %gather3A_1527 : vector<16xf32>
          %swap3A_1587 = arith.index_cast %add3A_1531 : i32 to index
          %swap3A_1588 = arith.constant 80 : index
          %swap3A_1589 = tpu.vector_load %arg13[%swap3A_1587, %swap3A_1588] {strides = array<i32>} : memref<128x128xf32, #tpu.memory_space<vmem>>, vector<1x16xf32>,
          %swap3A_1590 = vector.shape_cast %swap3A_1589 : vector<1x16xf32> to vector<16xf32>
          %swap3A_1591 = vector.shape_cast %mul3A_1586 : vector<16xf32> to vector<1x16xf32>
          tpu.vector_store %arg13[%swap3A_1587, %swap3A_1588], %swap3A_1591 {strides = array<i32>} : memref<128x128xf32, #tpu.memory_space<vmem>>, vector<1x16xf32>,
          %get3A_1592 = arith.index_cast %add3A_1531 : i32 to index
          %get3A_1593 = arith.constant 96 : index
          %get3A_1594 = tpu.vector_load %arg13[%get3A_1592, %get3A_1593] {strides = array<i32>} : memref<128x128xf32, #tpu.memory_space<vmem>>, vector<1x16xf32>,
          %get3A_1595 = vector.shape_cast %get3A_1594 : vector<1x16xf32> to vector<16xf32>
          %mul3A_1596 = arith.mulf %get3A_1595, %gather3A_1527 : vector<16xf32>
          %swap3A_1597 = arith.index_cast %add3A_1531 : i32 to index
          %swap3A_1598 = arith.constant 96 : index
          %swap3A_1599 = tpu.vector_load %arg13[%swap3A_1597, %swap3A_1598] {strides = array<i32>} : memref<128x128xf32, #tpu.memory_space<vmem>>, vector<1x16xf32>,
          %swap3A_1600 = vector.shape_cast %swap3A_1599 : vector<1x16xf32> to vector<16xf32>
          %swap3A_1601 = vector.shape_cast %mul3A_1596 : vector<16xf32> to vector<1x16xf32>
          tpu.vector_store %arg13[%swap3A_1597, %swap3A_1598], %swap3A_1601 {strides = array<i32>} : memref<128x128xf32, #tpu.memory_space<vmem>>, vector<1x16xf32>,
          %get3A_1602 = arith.index_cast %add3A_1531 : i32 to index
          %get3A_1603 = arith.constant 112 : index
          %get3A_1604 = tpu.vector_load %arg13[%get3A_1602, %get3A_1603] {strides = array<i32>} : memref<128x128xf32, #tpu.memory_space<vmem>>, vector<1x16xf32>,
          %get3A_1605 = vector.shape_cast %get3A_1604 : vector<1x16xf32> to vector<16xf32>
          %mul3A_1606 = arith.mulf %get3A_1605, %gather3A_1527 : vector<16xf32>
          %swap3A_1607 = arith.index_cast %add3A_1531 : i32 to index
          %swap3A_1608 = arith.constant 112 : index
          %swap3A_1609 = tpu.vector_load %arg13[%swap3A_1607, %swap3A_1608] {strides = array<i32>} : memref<128x128xf32, #tpu.memory_space<vmem>>, vector<1x16xf32>,
          %swap3A_1610 = vector.shape_cast %swap3A_1609 : vector<1x16xf32> to vector<16xf32>
          %swap3A_1611 = vector.shape_cast %mul3A_1606 : vector<16xf32> to vector<1x16xf32>
          tpu.vector_store %arg13[%swap3A_1607, %swap3A_1608], %swap3A_1611 {strides = array<i32>} : memref<128x128xf32, #tpu.memory_space<vmem>>, vector<1x16xf32>,
        }
        %scan3A_171 = arith.constant 8 : i32
        %lt3A_172 = arith.constant 78 : i32
        %lt3A_173 = arith.cmpi slt, %add3A_139, %lt3A_172 : i32
        %mul3A_174 = arith.constant 128 : i32
        %mul3A_175 = arith.muli %add3A_139, %mul3A_174 : i32
        %add3A_176 = arith.addi %mul3A_2, %mul3A_175 : i32
        %mul3A_177 = arith.constant 128 : i32
        %mul3A_178 = arith.muli %add3A, %mul3A_177 : i32
        %add3A_179 = arith.constant 319488 : i32
        %add3A_180 = arith.addi %add3A_179, %mul3A_178 : i32
        %select_n3A_181 = arith.select %lt3A_173, %add3A_176, %add3A_180 : i32
        %add3A_182 = arith.constant 320000 : i32
        %add3A_183 = arith.addi %add3A_182, %select_n3A_181 : i32
        %dma_wait3A_184 = tpu.memref_slice %arg3[%add3A_183] : memref<640000xi32, #tpu.memory_space<hbm>> -> memref<128xi32, #tpu.memory_space<hbm>>
        %dma_wait3A_185 = tpu.memref_slice %arg3[%add3A_183] : memref<640000xi32, #tpu.memory_space<hbm>> -> memref<128xi32, #tpu.memory_space<hbm>>
        tpu.wait_dma2 semaphore(%arg16 : memref<!tpu.dma_semaphore, #tpu.memory_space<semaphore_mem>>) src(%dma_wait3A_185 : memref<128xi32, #tpu.memory_space<hbm>>) dst(%arg11 : memref<128xi32, #tpu.memory_space<vmem>>)
        "tpu.region"() ({
          %run_scoped3A = tpu.sem_alloc : memref<!tpu.dma_semaphore, #tpu.memory_space<semaphore_mem>>
          %dma_start3A_197 = arith.constant 0 : i32
          %dma_start3A_198 = arith.constant 0 : i32
          %dma_start3A_199 = tpu.memref_slice %arg6[%dma_start3A_197, %dma_start3A_198] : memref<10000x128xf32, #tpu.memory_space<vmem_shared>> -> memref<10000x128xf32, #tpu.memory_space<vmem_shared>>
          tpu.enqueue_indirect_dma source(%arg13 : memref<128x128xf32, #tpu.memory_space<vmem>>) target(%dma_start3A_199 : memref<10000x128xf32, #tpu.memory_space<vmem_shared>>) offsets(%arg11 : memref<128xi32, #tpu.memory_space<vmem>>) semaphore(%run_scoped3A : memref<!tpu.dma_semaphore, #tpu.memory_space<semaphore_mem>>) {add = true}
          %dma_wait3A_200 = arith.constant 0 : i32
          %dma_wait3A_201 = arith.constant 0 : i32
          %dma_wait3A_202 = tpu.memref_slice %arg6[%dma_wait3A_200, %dma_wait3A_201] : memref<10000x128xf32, #tpu.memory_space<vmem_shared>> -> memref<10000x128xf32, #tpu.memory_space<vmem_shared>>
          tpu.wait_indirect_dma semaphore(%run_scoped3A : memref<!tpu.dma_semaphore, #tpu.memory_space<semaphore_mem>>) src(%arg13 : memref<128x128xf32, #tpu.memory_space<vmem>>) dst(%dma_wait3A_202 : memref<10000x128xf32, #tpu.memory_space<vmem_shared>>)
          tpu.yield
        }) : () -> ()
        %add3A_186 = arith.constant 2 : i32
        %add3A_187 = arith.addi %add3A_139, %add3A_186 : i32
        %lt3A_188 = arith.constant 78 : i32
        %lt3A_189 = arith.cmpi slt, %add3A_187, %lt3A_188 : i32
        %lt3A_190 = arith.constant 79 : i32
        %lt3A_191 = arith.cmpi slt, %add3A_187, %lt3A_190 : i32
        %and3A_192 = arith.andi %lt3A_191, %lt3A_3 : i1
        %or3A_193 = arith.ori %lt3A_189, %and3A_192 : i1
        %convert_element_type3A_194 = arith.extui %or3A_193 : i1 to i32
        %cond3A_195 = arith.constant 0 : i32
        %cond3A_196 = arith.cmpi ne, %convert_element_type3A_194, %cond3A_195 : i32
        scf.if %cond3A_196 {
          %add3A_197 = arith.constant 2 : i32
          %add3A_198 = arith.addi %add3A_139, %add3A_197 : i32
          %lt3A_199 = arith.constant 78 : i32
          %lt3A_200 = arith.cmpi slt, %add3A_198, %lt3A_199 : i32
          %mul3A_201 = arith.constant 128 : i32
          %mul3A_202 = arith.muli %add3A_198, %mul3A_201 : i32
          %add3A_203 = arith.addi %mul3A_2, %mul3A_202 : i32
          %mul3A_204 = arith.constant 128 : i32
          %mul3A_205 = arith.muli %add3A, %mul3A_204 : i32
          %add3A_206 = arith.constant 319488 : i32
          %add3A_207 = arith.addi %add3A_206, %mul3A_205 : i32
          %select_n3A_208 = arith.select %lt3A_200, %add3A_203, %add3A_207 : i32
          %add3A_209 = arith.constant 320000 : i32
          %add3A_210 = arith.addi %add3A_209, %select_n3A_208 : i32
          %dma_start3A_211 = tpu.memref_slice %arg3[%add3A_210] : memref<640000xi32, #tpu.memory_space<hbm>> -> memref<128xi32, #tpu.memory_space<hbm>>
          %dma_start3A_212 = tpu.memref_slice %arg3[%add3A_210] : memref<640000xi32, #tpu.memory_space<hbm>> -> memref<128xi32, #tpu.memory_space<hbm>>
          tpu.enqueue_dma source(%dma_start3A_212 : memref<128xi32, #tpu.memory_space<hbm>>) target(%arg11 : memref<128xi32, #tpu.memory_space<vmem>>) target_semaphore(%arg16 : memref<!tpu.dma_semaphore, #tpu.memory_space<semaphore_mem>>)
          %lt3A_213 = arith.constant 78 : i32
          %lt3A_214 = arith.cmpi slt, %add3A_198, %lt3A_213 : i32
          %mul3A_215 = arith.constant 128 : i32
          %mul3A_216 = arith.muli %add3A_198, %mul3A_215 : i32
          %add3A_217 = arith.addi %mul3A_2, %mul3A_216 : i32
          %mul3A_218 = arith.constant 128 : i32
          %mul3A_219 = arith.muli %add3A, %mul3A_218 : i32
          %add3A_220 = arith.constant 319488 : i32
          %add3A_221 = arith.addi %add3A_220, %mul3A_219 : i32
          %select_n3A_222 = arith.select %lt3A_214, %add3A_217, %add3A_221 : i32
          %dma_start3A_223 = tpu.memref_slice %arg4[%select_n3A_222] : memref<320000xf32, #tpu.memory_space<hbm>> -> memref<128xf32, #tpu.memory_space<hbm>>
          %dma_start3A_224 = tpu.memref_slice %arg4[%select_n3A_222] : memref<320000xf32, #tpu.memory_space<hbm>> -> memref<128xf32, #tpu.memory_space<hbm>>
          tpu.enqueue_dma source(%dma_start3A_224 : memref<128xf32, #tpu.memory_space<hbm>>) target(%arg9 : memref<128xf32, #tpu.memory_space<vmem>>) target_semaphore(%arg16 : memref<!tpu.dma_semaphore, #tpu.memory_space<semaphore_mem>>)
          %mul3A_225 = arith.constant 128 : i32
          %mul3A_226 = arith.muli %add3A_198, %mul3A_225 : i32
          %dma_start3A_227 = tpu.memref_slice %arg7[%mul3A_226] : memref<10112xi32, #tpu.memory_space<vmem>> -> memref<128xi32, #tpu.memory_space<vmem>>
          %dma_start3A_228 = arith.constant 0 : i32
          %dma_start3A_229 = arith.constant 0 : i32
          %dma_start3A_230 = tpu.memref_slice %arg2[%dma_start3A_228, %dma_start3A_229] : memref<10000x128xf32, #tpu.memory_space<hbm>> -> memref<10000x128xf32, #tpu.memory_space<hbm>>
          tpu.enqueue_indirect_dma source(%dma_start3A_230 : memref<10000x128xf32, #tpu.memory_space<hbm>>) target(%arg13 : memref<128x128xf32, #tpu.memory_space<vmem>>) offsets(%dma_start3A_227 : memref<128xi32, #tpu.memory_space<vmem>>) semaphore(%arg18 : memref<!tpu.dma_semaphore, #tpu.memory_space<semaphore_mem>>)
        } else {
        }
      } else {
      }
    }
    %scan3A_95 = arith.constant 40 : i32
    %barrier3A_96 = arith.constant 0 : index
    tpu.barrier barrier_id(%barrier3A_96)
    %add3A_97 = arith.constant 0 : i32
    %add3A_98 = arith.addi %mul3A_16, %add3A_97 : i32
    %add3A_99 = arith.constant 0 : i32
    %add3A_100 = arith.addi %mul3A_16, %add3A_99 : i32
    "tpu.region"() ({
      %run_scoped3A = tpu.sem_alloc : memref<!tpu.dma_semaphore, #tpu.memory_space<semaphore_mem>>
      %dma_start3A_122 = arith.constant 0 : i32
      %dma_start3A_123 = tpu.memref_slice %arg5[%arg0, %add3A_100, %dma_start3A_122] : memref<2x10000x128xf32, #tpu.memory_space<hbm>> -> memref<1x128x128xf32, #tpu.memory_space<hbm>>
      %dma_start3A_124 = tpu.memref_squeeze %dma_start3A_123 : memref<1x128x128xf32, #tpu.memory_space<hbm>> -> memref<128x128xf32, #tpu.memory_space<hbm>>
      %dma_start3A_125 = arith.constant 0 : i32
      %dma_start3A_126 = tpu.memref_slice %arg6[%add3A_98, %dma_start3A_125] : memref<10000x128xf32, #tpu.memory_space<vmem_shared>> -> memref<128x128xf32, #tpu.memory_space<vmem_shared>>
      tpu.enqueue_dma source(%dma_start3A_126 : memref<128x128xf32, #tpu.memory_space<vmem_shared>>) target(%dma_start3A_124 : memref<128x128xf32, #tpu.memory_space<hbm>>) target_semaphore(%run_scoped3A : memref<!tpu.dma_semaphore, #tpu.memory_space<semaphore_mem>>)
      %dma_wait3A_127 = arith.constant 0 : i32
      %dma_wait3A_128 = tpu.memref_slice %arg5[%arg0, %add3A_100, %dma_wait3A_127] : memref<2x10000x128xf32, #tpu.memory_space<hbm>> -> memref<1x128x128xf32, #tpu.memory_space<hbm>>
      %dma_wait3A_129 = tpu.memref_squeeze %dma_wait3A_128 : memref<1x128x128xf32, #tpu.memory_space<hbm>> -> memref<128x128xf32, #tpu.memory_space<hbm>>
      %dma_wait3A_130 = arith.constant 0 : i32
      %dma_wait3A_131 = tpu.memref_slice %arg6[%add3A_98, %dma_wait3A_130] : memref<10000x128xf32, #tpu.memory_space<vmem_shared>> -> memref<128x128xf32, #tpu.memory_space<vmem_shared>>
      tpu.wait_dma2 semaphore(%run_scoped3A : memref<!tpu.dma_semaphore, #tpu.memory_space<semaphore_mem>>) src(%dma_wait3A_131 : memref<128x128xf32, #tpu.memory_space<vmem_shared>>) dst(%dma_wait3A_129 : memref<128x128xf32, #tpu.memory_space<hbm>>)
      tpu.yield
    }) : () -> ()
    %add3A_101 = arith.constant 128 : i32
    %add3A_102 = arith.addi %mul3A_16, %add3A_101 : i32
    %add3A_103 = arith.constant 128 : i32
    %add3A_104 = arith.addi %mul3A_16, %add3A_103 : i32
    "tpu.region"() ({
      %run_scoped3A = tpu.sem_alloc : memref<!tpu.dma_semaphore, #tpu.memory_space<semaphore_mem>>
      %dma_start3A_122 = arith.constant 0 : i32
      %dma_start3A_123 = tpu.memref_slice %arg5[%arg0, %add3A_104, %dma_start3A_122] : memref<2x10000x128xf32, #tpu.memory_space<hbm>> -> memref<1x128x128xf32, #tpu.memory_space<hbm>>
      %dma_start3A_124 = tpu.memref_squeeze %dma_start3A_123 : memref<1x128x128xf32, #tpu.memory_space<hbm>> -> memref<128x128xf32, #tpu.memory_space<hbm>>
      %dma_start3A_125 = arith.constant 0 : i32
      %dma_start3A_126 = tpu.memref_slice %arg6[%add3A_102, %dma_start3A_125] : memref<10000x128xf32, #tpu.memory_space<vmem_shared>> -> memref<128x128xf32, #tpu.memory_space<vmem_shared>>
      tpu.enqueue_dma source(%dma_start3A_126 : memref<128x128xf32, #tpu.memory_space<vmem_shared>>) target(%dma_start3A_124 : memref<128x128xf32, #tpu.memory_space<hbm>>) target_semaphore(%run_scoped3A : memref<!tpu.dma_semaphore, #tpu.memory_space<semaphore_mem>>)
      %dma_wait3A_127 = arith.constant 0 : i32
      %dma_wait3A_128 = tpu.memref_slice %arg5[%arg0, %add3A_104, %dma_wait3A_127] : memref<2x10000x128xf32, #tpu.memory_space<hbm>> -> memref<1x128x128xf32, #tpu.memory_space<hbm>>
      %dma_wait3A_129 = tpu.memref_squeeze %dma_wait3A_128 : memref<1x128x128xf32, #tpu.memory_space<hbm>> -> memref<128x128xf32, #tpu.memory_space<hbm>>
      %dma_wait3A_130 = arith.constant 0 : i32
      %dma_wait3A_131 = tpu.memref_slice %arg6[%add3A_102, %dma_wait3A_130] : memref<10000x128xf32, #tpu.memory_space<vmem_shared>> -> memref<128x128xf32, #tpu.memory_space<vmem_shared>>
      tpu.wait_dma2 semaphore(%run_scoped3A : memref<!tpu.dma_semaphore, #tpu.memory_space<semaphore_mem>>) src(%dma_wait3A_131 : memref<128x128xf32, #tpu.memory_space<vmem_shared>>) dst(%dma_wait3A_129 : memref<128x128xf32, #tpu.memory_space<hbm>>)
      tpu.yield
    }) : () -> ()
    %add3A_105 = arith.constant 256 : i32
    %add3A_106 = arith.addi %mul3A_16, %add3A_105 : i32
    %add3A_107 = arith.constant 256 : i32
    %add3A_108 = arith.addi %mul3A_16, %add3A_107 : i32
    "tpu.region"() ({
      %run_scoped3A = tpu.sem_alloc : memref<!tpu.dma_semaphore, #tpu.memory_space<semaphore_mem>>
      %dma_start3A_122 = arith.constant 0 : i32
      %dma_start3A_123 = tpu.memref_slice %arg5[%arg0, %add3A_108, %dma_start3A_122] : memref<2x10000x128xf32, #tpu.memory_space<hbm>> -> memref<1x128x128xf32, #tpu.memory_space<hbm>>
      %dma_start3A_124 = tpu.memref_squeeze %dma_start3A_123 : memref<1x128x128xf32, #tpu.memory_space<hbm>> -> memref<128x128xf32, #tpu.memory_space<hbm>>
      %dma_start3A_125 = arith.constant 0 : i32
      %dma_start3A_126 = tpu.memref_slice %arg6[%add3A_106, %dma_start3A_125] : memref<10000x128xf32, #tpu.memory_space<vmem_shared>> -> memref<128x128xf32, #tpu.memory_space<vmem_shared>>
      tpu.enqueue_dma source(%dma_start3A_126 : memref<128x128xf32, #tpu.memory_space<vmem_shared>>) target(%dma_start3A_124 : memref<128x128xf32, #tpu.memory_space<hbm>>) target_semaphore(%run_scoped3A : memref<!tpu.dma_semaphore, #tpu.memory_space<semaphore_mem>>)
      %dma_wait3A_127 = arith.constant 0 : i32
      %dma_wait3A_128 = tpu.memref_slice %arg5[%arg0, %add3A_108, %dma_wait3A_127] : memref<2x10000x128xf32, #tpu.memory_space<hbm>> -> memref<1x128x128xf32, #tpu.memory_space<hbm>>
      %dma_wait3A_129 = tpu.memref_squeeze %dma_wait3A_128 : memref<1x128x128xf32, #tpu.memory_space<hbm>> -> memref<128x128xf32, #tpu.memory_space<hbm>>
      %dma_wait3A_130 = arith.constant 0 : i32
      %dma_wait3A_131 = tpu.memref_slice %arg6[%add3A_106, %dma_wait3A_130] : memref<10000x128xf32, #tpu.memory_space<vmem_shared>> -> memref<128x128xf32, #tpu.memory_space<vmem_shared>>
      tpu.wait_dma2 semaphore(%run_scoped3A : memref<!tpu.dma_semaphore, #tpu.memory_space<semaphore_mem>>) src(%dma_wait3A_131 : memref<128x128xf32, #tpu.memory_space<vmem_shared>>) dst(%dma_wait3A_129 : memref<128x128xf32, #tpu.memory_space<hbm>>)
      tpu.yield
    }) : () -> ()
    %add3A_109 = arith.constant 384 : i32
    %add3A_110 = arith.addi %mul3A_16, %add3A_109 : i32
    %add3A_111 = arith.constant 384 : i32
    %add3A_112 = arith.addi %mul3A_16, %add3A_111 : i32
    "tpu.region"() ({
      %run_scoped3A = tpu.sem_alloc : memref<!tpu.dma_semaphore, #tpu.memory_space<semaphore_mem>>
      %dma_start3A_122 = arith.constant 0 : i32
      %dma_start3A_123 = tpu.memref_slice %arg5[%arg0, %add3A_112, %dma_start3A_122] : memref<2x10000x128xf32, #tpu.memory_space<hbm>> -> memref<1x128x128xf32, #tpu.memory_space<hbm>>
      %dma_start3A_124 = tpu.memref_squeeze %dma_start3A_123 : memref<1x128x128xf32, #tpu.memory_space<hbm>> -> memref<128x128xf32, #tpu.memory_space<hbm>>
      %dma_start3A_125 = arith.constant 0 : i32
      %dma_start3A_126 = tpu.memref_slice %arg6[%add3A_110, %dma_start3A_125] : memref<10000x128xf32, #tpu.memory_space<vmem_shared>> -> memref<128x128xf32, #tpu.memory_space<vmem_shared>>
      tpu.enqueue_dma source(%dma_start3A_126 : memref<128x128xf32, #tpu.memory_space<vmem_shared>>) target(%dma_start3A_124 : memref<128x128xf32, #tpu.memory_space<hbm>>) target_semaphore(%run_scoped3A : memref<!tpu.dma_semaphore, #tpu.memory_space<semaphore_mem>>)
      %dma_wait3A_127 = arith.constant 0 : i32
      %dma_wait3A_128 = tpu.memref_slice %arg5[%arg0, %add3A_112, %dma_wait3A_127] : memref<2x10000x128xf32, #tpu.memory_space<hbm>> -> memref<1x128x128xf32, #tpu.memory_space<hbm>>
      %dma_wait3A_129 = tpu.memref_squeeze %dma_wait3A_128 : memref<1x128x128xf32, #tpu.memory_space<hbm>> -> memref<128x128xf32, #tpu.memory_space<hbm>>
      %dma_wait3A_130 = arith.constant 0 : i32
      %dma_wait3A_131 = tpu.memref_slice %arg6[%add3A_110, %dma_wait3A_130] : memref<10000x128xf32, #tpu.memory_space<vmem_shared>> -> memref<128x128xf32, #tpu.memory_space<vmem_shared>>
      tpu.wait_dma2 semaphore(%run_scoped3A : memref<!tpu.dma_semaphore, #tpu.memory_space<semaphore_mem>>) src(%dma_wait3A_131 : memref<128x128xf32, #tpu.memory_space<vmem_shared>>) dst(%dma_wait3A_129 : memref<128x128xf32, #tpu.memory_space<hbm>>)
      tpu.yield
    }) : () -> ()
    %add3A_113 = arith.constant 512 : i32
    %add3A_114 = arith.addi %mul3A_16, %add3A_113 : i32
    %add3A_115 = arith.constant 512 : i32
    %add3A_116 = arith.addi %mul3A_16, %add3A_115 : i32
    "tpu.region"() ({
      %run_scoped3A = tpu.sem_alloc : memref<!tpu.dma_semaphore, #tpu.memory_space<semaphore_mem>>
      %dma_start3A_122 = arith.constant 0 : i32
      %dma_start3A_123 = tpu.memref_slice %arg5[%arg0, %add3A_116, %dma_start3A_122] : memref<2x10000x128xf32, #tpu.memory_space<hbm>> -> memref<1x112x128xf32, #tpu.memory_space<hbm>>
      %dma_start3A_124 = tpu.memref_squeeze %dma_start3A_123 : memref<1x112x128xf32, #tpu.memory_space<hbm>> -> memref<112x128xf32, #tpu.memory_space<hbm>>
      %dma_start3A_125 = arith.constant 0 : i32
      %dma_start3A_126 = tpu.memref_slice %arg6[%add3A_114, %dma_start3A_125] : memref<10000x128xf32, #tpu.memory_space<vmem_shared>> -> memref<112x128xf32, #tpu.memory_space<vmem_shared>>
      tpu.enqueue_dma source(%dma_start3A_126 : memref<112x128xf32, #tpu.memory_space<vmem_shared>>) target(%dma_start3A_124 : memref<112x128xf32, #tpu.memory_space<hbm>>) target_semaphore(%run_scoped3A : memref<!tpu.dma_semaphore, #tpu.memory_space<semaphore_mem>>)
      %dma_wait3A_127 = arith.constant 0 : i32
      %dma_wait3A_128 = tpu.memref_slice %arg5[%arg0, %add3A_116, %dma_wait3A_127] : memref<2x10000x128xf32, #tpu.memory_space<hbm>> -> memref<1x112x128xf32, #tpu.memory_space<hbm>>
      %dma_wait3A_129 = tpu.memref_squeeze %dma_wait3A_128 : memref<1x112x128xf32, #tpu.memory_space<hbm>> -> memref<112x128xf32, #tpu.memory_space<hbm>>
      %dma_wait3A_130 = arith.constant 0 : i32
      %dma_wait3A_131 = tpu.memref_slice %arg6[%add3A_114, %dma_wait3A_130] : memref<10000x128xf32, #tpu.memory_space<vmem_shared>> -> memref<112x128xf32, #tpu.memory_space<vmem_shared>>
      tpu.wait_dma2 semaphore(%run_scoped3A : memref<!tpu.dma_semaphore, #tpu.memory_space<semaphore_mem>>) src(%dma_wait3A_131 : memref<112x128xf32, #tpu.memory_space<vmem_shared>>) dst(%dma_wait3A_129 : memref<112x128xf32, #tpu.memory_space<hbm>>)
      tpu.yield
    }) : () -> ()
    %eq3A_117 = arith.constant 15 : i32
    %eq3A_118 = arith.cmpi eq, %arg1, %eq3A_117 : i32
    %convert_element_type3A_119 = arith.extui %eq3A_118 : i1 to i32
    %cond3A_120 = arith.constant 0 : i32
    %cond3A_121 = arith.cmpi ne, %convert_element_type3A_119, %cond3A_120 : i32
    scf.if %cond3A_121 {
      "tpu.region"() ({
        %run_scoped3A = tpu.sem_alloc : memref<!tpu.dma_semaphore, #tpu.memory_space<semaphore_mem>>
        %dma_start3A_122 = arith.constant 9984 : i32
        %dma_start3A_123 = arith.constant 0 : i32
        %dma_start3A_124 = tpu.memref_slice %arg5[%arg0, %dma_start3A_122, %dma_start3A_123] : memref<2x10000x128xf32, #tpu.memory_space<hbm>> -> memref<1x16x128xf32, #tpu.memory_space<hbm>>
        %dma_start3A_125 = tpu.memref_squeeze %dma_start3A_124 : memref<1x16x128xf32, #tpu.memory_space<hbm>> -> memref<16x128xf32, #tpu.memory_space<hbm>>
        %dma_start3A_126 = arith.constant 9984 : i32
        %dma_start3A_127 = arith.constant 0 : i32
        %dma_start3A_128 = tpu.memref_slice %arg6[%dma_start3A_126, %dma_start3A_127] : memref<10000x128xf32, #tpu.memory_space<vmem_shared>> -> memref<16x128xf32, #tpu.memory_space<vmem_shared>>
        tpu.enqueue_dma source(%dma_start3A_128 : memref<16x128xf32, #tpu.memory_space<vmem_shared>>) target(%dma_start3A_125 : memref<16x128xf32, #tpu.memory_space<hbm>>) target_semaphore(%run_scoped3A : memref<!tpu.dma_semaphore, #tpu.memory_space<semaphore_mem>>)
        %dma_wait3A_129 = arith.constant 9984 : i32
        %dma_wait3A_130 = arith.constant 0 : i32
        %dma_wait3A_131 = tpu.memref_slice %arg5[%arg0, %dma_wait3A_129, %dma_wait3A_130] : memref<2x10000x128xf32, #tpu.memory_space<hbm>> -> memref<1x16x128xf32, #tpu.memory_space<hbm>>
        %dma_wait3A_132 = tpu.memref_squeeze %dma_wait3A_131 : memref<1x16x128xf32, #tpu.memory_space<hbm>> -> memref<16x128xf32, #tpu.memory_space<hbm>>
        %dma_wait3A_133 = arith.constant 9984 : i32
        %dma_wait3A_134 = arith.constant 0 : i32
        %dma_wait3A_135 = tpu.memref_slice %arg6[%dma_wait3A_133, %dma_wait3A_134] : memref<10000x128xf32, #tpu.memory_space<vmem_shared>> -> memref<16x128xf32, #tpu.memory_space<vmem_shared>>
        tpu.wait_dma2 semaphore(%run_scoped3A : memref<!tpu.dma_semaphore, #tpu.memory_space<semaphore_mem>>) src(%dma_wait3A_135 : memref<16x128xf32, #tpu.memory_space<vmem_shared>>) dst(%dma_wait3A_132 : memref<16x128xf32, #tpu.memory_space<hbm>>)
        tpu.yield
      }) : () -> ()
    } else {
    }
    return
  }
}

module attributes {stable_mosaic.version = 14 : i64} {
  func.func @_combine_body(%arg0: i32, %arg1: memref<1xf32, #tpu.memory_space<smem>>, %arg2: memref<1000x128xf32, #tpu.memory_space<vmem>>, %arg3: memref<2x1000x128xf32, #tpu.memory_space<vmem>>, %arg4: memref<1000x128xf32, #tpu.memory_space<vmem>>) attributes {dimension_semantics = [#tpu.dimension_semantics<arbitrary>], iteration_bounds = array<i64: 10>, scalar_prefetch = 0 : i64, scratch_operands = 0 : i64, tpu.core_type = #tpu.core_type<tc>, window_params = [{transform_indices = @transform_0, window_bounds = array<i64: 1>}, {transform_indices = @transform_1, window_bounds = array<i64: 1000, 128>}, {transform_indices = @transform_2, window_bounds = array<i64: 2, 1000, 128>}, {transform_indices = @transform_3, window_bounds = array<i64: 1000, 128>}]} {
    %get3A = arith.constant 0 : index
    %get3A_0 = memref.load %arg1[%get3A] : memref<1xf32, #tpu.memory_space<smem>>
    %get3A_1 = arith.constant 0 : index
    %get3A_2 = arith.constant 0 : index
    %get3A_3 = vector.load %arg2[%get3A_1, %get3A_2] : memref<1000x128xf32, #tpu.memory_space<vmem>>, vector<1000x128xf32>
    %get3A_4 = arith.constant 0 : index
    %get3A_5 = arith.constant 0 : index
    %get3A_6 = arith.constant 0 : index
    %get3A_7 = vector.load %arg3[%get3A_4, %get3A_5, %get3A_6] : memref<2x1000x128xf32, #tpu.memory_space<vmem>>, vector<1x1000x128xf32>
    %get3A_8 = vector.shape_cast %get3A_7 : vector<1x1000x128xf32> to vector<1000x128xf32>
    %get3A_9 = arith.constant 1 : index
    %get3A_10 = arith.constant 0 : index
    %get3A_11 = arith.constant 0 : index
    %get3A_12 = vector.load %arg3[%get3A_9, %get3A_10, %get3A_11] : memref<2x1000x128xf32, #tpu.memory_space<vmem>>, vector<1x1000x128xf32>
    %get3A_13 = vector.shape_cast %get3A_12 : vector<1x1000x128xf32> to vector<1000x128xf32>
    %add3A = arith.addf %get3A_8, %get3A_13 : vector<1000x128xf32>
    %mul3A = vector.broadcast %get3A_0 : f32 to vector<1000x128xf32>
    %mul3A_14 = arith.mulf %mul3A, %add3A : vector<1000x128xf32>
    %add3A_15 = arith.addf %get3A_3, %mul3A_14 : vector<1000x128xf32>
    %max3A = arith.constant 0.000000e+00 : f32
    %max3A_16 = vector.broadcast %max3A : f32 to vector<1000x128xf32>
    %max3A_17 = arith.maximumf %add3A_15, %max3A_16 : vector<1000x128xf32>
    %swap3A = arith.constant 0 : index
    %swap3A_18 = arith.constant 0 : index
    %swap3A_19 = vector.load %arg4[%swap3A, %swap3A_18] : memref<1000x128xf32, #tpu.memory_space<vmem>>, vector<1000x128xf32>
    tpu.vector_store %arg4[%swap3A, %swap3A_18], %max3A_17 {strides = array<i32>} : memref<1000x128xf32, #tpu.memory_space<vmem>>, vector<1000x128xf32>,
    return
  }
  func.func @transform_0(%arg0: i32) -> i32 {
    %c0_i32 = arith.constant 0 : i32
    %c0_i32_0 = arith.constant 0 : i32
    return %c0_i32 : i32
  }
  func.func @transform_1(%arg0: i32) -> (i32, i32) {
    %c0_i32 = arith.constant 0 : i32
    %c0_i32_0 = arith.constant 0 : i32
    return %arg0, %c0_i32 : i32, i32
  }
  func.func @transform_2(%arg0: i32) -> (i32, i32, i32) {
    %c0_i32 = arith.constant 0 : i32
    %c0_i32_0 = arith.constant 0 : i32
    %c0_i32_1 = arith.constant 0 : i32
    return %c0_i32, %arg0, %c0_i32_0 : i32, i32, i32
  }
  func.func @transform_3(%arg0: i32) -> (i32, i32) {
    %c0_i32 = arith.constant 0 : i32
    %c0_i32_0 = arith.constant 0 : i32
    return %arg0, %c0_i32 : i32, i32
  }
}

</mosaic_0001>

<sc_bundles>
// kernel: kernel.4.cloned.1.call-start
scs
__scs_entry_jumppad:
0x0: {  	(pc) =	sbr.rel $0x88, $3  }
0x1: {  	(tag) =	ssettag $0x0;
	lr =	simm.s32 $0x1  }
0x2: {  	[smem:$0x3F9D] =	sst lr;
	_ =	strace $0xD0000000  }
0x3: {  	_ = 	snop  }
0x4: {  	_ = 	snop  }
0x5: {  	_ = 	snop  }
0x6: {  	_ = 	snop  }
0x7: {  	_ = 	snop  }
__scs_overlays_trampoline_lowered:
0x8: {  	[smem:$0x3FAC] =	sst s0  }
0x9: {  	[smem:$0x3FAD] =	sst s1  }
0xa: {  	[smem:$0x3FAE] =	sst s2  }
0xb: {  	[smem:$0x3FAF] =	sst s3  }
0xc: {  	[smem:$0x3FB0] =	sst s4  }
0xd: {  	[smem:$0x3FB1] =	sst s5  }
0xe: {  	[smem:$0x3FB2] =	sst s6  }
0xf: {  	[smem:$0x3FB3] =	sst s7  }
0x10: {  	[smem:$0x3FB4] =	sst s8  }
0x11: {  	[smem:$0x3FB5] =	sst s9;
	s0 =	simm.s32 @!p0 $0x0  }
0x12: {  	s1 =	sld [smem:$0x3F9B];
	s0 =	simm.s32 @p0 $0x1  }
0x13: {  	[smem:$0x3FB6] =	sst s0;
	s0 =	simm.s32 @!p1 $0x0  }
0x14: {  	s2 =	sld [smem:$0x3F9A];
	s0 =	simm.s32 @p1 $0x1  }
0x15: {  	[smem:$0x3FB7] =	sst s0;
	s0 =	simm.s32 @!p2 $0x0  }
0x16: {  	s3 =	sld [smem:$0x3FDB];
	s0 =	simm.s32 @p2 $0x1  }
0x17: {  	s4 =	simm.s32 $0x1BF5;
	[smem:$0x3FB9] =	sst s0  }
0x18: {  	s0 =	sld [smem:$0x3F9C];
	_ =	swait.ge [sflag:s4], $0x0  }
0x19: {  	s7 =	sld [smem:$0x3F9D]  }
0x1a: {  	s8 =	sadd.s32 $0xFFFFE003, lr  }
0x1b: {  	s9 =	sadd.s32 $0xFFFFFEF7, lr;
	s5 =	simm.s32 $0xFFFFFFFF;
	p2 =	slt.u32 s8, $0xFFFFF086  }
0x1c: {  	p1 =	slt.u32 s9, $0xF7A;
	s5 =	simm.s32 @!p2 $0x0  }
0x1d: {  	s5 =	simm.s32 @p1 $0x1;
	p0 =	seq.s32 s7, s2  }
0x1e: {  	s7 =	smul.u32 @!p0 $0xF7A, s2;
	p2 =	seq.s32 @!p0 s5, $0x0  }
0x1f: {  	s9 =	smul.u32 $0xF7A, s1;
	s8 =	simm.s32 @!p0 $0x1BF5;
	p2 =	por !p2, p0  }
0x20: {  	[sflag:s8] =	ssyncset.s32 @!p0 $0xFFFFF086;
	s6 =	sadd.s32 @!p0 s3, s7;
	s7 =	simm.s32 @!p0 $0x108  }
0x21: {  	s3 =	sadd.s32 s3, s9;
	s6 =	sadd.s32 @!p0 $0x88, s6;
	s7 =	simm.s32 @p2 $0x1082  }
0x22: {  	[simem:s7], [sflag:s8] =	dma.local @!p0 [hbm:s6], $0xF7A  }
0x23: {  	s9 =	sor.u32 $0xD0000000, s2;
	s6 =	simm.s32 $0x108;
	_ =	swait.ge @!p0 [sflag:s8], $0x0  }
0x24: {  	s3 =	sadd.s32 $0x88, s3;
	s6 =	simm.s32 @!p1 $0x1082;
	[sflag:s4] =	ssyncset.s32 $0xFFFFF086  }
0x25: {  	[simem:s6], [sflag:s4] =	dma.local [hbm:s3], $0xF7A  }
0x26: {  	[smem:$0x3F9D] =	sst s1;
	(tag) =	ssettag s2;
	_ =	strace s9  }
0x27: {  	s1 =	sld [smem:$0x3FAD]  }
0x28: {  	s2 =	sld [smem:$0x3FAE]  }
0x29: {  	s4 =	sld [smem:$0x3FB0]  }
0x2a: {  	p0 =	seq.s32 s5, $0x0;
	s5 =	sld [smem:$0x3FB1]  }
0x2b: {  	s6 =	sld [smem:$0x3FB2]  }
0x2c: {  	s7 =	sld [smem:$0x3FB3]  }
0x2d: {  	s3 =	simm.s32 $0x108;
	s8 =	sld [smem:$0x3FB4]  }
0x2e: {  	s3 =	simm.s32 @!p0 $0x1082;
	s9 =	sld [smem:$0x3FB5]  }
0x2f: {  	lr =	sadd.s32 s0, s3;
	s0 =	sld [smem:$0x3FAC]  }
0x30: {  	s3 =	sld [smem:$0x3FAF]  }
0x31: {  	[smem:$0x3FB8] =	sst s10  }
0x32: {  	s10 =	sld [smem:$0x3FB6];
	_ =	sdelay $0x3  }
0x33: {  	p0 =	seq.s32 s10, $0x1;
	s10 =	sld [smem:$0x3FB8];
	_ =	sdelay $0x3  }
0x34: {  	[smem:$0x3FB8] =	sst s10  }
0x35: {  	s10 =	sld [smem:$0x3FB7];
	_ =	sdelay $0x3  }
0x36: {  	p1 =	seq.s32 s10, $0x1;
	s10 =	sld [smem:$0x3FB8];
	_ =	sdelay $0x3  }
0x37: {  	[smem:$0x3FB8] =	sst s10  }
0x38: {  	s10 =	sld [smem:$0x3FB9]  }
0x39: {  	_ = 	snop;
	(pc) =	sbr.ind lr, $3  }
0x3a: {  	_ = 	snop  }
0x3b: {  	_ = 	snop  }
0x3c: {  	p2 =	seq.s32 s10, $0x1;
	s10 =	sld [smem:$0x3FB8]  }
0x3d: {  	_ =	shalt  }
0x3e: {  	_ =	shalt  }
0x3f: {  	_ =	shalt  }
0x40: {  	_ =	shalt  }
0x41: {  	_ =	shalt  }
0x42: {  	_ =	shalt  }
0x43: {  	_ =	shalt  }
0x44: {  	_ =	shalt  }
0x45: {  	_ =	shalt  }
0x46: {  	_ =	shalt  }
0x47: {  	_ =	shalt  }
0x48: {  	_ =	shalt  }
0x49: {  	_ =	shalt  }
0x4a: {  	_ =	shalt  }
0x4b: {  	_ =	shalt  }
0x4c: {  	_ =	shalt  }
0x4d: {  	_ =	shalt  }
0x4e: {  	_ =	shalt  }
0x4f: {  	_ =	shalt  }
0x50: {  	_ =	shalt  }
0x51: {  	_ =	shalt  }
0x52: {  	_ =	shalt  }
0x53: {  	_ =	shalt  }
0x54: {  	_ =	shalt  }
0x55: {  	_ =	shalt  }
0x56: {  	_ =	shalt  }
0x57: {  	_ =	shalt  }
0x58: {  	_ =	shalt  }
0x59: {  	_ =	shalt  }
0x5a: {  	_ =	shalt  }
0x5b: {  	_ =	shalt  }
0x5c: {  	_ =	shalt  }
0x5d: {  	_ =	shalt  }
0x5e: {  	_ =	shalt  }
0x5f: {  	_ =	shalt  }
0x60: {  	_ =	shalt  }
0x61: {  	_ =	shalt  }
0x62: {  	_ =	shalt  }
0x63: {  	_ =	shalt  }
0x64: {  	_ =	shalt  }
0x65: {  	_ =	shalt  }
0x66: {  	_ =	shalt  }
0x67: {  	_ =	shalt  }
0x68: {  	_ =	shalt  }
0x69: {  	_ =	shalt  }
0x6a: {  	_ =	shalt  }
0x6b: {  	_ =	shalt  }
0x6c: {  	_ =	shalt  }
0x6d: {  	_ =	shalt  }
0x6e: {  	_ =	shalt  }
0x6f: {  	_ =	shalt  }
0x70: {  	_ =	shalt  }
0x71: {  	_ =	shalt  }
0x72: {  	_ =	shalt  }
0x73: {  	_ =	shalt  }
0x74: {  	_ =	shalt  }
0x75: {  	_ =	shalt  }
0x76: {  	_ =	shalt  }
0x77: {  	_ =	shalt  }
0x78: {  	_ =	shalt  }
0x79: {  	_ =	shalt  }
0x7a: {  	_ =	shalt  }
0x7b: {  	_ =	shalt  }
0x7c: {  	_ =	shalt  }
0x7d: {  	_ =	shalt  }
0x7e: {  	_ =	shalt  }
0x7f: {  	_ =	shalt  }
0x80: {  	_ =	shalt  }
0x81: {  	_ =	shalt  }
0x82: {  	_ =	shalt  }
0x83: {  	_ =	shalt  }
0x84: {  	_ =	shalt  }
0x85: {  	_ =	shalt  }
0x86: {  	_ =	shalt  }
0x87: {  	_ =	shalt  }
.Lfunc_end0:
.L_simem_size_0:
called_computation_lowered:
.L_overlay_start_0:
0x88: {  	s2 =	sld [smem:$0x3FD9]  }
0x89: {  	s3 =	sld [smem:$0x3FFE];
	_ =	sdelay $0x1  }
0x8a: {  	s1 =	srdreg.scid  }
0x8b: {  	s0 =	sand.u32 $0x1, s1  }
0x8c: {  	s17 =	sshll.u32 s0, $0xA;
	s2 =	sadd.s32 s3, s2  }
0x8d: {  	s2 =	sadd.s32 s2, s17  }
0x8e: {  	[smem:$0x3FC4] =	sst s2  }
0x8f: {  	_ = 	snop  }
0x90: {  	s2 =	sld [smem:$0x3FC9]  }
0x91: {  	s18 =	sld [smem:$0x3FC7]  }
0x92: {  	s4 =	sld [smem:$0x3FD0];
	(tm) =	ssettm $0x1  }
0x93: {  	s5 =	sld [smem:$0x3FFB];
	_ =	sdelay $0x3  }
0x94: {  	_ =	strace s5  }
0x95: {  	s5 =	sld [smem:$0x3FFC];
	_ =	sdelay $0x3  }
0x96: {  	_ =	strace s5  }
0x97: {  	s5 =	sld [smem:$0x3FFD];
	_ =	sdelay $0x3  }
0x98: {  	_ =	strace s5  }
0x99: {  	_ =	strace $0x8FFFFFFF  }
0x9a: {  	s19 =	sld [smem:$0x3FDB];
	_ =	sdelay $0x1  }
0x9b: {  	s6 =	simm.s32 $_scs_section_size  }
0x9c: {  	s7 =	simm.s32 $_size__tile_overlayer_lowered;
	s8 =	simm.s32 $_tile_overlayer_lowered  }
0x9d: {  	s22 =	simm.s32 $0x1BFF;
	s21 =	sshll.u32 s8, $0x1;
	s5 =	sadd.s32 s6, s19  }
0x9e: {  	s9 =	simm.s32 $0x0;
	s20 =	sshll.u32 s7, $0x1;
	s7 =	sadd.s32 s21, s5  }
0x9f: {  	[timem:s9], [sflag:s22] =	dma.local [hbm:s7], s20  }
0xa0: {  	_ =	swait.ge [sflag:s22], s20  }
0xa1: {  	s6 =	ssub.s32 $0x0, s20;
	[sflag:s22] =	ssyncset.done $0x0  }
0xa2: {  	[sflag:s22] =	ssyncadd.s32 s6;
	_ =	sdelay $0x1  }
0xa3: {  	s23 =	simm.s32 $0x1B8B  }
0xa4: {  	_ =	swait.ge [sflag:s23], $0x1  }
0xa5: {  	[sflag:s23] =	ssyncset.done $0x0  }
0xa6: {  	s25 =	simm.s32 $0x1B8E;
	s24 =	sld [smem:$0x3FFE];
	[sflag:s23] =	ssyncadd.s32 $0xFFFFFFFF  }
0xa7: {  	s26 =	simm.s32 $execute0_lowered;
	[smem:$0x3FD2] =	sst s25  }
0xa8: {  	s7 =	sshll.u32 s26, $0x1;
	_ =	strace $0x80000046;
	[dreg:$0x1] =	wrdreg $0xFFFFFFFF  }
0xa9: {  	s28 =	simm.s32 $_size_execute0_lowered;
	s5 =	sadd.s32 s5, s7;
	[dreg:$0x0] =	wrdreg $0x0  }
0xaa: {  	s7 =	sshll.u32 s28, $0x1;
	[dreg:$0x2] =	wrdreg s5  }
0xab: {  	[dreg:$0x3] =	wrdreg s7  }
0xac: {  	[dreg:$0x4] =	wrdreg $0xC0  }
0xad: {  	_ =	task [dreg:s9], $0x5FFFF  }
0xae: {  	[dreg:$0x1] =	wrdreg $0xFFFFFFFF  }
0xaf: {  	[dreg:$0x0] =	wrdreg $0x60  }
0xb0: {  	[dreg:$0x2] =	wrdreg s2  }
0xb1: {  	[dreg:$0x3] =	wrdreg s4  }
0xb2: {  	[dreg:$0x4] =	wrdreg s18  }
0xb3: {  	[dreg:$0x5] =	wrdreg s24  }
0xb4: {  	[dreg:$0x6] =	wrdreg $0x0  }
0xb5: {  	[dreg:$0x7] =	wrdreg $0x9  }
0xb6: {  	_ =	task.clear_ibuf [dreg:s9], $0x8FFFF;
	_ =	strace $0x90000046  }
0xb7: {  	s29 =	simm.s32 $0x9;
	_ =	strace $0x80000048  }
0xb8: {  	_ =	swait.ge [sflag:s29], $0x1  }
0xb9: {  	[sflag:s29] =	ssyncadd.s32 $0xFFFFFFFF  }
0xba: {  	_ =	strace $0x90000048  }
0xbb: {  	_ =	sfence  }
0xbc: {  	s30 =	sld [smem:$0x0];
	_ =	sdelay $0x2  }
0xbd: {  	s31 =	sshll.u32 s1, $0xD;
	s1 =	sshrl.u32 s1, $0x2  }
0xbe: {  	s3 =	sand.u32 $0x4000, s31;
	s1 =	sadd.s32 s1, s30  }
0xbf: {  	s0 =	sor.u32 s3, s0;
	s1 =	sshll.u32 s1, $0x11  }
0xc0: {  	s0 =	sor.u32 s1, s0  }
0xc1: {  	s0 =	sadd.s32 $0x8F2B, s0  }
0xc2: {  	[sflag:s0] =	ssyncadd.remote.s32 $0x1  }
0xc3: {  	_ =	sfence.sel $0xFFFF  }
0xc4: {  	[dreg:$0x0] =	wrdreg $0xFFFFFFFF;
	(pc) =	sbr.abs _section_cstart, $3  }
0xc5: {  	[dreg:$0x1] =	wrdreg $0xFFFFFFFF  }
0xc6: {  	_ =	task.clear_ibuf [dreg:s9], $0x2FFFF;
	_ =	strace $0x9FFFFFFF  }
0xc7: {  	(tm) =	ssettm $0x7FFFFFFF  }
tec
execute0_lowered:
.L_overlay_start_1:
0x0: {  	(tag) =	ssettag $0x1  }
0x1: {  	s1 =	rddreg [dreg:$0x0]  }
0x2: {  	s2 =	rddreg [dreg:$0x1]  }
0x3: {  	s3 =	rddreg [dreg:$0x2]  }
0x4: {  	s0 =	rddreg [dreg:$0x3]  }
0x5: {  	s4 =	rddreg [dreg:$0x4]  }
0x6: {  	s5 =	srdreg.scid;
	s6 =	simm.s32 $0x0;
	s23 =	stileid.u32  }
0x7: {  	s30 =	simm.s32 $0x16200;
	s31 =	simm.s32 $0x6;
	s29 =	simm.s32 $0x4  }
0x8: {  	s5 =	sand.u32 $0x1, s5;
	[smem:$0x7FF] =	sst s6;
	s11 =	smul.u32 $0x4E000, s23  }
0x9: {  	s0 =	sadd.s32 $0xE00, s0;
	s12 =	sshll.u32 s23, $0x4;
	s17 =	smul.u32 $0x13800, s23  }
0xa: {  	s15 =	sadd.s32 $0x138000, s4;
	p2 =	sne.s32 s23, $0xF;
	s7 =	sshll.u32 s5, $0x4  }
0xb: {  	_ =	strace $0x80000047;
	s9 =	ssub.s32 $0x2, s5;
	s20 =	sadd.s32 s12, s2  }
0xc: {  	s5 =	smul.u32 $0x138800, s5;
	s8 =	sor.u32 s23, s7;
	s10 =	sshrl.u32 s9, $0x1  }
0xd: {  	s21 =	sshrl.u32 s11, $0x2;
	s18 =	sadd.s32 $0x4000, s17;
	s19 =	sadd.s32 $0x8000, s17  }
0xe: {  	s23 =	simm.s32 $0x13880;
	s7 =	smul.u32 $0x2700, s8;
	s9 =	ssub.s32 s9, s10  }
0xf: {  	s10 =	sadd.s32 $0x9C00, s20;
	s11 =	sadd.s32 s18, s4;
	s20 =	sadd.s32 $0xC000, s17  }
0x10: {  	s12 =	sadd.s32 s19, s4;
	s18 =	sadd.s32 s5, s18;
	s19 =	sadd.s32 s5, s19  }
0x11: {  	p0 =	sgt.u32 s8, $0x3;
	p1 =	slt.u32 s8, $0x4;
	[dreg:$0x7] =	wrdreg s10  }
0x12: {  	s10 =	sadd.s32 s21, s4;
	s21 =	sadd.s32 $0x10000, s17;
	s13 =	sadd.s32 s20, s4  }
0x13: {  	s17 =	sadd.s32 s17, s5;
	s18 =	sshrl.u32 s18, $0x3;
	s25 =	sshrl.u32 s19, $0x3  }
0x14: {  	s26 =	sadd.s32 s5, s20;
	s19 =	sshll.u32 s8, $0x7;
	s16 =	sshrl.u32 s7, $0x3  }
0x15: {  	s14 =	sadd.s32 s21, s4;
	s17 =	sshrl.u32 s17, $0x3;
	s22 =	sadd.s32 s0, s18  }
0x16: {  	s28 =	sadd.s32 s5, s21;
	s5 =	sshrl.u32 s5, $0x3;
	s24 =	sadd.s32 s2, s16  }
0x17: {  	s17 =	sadd.s32 s0, s17;
	[dreg:$0x9] =	wrdreg s22;
	s18 =	sshrl.u32 s28, $0x3  }
0x18: {  	s21 =	sadd.s32 s3, s16;
	s22 =	sor.u32 $0x4E000, s19;
	[dreg:$0x8] =	wrdreg s17  }
0x19: {  	s16 =	simm.s32 $0x80;
	s19 =	simm.s32 $0x2;
	[dreg:$0x6] =	wrdreg s24  }
0x1a: {  	s17 =	sadd.s32 s0, s25;
	s18 =	sadd.s32 s0, s18;
	[dreg:$0xe] =	wrdreg s21  }
0x1b: {  	s20 =	sadd.s32 $0x9C40, s24;
	s25 =	smax.u32 s9, $0x1;
	[dreg:$0xa] =	wrdreg s17  }
0x1c: {  	s28 =	sadd.s32 $0x10, s21;
	s9 =	simm.s32 $0x16000;
	[dreg:$0xc] =	wrdreg s18  }
0x1d: {  	v0 =	vimm.f32 $0.0e+00;
	v1 =	vimm.s32 $0x0;
	s21 =	simm.s32 $0x3;
	s17 =	sshrl.u32 s26, $0x3;
	[dreg:$0xd] =	wrdreg s20  }
.Ltmp0:
0x1e: {  	v2 =	vimm.s32 $0x1;
	v3 =	vimm.s32 $0x2;
	v4 =	vimm.s32 $0x3;
	[dreg:$0x10] =	wrdreg s25;
	s26 =	sadd.s32 $0x9C50, s24;
	(pc) =	sbr.rel .LBB2_1-.Ltmp0, $4  }
0x1f: {  	v5 =	vimm.s32 $0x4;
	v6 =	vimm.s32 $0x5;
	v7 =	vimm.s32 $0x6;
	[dreg:$0x12] =	wrdreg s28;
	s18 =	simm.s32 $0x1A200;
	s20 =	simm.s32 $0x5  }
0x20: {  	v8 =	vimm.s32 $0x7;
	v9 =	vimm.s32 $0x8;
	v10 =	vimm.s32 $0x9;
	s17 =	sadd.s32 s0, s17;
	s0 =	sadd.s32 s0, s5;
	[dreg:$0x11] =	wrdreg s26  }
0x21: {  	v11 =	vimm.s32 $0xA;
	v12 =	vimm.s32 $0xB;
	v13 =	vimm.s32 $0xC;
	s24 =	simm.s32 $0x0;
	[dreg:$0xb] =	wrdreg s17;
	s0 =	sadd.s32 $0x27000, s0  }
0x22: {  	v14 =	vimm.s32 $0xD;
	v15 =	vimm.s32 $0xE;
	v16 =	vimm.s32 $0xF;
	s5 =	simm.s32 $0x16100;
	s17 =	simm.s32 $0x16180;
	[dreg:$0xf] =	wrdreg s0  }
.LBB2_13:
0x23: {  	s0 =	stileid.u32  }
0x24: {  	[bflag:$0x0] =	sbarrier.arrive $0xFFFF;
	s0 =	sshll.u32 s0, $0x6  }
0x25: {  	s8 =	sshrl.u32 s10, $0x3;
	s23 =	rddreg [dreg:$0x8];
	s0 =	sor.u32 $0x1C06, s0  }
0x26: {  	[hbm:s23], [sflag:s0] =	dma.local [spmem:s8], $0x800  }
0x27: {  	_ =	swait.ge [sflag:s31], $0x800  }
0x28: {  	[sflag:s31] =	ssyncset.done $0x0  }
0x29: {  	s26 =	sshrl.u32 s11, $0x3;
	s28 =	rddreg [dreg:$0x9];
	[sflag:s31] =	ssyncadd.s32 $0xFFFFF800  }
0x2a: {  	[hbm:s28], [sflag:s0] =	dma.local [spmem:s26], $0x800  }
0x2b: {  	_ =	swait.ge [sflag:s31], $0x800  }
0x2c: {  	[sflag:s31] =	ssyncset.done $0x0  }
0x2d: {  	s23 =	sshrl.u32 s12, $0x3;
	s25 =	rddreg [dreg:$0xa];
	[sflag:s31] =	ssyncadd.s32 $0xFFFFF800  }
0x2e: {  	[hbm:s25], [sflag:s0] =	dma.local [spmem:s23], $0x800  }
0x2f: {  	_ =	swait.ge [sflag:s31], $0x800  }
0x30: {  	[sflag:s31] =	ssyncset.done $0x0  }
0x31: {  	s26 =	sshrl.u32 s13, $0x3;
	s28 =	rddreg [dreg:$0xb];
	[sflag:s31] =	ssyncadd.s32 $0xFFFFF800  }
0x32: {  	[hbm:s28], [sflag:s0] =	dma.local [spmem:s26], $0x800  }
0x33: {  	_ =	swait.ge [sflag:s31], $0x800  }
0x34: {  	[sflag:s31] =	ssyncset.done $0x0  }
0x35: {  	s25 =	sshrl.u32 s14, $0x3;
	s26 =	rddreg [dreg:$0xc];
	[sflag:s31] =	ssyncadd.s32 $0xFFFFF800  }
0x36: {  	[hbm:s26], [sflag:s0] =	dma.local [spmem:s25], $0x700  }
0x37: {  	_ =	swait.ge [sflag:s31], $0x700  }
0x38: {  	[sflag:s31] =	ssyncset.done $0x0  }
0x39: {  	s8 =	sshrl.u32 @!p2 s15, $0x3;
	s23 =	rddreg [dreg:$0xf];
	[sflag:s31] =	ssyncadd.s32 $0xFFFFF900  }
0x3a: {  	[hbm:s23], [sflag:s0] =	dma.local @!p2 [spmem:s8], $0x100  }
0x3b: {  	s0 =	simm.s32 @!p2 $0x6  }
0x3c: {  	_ =	swait.ge @!p2 [sflag:s0], $0x100  }
0x3d: {  	s24 =	sadd.s32 $0x1, s24;
	s28 =	rddreg [dreg:$0x10]  }
0x3e: {  	p3 =	sne.s32 s24, s28  }
.Ltmp1:
0x3f: {  	_ = 	snop;
	(pc) =	sbr.rel @!p3 .LBB2_14-.Ltmp1, $3  }
0x40: {  	_ =	sdelay $0x1  }
0x41: {  	[sflag:s0] =	ssyncset.done @!p2 $0x0  }
0x42: {  	s23 =	simm.s32 $0x13880;
	[sflag:s0] =	ssyncadd.s32 @!p2 $0xFFFFFF00  }
.LBB2_1:
0x43: {  	s0 =	rddreg [dreg:$0x6]  }
0x44: {  	[tilespmem:s23], [sflag:$0x1] =	stream.linear.gather [hbm4b:s0+s6], $0x2700, $0x38;
	[tilespmem:$0x1E200] =	vst v63  }
0x45: {  	s8 =	simm.s32 @!p0 $0x0;
	s25 =	simm.s32 @!p0 $0x15F80;
	s0 =	rddreg [dreg:$0x7]  }
0x46: {  	[tilespmem:s25], [sflag:$0x1] =	stream.linear.gather @!p0 [hbm4b:s0+s8], $0x80, $0x38;
	[tilespmem:$0x1E200] =	vst v63  }
0x47: {  	s8 =	simm.s32 $0x0;
	s25 =	simm.s32 $0x200  }
.LBB2_2:
0x48: {  	p3 =	sne.s32 s25, $0xFE00;
	[tilespmem:s8+$0x16270] =	vst v0  }
0x49: {  	[tilespmem:s8+$0x16200] =	vst v0  }
0x4a: {  	[tilespmem:s8+$0x16210] =	vst v0  }
.Ltmp2:
0x4b: {  	[tilespmem:s8+$0x16220] =	vst v0;
	(pc) =	sbr.rel @p3 .LBB2_2-.Ltmp2, $4  }
0x4c: {  	[tilespmem:s8+$0x16230] =	vst v0  }
0x4d: {  	[tilespmem:s8+$0x16240] =	vst v0  }
0x4e: {  	[tilespmem:s8+$0x16250] =	vst v0  }
0x4f: {  	[tilespmem:s8+$0x16260] =	vst v0;
	s8 =	sshra.s32 s25, $0x2;
	s25 =	sadd.s32 $0x200, s25  }
0x50: {  	[tilespmem:s8+$0x16270] =	vst v0  }
0x51: {  	[tilespmem:s8+$0x16200] =	vst v0  }
0x52: {  	[tilespmem:s8+$0x16210] =	vst v0  }
0x53: {  	[tilespmem:s8+$0x16220] =	vst v0  }
0x54: {  	[tilespmem:s8+$0x16230] =	vst v0  }
0x55: {  	[tilespmem:s8+$0x16240] =	vst v0  }
0x56: {  	[tilespmem:s8+$0x16250] =	vst v0  }
0x57: {  	[tilespmem:s8+$0x16260] =	vst v0  }
0x58: {  	[spmem:s10] =	stream.linear.scatter [tilespmem:s30], [sflag:$0x6], $0x4000, $0x38;
	[tilespmem:$0x1E200] =	vst v63  }
0x59: {  	_ =	swait.ge [sflag:s31], $0x4000  }
0x5a: {  	[sflag:s31] =	ssyncset.done $0x0  }
0x5b: {  	[sflag:s31] =	ssyncadd.s32 $0xFFFFC000  }
0x5c: {  	[spmem:s11] =	stream.linear.scatter [tilespmem:s30], [sflag:$0x6], $0x4000, $0x38;
	[tilespmem:$0x1E200] =	vst v63  }
0x5d: {  	_ =	swait.ge [sflag:s31], $0x4000  }
0x5e: {  	[sflag:s31] =	ssyncset.done $0x0  }
0x5f: {  	[sflag:s31] =	ssyncadd.s32 $0xFFFFC000  }
0x60: {  	[spmem:s12] =	stream.linear.scatter [tilespmem:s30], [sflag:$0x6], $0x4000, $0x38;
	[tilespmem:$0x1E200] =	vst v63  }
0x61: {  	_ =	swait.ge [sflag:s31], $0x4000  }
0x62: {  	[sflag:s31] =	ssyncset.done $0x0  }
0x63: {  	[sflag:s31] =	ssyncadd.s32 $0xFFFFC000  }
0x64: {  	[spmem:s13] =	stream.linear.scatter [tilespmem:s30], [sflag:$0x6], $0x4000, $0x38;
	[tilespmem:$0x1E200] =	vst v63  }
0x65: {  	_ =	swait.ge [sflag:s31], $0x4000  }
0x66: {  	[sflag:s31] =	ssyncset.done $0x0  }
0x67: {  	[sflag:s31] =	ssyncadd.s32 $0xFFFFC000  }
0x68: {  	[spmem:s14] =	stream.linear.scatter [tilespmem:s30], [sflag:$0x6], $0x3800, $0x38;
	[tilespmem:$0x1E200] =	vst v63  }
0x69: {  	_ =	swait.ge [sflag:s31], $0x3800  }
0x6a: {  	[sflag:s31] =	ssyncset.done $0x0  }
0x6b: {  	s8 =	simm.s32 @!p2 $0x16200;
	[sflag:s31] =	ssyncadd.s32 $0xFFFFC800  }
0x6c: {  	[spmem:s15] =	stream.linear.scatter @!p2 [tilespmem:s8], [sflag:$0x6], $0x800, $0x38;
	[tilespmem:$0x1E200] =	vst v63  }
0x6d: {  	s8 =	simm.s32 @!p2 $0x6  }
0x6e: {  	_ =	swait.ge @!p2 [sflag:s8], $0x800  }
0x6f: {  	[sflag:s8] =	ssyncset.done @!p2 $0x0  }
0x70: {  	[sflag:s8] =	ssyncadd.s32 @!p2 $0xFFFFF800  }
0x71: {  	s0 =	simm.s32 $0x1;
	[bflag:$0x0] =	sbarrier.arrive $0xFFFF  }
0x72: {  	_ =	swait.ge [sflag:s0], $0x2700  }
0x73: {  	[sflag:s0] =	ssyncset.done $0x0  }
0x74: {  	s8 =	simm.s32 @!p0 $0x1;
	[sflag:s0] =	ssyncadd.s32 $0xFFFFD900  }
0x75: {  	_ =	swait.ge @!p0 [sflag:s8], $0x80  }
0x76: {  	[sflag:s8] =	ssyncset.done @!p0 $0x0  }
0x77: {  	s25 =	simm.s32 $0x0;
	s26 =	rddreg [dreg:$0xd];
	[sflag:s8] =	ssyncadd.s32 @!p0 $0xFFFFFF80  }
0x78: {  	[tilespmem:s5], [sflag:$0x2] =	stream.linear.gather [hbm4b:s26+s25], $0x80, $0x38;
	[tilespmem:$0x1E200] =	vst v63  }
0x79: {  	s28 =	rddreg [dreg:$0xe]  }
0x7a: {  	[tilespmem:s9], [sflag:$0x2] =	stream.linear.gather [hbm4b:s28+s25], $0x80, $0x38;
	[tilespmem:$0x1E200] =	vst v63  }
0x7b: {  	_ = 	snop  }
0x7c: {  	[tilespmem:s30], [sflag:$0x4] =	stream.indirect.gather [hbm4b:s1+s16], $0x80, s23, s16, $0xb8;
	[tilespmem:$0x1E200] =	vst v63  }
0x7d: {  	s8 =	rddreg [dreg:$0x11]  }
0x7e: {  	[tilespmem:s17], [sflag:$0x3] =	stream.linear.gather [hbm4b:s8+s25], $0x80, $0x38;
	[tilespmem:$0x1E200] =	vst v63  }
0x7f: {  	s26 =	simm.s32 $0x16080;
	s23 =	rddreg [dreg:$0x12]  }
0x80: {  	[tilespmem:s26], [sflag:$0x3] =	stream.linear.gather [hbm4b:s23+s25], $0x80, $0x38;
	[tilespmem:$0x1E200] =	vst v63  }
0x81: {  	s28 =	simm.s32 $0x13900  }
0x82: {  	[tilespmem:s18], [sflag:$0x5] =	stream.indirect.gather [hbm4b:s1+s16], $0x80, s28, s16, $0xb8;
	[tilespmem:$0x1E200] =	vst v63  }
.LBB2_4:
0x83: {  	p3 =	seq.s32 @!p1 s25, $0x27  }
0x84: {  	p3 =	por p1, !p3  }
.Ltmp3:
0x85: {  	_ = 	snop;
	(pc) =	sbr.rel @!p3 .LBB2_13-.Ltmp3, $1  }
0x86: {  	_ =	sdelay $0x3  }
0x87: {  	_ =	swait.ge [sflag:s29], $0x4000  }
0x88: {  	[sflag:s29] =	ssyncset.done $0x0  }
0x89: {  	[sflag:s29] =	ssyncadd.s32 $0xFFFFC000  }
0x8a: {  	_ =	swait.ge [sflag:s19], $0x80  }
0x8b: {  	[sflag:s19] =	ssyncset.done $0x0  }
0x8c: {  	s26 =	sshll.u32 s25, $0x1;
	s28 =	simm.s32 $0x0;
	[sflag:s19] =	ssyncadd.s32 $0xFFFFFF80  }
.LBB2_6:
0x8d: {  	s8 =	sshll.u32 s28, $0x4  }
0x8e: {  	s8 =	sand.u32 $0x3FFFFFF0, s8  }
0x8f: {  	s23 =	sshll.u32 s28, $0xB;
	v17 =	vld [tilespmem:s8+$0x16000]  }
0x90: {  	s8 =	sand.u32 $0x3FFFF800, s23  }
0x91: {  	v18 =	vld [tilespmem:s8+$0x16200]  }
0x92: {  	v19 =	vld [tilespmem:s8+$0x16210]  }
0x93: {  	v20 =	vld [tilespmem:s8+$0x16220]  }
0x94: {  	v22 =	vld [tilespmem:s8+$0x16230];
	v21 =	vperm.xlane v17, v1  }
0x95: {  	v23 =	vld [tilespmem:s8+$0x16240]  }
0x96: {  	v24 =	vld [tilespmem:s8+$0x16250];
	v18 =	vmul.f32 v18, v21  }
0x97: {  	v25 =	vld [tilespmem:s8+$0x16260];
	v19 =	vmul.f32 v19, v21  }
0x98: {  	v38 =	vld [tilespmem:s8+$0x16270];
	[tilespmem:s8+$0x16200] =	vst v18;
	v18 =	vmul.f32 v20, v21  }
0x99: {  	v39 =	vld [tilespmem:s8+$0x16280];
	[tilespmem:s8+$0x16210] =	vst v19;
	v19 =	vmul.f32 v22, v21  }
0x9a: {  	v40 =	vld [tilespmem:s8+$0x16290];
	[tilespmem:s8+$0x16220] =	vst v18;
	v18 =	vmul.f32 v23, v21  }
0x9b: {  	v41 =	vld [tilespmem:s8+$0x162A0];
	[tilespmem:s8+$0x16230] =	vst v19;
	v19 =	vmul.f32 v24, v21  }
0x9c: {  	v26 =	vld [tilespmem:s8+$0x162B0];
	v42 =	vperm.xlane v17, v2;
	[tilespmem:s8+$0x16240] =	vst v18;
	v18 =	vmul.f32 v25, v21  }
0x9d: {  	v43 =	vld [tilespmem:s8+$0x162C0];
	[tilespmem:s8+$0x16250] =	vst v19;
	v19 =	vmul.f32 v38, v21  }
0x9e: {  	v44 =	vld [tilespmem:s8+$0x162D0];
	[tilespmem:s8+$0x16260] =	vst v18;
	v18 =	vmul.f32 v39, v42  }
0x9f: {  	v45 =	vld [tilespmem:s8+$0x162E0];
	[tilespmem:s8+$0x16270] =	vst v19;
	v19 =	vmul.f32 v40, v42  }
0xa0: {  	v46 =	vld [tilespmem:s8+$0x162F0];
	[tilespmem:s8+$0x16280] =	vst v18;
	v18 =	vmul.f32 v41, v42  }
0xa1: {  	v47 =	vld [tilespmem:s8+$0x16300];
	[tilespmem:s8+$0x16290] =	vst v19;
	v19 =	vmul.f32 v26, v42  }
0xa2: {  	v48 =	vld [tilespmem:s8+$0x16310];
	[tilespmem:s8+$0x162A0] =	vst v18;
	v18 =	vmul.f32 v43, v42  }
0xa3: {  	v49 =	vld [tilespmem:s8+$0x16320];
	[tilespmem:s8+$0x162B0] =	vst v19;
	v19 =	vmul.f32 v44, v42  }
0xa4: {  	v51 =	vld [tilespmem:s8+$0x16330];
	v50 =	vperm.xlane v17, v3;
	[tilespmem:s8+$0x162C0] =	vst v18;
	v18 =	vmul.f32 v45, v42  }
0xa5: {  	v52 =	vld [tilespmem:s8+$0x16340];
	[tilespmem:s8+$0x162D0] =	vst v19;
	v19 =	vmul.f32 v46, v42  }
0xa6: {  	v53 =	vld [tilespmem:s8+$0x16350];
	[tilespmem:s8+$0x162E0] =	vst v18;
	v18 =	vmul.f32 v47, v50  }
0xa7: {  	v54 =	vld [tilespmem:s8+$0x16360];
	[tilespmem:s8+$0x162F0] =	vst v19;
	v19 =	vmul.f32 v48, v50  }
0xa8: {  	v55 =	vld [tilespmem:s8+$0x16370];
	[tilespmem:s8+$0x16300] =	vst v18;
	v18 =	vmul.f32 v49, v50  }
0xa9: {  	v56 =	vld [tilespmem:s8+$0x16380];
	[tilespmem:s8+$0x16310] =	vst v19;
	v19 =	vmul.f32 v51, v50  }
0xaa: {  	v57 =	vld [tilespmem:s8+$0x16390];
	[tilespmem:s8+$0x16320] =	vst v18;
	v18 =	vmul.f32 v52, v50  }
0xab: {  	v58 =	vld [tilespmem:s8+$0x163A0];
	[tilespmem:s8+$0x16330] =	vst v19;
	v19 =	vmul.f32 v53, v50  }
0xac: {  	v60 =	vld [tilespmem:s8+$0x163B0];
	v59 =	vperm.xlane v17, v4;
	[tilespmem:s8+$0x16340] =	vst v18;
	v18 =	vmul.f32 v54, v50  }
0xad: {  	v61 =	vld [tilespmem:s8+$0x163C0];
	[tilespmem:s8+$0x16350] =	vst v19;
	v19 =	vmul.f32 v55, v50  }
0xae: {  	v62 =	vld [tilespmem:s8+$0x163D0];
	[tilespmem:s8+$0x16360] =	vst v18;
	v18 =	vmul.f32 v56, v59  }
0xaf: {  	v63 =	vld [tilespmem:s8+$0x163E0];
	[tilespmem:s8+$0x16370] =	vst v19;
	v19 =	vmul.f32 v57, v59  }
0xb0: {  	v28 =	vld [tilespmem:s8+$0x163F0];
	[tilespmem:s8+$0x16380] =	vst v18;
	v18 =	vmul.f32 v58, v59  }
0xb1: {  	v29 =	vld [tilespmem:s8+$0x16400];
	[tilespmem:s8+$0x16390] =	vst v19;
	v19 =	vmul.f32 v60, v59  }
0xb2: {  	v30 =	vld [tilespmem:s8+$0x16410];
	[tilespmem:s8+$0x163A0] =	vst v18;
	v18 =	vmul.f32 v61, v59  }
0xb3: {  	v31 =	vld [tilespmem:s8+$0x16420];
	[tilespmem:s8+$0x163B0] =	vst v19;
	v19 =	vmul.f32 v62, v59  }
0xb4: {  	v33 =	vld [tilespmem:s8+$0x16430];
	v32 =	vperm.xlane v17, v5;
	[tilespmem:s8+$0x163C0] =	vst v18;
	v18 =	vmul.f32 v63, v59  }
0xb5: {  	v34 =	vld [tilespmem:s8+$0x16440];
	[tilespmem:s8+$0x163D0] =	vst v19;
	v19 =	vmul.f32 v28, v59  }
0xb6: {  	v35 =	vld [tilespmem:s8+$0x16450];
	[tilespmem:s8+$0x163E0] =	vst v18;
	v18 =	vmul.f32 v29, v32  }
0xb7: {  	v36 =	vld [tilespmem:s8+$0x16460];
	[tilespmem:s8+$0x163F0] =	vst v19;
	v19 =	vmul.f32 v30, v32  }
0xb8: {  	v37 =	vld [tilespmem:s8+$0x16470];
	[tilespmem:s8+$0x16400] =	vst v18;
	v18 =	vmul.f32 v31, v32  }
0xb9: {  	v38 =	vld [tilespmem:s8+$0x16480];
	[tilespmem:s8+$0x16410] =	vst v19;
	v19 =	vmul.f32 v33, v32  }
0xba: {  	v39 =	vld [tilespmem:s8+$0x16490];
	[tilespmem:s8+$0x16420] =	vst v18;
	v18 =	vmul.f32 v34, v32  }
0xbb: {  	v40 =	vld [tilespmem:s8+$0x164A0];
	[tilespmem:s8+$0x16430] =	vst v19;
	v19 =	vmul.f32 v35, v32  }
0xbc: {  	v41 =	vperm.xlane v17, v6;
	v42 =	vld [tilespmem:s8+$0x164B0];
	[tilespmem:s8+$0x16440] =	vst v18;
	v18 =	vmul.f32 v36, v32  }
0xbd: {  	v43 =	vld [tilespmem:s8+$0x164C0];
	[tilespmem:s8+$0x16450] =	vst v19;
	v19 =	vmul.f32 v37, v32  }
0xbe: {  	v44 =	vld [tilespmem:s8+$0x164D0];
	[tilespmem:s8+$0x16460] =	vst v18;
	v18 =	vmul.f32 v38, v41  }
0xbf: {  	v45 =	vld [tilespmem:s8+$0x164E0];
	[tilespmem:s8+$0x16470] =	vst v19;
	v19 =	vmul.f32 v39, v41  }
0xc0: {  	v46 =	vld [tilespmem:s8+$0x164F0];
	[tilespmem:s8+$0x16480] =	vst v18;
	v18 =	vmul.f32 v40, v41  }
0xc1: {  	v47 =	vld [tilespmem:s8+$0x16500];
	[tilespmem:s8+$0x16490] =	vst v19;
	v19 =	vmul.f32 v42, v41  }
0xc2: {  	v48 =	vld [tilespmem:s8+$0x16510];
	[tilespmem:s8+$0x164A0] =	vst v18;
	v18 =	vmul.f32 v43, v41  }
0xc3: {  	v49 =	vld [tilespmem:s8+$0x16520];
	[tilespmem:s8+$0x164B0] =	vst v19;
	v19 =	vmul.f32 v44, v41  }
0xc4: {  	v51 =	vld [tilespmem:s8+$0x16530];
	v50 =	vperm.xlane v17, v7;
	[tilespmem:s8+$0x164C0] =	vst v18;
	v18 =	vmul.f32 v45, v41  }
0xc5: {  	v52 =	vld [tilespmem:s8+$0x16540];
	[tilespmem:s8+$0x164D0] =	vst v19;
	v19 =	vmul.f32 v46, v41  }
0xc6: {  	v53 =	vld [tilespmem:s8+$0x16550];
	[tilespmem:s8+$0x164E0] =	vst v18;
	v18 =	vmul.f32 v47, v50  }
0xc7: {  	v54 =	vld [tilespmem:s8+$0x16560];
	[tilespmem:s8+$0x164F0] =	vst v19;
	v19 =	vmul.f32 v48, v50  }
0xc8: {  	v55 =	vld [tilespmem:s8+$0x16570];
	[tilespmem:s8+$0x16500] =	vst v18;
	v18 =	vmul.f32 v49, v50  }
0xc9: {  	v56 =	vld [tilespmem:s8+$0x16580];
	[tilespmem:s8+$0x16510] =	vst v19;
	v19 =	vmul.f32 v51, v50  }
0xca: {  	v57 =	vld [tilespmem:s8+$0x16590];
	[tilespmem:s8+$0x16520] =	vst v18;
	v18 =	vmul.f32 v52, v50  }
0xcb: {  	v58 =	vld [tilespmem:s8+$0x165A0];
	[tilespmem:s8+$0x16530] =	vst v19;
	v19 =	vmul.f32 v53, v50  }
0xcc: {  	v60 =	vld [tilespmem:s8+$0x165B0];
	v59 =	vperm.xlane v17, v8;
	[tilespmem:s8+$0x16540] =	vst v18;
	v18 =	vmul.f32 v54, v50  }
0xcd: {  	v61 =	vld [tilespmem:s8+$0x165C0];
	[tilespmem:s8+$0x16550] =	vst v19;
	v19 =	vmul.f32 v55, v50  }
0xce: {  	v62 =	vld [tilespmem:s8+$0x165D0];
	[tilespmem:s8+$0x16560] =	vst v18;
	v18 =	vmul.f32 v56, v59  }
0xcf: {  	v63 =	vld [tilespmem:s8+$0x165E0];
	[tilespmem:s8+$0x16570] =	vst v19;
	v19 =	vmul.f32 v57, v59  }
0xd0: {  	v28 =	vld [tilespmem:s8+$0x165F0];
	[tilespmem:s8+$0x16580] =	vst v18;
	v18 =	vmul.f32 v58, v59  }
0xd1: {  	v29 =	vld [tilespmem:s8+$0x16600];
	[tilespmem:s8+$0x16590] =	vst v19;
	v19 =	vmul.f32 v60, v59  }
0xd2: {  	v30 =	vld [tilespmem:s8+$0x16610];
	[tilespmem:s8+$0x165A0] =	vst v18;
	v18 =	vmul.f32 v61, v59  }
0xd3: {  	v31 =	vld [tilespmem:s8+$0x16620];
	[tilespmem:s8+$0x165B0] =	vst v19;
	v19 =	vmul.f32 v62, v59  }
0xd4: {  	v33 =	vld [tilespmem:s8+$0x16630];
	v32 =	vperm.xlane v17, v9;
	[tilespmem:s8+$0x165C0] =	vst v18;
	v18 =	vmul.f32 v63, v59  }
0xd5: {  	v34 =	vld [tilespmem:s8+$0x16640];
	[tilespmem:s8+$0x165D0] =	vst v19;
	v19 =	vmul.f32 v28, v59  }
0xd6: {  	v35 =	vld [tilespmem:s8+$0x16650];
	[tilespmem:s8+$0x165E0] =	vst v18;
	v18 =	vmul.f32 v29, v32  }
0xd7: {  	v36 =	vld [tilespmem:s8+$0x16660];
	[tilespmem:s8+$0x165F0] =	vst v19;
	v19 =	vmul.f32 v30, v32  }
0xd8: {  	v37 =	vld [tilespmem:s8+$0x16670];
	[tilespmem:s8+$0x16600] =	vst v18;
	v18 =	vmul.f32 v31, v32  }
0xd9: {  	v38 =	vld [tilespmem:s8+$0x16680];
	[tilespmem:s8+$0x16610] =	vst v19;
	v19 =	vmul.f32 v33, v32  }
0xda: {  	v39 =	vld [tilespmem:s8+$0x16690];
	[tilespmem:s8+$0x16620] =	vst v18;
	v18 =	vmul.f32 v34, v32  }
0xdb: {  	v40 =	vld [tilespmem:s8+$0x166A0];
	[tilespmem:s8+$0x16630] =	vst v19;
	v19 =	vmul.f32 v35, v32  }
0xdc: {  	v42 =	vld [tilespmem:s8+$0x166B0];
	v41 =	vperm.xlane v17, v10;
	[tilespmem:s8+$0x16640] =	vst v18;
	v18 =	vmul.f32 v36, v32  }
0xdd: {  	v43 =	vld [tilespmem:s8+$0x166C0];
	[tilespmem:s8+$0x16650] =	vst v19;
	v19 =	vmul.f32 v37, v32  }
0xde: {  	v44 =	vld [tilespmem:s8+$0x166D0];
	[tilespmem:s8+$0x16660] =	vst v18;
	v18 =	vmul.f32 v38, v41  }
0xdf: {  	v45 =	vld [tilespmem:s8+$0x166E0];
	[tilespmem:s8+$0x16670] =	vst v19;
	v19 =	vmul.f32 v39, v41  }
0xe0: {  	v46 =	vld [tilespmem:s8+$0x166F0];
	[tilespmem:s8+$0x16680] =	vst v18;
	v18 =	vmul.f32 v40, v41  }
0xe1: {  	v47 =	vld [tilespmem:s8+$0x16700];
	[tilespmem:s8+$0x16690] =	vst v19;
	v19 =	vmul.f32 v42, v41  }
0xe2: {  	v48 =	vld [tilespmem:s8+$0x16710];
	[tilespmem:s8+$0x166A0] =	vst v18;
	v18 =	vmul.f32 v43, v41  }
0xe3: {  	v49 =	vld [tilespmem:s8+$0x16720];
	[tilespmem:s8+$0x166B0] =	vst v19;
	v19 =	vmul.f32 v44, v41  }
0xe4: {  	v51 =	vld [tilespmem:s8+$0x16730];
	v50 =	vperm.xlane v17, v11;
	[tilespmem:s8+$0x166C0] =	vst v18;
	v18 =	vmul.f32 v45, v41  }
0xe5: {  	v52 =	vld [tilespmem:s8+$0x16740];
	[tilespmem:s8+$0x166D0] =	vst v19;
	v19 =	vmul.f32 v46, v41  }
0xe6: {  	v53 =	vld [tilespmem:s8+$0x16750];
	[tilespmem:s8+$0x166E0] =	vst v18;
	v18 =	vmul.f32 v47, v50  }
0xe7: {  	v54 =	vld [tilespmem:s8+$0x16760];
	[tilespmem:s8+$0x166F0] =	vst v19;
	v19 =	vmul.f32 v48, v50  }
0xe8: {  	v55 =	vld [tilespmem:s8+$0x16770];
	[tilespmem:s8+$0x16700] =	vst v18;
	v18 =	vmul.f32 v49, v50  }
0xe9: {  	v56 =	vld [tilespmem:s8+$0x16780];
	[tilespmem:s8+$0x16710] =	vst v19;
	v19 =	vmul.f32 v51, v50  }
0xea: {  	v57 =	vld [tilespmem:s8+$0x16790];
	[tilespmem:s8+$0x16720] =	vst v18;
	v18 =	vmul.f32 v52, v50  }
0xeb: {  	v58 =	vld [tilespmem:s8+$0x167A0];
	[tilespmem:s8+$0x16730] =	vst v19;
	v19 =	vmul.f32 v53, v50  }
0xec: {  	v60 =	vld [tilespmem:s8+$0x167B0];
	v59 =	vperm.xlane v17, v12;
	[tilespmem:s8+$0x16740] =	vst v18;
	v18 =	vmul.f32 v54, v50  }
0xed: {  	v61 =	vld [tilespmem:s8+$0x167C0];
	[tilespmem:s8+$0x16750] =	vst v19;
	v19 =	vmul.f32 v55, v50  }
0xee: {  	v62 =	vld [tilespmem:s8+$0x167D0];
	[tilespmem:s8+$0x16760] =	vst v18;
	v18 =	vmul.f32 v56, v59  }
0xef: {  	v63 =	vld [tilespmem:s8+$0x167E0];
	[tilespmem:s8+$0x16770] =	vst v19;
	v19 =	vmul.f32 v57, v59  }
0xf0: {  	v28 =	vld [tilespmem:s8+$0x167F0];
	[tilespmem:s8+$0x16780] =	vst v18;
	v18 =	vmul.f32 v58, v59  }
0xf1: {  	v29 =	vld [tilespmem:s8+$0x16800];
	[tilespmem:s8+$0x16790] =	vst v19;
	v19 =	vmul.f32 v60, v59  }
0xf2: {  	v30 =	vld [tilespmem:s8+$0x16810];
	[tilespmem:s8+$0x167A0] =	vst v18;
	v18 =	vmul.f32 v61, v59  }
0xf3: {  	v31 =	vld [tilespmem:s8+$0x16820];
	[tilespmem:s8+$0x167B0] =	vst v19;
	v19 =	vmul.f32 v62, v59  }
0xf4: {  	v33 =	vld [tilespmem:s8+$0x16830];
	v32 =	vperm.xlane v17, v13;
	[tilespmem:s8+$0x167C0] =	vst v18;
	v18 =	vmul.f32 v63, v59  }
0xf5: {  	v34 =	vld [tilespmem:s8+$0x16840];
	[tilespmem:s8+$0x167D0] =	vst v19;
	v19 =	vmul.f32 v28, v59  }
0xf6: {  	v35 =	vld [tilespmem:s8+$0x16850];
	[tilespmem:s8+$0x167E0] =	vst v18;
	v18 =	vmul.f32 v29, v32  }
0xf7: {  	v36 =	vld [tilespmem:s8+$0x16860];
	[tilespmem:s8+$0x167F0] =	vst v19;
	v19 =	vmul.f32 v30, v32  }
0xf8: {  	v37 =	vld [tilespmem:s8+$0x16870];
	[tilespmem:s8+$0x16800] =	vst v18;
	v18 =	vmul.f32 v31, v32  }
0xf9: {  	v38 =	vld [tilespmem:s8+$0x16880];
	[tilespmem:s8+$0x16810] =	vst v19;
	v19 =	vmul.f32 v33, v32  }
0xfa: {  	v39 =	vld [tilespmem:s8+$0x16890];
	[tilespmem:s8+$0x16820] =	vst v18;
	v18 =	vmul.f32 v34, v32  }
0xfb: {  	v40 =	vld [tilespmem:s8+$0x168A0];
	[tilespmem:s8+$0x16830] =	vst v19;
	v19 =	vmul.f32 v35, v32  }
0xfc: {  	v42 =	vld [tilespmem:s8+$0x168B0];
	v41 =	vperm.xlane v17, v14;
	[tilespmem:s8+$0x16840] =	vst v18;
	v18 =	vmul.f32 v36, v32  }
0xfd: {  	v43 =	vld [tilespmem:s8+$0x168C0];
	[tilespmem:s8+$0x16850] =	vst v19;
	v19 =	vmul.f32 v37, v32  }
0xfe: {  	v44 =	vld [tilespmem:s8+$0x168D0];
	[tilespmem:s8+$0x16860] =	vst v18;
	v18 =	vmul.f32 v38, v41  }
0xff: {  	v45 =	vld [tilespmem:s8+$0x168E0];
	[tilespmem:s8+$0x16870] =	vst v19;
	v19 =	vmul.f32 v39, v41  }
0x100: {  	v46 =	vld [tilespmem:s8+$0x168F0];
	[tilespmem:s8+$0x16880] =	vst v18;
	v18 =	vmul.f32 v40, v41  }
0x101: {  	v47 =	vld [tilespmem:s8+$0x16900];
	[tilespmem:s8+$0x16890] =	vst v19;
	v19 =	vmul.f32 v42, v41  }
0x102: {  	v48 =	vld [tilespmem:s8+$0x16910];
	[tilespmem:s8+$0x168A0] =	vst v18;
	v18 =	vmul.f32 v43, v41  }
0x103: {  	v49 =	vld [tilespmem:s8+$0x16920];
	[tilespmem:s8+$0x168B0] =	vst v19;
	v19 =	vmul.f32 v44, v41  }
0x104: {  	v51 =	vld [tilespmem:s8+$0x16930];
	v50 =	vperm.xlane v17, v15;
	[tilespmem:s8+$0x168C0] =	vst v18;
	v18 =	vmul.f32 v45, v41  }
0x105: {  	v52 =	vld [tilespmem:s8+$0x16940];
	[tilespmem:s8+$0x168D0] =	vst v19;
	v19 =	vmul.f32 v46, v41  }
0x106: {  	v53 =	vld [tilespmem:s8+$0x16950];
	[tilespmem:s8+$0x168E0] =	vst v18;
	v18 =	vmul.f32 v47, v50  }
0x107: {  	v54 =	vld [tilespmem:s8+$0x16960];
	[tilespmem:s8+$0x168F0] =	vst v19;
	v19 =	vmul.f32 v48, v50  }
0x108: {  	v55 =	vld [tilespmem:s8+$0x16970];
	[tilespmem:s8+$0x16900] =	vst v18;
	v18 =	vmul.f32 v49, v50  }
0x109: {  	v56 =	vld [tilespmem:s8+$0x16980];
	[tilespmem:s8+$0x16910] =	vst v19;
	v19 =	vmul.f32 v51, v50  }
0x10a: {  	v57 =	vld [tilespmem:s8+$0x16990];
	[tilespmem:s8+$0x16920] =	vst v18;
	v18 =	vmul.f32 v52, v50  }
0x10b: {  	v58 =	vld [tilespmem:s8+$0x169A0];
	[tilespmem:s8+$0x16930] =	vst v19;
	v19 =	vmul.f32 v53, v50  }
0x10c: {  	v17 =	vperm.xlane v17, v16;
	v59 =	vld [tilespmem:s8+$0x169B0];
	[tilespmem:s8+$0x16940] =	vst v18;
	v18 =	vmul.f32 v54, v50  }
0x10d: {  	v60 =	vld [tilespmem:s8+$0x169C0];
	[tilespmem:s8+$0x16950] =	vst v19;
	v19 =	vmul.f32 v55, v50  }
0x10e: {  	v61 =	vld [tilespmem:s8+$0x169D0];
	[tilespmem:s8+$0x16960] =	vst v18;
	v18 =	vmul.f32 v56, v17  }
0x10f: {  	v62 =	vld [tilespmem:s8+$0x169E0];
	[tilespmem:s8+$0x16970] =	vst v19;
	v19 =	vmul.f32 v57, v17  }
0x110: {  	v63 =	vld [tilespmem:s8+$0x169F0];
	[tilespmem:s8+$0x16980] =	vst v18;
	v18 =	vmul.f32 v58, v17  }
0x111: {  	[tilespmem:s8+$0x16990] =	vst v19;
	v19 =	vmul.f32 v59, v17  }
0x112: {  	p3 =	sne.s32 s28, $0x7;
	[tilespmem:s8+$0x169A0] =	vst v18;
	v18 =	vmul.f32 v60, v17  }
.Ltmp4:
0x113: {  	[tilespmem:s8+$0x169B0] =	vst v19;
	v19 =	vmul.f32 v61, v17;
	(pc) =	sbr.rel @p3 .LBB2_6-.Ltmp4, $4  }
0x114: {  	[tilespmem:s8+$0x169C0] =	vst v18;
	v18 =	vmul.f32 v62, v17  }
0x115: {  	[tilespmem:s8+$0x169D0] =	vst v19;
	v17 =	vmul.f32 v63, v17  }
0x116: {  	[tilespmem:s8+$0x169E0] =	vst v18  }
0x117: {  	s28 =	sadd.s32 $0x1, s28;
	[tilespmem:s8+$0x169F0] =	vst v17  }
0x118: {  	p3 =	sne.s32 s25, $0x27  }
0x119: {  	p4 =	por !p1, !p3  }
0x11a: {  	_ =	swait.ge [sflag:s19], $0x80;
	p3 =	slt.u32 s25, $0x26;
	p4 =	por !p4, !p4  }
0x11b: {  	[sflag:s19] =	ssyncset.done $0x0;
	p4 =	por p3, p4  }
.Ltmp5:
0x11c: {  	[sflag:s19] =	ssyncadd.s32 $0xFFFFFF80;
	(pc) =	sbr.rel @p4 .LBB2_8-.Ltmp5, $4  }
0x11d: {  	[spmem:s4] =	stream.indirect.scatter.add.f32 [tilespmem:s30], [sflag:$0x6], $0x80, s5, s16, $0xb8;
	[tilespmem:$0x1E200] =	vst v63  }
0x11e: {  	_ =	swait.ge [sflag:s31], $0x4000  }
0x11f: {  	[sflag:s31] =	ssyncset.done $0x0  }
0x120: {  	[sflag:s31] =	ssyncadd.s32 $0xFFFFC000  }
0x121: {  	p3 =	seq.s32 s25, $0x27  }
.Ltmp6:
0x122: {  	_ = 	snop;
	(pc) =	sbr.rel @!p3 .LBB2_10-.Ltmp6, $4  }
.Ltmp7:
0x123: {  	_ = 	snop;
	(pc) =	sbr.rel @p3 .LBB2_13-.Ltmp7, $4  }
0x124: {  	_ = 	snop  }
0x125: {  	_ = 	snop  }
0x126: {  	_ = 	snop  }
0x127: {  	_ = 	snop  }
.LBB2_8:
0x128: {  	s8 =	sshll.u32 s26, $0x7  }
0x129: {  	s8 =	sadd.s32 $0x100, s8  }
0x12a: {  	s23 =	smov.u32 s22;
	s28 =	sadd.s32 s7, s8  }
0x12b: {  	s23 =	smov.u32 @p3 s28  }
0x12c: {  	s23 =	sshrl.u32 s23, $0x3  }
0x12d: {  	s0 =	sadd.s32 s2, s23  }
0x12e: {  	s28 =	sadd.s32 $0x9C40, s0  }
0x12f: {  	[tilespmem:s5], [sflag:$0x2] =	stream.linear.gather [hbm4b:s28+s6], $0x80, $0x38;
	[tilespmem:$0x1E200] =	vst v63  }
0x130: {  	s8 =	sand.u32 $0x3FFFFF80, s8;
	s23 =	sadd.s32 s3, s23  }
0x131: {  	[tilespmem:s9], [sflag:$0x2] =	stream.linear.gather [hbm4b:s23+s6], $0x80, $0x38;
	[tilespmem:$0x1E200] =	vst v63  }
0x132: {  	s8 =	sadd.s32 $0x13880, s8  }
0x133: {  	[tilespmem:s30], [sflag:$0x4] =	stream.indirect.gather [hbm4b:s1+s16], $0x80, s8, s16, $0xb8;
	[tilespmem:$0x1E200] =	vst v63  }
.LBB2_10:
0x134: {  	_ =	swait.ge [sflag:s20], $0x4000  }
0x135: {  	[sflag:s20] =	ssyncset.done $0x0  }
0x136: {  	[sflag:s20] =	ssyncadd.s32 $0xFFFFC000  }
0x137: {  	_ =	swait.ge [sflag:s21], $0x80  }
0x138: {  	[sflag:s21] =	ssyncset.done $0x0  }
0x139: {  	s28 =	simm.s32 $0x0;
	[sflag:s21] =	ssyncadd.s32 $0xFFFFFF80  }
.LBB2_11:
0x13a: {  	s8 =	sshll.u32 s28, $0x4  }
0x13b: {  	s8 =	sand.u32 $0x3FFFFFF0, s8  }
0x13c: {  	s23 =	sshll.u32 s28, $0xB;
	v17 =	vld [tilespmem:s8+$0x16080]  }
0x13d: {  	s8 =	sand.u32 $0x3FFFF800, s23  }
0x13e: {  	v18 =	vld [tilespmem:s8+$0x1A200]  }
0x13f: {  	v19 =	vld [tilespmem:s8+$0x1A210]  }
0x140: {  	v20 =	vld [tilespmem:s8+$0x1A220]  }
0x141: {  	v22 =	vld [tilespmem:s8+$0x1A230];
	v21 =	vperm.xlane v17, v1  }
0x142: {  	v23 =	vld [tilespmem:s8+$0x1A240]  }
0x143: {  	v24 =	vld [tilespmem:s8+$0x1A250];
	v18 =	vmul.f32 v18, v21  }
0x144: {  	v25 =	vld [tilespmem:s8+$0x1A260];
	v19 =	vmul.f32 v19, v21  }
0x145: {  	v38 =	vld [tilespmem:s8+$0x1A270];
	[tilespmem:s8+$0x1A200] =	vst v18;
	v18 =	vmul.f32 v20, v21  }
0x146: {  	v39 =	vld [tilespmem:s8+$0x1A280];
	[tilespmem:s8+$0x1A210] =	vst v19;
	v19 =	vmul.f32 v22, v21  }
0x147: {  	v40 =	vld [tilespmem:s8+$0x1A290];
	[tilespmem:s8+$0x1A220] =	vst v18;
	v18 =	vmul.f32 v23, v21  }
0x148: {  	v41 =	vld [tilespmem:s8+$0x1A2A0];
	[tilespmem:s8+$0x1A230] =	vst v19;
	v19 =	vmul.f32 v24, v21  }
0x149: {  	v26 =	vld [tilespmem:s8+$0x1A2B0];
	v42 =	vperm.xlane v17, v2;
	[tilespmem:s8+$0x1A240] =	vst v18;
	v18 =	vmul.f32 v25, v21  }
0x14a: {  	v43 =	vld [tilespmem:s8+$0x1A2C0];
	[tilespmem:s8+$0x1A250] =	vst v19;
	v19 =	vmul.f32 v38, v21  }
0x14b: {  	v44 =	vld [tilespmem:s8+$0x1A2D0];
	[tilespmem:s8+$0x1A260] =	vst v18;
	v18 =	vmul.f32 v39, v42  }
0x14c: {  	v45 =	vld [tilespmem:s8+$0x1A2E0];
	[tilespmem:s8+$0x1A270] =	vst v19;
	v19 =	vmul.f32 v40, v42  }
0x14d: {  	v46 =	vld [tilespmem:s8+$0x1A2F0];
	[tilespmem:s8+$0x1A280] =	vst v18;
	v18 =	vmul.f32 v41, v42  }
0x14e: {  	v47 =	vld [tilespmem:s8+$0x1A300];
	[tilespmem:s8+$0x1A290] =	vst v19;
	v19 =	vmul.f32 v26, v42  }
0x14f: {  	v48 =	vld [tilespmem:s8+$0x1A310];
	[tilespmem:s8+$0x1A2A0] =	vst v18;
	v18 =	vmul.f32 v43, v42  }
0x150: {  	v49 =	vld [tilespmem:s8+$0x1A320];
	[tilespmem:s8+$0x1A2B0] =	vst v19;
	v19 =	vmul.f32 v44, v42  }
0x151: {  	v51 =	vld [tilespmem:s8+$0x1A330];
	v50 =	vperm.xlane v17, v3;
	[tilespmem:s8+$0x1A2C0] =	vst v18;
	v18 =	vmul.f32 v45, v42  }
0x152: {  	v52 =	vld [tilespmem:s8+$0x1A340];
	[tilespmem:s8+$0x1A2D0] =	vst v19;
	v19 =	vmul.f32 v46, v42  }
0x153: {  	v53 =	vld [tilespmem:s8+$0x1A350];
	[tilespmem:s8+$0x1A2E0] =	vst v18;
	v18 =	vmul.f32 v47, v50  }
0x154: {  	v54 =	vld [tilespmem:s8+$0x1A360];
	[tilespmem:s8+$0x1A2F0] =	vst v19;
	v19 =	vmul.f32 v48, v50  }
0x155: {  	v55 =	vld [tilespmem:s8+$0x1A370];
	[tilespmem:s8+$0x1A300] =	vst v18;
	v18 =	vmul.f32 v49, v50  }
0x156: {  	v56 =	vld [tilespmem:s8+$0x1A380];
	[tilespmem:s8+$0x1A310] =	vst v19;
	v19 =	vmul.f32 v51, v50  }
0x157: {  	v57 =	vld [tilespmem:s8+$0x1A390];
	[tilespmem:s8+$0x1A320] =	vst v18;
	v18 =	vmul.f32 v52, v50  }
0x158: {  	v58 =	vld [tilespmem:s8+$0x1A3A0];
	[tilespmem:s8+$0x1A330] =	vst v19;
	v19 =	vmul.f32 v53, v50  }
0x159: {  	v60 =	vld [tilespmem:s8+$0x1A3B0];
	v59 =	vperm.xlane v17, v4;
	[tilespmem:s8+$0x1A340] =	vst v18;
	v18 =	vmul.f32 v54, v50  }
0x15a: {  	v61 =	vld [tilespmem:s8+$0x1A3C0];
	[tilespmem:s8+$0x1A350] =	vst v19;
	v19 =	vmul.f32 v55, v50  }
0x15b: {  	v62 =	vld [tilespmem:s8+$0x1A3D0];
	[tilespmem:s8+$0x1A360] =	vst v18;
	v18 =	vmul.f32 v56, v59  }
0x15c: {  	v63 =	vld [tilespmem:s8+$0x1A3E0];
	[tilespmem:s8+$0x1A370] =	vst v19;
	v19 =	vmul.f32 v57, v59  }
0x15d: {  	v28 =	vld [tilespmem:s8+$0x1A3F0];
	[tilespmem:s8+$0x1A380] =	vst v18;
	v18 =	vmul.f32 v58, v59  }
0x15e: {  	v29 =	vld [tilespmem:s8+$0x1A400];
	[tilespmem:s8+$0x1A390] =	vst v19;
	v19 =	vmul.f32 v60, v59  }
0x15f: {  	v30 =	vld [tilespmem:s8+$0x1A410];
	[tilespmem:s8+$0x1A3A0] =	vst v18;
	v18 =	vmul.f32 v61, v59  }
0x160: {  	v31 =	vld [tilespmem:s8+$0x1A420];
	[tilespmem:s8+$0x1A3B0] =	vst v19;
	v19 =	vmul.f32 v62, v59  }
0x161: {  	v33 =	vld [tilespmem:s8+$0x1A430];
	v32 =	vperm.xlane v17, v5;
	[tilespmem:s8+$0x1A3C0] =	vst v18;
	v18 =	vmul.f32 v63, v59  }
0x162: {  	v34 =	vld [tilespmem:s8+$0x1A440];
	[tilespmem:s8+$0x1A3D0] =	vst v19;
	v19 =	vmul.f32 v28, v59  }
0x163: {  	v35 =	vld [tilespmem:s8+$0x1A450];
	[tilespmem:s8+$0x1A3E0] =	vst v18;
	v18 =	vmul.f32 v29, v32  }
0x164: {  	v36 =	vld [tilespmem:s8+$0x1A460];
	[tilespmem:s8+$0x1A3F0] =	vst v19;
	v19 =	vmul.f32 v30, v32  }
0x165: {  	v37 =	vld [tilespmem:s8+$0x1A470];
	[tilespmem:s8+$0x1A400] =	vst v18;
	v18 =	vmul.f32 v31, v32  }
0x166: {  	v38 =	vld [tilespmem:s8+$0x1A480];
	[tilespmem:s8+$0x1A410] =	vst v19;
	v19 =	vmul.f32 v33, v32  }
0x167: {  	v39 =	vld [tilespmem:s8+$0x1A490];
	[tilespmem:s8+$0x1A420] =	vst v18;
	v18 =	vmul.f32 v34, v32  }
0x168: {  	v40 =	vld [tilespmem:s8+$0x1A4A0];
	[tilespmem:s8+$0x1A430] =	vst v19;
	v19 =	vmul.f32 v35, v32  }
0x169: {  	v41 =	vperm.xlane v17, v6;
	v42 =	vld [tilespmem:s8+$0x1A4B0];
	[tilespmem:s8+$0x1A440] =	vst v18;
	v18 =	vmul.f32 v36, v32  }
0x16a: {  	v43 =	vld [tilespmem:s8+$0x1A4C0];
	[tilespmem:s8+$0x1A450] =	vst v19;
	v19 =	vmul.f32 v37, v32  }
0x16b: {  	v44 =	vld [tilespmem:s8+$0x1A4D0];
	[tilespmem:s8+$0x1A460] =	vst v18;
	v18 =	vmul.f32 v38, v41  }
0x16c: {  	v45 =	vld [tilespmem:s8+$0x1A4E0];
	[tilespmem:s8+$0x1A470] =	vst v19;
	v19 =	vmul.f32 v39, v41  }
0x16d: {  	v46 =	vld [tilespmem:s8+$0x1A4F0];
	[tilespmem:s8+$0x1A480] =	vst v18;
	v18 =	vmul.f32 v40, v41  }
0x16e: {  	v47 =	vld [tilespmem:s8+$0x1A500];
	[tilespmem:s8+$0x1A490] =	vst v19;
	v19 =	vmul.f32 v42, v41  }
0x16f: {  	v48 =	vld [tilespmem:s8+$0x1A510];
	[tilespmem:s8+$0x1A4A0] =	vst v18;
	v18 =	vmul.f32 v43, v41  }
0x170: {  	v49 =	vld [tilespmem:s8+$0x1A520];
	[tilespmem:s8+$0x1A4B0] =	vst v19;
	v19 =	vmul.f32 v44, v41  }
0x171: {  	v51 =	vld [tilespmem:s8+$0x1A530];
	v50 =	vperm.xlane v17, v7;
	[tilespmem:s8+$0x1A4C0] =	vst v18;
	v18 =	vmul.f32 v45, v41  }
0x172: {  	v52 =	vld [tilespmem:s8+$0x1A540];
	[tilespmem:s8+$0x1A4D0] =	vst v19;
	v19 =	vmul.f32 v46, v41  }
0x173: {  	v53 =	vld [tilespmem:s8+$0x1A550];
	[tilespmem:s8+$0x1A4E0] =	vst v18;
	v18 =	vmul.f32 v47, v50  }
0x174: {  	v54 =	vld [tilespmem:s8+$0x1A560];
	[tilespmem:s8+$0x1A4F0] =	vst v19;
	v19 =	vmul.f32 v48, v50  }
0x175: {  	v55 =	vld [tilespmem:s8+$0x1A570];
	[tilespmem:s8+$0x1A500] =	vst v18;
	v18 =	vmul.f32 v49, v50  }
0x176: {  	v56 =	vld [tilespmem:s8+$0x1A580];
	[tilespmem:s8+$0x1A510] =	vst v19;
	v19 =	vmul.f32 v51, v50  }
0x177: {  	v57 =	vld [tilespmem:s8+$0x1A590];
	[tilespmem:s8+$0x1A520] =	vst v18;
	v18 =	vmul.f32 v52, v50  }
0x178: {  	v58 =	vld [tilespmem:s8+$0x1A5A0];
	[tilespmem:s8+$0x1A530] =	vst v19;
	v19 =	vmul.f32 v53, v50  }
0x179: {  	v60 =	vld [tilespmem:s8+$0x1A5B0];
	v59 =	vperm.xlane v17, v8;
	[tilespmem:s8+$0x1A540] =	vst v18;
	v18 =	vmul.f32 v54, v50  }
0x17a: {  	v61 =	vld [tilespmem:s8+$0x1A5C0];
	[tilespmem:s8+$0x1A550] =	vst v19;
	v19 =	vmul.f32 v55, v50  }
0x17b: {  	v62 =	vld [tilespmem:s8+$0x1A5D0];
	[tilespmem:s8+$0x1A560] =	vst v18;
	v18 =	vmul.f32 v56, v59  }
0x17c: {  	v63 =	vld [tilespmem:s8+$0x1A5E0];
	[tilespmem:s8+$0x1A570] =	vst v19;
	v19 =	vmul.f32 v57, v59  }
0x17d: {  	v28 =	vld [tilespmem:s8+$0x1A5F0];
	[tilespmem:s8+$0x1A580] =	vst v18;
	v18 =	vmul.f32 v58, v59  }
0x17e: {  	v29 =	vld [tilespmem:s8+$0x1A600];
	[tilespmem:s8+$0x1A590] =	vst v19;
	v19 =	vmul.f32 v60, v59  }
0x17f: {  	v30 =	vld [tilespmem:s8+$0x1A610];
	[tilespmem:s8+$0x1A5A0] =	vst v18;
	v18 =	vmul.f32 v61, v59  }
0x180: {  	v31 =	vld [tilespmem:s8+$0x1A620];
	[tilespmem:s8+$0x1A5B0] =	vst v19;
	v19 =	vmul.f32 v62, v59  }
0x181: {  	v33 =	vld [tilespmem:s8+$0x1A630];
	v32 =	vperm.xlane v17, v9;
	[tilespmem:s8+$0x1A5C0] =	vst v18;
	v18 =	vmul.f32 v63, v59  }
0x182: {  	v34 =	vld [tilespmem:s8+$0x1A640];
	[tilespmem:s8+$0x1A5D0] =	vst v19;
	v19 =	vmul.f32 v28, v59  }
0x183: {  	v35 =	vld [tilespmem:s8+$0x1A650];
	[tilespmem:s8+$0x1A5E0] =	vst v18;
	v18 =	vmul.f32 v29, v32  }
0x184: {  	v36 =	vld [tilespmem:s8+$0x1A660];
	[tilespmem:s8+$0x1A5F0] =	vst v19;
	v19 =	vmul.f32 v30, v32  }
0x185: {  	v37 =	vld [tilespmem:s8+$0x1A670];
	[tilespmem:s8+$0x1A600] =	vst v18;
	v18 =	vmul.f32 v31, v32  }
0x186: {  	v38 =	vld [tilespmem:s8+$0x1A680];
	[tilespmem:s8+$0x1A610] =	vst v19;
	v19 =	vmul.f32 v33, v32  }
0x187: {  	v39 =	vld [tilespmem:s8+$0x1A690];
	[tilespmem:s8+$0x1A620] =	vst v18;
	v18 =	vmul.f32 v34, v32  }
0x188: {  	v40 =	vld [tilespmem:s8+$0x1A6A0];
	[tilespmem:s8+$0x1A630] =	vst v19;
	v19 =	vmul.f32 v35, v32  }
0x189: {  	v42 =	vld [tilespmem:s8+$0x1A6B0];
	v41 =	vperm.xlane v17, v10;
	[tilespmem:s8+$0x1A640] =	vst v18;
	v18 =	vmul.f32 v36, v32  }
0x18a: {  	v43 =	vld [tilespmem:s8+$0x1A6C0];
	[tilespmem:s8+$0x1A650] =	vst v19;
	v19 =	vmul.f32 v37, v32  }
0x18b: {  	v44 =	vld [tilespmem:s8+$0x1A6D0];
	[tilespmem:s8+$0x1A660] =	vst v18;
	v18 =	vmul.f32 v38, v41  }
0x18c: {  	v45 =	vld [tilespmem:s8+$0x1A6E0];
	[tilespmem:s8+$0x1A670] =	vst v19;
	v19 =	vmul.f32 v39, v41  }
0x18d: {  	v46 =	vld [tilespmem:s8+$0x1A6F0];
	[tilespmem:s8+$0x1A680] =	vst v18;
	v18 =	vmul.f32 v40, v41  }
0x18e: {  	v47 =	vld [tilespmem:s8+$0x1A700];
	[tilespmem:s8+$0x1A690] =	vst v19;
	v19 =	vmul.f32 v42, v41  }
0x18f: {  	v48 =	vld [tilespmem:s8+$0x1A710];
	[tilespmem:s8+$0x1A6A0] =	vst v18;
	v18 =	vmul.f32 v43, v41  }
0x190: {  	v49 =	vld [tilespmem:s8+$0x1A720];
	[tilespmem:s8+$0x1A6B0] =	vst v19;
	v19 =	vmul.f32 v44, v41  }
0x191: {  	v51 =	vld [tilespmem:s8+$0x1A730];
	v50 =	vperm.xlane v17, v11;
	[tilespmem:s8+$0x1A6C0] =	vst v18;
	v18 =	vmul.f32 v45, v41  }
0x192: {  	v52 =	vld [tilespmem:s8+$0x1A740];
	[tilespmem:s8+$0x1A6D0] =	vst v19;
	v19 =	vmul.f32 v46, v41  }
0x193: {  	v53 =	vld [tilespmem:s8+$0x1A750];
	[tilespmem:s8+$0x1A6E0] =	vst v18;
	v18 =	vmul.f32 v47, v50  }
0x194: {  	v54 =	vld [tilespmem:s8+$0x1A760];
	[tilespmem:s8+$0x1A6F0] =	vst v19;
	v19 =	vmul.f32 v48, v50  }
0x195: {  	v55 =	vld [tilespmem:s8+$0x1A770];
	[tilespmem:s8+$0x1A700] =	vst v18;
	v18 =	vmul.f32 v49, v50  }
0x196: {  	v56 =	vld [tilespmem:s8+$0x1A780];
	[tilespmem:s8+$0x1A710] =	vst v19;
	v19 =	vmul.f32 v51, v50  }
0x197: {  	v57 =	vld [tilespmem:s8+$0x1A790];
	[tilespmem:s8+$0x1A720] =	vst v18;
	v18 =	vmul.f32 v52, v50  }
0x198: {  	v58 =	vld [tilespmem:s8+$0x1A7A0];
	[tilespmem:s8+$0x1A730] =	vst v19;
	v19 =	vmul.f32 v53, v50  }
0x199: {  	v60 =	vld [tilespmem:s8+$0x1A7B0];
	v59 =	vperm.xlane v17, v12;
	[tilespmem:s8+$0x1A740] =	vst v18;
	v18 =	vmul.f32 v54, v50  }
0x19a: {  	v61 =	vld [tilespmem:s8+$0x1A7C0];
	[tilespmem:s8+$0x1A750] =	vst v19;
	v19 =	vmul.f32 v55, v50  }
0x19b: {  	v62 =	vld [tilespmem:s8+$0x1A7D0];
	[tilespmem:s8+$0x1A760] =	vst v18;
	v18 =	vmul.f32 v56, v59  }
0x19c: {  	v63 =	vld [tilespmem:s8+$0x1A7E0];
	[tilespmem:s8+$0x1A770] =	vst v19;
	v19 =	vmul.f32 v57, v59  }
0x19d: {  	v28 =	vld [tilespmem:s8+$0x1A7F0];
	[tilespmem:s8+$0x1A780] =	vst v18;
	v18 =	vmul.f32 v58, v59  }
0x19e: {  	v29 =	vld [tilespmem:s8+$0x1A800];
	[tilespmem:s8+$0x1A790] =	vst v19;
	v19 =	vmul.f32 v60, v59  }
0x19f: {  	v30 =	vld [tilespmem:s8+$0x1A810];
	[tilespmem:s8+$0x1A7A0] =	vst v18;
	v18 =	vmul.f32 v61, v59  }
0x1a0: {  	v31 =	vld [tilespmem:s8+$0x1A820];
	[tilespmem:s8+$0x1A7B0] =	vst v19;
	v19 =	vmul.f32 v62, v59  }
0x1a1: {  	v33 =	vld [tilespmem:s8+$0x1A830];
	v32 =	vperm.xlane v17, v13;
	[tilespmem:s8+$0x1A7C0] =	vst v18;
	v18 =	vmul.f32 v63, v59  }
0x1a2: {  	v34 =	vld [tilespmem:s8+$0x1A840];
	[tilespmem:s8+$0x1A7D0] =	vst v19;
	v19 =	vmul.f32 v28, v59  }
0x1a3: {  	v35 =	vld [tilespmem:s8+$0x1A850];
	[tilespmem:s8+$0x1A7E0] =	vst v18;
	v18 =	vmul.f32 v29, v32  }
0x1a4: {  	v36 =	vld [tilespmem:s8+$0x1A860];
	[tilespmem:s8+$0x1A7F0] =	vst v19;
	v19 =	vmul.f32 v30, v32  }
0x1a5: {  	v37 =	vld [tilespmem:s8+$0x1A870];
	[tilespmem:s8+$0x1A800] =	vst v18;
	v18 =	vmul.f32 v31, v32  }
0x1a6: {  	v38 =	vld [tilespmem:s8+$0x1A880];
	[tilespmem:s8+$0x1A810] =	vst v19;
	v19 =	vmul.f32 v33, v32  }
0x1a7: {  	v39 =	vld [tilespmem:s8+$0x1A890];
	[tilespmem:s8+$0x1A820] =	vst v18;
	v18 =	vmul.f32 v34, v32  }
0x1a8: {  	v40 =	vld [tilespmem:s8+$0x1A8A0];
	[tilespmem:s8+$0x1A830] =	vst v19;
	v19 =	vmul.f32 v35, v32  }
0x1a9: {  	v42 =	vld [tilespmem:s8+$0x1A8B0];
	v41 =	vperm.xlane v17, v14;
	[tilespmem:s8+$0x1A840] =	vst v18;
	v18 =	vmul.f32 v36, v32  }
0x1aa: {  	v43 =	vld [tilespmem:s8+$0x1A8C0];
	[tilespmem:s8+$0x1A850] =	vst v19;
	v19 =	vmul.f32 v37, v32  }
0x1ab: {  	v44 =	vld [tilespmem:s8+$0x1A8D0];
	[tilespmem:s8+$0x1A860] =	vst v18;
	v18 =	vmul.f32 v38, v41  }
0x1ac: {  	v45 =	vld [tilespmem:s8+$0x1A8E0];
	[tilespmem:s8+$0x1A870] =	vst v19;
	v19 =	vmul.f32 v39, v41  }
0x1ad: {  	v46 =	vld [tilespmem:s8+$0x1A8F0];
	[tilespmem:s8+$0x1A880] =	vst v18;
	v18 =	vmul.f32 v40, v41  }
0x1ae: {  	v47 =	vld [tilespmem:s8+$0x1A900];
	[tilespmem:s8+$0x1A890] =	vst v19;
	v19 =	vmul.f32 v42, v41  }
0x1af: {  	v48 =	vld [tilespmem:s8+$0x1A910];
	[tilespmem:s8+$0x1A8A0] =	vst v18;
	v18 =	vmul.f32 v43, v41  }
0x1b0: {  	v49 =	vld [tilespmem:s8+$0x1A920];
	[tilespmem:s8+$0x1A8B0] =	vst v19;
	v19 =	vmul.f32 v44, v41  }
0x1b1: {  	v51 =	vld [tilespmem:s8+$0x1A930];
	v50 =	vperm.xlane v17, v15;
	[tilespmem:s8+$0x1A8C0] =	vst v18;
	v18 =	vmul.f32 v45, v41  }
0x1b2: {  	v52 =	vld [tilespmem:s8+$0x1A940];
	[tilespmem:s8+$0x1A8D0] =	vst v19;
	v19 =	vmul.f32 v46, v41  }
0x1b3: {  	v53 =	vld [tilespmem:s8+$0x1A950];
	[tilespmem:s8+$0x1A8E0] =	vst v18;
	v18 =	vmul.f32 v47, v50  }
0x1b4: {  	v54 =	vld [tilespmem:s8+$0x1A960];
	[tilespmem:s8+$0x1A8F0] =	vst v19;
	v19 =	vmul.f32 v48, v50  }
0x1b5: {  	v55 =	vld [tilespmem:s8+$0x1A970];
	[tilespmem:s8+$0x1A900] =	vst v18;
	v18 =	vmul.f32 v49, v50  }
0x1b6: {  	v56 =	vld [tilespmem:s8+$0x1A980];
	[tilespmem:s8+$0x1A910] =	vst v19;
	v19 =	vmul.f32 v51, v50  }
0x1b7: {  	v57 =	vld [tilespmem:s8+$0x1A990];
	[tilespmem:s8+$0x1A920] =	vst v18;
	v18 =	vmul.f32 v52, v50  }
0x1b8: {  	v58 =	vld [tilespmem:s8+$0x1A9A0];
	[tilespmem:s8+$0x1A930] =	vst v19;
	v19 =	vmul.f32 v53, v50  }
0x1b9: {  	v17 =	vperm.xlane v17, v16;
	v59 =	vld [tilespmem:s8+$0x1A9B0];
	[tilespmem:s8+$0x1A940] =	vst v18;
	v18 =	vmul.f32 v54, v50  }
0x1ba: {  	v60 =	vld [tilespmem:s8+$0x1A9C0];
	[tilespmem:s8+$0x1A950] =	vst v19;
	v19 =	vmul.f32 v55, v50  }
0x1bb: {  	v61 =	vld [tilespmem:s8+$0x1A9D0];
	[tilespmem:s8+$0x1A960] =	vst v18;
	v18 =	vmul.f32 v56, v17  }
0x1bc: {  	v62 =	vld [tilespmem:s8+$0x1A9E0];
	[tilespmem:s8+$0x1A970] =	vst v19;
	v19 =	vmul.f32 v57, v17  }
0x1bd: {  	v63 =	vld [tilespmem:s8+$0x1A9F0];
	[tilespmem:s8+$0x1A980] =	vst v18;
	v18 =	vmul.f32 v58, v17  }
0x1be: {  	[tilespmem:s8+$0x1A990] =	vst v19;
	v19 =	vmul.f32 v59, v17  }
0x1bf: {  	p3 =	sne.s32 s28, $0x7;
	[tilespmem:s8+$0x1A9A0] =	vst v18;
	v18 =	vmul.f32 v60, v17  }
.Ltmp8:
0x1c0: {  	[tilespmem:s8+$0x1A9B0] =	vst v19;
	v19 =	vmul.f32 v61, v17;
	(pc) =	sbr.rel @p3 .LBB2_11-.Ltmp8, $4  }
0x1c1: {  	[tilespmem:s8+$0x1A9C0] =	vst v18;
	v18 =	vmul.f32 v62, v17  }
0x1c2: {  	[tilespmem:s8+$0x1A9D0] =	vst v19;
	v17 =	vmul.f32 v63, v17  }
0x1c3: {  	[tilespmem:s8+$0x1A9E0] =	vst v18  }
0x1c4: {  	s28 =	sadd.s32 $0x1, s28;
	[tilespmem:s8+$0x1A9F0] =	vst v17  }
0x1c5: {  	_ =	swait.ge [sflag:s21], $0x80;
	p3 =	sgt.u32 s25, $0x25  }
0x1c6: {  	[sflag:s21] =	ssyncset.done $0x0;
	s8 =	sshll.u32 @!p3 s26, $0x7  }
0x1c7: {  	[sflag:s21] =	ssyncadd.s32 $0xFFFFFF80;
	s8 =	sadd.s32 @!p3 $0x180, s8  }
0x1c8: {  	[spmem:s4] =	stream.indirect.scatter.add.f32 [tilespmem:s18], [sflag:$0x6], $0x80, s17, s16, $0xb8;
	[tilespmem:$0x1E200] =	vst v63  }
0x1c9: {  	s23 =	sadd.s32 @!p3 s7, s8  }
0x1ca: {  	_ =	swait.ge [sflag:s31], $0x4000;
	s23 =	sshrl.u32 @!p3 s23, $0x3  }
0x1cb: {  	s28 =	simm.s32 @!p3 $0x0;
	[sflag:s31] =	ssyncset.done $0x0;
	s26 =	sadd.s32 @!p3 s2, s23  }
0x1cc: {  	s0 =	simm.s32 @!p3 $0x16180;
	[sflag:s31] =	ssyncadd.s32 $0xFFFFC000;
	s26 =	sadd.s32 @!p3 $0x9C40, s26  }
0x1cd: {  	[tilespmem:s0], [sflag:$0x3] =	stream.linear.gather @!p3 [hbm4b:s26+s28], $0x80, $0x38;
	[tilespmem:$0x1E200] =	vst v63  }
0x1ce: {  	s0 =	sadd.s32 @!p3 s3, s23;
	s23 =	simm.s32 @!p3 $0x16080  }
0x1cf: {  	[tilespmem:s23], [sflag:$0x3] =	stream.linear.gather @!p3 [hbm4b:s0+s28], $0x80, $0x38;
	[tilespmem:$0x1E200] =	vst v63  }
0x1d0: {  	s25 =	sadd.s32 $0x1, s25;
	s0 =	sand.u32 @!p3 $0x3FFFFF80, s8  }
0x1d1: {  	s8 =	simm.s32 @!p3 $0x80;
	s23 =	simm.s32 @!p3 $0x1A200;
	s0 =	sadd.s32 @!p3 $0x13880, s0  }
0x1d2: {  	[tilespmem:s23], [sflag:$0x5] =	stream.indirect.gather @!p3 [hbm4b:s1+s8], $0x80, s0, s8, $0xb8;
	[tilespmem:$0x1E200] =	vst v63  }
0x1d3: {  	p3 =	sne.s32 s25, $0x28  }
.Ltmp9:
0x1d4: {  	_ = 	snop;
	(pc) =	sbr.rel @p3 .LBB2_4-.Ltmp9, $4  }
.Ltmp10:
0x1d5: {  	_ = 	snop;
	(pc) =	sbr.rel @!p3 .LBB2_13-.Ltmp10, $4  }
0x1d6: {  	_ = 	snop  }
0x1d7: {  	_ = 	snop  }
0x1d8: {  	_ = 	snop  }
0x1d9: {  	_ = 	snop  }
.LBB2_14:
0x1da: {  	_ =	sfence.sel $0x180000  }
0x1db: {  	[bflag:$0x0] =	sbarrier.arrive $0xFFFF  }
0x1dc: {  	_ =	strace $0x90000047  }
0x1dd: {  	s0 =	stileid.u32;
	[bflag:$0x2] =	sbarrier.arrive $0xFFFF  }
0x1de: {  	p0 =	sne.s32 s0, $0x0;
	s0 =	rddreg [dreg:$0x5]  }
0x1df: {  	s0 =	sadd.s32 @!p0 $0x100000, s0  }
0x1e0: {  	[sflag:s0] =	ssyncadd.tile.s32 @!p0 $0x1;
	_ =	shalt  }
.Lfunc_end2:
_tile_overlayer_lowered:
.L_overlay_start_2:
0x1e1: {  	(tag) =	ssettag $0x2  }
0x1e2: {  	s0 =	rddreg [dreg:$0x0];
	s2 =	stileid.u32  }
0x1e3: {  	s1 =	rddreg [dreg:$0x1];
	p0 =	sne.s32 s2, $0x0  }
0x1e4: {  	s3 =	rddreg [dreg:$0x2];
	[bflag:$0x3] =	sbarrier.arrive $0xFFFF;
	s2 =	simm.s32 @!p0 $0x1C06  }
0x1e5: {  	[timem:s3], [sflag:s2] =	dma.local @!p0 [hbm:s0], s1  }
0x1e6: {  	s0 =	simm.s32 @!p0 $0x6  }
0x1e7: {  	_ =	swait.ge @!p0 [sflag:s0], s1  }
0x1e8: {  	s1 =	ssub.s32 @!p0 $0x0, s1;
	[sflag:s0] =	ssyncset.done @!p0 $0x0  }
0x1e9: {  	[sflag:s0] =	ssyncadd.s32 @!p0 s1  }
0x1ea: {  	[bflag:$0x3] =	sbarrier.arrive $0xFFFF  }
0x1eb: {  	_ =	shalt  }

</sc_bundles>
